<compile_context>
chip_gen: v7x
topology: tpu7x:2x2x1
jax: 0.10.2.dev20260603
libtpu: 0.0.44.dev20260713+nightly
codegen_flags: <defaults>
</compile_context>

<pallas_src>
import functools

import jax
import jax.numpy as jnp
import numpy as np
from jax import lax
from jax.experimental import pallas as pl
from jax.experimental.pallas import tpu as pltpu
from jax.experimental.pallas import tpu_sc as plsc

_KS0 = 0x6D3E048F
_KS1 = 0x1022172D
_KS2 = _KS0 ^ _KS1 ^ 0x1BD11BDA

_T_HI = np.float32(0.003638321)
_T_LO = np.float32(0.003336203)
_SALT = np.float32(0.3890121)
_PEPPER = np.float32(-0.2562604)
_HI_CUT = np.float32(1.0) - _T_HI

_HI_BITS = 0xFF119000
_LO_BITS = 0x00DAA5FF

_ROTATIONS = ((13, 15, 26, 6), (17, 29, 16, 24))

_LANE = 384
_ROWS = 64 * 3 * 384


def _threefry_bits(idx):
    ks = (jnp.uint32(_KS0), jnp.uint32(_KS1), jnp.uint32(_KS2))
    x0 = jnp.full_like(idx, ks[0])
    x1 = idx + ks[1]
    for g in range(5):
        for r in _ROTATIONS[g % 2]:
            x0 = x0 + x1
            x1 = (x1 << jnp.uint32(r)) | (x1 >> jnp.uint32(32 - r))
            x1 = x0 ^ x1
        x0 = x0 + ks[(g + 1) % 3]
        x1 = x1 + ks[(g + 2) % 3] + jnp.uint32(g + 1)
    return x0 ^ x1


def _body(x_ref, o_ref, *, block_rows):
    base_row = pl.program_id(0) * block_rows
    shape = (block_rows, _LANE)
    row = jax.lax.broadcasted_iota(jnp.uint32, shape, 0)
    col = jax.lax.broadcasted_iota(jnp.uint32, shape, 1)
    idx = (jnp.uint32(base_row) + row) * jnp.uint32(_LANE) + col
    bits = _threefry_bits(idx)
    x = x_ref[...]
    out = jnp.where(bits >= jnp.uint32(_HI_BITS), jnp.float32(_SALT), x)
    out = jnp.where(bits <= jnp.uint32(_LO_BITS), jnp.float32(_PEPPER), out)
    o_ref[...] = out



_NC, _NS = 2, 16
_NW = _NC * _NS
_SC_ROWS = 20480
_TC_ROWS = _ROWS - _SC_ROWS
_SC_ROWS_W = _SC_ROWS // _NW
_CHUNK_ROWS = 64
_SC_CHUNKS = _SC_ROWS_W // _CHUNK_ROWS
_SC_PAIRS = _SC_CHUNKS // 2


def _sc_vec16(idx_base, lane, xv):
    idx = lax.convert_element_type(idx_base + lane, jnp.uint32)
    bits = _threefry_bits(idx)
    res = jnp.where(bits >= jnp.uint32(_HI_BITS), jnp.float32(_SALT), xv)
    return jnp.where(bits <= jnp.uint32(_LO_BITS), jnp.float32(_PEPPER), res)


def _sc_compute_chunk(x_v, o_v, rin, lane):
    def band(g, c1):
        def grp(j, c2):
            t = j >> 3
            r = j & 7
            row_c = g * 8 + r
            ib = (rin + row_c) * jnp.int32(_LANE) + t * 128
            for v in range(8):
                col = t * 128 + v * 16
                xv = x_v[row_c, pl.ds(col, 16)]
                o_v[row_c, pl.ds(col, 16)] = _sc_vec16(
                    ib + v * 16, lane, xv)
            return c2

        return lax.fori_loop(0, 24, grp, c1)

    lax.fori_loop(0, _CHUNK_ROWS // 8, band, 0)


def _sc_body(x_hbm, o_hbm, x_v0, x_v1, o_v0, o_v1, sin0, sin1, sout0, sout1):
    wid = lax.axis_index("s") * _NC + lax.axis_index("c")
    row0_in = jnp.int32(_TC_ROWS) + wid * _SC_ROWS_W
    row0_out = wid * _SC_ROWS_W
    lane = lax.broadcasted_iota(jnp.int32, (16,), 0)
    cr = _CHUNK_ROWS

    def in_start(c, buf, sem):
        pltpu.async_copy(x_hbm.at[pl.ds(row0_in + c * cr, cr)], buf, sem)

    def in_wait(c, buf, sem):
        pltpu.make_async_copy(
            x_hbm.at[pl.ds(row0_in + c * cr, cr)], buf, sem).wait()

    def out_start(c, buf, sem):
        pltpu.async_copy(buf, o_hbm.at[pl.ds(row0_out + c * cr, cr)], sem)

    def out_wait(c, buf, sem):
        pltpu.make_async_copy(
            buf, o_hbm.at[pl.ds(row0_out + c * cr, cr)], sem).wait()

    in_start(0, x_v0, sin0)

    def pair(h, carry):
        c0 = 2 * h
        c1 = c0 + 1
        in_start(c1, x_v1, sin1)
        in_wait(c0, x_v0, sin0)

        @pl.when(h > 0)
        def _():
            out_wait(c0 - 2, o_v0, sout0)

        _sc_compute_chunk(x_v0, o_v0, row0_in + c0 * cr, lane)
        out_start(c0, o_v0, sout0)

        @pl.when(h + 1 < _SC_PAIRS)
        def _():
            in_start(c0 + 2, x_v0, sin0)

        in_wait(c1, x_v1, sin1)

        @pl.when(h > 0)
        def _():
            out_wait(c1 - 2, o_v1, sout1)

        _sc_compute_chunk(x_v1, o_v1, row0_in + c1 * cr, lane)
        out_start(c1, o_v1, sout1)
        return carry

    lax.fori_loop(0, _SC_PAIRS, pair, 0)
    out_wait(_SC_CHUNKS - 2, o_v0, sout0)
    out_wait(_SC_CHUNKS - 1, o_v1, sout1)


_sc_call = functools.partial(
    pl.kernel,
    mesh=plsc.VectorSubcoreMesh(core_axis_name="c", subcore_axis_name="s"),
    out_type=jax.ShapeDtypeStruct((_SC_ROWS, _LANE), jnp.float32),
    scratch_types=[
        pltpu.VMEM((_CHUNK_ROWS, _LANE), jnp.float32),
        pltpu.VMEM((_CHUNK_ROWS, _LANE), jnp.float32),
        pltpu.VMEM((_CHUNK_ROWS, _LANE), jnp.float32),
        pltpu.VMEM((_CHUNK_ROWS, _LANE), jnp.float32),
        pltpu.SemaphoreType.DMA,
        pltpu.SemaphoreType.DMA,
        pltpu.SemaphoreType.DMA,
        pltpu.SemaphoreType.DMA,
    ],
    compiler_params=pltpu.CompilerParams(use_tc_tiling_on_sc=True),
)(_sc_body)


@jax.jit
def kernel(x):
    block_rows = 2048
    x2 = x.reshape(_ROWS, _LANE)
    out_sc = _sc_call(x2)
    out_tc = pl.pallas_call(
        functools.partial(_body, block_rows=block_rows),
        grid=(_TC_ROWS // block_rows,),
        in_specs=[pl.BlockSpec((block_rows, _LANE), lambda i: (i, 0))],
        out_specs=pl.BlockSpec((block_rows, _LANE), lambda i: (i, 0)),
        out_shape=jax.ShapeDtypeStruct((_ROWS, _LANE), jnp.float32),
        compiler_params=pltpu.CompilerParams(
            dimension_semantics=("arbitrary",),
        ),
    )(x2)
    out = lax.dynamic_update_slice(out_tc, out_sc, (_TC_ROWS, 0))
    return out.reshape(x.shape)

# --- scband reference (transcript-rebuilt; emitter-appended) ---
"""Pipeline reference for scband-random-salt-and-pepper-noise-81836306858281 (READ-ONLY COPY).

The authoritative reference and input builder live on the scoring server;
editing this copy changes nothing except your own understanding.
"""

import jax, jax.numpy as jnp
import numpy as np

TRESHOLD = 0.005
SALT_VALUE = 1.0
PEPPER_VALUE = -1.0


def setup_inputs(seed: int = 0) -> dict:
    key = jax.random.key(seed)
    x = jax.random.normal(key, (64, 3, 384, 384), dtype=jnp.float32)
    return {"x": x}


def reference(x):
    # apply_prob = 1.0, so the transform is always applied.
    # All random draws from the original (np.random.uniform / torch.rand_like)
    # are made deterministic with fixed jax PRNG keys.
    base = jax.random.key(42)
    k_noise = jax.random.fold_in(base, 0)
    k_hi = jax.random.fold_in(base, 1)
    k_lo = jax.random.fold_in(base, 2)
    k_salt = jax.random.fold_in(base, 3)
    k_pep = jax.random.fold_in(base, 4)

    noise = jax.random.uniform(k_noise, x.shape, dtype=x.dtype)
    # np.random.uniform(high=treshold) for the salt threshold
    t_hi = jax.random.uniform(k_hi, (), dtype=x.dtype) * TRESHOLD
    # np.random.uniform(high=treshold) for the pepper threshold
    t_lo = jax.random.uniform(k_lo, (), dtype=x.dtype) * TRESHOLD
    # np.random.uniform(high=salt_value)
    salt = jax.random.uniform(k_salt, (), dtype=x.dtype) * SALT_VALUE
    # np.random.uniform(low=pepper_value, high=0.0)
    pepper = PEPPER_VALUE + jax.random.uniform(k_pep, (), dtype=x.dtype) * (0.0 - PEPPER_VALUE)

    out = jnp.where(noise >= 1.0 - t_hi, salt, x)
    out = jnp.where(noise <= t_lo, pepper, out)
    return out

if __name__ == "__main__":
    import jax
    _d = setup_inputs()
    print(jax.jit(kernel)(*tuple(_d.values())))

</pallas_src>

<mosaic_0001>
#map = affine_map<(d0, d1) -> (0, 0)>
module attributes {stable_mosaic.version = 14 : i64} {
  func.func @_sc_body(%arg0: i32, %arg1: i32, %arg2: memref<73728x384xf32, #tpu.memory_space<hbm>>, %arg3: memref<20480x384xf32, #tpu.memory_space<hbm>>, %arg4: memref<64x384xf32, #tpu.memory_space<vmem>>, %arg5: memref<64x384xf32, #tpu.memory_space<vmem>>, %arg6: memref<64x384xf32, #tpu.memory_space<vmem>>, %arg7: memref<64x384xf32, #tpu.memory_space<vmem>>, %arg8: memref<!tpu.dma_semaphore, #tpu.memory_space<semaphore_mem>>, %arg9: memref<!tpu.dma_semaphore, #tpu.memory_space<semaphore_mem>>, %arg10: memref<!tpu.dma_semaphore, #tpu.memory_space<semaphore_mem>>, %arg11: memref<!tpu.dma_semaphore, #tpu.memory_space<semaphore_mem>>) attributes {dimension_semantics = [#tpu.dimension_semantics<core_parallel>, #tpu.dimension_semantics<subcore_parallel>], iteration_bounds = array<i64: 2, 16>, scalar_prefetch = 0 : i64, scratch_operands = 8 : i64, tpu.core_type = #tpu.core_type<sc_vector_subcore>, window_params = [{transform_indices = #map}, {transform_indices = #map}]} {
    %mul3A = arith.constant 2 : i32
    %mul3A_0 = arith.muli %arg1, %mul3A : i32
    %add3A = arith.addi %mul3A_0, %arg0 : i32
    %mul3A_1 = arith.constant 640 : i32
    %mul3A_2 = arith.muli %add3A, %mul3A_1 : i32
    %add3A_3 = arith.constant 53248 : i32
    %add3A_4 = arith.addi %add3A_3, %mul3A_2 : i32
    %mul3A_5 = arith.constant 640 : i32
    %mul3A_6 = arith.muli %add3A, %mul3A_5 : i32
    %iota3A = tpu.iota {dimensions = array<i32: 0>} : vector<16xi32>
    %add3A_7 = arith.constant 0 : i32
    %add3A_8 = arith.addi %add3A_4, %add3A_7 : i32
    %dma_start3A = arith.constant 0 : i32
    %dma_start3A_9 = tpu.memref_slice %arg2[%add3A_8, %dma_start3A] : memref<73728x384xf32, #tpu.memory_space<hbm>> -> memref<64x384xf32, #tpu.memory_space<hbm>>
    %dma_start3A_10 = arith.constant 0 : i32
    %dma_start3A_11 = tpu.memref_slice %arg2[%add3A_8, %dma_start3A_10] : memref<73728x384xf32, #tpu.memory_space<hbm>> -> memref<64x384xf32, #tpu.memory_space<hbm>>
    tpu.enqueue_dma source(%dma_start3A_11 : memref<64x384xf32, #tpu.memory_space<hbm>>) target(%arg4 : memref<64x384xf32, #tpu.memory_space<vmem>>) target_semaphore(%arg8 : memref<!tpu.dma_semaphore, #tpu.memory_space<semaphore_mem>>)
    %scan3A = arith.constant 0 : i32
    %scan3A_12 = arith.constant 0 : i32
    %scan3A_13 = arith.constant 5 : i32
    %scan3A_14 = arith.addi %scan3A_12, %scan3A_13 : i32
    %scan3A_15 = arith.constant 1 : i32
    scf.for %scan3A_28 = %scan3A_12 to %scan3A_14 step %scan3A_15  : i32 {
      %mul3A_29 = arith.constant 2 : i32
      %mul3A_30 = arith.muli %mul3A_29, %scan3A_28 : i32
      %add3A_31 = arith.constant 1 : i32
      %add3A_32 = arith.addi %mul3A_30, %add3A_31 : i32
      %mul3A_33 = arith.constant 64 : i32
      %mul3A_34 = arith.muli %add3A_32, %mul3A_33 : i32
      %add3A_35 = arith.addi %add3A_4, %mul3A_34 : i32
      %dma_start3A_36 = arith.constant 0 : i32
      %dma_start3A_37 = tpu.memref_slice %arg2[%add3A_35, %dma_start3A_36] : memref<73728x384xf32, #tpu.memory_space<hbm>> -> memref<64x384xf32, #tpu.memory_space<hbm>>
      %dma_start3A_38 = arith.constant 0 : i32
      %dma_start3A_39 = tpu.memref_slice %arg2[%add3A_35, %dma_start3A_38] : memref<73728x384xf32, #tpu.memory_space<hbm>> -> memref<64x384xf32, #tpu.memory_space<hbm>>
      tpu.enqueue_dma source(%dma_start3A_39 : memref<64x384xf32, #tpu.memory_space<hbm>>) target(%arg5 : memref<64x384xf32, #tpu.memory_space<vmem>>) target_semaphore(%arg9 : memref<!tpu.dma_semaphore, #tpu.memory_space<semaphore_mem>>)
      %mul3A_40 = arith.constant 64 : i32
      %mul3A_41 = arith.muli %mul3A_30, %mul3A_40 : i32
      %add3A_42 = arith.addi %add3A_4, %mul3A_41 : i32
      %dma_wait3A_43 = arith.constant 0 : i32
      %dma_wait3A_44 = tpu.memref_slice %arg2[%add3A_42, %dma_wait3A_43] : memref<73728x384xf32, #tpu.memory_space<hbm>> -> memref<64x384xf32, #tpu.memory_space<hbm>>
      %dma_wait3A_45 = arith.constant 0 : i32
      %dma_wait3A_46 = tpu.memref_slice %arg2[%add3A_42, %dma_wait3A_45] : memref<73728x384xf32, #tpu.memory_space<hbm>> -> memref<64x384xf32, #tpu.memory_space<hbm>>
      tpu.wait_dma2 semaphore(%arg8 : memref<!tpu.dma_semaphore, #tpu.memory_space<semaphore_mem>>) src(%dma_wait3A_46 : memref<64x384xf32, #tpu.memory_space<hbm>>) dst(%arg4 : memref<64x384xf32, #tpu.memory_space<vmem>>)
      %gt3A = arith.constant 0 : i32
      %gt3A_47 = arith.cmpi sgt, %scan3A_28, %gt3A : i32
      %convert_element_type3A = arith.extui %gt3A_47 : i1 to i32
      %cond3A = arith.constant 0 : i32
      %cond3A_48 = arith.cmpi ne, %convert_element_type3A, %cond3A : i32
      scf.if %cond3A_48 {
        %sub3A = arith.constant 2 : i32
        %sub3A_99 = arith.subi %mul3A_30, %sub3A : i32
        %mul3A_100 = arith.constant 64 : i32
        %mul3A_101 = arith.muli %sub3A_99, %mul3A_100 : i32
        %add3A_102 = arith.addi %mul3A_6, %mul3A_101 : i32
        %dma_wait3A_103 = arith.constant 0 : i32
        %dma_wait3A_104 = tpu.memref_slice %arg3[%add3A_102, %dma_wait3A_103] : memref<20480x384xf32, #tpu.memory_space<hbm>> -> memref<64x384xf32, #tpu.memory_space<hbm>>
        %dma_wait3A_105 = arith.constant 0 : i32
        %dma_wait3A_106 = tpu.memref_slice %arg3[%add3A_102, %dma_wait3A_105] : memref<20480x384xf32, #tpu.memory_space<hbm>> -> memref<64x384xf32, #tpu.memory_space<hbm>>
        tpu.wait_dma2 semaphore(%arg10 : memref<!tpu.dma_semaphore, #tpu.memory_space<semaphore_mem>>) src(%arg6 : memref<64x384xf32, #tpu.memory_space<vmem>>) dst(%dma_wait3A_106 : memref<64x384xf32, #tpu.memory_space<hbm>>)
      } else {
      }
      %mul3A_49 = arith.constant 64 : i32
      %mul3A_50 = arith.muli %mul3A_30, %mul3A_49 : i32
      %add3A_51 = arith.addi %add3A_4, %mul3A_50 : i32
      %scan3A_52 = arith.constant 0 : i32
      %scan3A_53 = arith.constant 0 : i32
      %scan3A_54 = arith.constant 8 : i32
      %scan3A_55 = arith.addi %scan3A_53, %scan3A_54 : i32
      %scan3A_56 = arith.constant 1 : i32
      scf.for %scan3A_99 = %scan3A_53 to %scan3A_55 step %scan3A_56  : i32 {
        %scan3A_100 = arith.constant 0 : i32
        %scan3A_101 = arith.constant 24 : i32
        %scan3A_102 = arith.addi %scan3A_100, %scan3A_101 : i32
        %scan3A_103 = arith.constant 1 : i32
        scf.for %scan3A_105 = %scan3A_100 to %scan3A_102 step %scan3A_103  : i32 {
          %shift_right_arithmetic3A = arith.constant 3 : i32
          %shift_right_arithmetic3A_106 = arith.shrsi %scan3A_105, %shift_right_arithmetic3A : i32
          %and3A = arith.constant 7 : i32
          %and3A_107 = arith.andi %scan3A_105, %and3A : i32
          %mul3A_108 = arith.constant 8 : i32
          %mul3A_109 = arith.muli %scan3A_99, %mul3A_108 : i32
          %add3A_110 = arith.addi %mul3A_109, %and3A_107 : i32
          %add3A_111 = arith.addi %add3A_51, %add3A_110 : i32
          %mul3A_112 = arith.constant 384 : i32
          %mul3A_113 = arith.muli %add3A_111, %mul3A_112 : i32
          %mul3A_114 = arith.constant 128 : i32
          %mul3A_115 = arith.muli %shift_right_arithmetic3A_106, %mul3A_114 : i32
          %add3A_116 = arith.addi %mul3A_113, %mul3A_115 : i32
          %mul3A_117 = arith.constant 128 : i32
          %mul3A_118 = arith.muli %shift_right_arithmetic3A_106, %mul3A_117 : i32
          %add3A_119 = arith.constant 0 : i32
          %add3A_120 = arith.addi %mul3A_118, %add3A_119 : i32
          %get3A = arith.index_cast %add3A_110 : i32 to index
          %get3A_121 = arith.index_cast %add3A_120 : i32 to index
          %get3A_122 = tpu.vector_load %arg4[%get3A, %get3A_121] {strides = array<i32>} : memref<64x384xf32, #tpu.memory_space<vmem>>, vector<1x16xf32>,
          %get3A_123 = vector.shape_cast %get3A_122 : vector<1x16xf32> to vector<16xf32>
          %add3A_124 = arith.constant 0 : i32
          %add3A_125 = arith.addi %add3A_116, %add3A_124 : i32
          %add3A_126 = vector.broadcast %add3A_125 : i32 to vector<16xi32>
          %add3A_127 = arith.addi %add3A_126, %iota3A : vector<16xi32>
          %broadcast_in_dim3A = arith.constant 1832780943 : i32
          %broadcast_in_dim3A_128 = vector.broadcast %broadcast_in_dim3A : i32 to vector<16xi32>
          %add3A_129 = arith.constant 270669613 : i32
          %add3A_130 = vector.broadcast %add3A_129 : i32 to vector<16xi32>
          %add3A_131 = arith.addi %add3A_127, %add3A_130 : vector<16xi32>
          %add3A_132 = arith.addi %broadcast_in_dim3A_128, %add3A_131 : vector<16xi32>
          %shift_left3A = arith.constant 13 : i32
          %shift_left3A_133 = vector.broadcast %shift_left3A : i32 to vector<16xi32>
          %shift_left3A_134 = arith.shli %add3A_131, %shift_left3A_133 : vector<16xi32>
          %shift_right_logical3A = arith.constant 19 : i32
          %shift_right_logical3A_135 = vector.broadcast %shift_right_logical3A : i32 to vector<16xi32>
          %shift_right_logical3A_136 = arith.shrui %add3A_131, %shift_right_logical3A_135 : vector<16xi32>
          %or3A = arith.ori %shift_left3A_134, %shift_right_logical3A_136 : vector<16xi32>
          %xor3A = arith.xori %add3A_132, %or3A : vector<16xi32>
          %add3A_137 = arith.addi %add3A_132, %xor3A : vector<16xi32>
          %shift_left3A_138 = arith.constant 15 : i32
          %shift_left3A_139 = vector.broadcast %shift_left3A_138 : i32 to vector<16xi32>
          %shift_left3A_140 = arith.shli %xor3A, %shift_left3A_139 : vector<16xi32>
          %shift_right_logical3A_141 = arith.constant 17 : i32
          %shift_right_logical3A_142 = vector.broadcast %shift_right_logical3A_141 : i32 to vector<16xi32>
          %shift_right_logical3A_143 = arith.shrui %xor3A, %shift_right_logical3A_142 : vector<16xi32>
          %or3A_144 = arith.ori %shift_left3A_140, %shift_right_logical3A_143 : vector<16xi32>
          %xor3A_145 = arith.xori %add3A_137, %or3A_144 : vector<16xi32>
          %add3A_146 = arith.addi %add3A_137, %xor3A_145 : vector<16xi32>
          %shift_left3A_147 = arith.constant 26 : i32
          %shift_left3A_148 = vector.broadcast %shift_left3A_147 : i32 to vector<16xi32>
          %shift_left3A_149 = arith.shli %xor3A_145, %shift_left3A_148 : vector<16xi32>
          %shift_right_logical3A_150 = arith.constant 6 : i32
          %shift_right_logical3A_151 = vector.broadcast %shift_right_logical3A_150 : i32 to vector<16xi32>
          %shift_right_logical3A_152 = arith.shrui %xor3A_145, %shift_right_logical3A_151 : vector<16xi32>
          %or3A_153 = arith.ori %shift_left3A_149, %shift_right_logical3A_152 : vector<16xi32>
          %xor3A_154 = arith.xori %add3A_146, %or3A_153 : vector<16xi32>
          %add3A_155 = arith.addi %add3A_146, %xor3A_154 : vector<16xi32>
          %shift_left3A_156 = arith.constant 6 : i32
          %shift_left3A_157 = vector.broadcast %shift_left3A_156 : i32 to vector<16xi32>
          %shift_left3A_158 = arith.shli %xor3A_154, %shift_left3A_157 : vector<16xi32>
          %shift_right_logical3A_159 = arith.constant 26 : i32
          %shift_right_logical3A_160 = vector.broadcast %shift_right_logical3A_159 : i32 to vector<16xi32>
          %shift_right_logical3A_161 = arith.shrui %xor3A_154, %shift_right_logical3A_160 : vector<16xi32>
          %or3A_162 = arith.ori %shift_left3A_158, %shift_right_logical3A_161 : vector<16xi32>
          %xor3A_163 = arith.xori %add3A_155, %or3A_162 : vector<16xi32>
          %add3A_164 = arith.constant 270669613 : i32
          %add3A_165 = vector.broadcast %add3A_164 : i32 to vector<16xi32>
          %add3A_166 = arith.addi %add3A_155, %add3A_165 : vector<16xi32>
          %add3A_167 = arith.constant 1724713080 : i32
          %add3A_168 = vector.broadcast %add3A_167 : i32 to vector<16xi32>
          %add3A_169 = arith.addi %xor3A_163, %add3A_168 : vector<16xi32>
          %add3A_170 = arith.constant 1 : i32
          %add3A_171 = vector.broadcast %add3A_170 : i32 to vector<16xi32>
          %add3A_172 = arith.addi %add3A_169, %add3A_171 : vector<16xi32>
          %add3A_173 = arith.addi %add3A_166, %add3A_172 : vector<16xi32>
          %shift_left3A_174 = arith.constant 17 : i32
          %shift_left3A_175 = vector.broadcast %shift_left3A_174 : i32 to vector<16xi32>
          %shift_left3A_176 = arith.shli %add3A_172, %shift_left3A_175 : vector<16xi32>
          %shift_right_logical3A_177 = arith.constant 15 : i32
          %shift_right_logical3A_178 = vector.broadcast %shift_right_logical3A_177 : i32 to vector<16xi32>
          %shift_right_logical3A_179 = arith.shrui %add3A_172, %shift_right_logical3A_178 : vector<16xi32>
          %or3A_180 = arith.ori %shift_left3A_176, %shift_right_logical3A_179 : vector<16xi32>
          %xor3A_181 = arith.xori %add3A_173, %or3A_180 : vector<16xi32>
          %add3A_182 = arith.addi %add3A_173, %xor3A_181 : vector<16xi32>
          %shift_left3A_183 = arith.constant 29 : i32
          %shift_left3A_184 = vector.broadcast %shift_left3A_183 : i32 to vector<16xi32>
          %shift_left3A_185 = arith.shli %xor3A_181, %shift_left3A_184 : vector<16xi32>
          %shift_right_logical3A_186 = arith.constant 3 : i32
          %shift_right_logical3A_187 = vector.broadcast %shift_right_logical3A_186 : i32 to vector<16xi32>
          %shift_right_logical3A_188 = arith.shrui %xor3A_181, %shift_right_logical3A_187 : vector<16xi32>
          %or3A_189 = arith.ori %shift_left3A_185, %shift_right_logical3A_188 : vector<16xi32>
          %xor3A_190 = arith.xori %add3A_182, %or3A_189 : vector<16xi32>
          %add3A_191 = arith.addi %add3A_182, %xor3A_190 : vector<16xi32>
          %shift_left3A_192 = arith.constant 16 : i32
          %shift_left3A_193 = vector.broadcast %shift_left3A_192 : i32 to vector<16xi32>
          %shift_left3A_194 = arith.shli %xor3A_190, %shift_left3A_193 : vector<16xi32>
          %shift_right_logical3A_195 = arith.constant 16 : i32
          %shift_right_logical3A_196 = vector.broadcast %shift_right_logical3A_195 : i32 to vector<16xi32>
          %shift_right_logical3A_197 = arith.shrui %xor3A_190, %shift_right_logical3A_196 : vector<16xi32>
          %or3A_198 = arith.ori %shift_left3A_194, %shift_right_logical3A_197 : vector<16xi32>
          %xor3A_199 = arith.xori %add3A_191, %or3A_198 : vector<16xi32>
          %add3A_200 = arith.addi %add3A_191, %xor3A_199 : vector<16xi32>
          %shift_left3A_201 = arith.constant 24 : i32
          %shift_left3A_202 = vector.broadcast %shift_left3A_201 : i32 to vector<16xi32>
          %shift_left3A_203 = arith.shli %xor3A_199, %shift_left3A_202 : vector<16xi32>
          %shift_right_logical3A_204 = arith.constant 8 : i32
          %shift_right_logical3A_205 = vector.broadcast %shift_right_logical3A_204 : i32 to vector<16xi32>
          %shift_right_logical3A_206 = arith.shrui %xor3A_199, %shift_right_logical3A_205 : vector<16xi32>
          %or3A_207 = arith.ori %shift_left3A_203, %shift_right_logical3A_206 : vector<16xi32>
          %xor3A_208 = arith.xori %add3A_200, %or3A_207 : vector<16xi32>
          %add3A_209 = arith.constant 1724713080 : i32
          %add3A_210 = vector.broadcast %add3A_209 : i32 to vector<16xi32>
          %add3A_211 = arith.addi %add3A_200, %add3A_210 : vector<16xi32>
          %add3A_212 = arith.constant 1832780943 : i32
          %add3A_213 = vector.broadcast %add3A_212 : i32 to vector<16xi32>
          %add3A_214 = arith.addi %xor3A_208, %add3A_213 : vector<16xi32>
          %add3A_215 = arith.constant 2 : i32
          %add3A_216 = vector.broadcast %add3A_215 : i32 to vector<16xi32>
          %add3A_217 = arith.addi %add3A_214, %add3A_216 : vector<16xi32>
          %add3A_218 = arith.addi %add3A_211, %add3A_217 : vector<16xi32>
          %shift_left3A_219 = arith.constant 13 : i32
          %shift_left3A_220 = vector.broadcast %shift_left3A_219 : i32 to vector<16xi32>
          %shift_left3A_221 = arith.shli %add3A_217, %shift_left3A_220 : vector<16xi32>
          %shift_right_logical3A_222 = arith.constant 19 : i32
          %shift_right_logical3A_223 = vector.broadcast %shift_right_logical3A_222 : i32 to vector<16xi32>
          %shift_right_logical3A_224 = arith.shrui %add3A_217, %shift_right_logical3A_223 : vector<16xi32>
          %or3A_225 = arith.ori %shift_left3A_221, %shift_right_logical3A_224 : vector<16xi32>
          %xor3A_226 = arith.xori %add3A_218, %or3A_225 : vector<16xi32>
          %add3A_227 = arith.addi %add3A_218, %xor3A_226 : vector<16xi32>
          %shift_left3A_228 = arith.constant 15 : i32
          %shift_left3A_229 = vector.broadcast %shift_left3A_228 : i32 to vector<16xi32>
          %shift_left3A_230 = arith.shli %xor3A_226, %shift_left3A_229 : vector<16xi32>
          %shift_right_logical3A_231 = arith.constant 17 : i32
          %shift_right_logical3A_232 = vector.broadcast %shift_right_logical3A_231 : i32 to vector<16xi32>
          %shift_right_logical3A_233 = arith.shrui %xor3A_226, %shift_right_logical3A_232 : vector<16xi32>
          %or3A_234 = arith.ori %shift_left3A_230, %shift_right_logical3A_233 : vector<16xi32>
          %xor3A_235 = arith.xori %add3A_227, %or3A_234 : vector<16xi32>
          %add3A_236 = arith.addi %add3A_227, %xor3A_235 : vector<16xi32>
          %shift_left3A_237 = arith.constant 26 : i32
          %shift_left3A_238 = vector.broadcast %shift_left3A_237 : i32 to vector<16xi32>
          %shift_left3A_239 = arith.shli %xor3A_235, %shift_left3A_238 : vector<16xi32>
          %shift_right_logical3A_240 = arith.constant 6 : i32
          %shift_right_logical3A_241 = vector.broadcast %shift_right_logical3A_240 : i32 to vector<16xi32>
          %shift_right_logical3A_242 = arith.shrui %xor3A_235, %shift_right_logical3A_241 : vector<16xi32>
          %or3A_243 = arith.ori %shift_left3A_239, %shift_right_logical3A_242 : vector<16xi32>
          %xor3A_244 = arith.xori %add3A_236, %or3A_243 : vector<16xi32>
          %add3A_245 = arith.addi %add3A_236, %xor3A_244 : vector<16xi32>
          %shift_left3A_246 = arith.constant 6 : i32
          %shift_left3A_247 = vector.broadcast %shift_left3A_246 : i32 to vector<16xi32>
          %shift_left3A_248 = arith.shli %xor3A_244, %shift_left3A_247 : vector<16xi32>
          %shift_right_logical3A_249 = arith.constant 26 : i32
          %shift_right_logical3A_250 = vector.broadcast %shift_right_logical3A_249 : i32 to vector<16xi32>
          %shift_right_logical3A_251 = arith.shrui %xor3A_244, %shift_right_logical3A_250 : vector<16xi32>
          %or3A_252 = arith.ori %shift_left3A_248, %shift_right_logical3A_251 : vector<16xi32>
          %xor3A_253 = arith.xori %add3A_245, %or3A_252 : vector<16xi32>
          %add3A_254 = arith.constant 1832780943 : i32
          %add3A_255 = vector.broadcast %add3A_254 : i32 to vector<16xi32>
          %add3A_256 = arith.addi %add3A_245, %add3A_255 : vector<16xi32>
          %add3A_257 = arith.constant 270669613 : i32
          %add3A_258 = vector.broadcast %add3A_257 : i32 to vector<16xi32>
          %add3A_259 = arith.addi %xor3A_253, %add3A_258 : vector<16xi32>
          %add3A_260 = arith.constant 3 : i32
          %add3A_261 = vector.broadcast %add3A_260 : i32 to vector<16xi32>
          %add3A_262 = arith.addi %add3A_259, %add3A_261 : vector<16xi32>
          %add3A_263 = arith.addi %add3A_256, %add3A_262 : vector<16xi32>
          %shift_left3A_264 = arith.constant 17 : i32
          %shift_left3A_265 = vector.broadcast %shift_left3A_264 : i32 to vector<16xi32>
          %shift_left3A_266 = arith.shli %add3A_262, %shift_left3A_265 : vector<16xi32>
          %shift_right_logical3A_267 = arith.constant 15 : i32
          %shift_right_logical3A_268 = vector.broadcast %shift_right_logical3A_267 : i32 to vector<16xi32>
          %shift_right_logical3A_269 = arith.shrui %add3A_262, %shift_right_logical3A_268 : vector<16xi32>
          %or3A_270 = arith.ori %shift_left3A_266, %shift_right_logical3A_269 : vector<16xi32>
          %xor3A_271 = arith.xori %add3A_263, %or3A_270 : vector<16xi32>
          %add3A_272 = arith.addi %add3A_263, %xor3A_271 : vector<16xi32>
          %shift_left3A_273 = arith.constant 29 : i32
          %shift_left3A_274 = vector.broadcast %shift_left3A_273 : i32 to vector<16xi32>
          %shift_left3A_275 = arith.shli %xor3A_271, %shift_left3A_274 : vector<16xi32>
          %shift_right_logical3A_276 = arith.constant 3 : i32
          %shift_right_logical3A_277 = vector.broadcast %shift_right_logical3A_276 : i32 to vector<16xi32>
          %shift_right_logical3A_278 = arith.shrui %xor3A_271, %shift_right_logical3A_277 : vector<16xi32>
          %or3A_279 = arith.ori %shift_left3A_275, %shift_right_logical3A_278 : vector<16xi32>
          %xor3A_280 = arith.xori %add3A_272, %or3A_279 : vector<16xi32>
          %add3A_281 = arith.addi %add3A_272, %xor3A_280 : vector<16xi32>
          %shift_left3A_282 = arith.constant 16 : i32
          %shift_left3A_283 = vector.broadcast %shift_left3A_282 : i32 to vector<16xi32>
          %shift_left3A_284 = arith.shli %xor3A_280, %shift_left3A_283 : vector<16xi32>
          %shift_right_logical3A_285 = arith.constant 16 : i32
          %shift_right_logical3A_286 = vector.broadcast %shift_right_logical3A_285 : i32 to vector<16xi32>
          %shift_right_logical3A_287 = arith.shrui %xor3A_280, %shift_right_logical3A_286 : vector<16xi32>
          %or3A_288 = arith.ori %shift_left3A_284, %shift_right_logical3A_287 : vector<16xi32>
          %xor3A_289 = arith.xori %add3A_281, %or3A_288 : vector<16xi32>
          %add3A_290 = arith.addi %add3A_281, %xor3A_289 : vector<16xi32>
          %shift_left3A_291 = arith.constant 24 : i32
          %shift_left3A_292 = vector.broadcast %shift_left3A_291 : i32 to vector<16xi32>
          %shift_left3A_293 = arith.shli %xor3A_289, %shift_left3A_292 : vector<16xi32>
          %shift_right_logical3A_294 = arith.constant 8 : i32
          %shift_right_logical3A_295 = vector.broadcast %shift_right_logical3A_294 : i32 to vector<16xi32>
          %shift_right_logical3A_296 = arith.shrui %xor3A_289, %shift_right_logical3A_295 : vector<16xi32>
          %or3A_297 = arith.ori %shift_left3A_293, %shift_right_logical3A_296 : vector<16xi32>
          %xor3A_298 = arith.xori %add3A_290, %or3A_297 : vector<16xi32>
          %add3A_299 = arith.constant 270669613 : i32
          %add3A_300 = vector.broadcast %add3A_299 : i32 to vector<16xi32>
          %add3A_301 = arith.addi %add3A_290, %add3A_300 : vector<16xi32>
          %add3A_302 = arith.constant 1724713080 : i32
          %add3A_303 = vector.broadcast %add3A_302 : i32 to vector<16xi32>
          %add3A_304 = arith.addi %xor3A_298, %add3A_303 : vector<16xi32>
          %add3A_305 = arith.constant 4 : i32
          %add3A_306 = vector.broadcast %add3A_305 : i32 to vector<16xi32>
          %add3A_307 = arith.addi %add3A_304, %add3A_306 : vector<16xi32>
          %add3A_308 = arith.addi %add3A_301, %add3A_307 : vector<16xi32>
          %shift_left3A_309 = arith.constant 13 : i32
          %shift_left3A_310 = vector.broadcast %shift_left3A_309 : i32 to vector<16xi32>
          %shift_left3A_311 = arith.shli %add3A_307, %shift_left3A_310 : vector<16xi32>
          %shift_right_logical3A_312 = arith.constant 19 : i32
          %shift_right_logical3A_313 = vector.broadcast %shift_right_logical3A_312 : i32 to vector<16xi32>
          %shift_right_logical3A_314 = arith.shrui %add3A_307, %shift_right_logical3A_313 : vector<16xi32>
          %or3A_315 = arith.ori %shift_left3A_311, %shift_right_logical3A_314 : vector<16xi32>
          %xor3A_316 = arith.xori %add3A_308, %or3A_315 : vector<16xi32>
          %add3A_317 = arith.addi %add3A_308, %xor3A_316 : vector<16xi32>
          %shift_left3A_318 = arith.constant 15 : i32
          %shift_left3A_319 = vector.broadcast %shift_left3A_318 : i32 to vector<16xi32>
          %shift_left3A_320 = arith.shli %xor3A_316, %shift_left3A_319 : vector<16xi32>
          %shift_right_logical3A_321 = arith.constant 17 : i32
          %shift_right_logical3A_322 = vector.broadcast %shift_right_logical3A_321 : i32 to vector<16xi32>
          %shift_right_logical3A_323 = arith.shrui %xor3A_316, %shift_right_logical3A_322 : vector<16xi32>
          %or3A_324 = arith.ori %shift_left3A_320, %shift_right_logical3A_323 : vector<16xi32>
          %xor3A_325 = arith.xori %add3A_317, %or3A_324 : vector<16xi32>
          %add3A_326 = arith.addi %add3A_317, %xor3A_325 : vector<16xi32>
          %shift_left3A_327 = arith.constant 26 : i32
          %shift_left3A_328 = vector.broadcast %shift_left3A_327 : i32 to vector<16xi32>
          %shift_left3A_329 = arith.shli %xor3A_325, %shift_left3A_328 : vector<16xi32>
          %shift_right_logical3A_330 = arith.constant 6 : i32
          %shift_right_logical3A_331 = vector.broadcast %shift_right_logical3A_330 : i32 to vector<16xi32>
          %shift_right_logical3A_332 = arith.shrui %xor3A_325, %shift_right_logical3A_331 : vector<16xi32>
          %or3A_333 = arith.ori %shift_left3A_329, %shift_right_logical3A_332 : vector<16xi32>
          %xor3A_334 = arith.xori %add3A_326, %or3A_333 : vector<16xi32>
          %add3A_335 = arith.addi %add3A_326, %xor3A_334 : vector<16xi32>
          %shift_left3A_336 = arith.constant 6 : i32
          %shift_left3A_337 = vector.broadcast %shift_left3A_336 : i32 to vector<16xi32>
          %shift_left3A_338 = arith.shli %xor3A_334, %shift_left3A_337 : vector<16xi32>
          %shift_right_logical3A_339 = arith.constant 26 : i32
          %shift_right_logical3A_340 = vector.broadcast %shift_right_logical3A_339 : i32 to vector<16xi32>
          %shift_right_logical3A_341 = arith.shrui %xor3A_334, %shift_right_logical3A_340 : vector<16xi32>
          %or3A_342 = arith.ori %shift_left3A_338, %shift_right_logical3A_341 : vector<16xi32>
          %xor3A_343 = arith.xori %add3A_335, %or3A_342 : vector<16xi32>
          %add3A_344 = arith.constant 1724713080 : i32
          %add3A_345 = vector.broadcast %add3A_344 : i32 to vector<16xi32>
          %add3A_346 = arith.addi %add3A_335, %add3A_345 : vector<16xi32>
          %add3A_347 = arith.constant 1832780943 : i32
          %add3A_348 = vector.broadcast %add3A_347 : i32 to vector<16xi32>
          %add3A_349 = arith.addi %xor3A_343, %add3A_348 : vector<16xi32>
          %add3A_350 = arith.constant 5 : i32
          %add3A_351 = vector.broadcast %add3A_350 : i32 to vector<16xi32>
          %add3A_352 = arith.addi %add3A_349, %add3A_351 : vector<16xi32>
          %xor3A_353 = arith.xori %add3A_346, %add3A_352 : vector<16xi32>
          %ge3A = arith.constant -15626240 : i32
          %ge3A_354 = vector.broadcast %ge3A : i32 to vector<16xi32>
          %ge3A_355 = arith.cmpi uge, %xor3A_353, %ge3A_354 : vector<16xi32>
          %jit3A = arith.constant 0.389012098 : f32
          %broadcast_in_dim3A_356 = vector.broadcast %jit3A : f32 to vector<16xf32>
          %select_n3A = arith.select %ge3A_355, %broadcast_in_dim3A_356, %get3A_123 : vector<16xi1>, vector<16xf32>
          %le3A = arith.constant 14329343 : i32
          %le3A_357 = vector.broadcast %le3A : i32 to vector<16xi32>
          %le3A_358 = arith.cmpi ule, %xor3A_353, %le3A_357 : vector<16xi32>
          %jit3A_359 = arith.constant -0.256260395 : f32
          %broadcast_in_dim3A_360 = vector.broadcast %jit3A_359 : f32 to vector<16xf32>
          %select_n3A_361 = arith.select %le3A_358, %broadcast_in_dim3A_360, %select_n3A : vector<16xi1>, vector<16xf32>
          %swap3A = arith.index_cast %add3A_110 : i32 to index
          %swap3A_362 = arith.index_cast %add3A_120 : i32 to index
          %swap3A_363 = tpu.vector_load %arg6[%swap3A, %swap3A_362] {strides = array<i32>} : memref<64x384xf32, #tpu.memory_space<vmem>>, vector<1x16xf32>,
          %swap3A_364 = vector.shape_cast %swap3A_363 : vector<1x16xf32> to vector<16xf32>
          %swap3A_365 = vector.shape_cast %select_n3A_361 : vector<16xf32> to vector<1x16xf32>
          tpu.vector_store %arg6[%swap3A, %swap3A_362], %swap3A_365 {strides = array<i32>} : memref<64x384xf32, #tpu.memory_space<vmem>>, vector<1x16xf32>,
          %mul3A_366 = arith.constant 128 : i32
          %mul3A_367 = arith.muli %shift_right_arithmetic3A_106, %mul3A_366 : i32
          %add3A_368 = arith.constant 16 : i32
          %add3A_369 = arith.addi %mul3A_367, %add3A_368 : i32
          %get3A_370 = arith.index_cast %add3A_110 : i32 to index
          %get3A_371 = arith.index_cast %add3A_369 : i32 to index
          %get3A_372 = tpu.vector_load %arg4[%get3A_370, %get3A_371] {strides = array<i32>} : memref<64x384xf32, #tpu.memory_space<vmem>>, vector<1x16xf32>,
          %get3A_373 = vector.shape_cast %get3A_372 : vector<1x16xf32> to vector<16xf32>
          %add3A_374 = arith.constant 16 : i32
          %add3A_375 = arith.addi %add3A_116, %add3A_374 : i32
          %add3A_376 = vector.broadcast %add3A_375 : i32 to vector<16xi32>
          %add3A_377 = arith.addi %add3A_376, %iota3A : vector<16xi32>
          %broadcast_in_dim3A_378 = arith.constant 1832780943 : i32
          %broadcast_in_dim3A_379 = vector.broadcast %broadcast_in_dim3A_378 : i32 to vector<16xi32>
          %add3A_380 = arith.constant 270669613 : i32
          %add3A_381 = vector.broadcast %add3A_380 : i32 to vector<16xi32>
          %add3A_382 = arith.addi %add3A_377, %add3A_381 : vector<16xi32>
          %add3A_383 = arith.addi %broadcast_in_dim3A_379, %add3A_382 : vector<16xi32>
          %shift_left3A_384 = arith.constant 13 : i32
          %shift_left3A_385 = vector.broadcast %shift_left3A_384 : i32 to vector<16xi32>
          %shift_left3A_386 = arith.shli %add3A_382, %shift_left3A_385 : vector<16xi32>
          %shift_right_logical3A_387 = arith.constant 19 : i32
          %shift_right_logical3A_388 = vector.broadcast %shift_right_logical3A_387 : i32 to vector<16xi32>
          %shift_right_logical3A_389 = arith.shrui %add3A_382, %shift_right_logical3A_388 : vector<16xi32>
          %or3A_390 = arith.ori %shift_left3A_386, %shift_right_logical3A_389 : vector<16xi32>
          %xor3A_391 = arith.xori %add3A_383, %or3A_390 : vector<16xi32>
          %add3A_392 = arith.addi %add3A_383, %xor3A_391 : vector<16xi32>
          %shift_left3A_393 = arith.constant 15 : i32
          %shift_left3A_394 = vector.broadcast %shift_left3A_393 : i32 to vector<16xi32>
          %shift_left3A_395 = arith.shli %xor3A_391, %shift_left3A_394 : vector<16xi32>
          %shift_right_logical3A_396 = arith.constant 17 : i32
          %shift_right_logical3A_397 = vector.broadcast %shift_right_logical3A_396 : i32 to vector<16xi32>
          %shift_right_logical3A_398 = arith.shrui %xor3A_391, %shift_right_logical3A_397 : vector<16xi32>
          %or3A_399 = arith.ori %shift_left3A_395, %shift_right_logical3A_398 : vector<16xi32>
          %xor3A_400 = arith.xori %add3A_392, %or3A_399 : vector<16xi32>
          %add3A_401 = arith.addi %add3A_392, %xor3A_400 : vector<16xi32>
          %shift_left3A_402 = arith.constant 26 : i32
          %shift_left3A_403 = vector.broadcast %shift_left3A_402 : i32 to vector<16xi32>
          %shift_left3A_404 = arith.shli %xor3A_400, %shift_left3A_403 : vector<16xi32>
          %shift_right_logical3A_405 = arith.constant 6 : i32
          %shift_right_logical3A_406 = vector.broadcast %shift_right_logical3A_405 : i32 to vector<16xi32>
          %shift_right_logical3A_407 = arith.shrui %xor3A_400, %shift_right_logical3A_406 : vector<16xi32>
          %or3A_408 = arith.ori %shift_left3A_404, %shift_right_logical3A_407 : vector<16xi32>
          %xor3A_409 = arith.xori %add3A_401, %or3A_408 : vector<16xi32>
          %add3A_410 = arith.addi %add3A_401, %xor3A_409 : vector<16xi32>
          %shift_left3A_411 = arith.constant 6 : i32
          %shift_left3A_412 = vector.broadcast %shift_left3A_411 : i32 to vector<16xi32>
          %shift_left3A_413 = arith.shli %xor3A_409, %shift_left3A_412 : vector<16xi32>
          %shift_right_logical3A_414 = arith.constant 26 : i32
          %shift_right_logical3A_415 = vector.broadcast %shift_right_logical3A_414 : i32 to vector<16xi32>
          %shift_right_logical3A_416 = arith.shrui %xor3A_409, %shift_right_logical3A_415 : vector<16xi32>
          %or3A_417 = arith.ori %shift_left3A_413, %shift_right_logical3A_416 : vector<16xi32>
          %xor3A_418 = arith.xori %add3A_410, %or3A_417 : vector<16xi32>
          %add3A_419 = arith.constant 270669613 : i32
          %add3A_420 = vector.broadcast %add3A_419 : i32 to vector<16xi32>
          %add3A_421 = arith.addi %add3A_410, %add3A_420 : vector<16xi32>
          %add3A_422 = arith.constant 1724713080 : i32
          %add3A_423 = vector.broadcast %add3A_422 : i32 to vector<16xi32>
          %add3A_424 = arith.addi %xor3A_418, %add3A_423 : vector<16xi32>
          %add3A_425 = arith.constant 1 : i32
          %add3A_426 = vector.broadcast %add3A_425 : i32 to vector<16xi32>
          %add3A_427 = arith.addi %add3A_424, %add3A_426 : vector<16xi32>
          %add3A_428 = arith.addi %add3A_421, %add3A_427 : vector<16xi32>
          %shift_left3A_429 = arith.constant 17 : i32
          %shift_left3A_430 = vector.broadcast %shift_left3A_429 : i32 to vector<16xi32>
          %shift_left3A_431 = arith.shli %add3A_427, %shift_left3A_430 : vector<16xi32>
          %shift_right_logical3A_432 = arith.constant 15 : i32
          %shift_right_logical3A_433 = vector.broadcast %shift_right_logical3A_432 : i32 to vector<16xi32>
          %shift_right_logical3A_434 = arith.shrui %add3A_427, %shift_right_logical3A_433 : vector<16xi32>
          %or3A_435 = arith.ori %shift_left3A_431, %shift_right_logical3A_434 : vector<16xi32>
          %xor3A_436 = arith.xori %add3A_428, %or3A_435 : vector<16xi32>
          %add3A_437 = arith.addi %add3A_428, %xor3A_436 : vector<16xi32>
          %shift_left3A_438 = arith.constant 29 : i32
          %shift_left3A_439 = vector.broadcast %shift_left3A_438 : i32 to vector<16xi32>
          %shift_left3A_440 = arith.shli %xor3A_436, %shift_left3A_439 : vector<16xi32>
          %shift_right_logical3A_441 = arith.constant 3 : i32
          %shift_right_logical3A_442 = vector.broadcast %shift_right_logical3A_441 : i32 to vector<16xi32>
          %shift_right_logical3A_443 = arith.shrui %xor3A_436, %shift_right_logical3A_442 : vector<16xi32>
          %or3A_444 = arith.ori %shift_left3A_440, %shift_right_logical3A_443 : vector<16xi32>
          %xor3A_445 = arith.xori %add3A_437, %or3A_444 : vector<16xi32>
          %add3A_446 = arith.addi %add3A_437, %xor3A_445 : vector<16xi32>
          %shift_left3A_447 = arith.constant 16 : i32
          %shift_left3A_448 = vector.broadcast %shift_left3A_447 : i32 to vector<16xi32>
          %shift_left3A_449 = arith.shli %xor3A_445, %shift_left3A_448 : vector<16xi32>
          %shift_right_logical3A_450 = arith.constant 16 : i32
          %shift_right_logical3A_451 = vector.broadcast %shift_right_logical3A_450 : i32 to vector<16xi32>
          %shift_right_logical3A_452 = arith.shrui %xor3A_445, %shift_right_logical3A_451 : vector<16xi32>
          %or3A_453 = arith.ori %shift_left3A_449, %shift_right_logical3A_452 : vector<16xi32>
          %xor3A_454 = arith.xori %add3A_446, %or3A_453 : vector<16xi32>
          %add3A_455 = arith.addi %add3A_446, %xor3A_454 : vector<16xi32>
          %shift_left3A_456 = arith.constant 24 : i32
          %shift_left3A_457 = vector.broadcast %shift_left3A_456 : i32 to vector<16xi32>
          %shift_left3A_458 = arith.shli %xor3A_454, %shift_left3A_457 : vector<16xi32>
          %shift_right_logical3A_459 = arith.constant 8 : i32
          %shift_right_logical3A_460 = vector.broadcast %shift_right_logical3A_459 : i32 to vector<16xi32>
          %shift_right_logical3A_461 = arith.shrui %xor3A_454, %shift_right_logical3A_460 : vector<16xi32>
          %or3A_462 = arith.ori %shift_left3A_458, %shift_right_logical3A_461 : vector<16xi32>
          %xor3A_463 = arith.xori %add3A_455, %or3A_462 : vector<16xi32>
          %add3A_464 = arith.constant 1724713080 : i32
          %add3A_465 = vector.broadcast %add3A_464 : i32 to vector<16xi32>
          %add3A_466 = arith.addi %add3A_455, %add3A_465 : vector<16xi32>
          %add3A_467 = arith.constant 1832780943 : i32
          %add3A_468 = vector.broadcast %add3A_467 : i32 to vector<16xi32>
          %add3A_469 = arith.addi %xor3A_463, %add3A_468 : vector<16xi32>
          %add3A_470 = arith.constant 2 : i32
          %add3A_471 = vector.broadcast %add3A_470 : i32 to vector<16xi32>
          %add3A_472 = arith.addi %add3A_469, %add3A_471 : vector<16xi32>
          %add3A_473 = arith.addi %add3A_466, %add3A_472 : vector<16xi32>
          %shift_left3A_474 = arith.constant 13 : i32
          %shift_left3A_475 = vector.broadcast %shift_left3A_474 : i32 to vector<16xi32>
          %shift_left3A_476 = arith.shli %add3A_472, %shift_left3A_475 : vector<16xi32>
          %shift_right_logical3A_477 = arith.constant 19 : i32
          %shift_right_logical3A_478 = vector.broadcast %shift_right_logical3A_477 : i32 to vector<16xi32>
          %shift_right_logical3A_479 = arith.shrui %add3A_472, %shift_right_logical3A_478 : vector<16xi32>
          %or3A_480 = arith.ori %shift_left3A_476, %shift_right_logical3A_479 : vector<16xi32>
          %xor3A_481 = arith.xori %add3A_473, %or3A_480 : vector<16xi32>
          %add3A_482 = arith.addi %add3A_473, %xor3A_481 : vector<16xi32>
          %shift_left3A_483 = arith.constant 15 : i32
          %shift_left3A_484 = vector.broadcast %shift_left3A_483 : i32 to vector<16xi32>
          %shift_left3A_485 = arith.shli %xor3A_481, %shift_left3A_484 : vector<16xi32>
          %shift_right_logical3A_486 = arith.constant 17 : i32
          %shift_right_logical3A_487 = vector.broadcast %shift_right_logical3A_486 : i32 to vector<16xi32>
          %shift_right_logical3A_488 = arith.shrui %xor3A_481, %shift_right_logical3A_487 : vector<16xi32>
          %or3A_489 = arith.ori %shift_left3A_485, %shift_right_logical3A_488 : vector<16xi32>
          %xor3A_490 = arith.xori %add3A_482, %or3A_489 : vector<16xi32>
          %add3A_491 = arith.addi %add3A_482, %xor3A_490 : vector<16xi32>
          %shift_left3A_492 = arith.constant 26 : i32
          %shift_left3A_493 = vector.broadcast %shift_left3A_492 : i32 to vector<16xi32>
          %shift_left3A_494 = arith.shli %xor3A_490, %shift_left3A_493 : vector<16xi32>
          %shift_right_logical3A_495 = arith.constant 6 : i32
          %shift_right_logical3A_496 = vector.broadcast %shift_right_logical3A_495 : i32 to vector<16xi32>
          %shift_right_logical3A_497 = arith.shrui %xor3A_490, %shift_right_logical3A_496 : vector<16xi32>
          %or3A_498 = arith.ori %shift_left3A_494, %shift_right_logical3A_497 : vector<16xi32>
          %xor3A_499 = arith.xori %add3A_491, %or3A_498 : vector<16xi32>
          %add3A_500 = arith.addi %add3A_491, %xor3A_499 : vector<16xi32>
          %shift_left3A_501 = arith.constant 6 : i32
          %shift_left3A_502 = vector.broadcast %shift_left3A_501 : i32 to vector<16xi32>
          %shift_left3A_503 = arith.shli %xor3A_499, %shift_left3A_502 : vector<16xi32>
          %shift_right_logical3A_504 = arith.constant 26 : i32
          %shift_right_logical3A_505 = vector.broadcast %shift_right_logical3A_504 : i32 to vector<16xi32>
          %shift_right_logical3A_506 = arith.shrui %xor3A_499, %shift_right_logical3A_505 : vector<16xi32>
          %or3A_507 = arith.ori %shift_left3A_503, %shift_right_logical3A_506 : vector<16xi32>
          %xor3A_508 = arith.xori %add3A_500, %or3A_507 : vector<16xi32>
          %add3A_509 = arith.constant 1832780943 : i32
          %add3A_510 = vector.broadcast %add3A_509 : i32 to vector<16xi32>
          %add3A_511 = arith.addi %add3A_500, %add3A_510 : vector<16xi32>
          %add3A_512 = arith.constant 270669613 : i32
          %add3A_513 = vector.broadcast %add3A_512 : i32 to vector<16xi32>
          %add3A_514 = arith.addi %xor3A_508, %add3A_513 : vector<16xi32>
          %add3A_515 = arith.constant 3 : i32
          %add3A_516 = vector.broadcast %add3A_515 : i32 to vector<16xi32>
          %add3A_517 = arith.addi %add3A_514, %add3A_516 : vector<16xi32>
          %add3A_518 = arith.addi %add3A_511, %add3A_517 : vector<16xi32>
          %shift_left3A_519 = arith.constant 17 : i32
          %shift_left3A_520 = vector.broadcast %shift_left3A_519 : i32 to vector<16xi32>
          %shift_left3A_521 = arith.shli %add3A_517, %shift_left3A_520 : vector<16xi32>
          %shift_right_logical3A_522 = arith.constant 15 : i32
          %shift_right_logical3A_523 = vector.broadcast %shift_right_logical3A_522 : i32 to vector<16xi32>
          %shift_right_logical3A_524 = arith.shrui %add3A_517, %shift_right_logical3A_523 : vector<16xi32>
          %or3A_525 = arith.ori %shift_left3A_521, %shift_right_logical3A_524 : vector<16xi32>
          %xor3A_526 = arith.xori %add3A_518, %or3A_525 : vector<16xi32>
          %add3A_527 = arith.addi %add3A_518, %xor3A_526 : vector<16xi32>
          %shift_left3A_528 = arith.constant 29 : i32
          %shift_left3A_529 = vector.broadcast %shift_left3A_528 : i32 to vector<16xi32>
          %shift_left3A_530 = arith.shli %xor3A_526, %shift_left3A_529 : vector<16xi32>
          %shift_right_logical3A_531 = arith.constant 3 : i32
          %shift_right_logical3A_532 = vector.broadcast %shift_right_logical3A_531 : i32 to vector<16xi32>
          %shift_right_logical3A_533 = arith.shrui %xor3A_526, %shift_right_logical3A_532 : vector<16xi32>
          %or3A_534 = arith.ori %shift_left3A_530, %shift_right_logical3A_533 : vector<16xi32>
          %xor3A_535 = arith.xori %add3A_527, %or3A_534 : vector<16xi32>
          %add3A_536 = arith.addi %add3A_527, %xor3A_535 : vector<16xi32>
          %shift_left3A_537 = arith.constant 16 : i32
          %shift_left3A_538 = vector.broadcast %shift_left3A_537 : i32 to vector<16xi32>
          %shift_left3A_539 = arith.shli %xor3A_535, %shift_left3A_538 : vector<16xi32>
          %shift_right_logical3A_540 = arith.constant 16 : i32
          %shift_right_logical3A_541 = vector.broadcast %shift_right_logical3A_540 : i32 to vector<16xi32>
          %shift_right_logical3A_542 = arith.shrui %xor3A_535, %shift_right_logical3A_541 : vector<16xi32>
          %or3A_543 = arith.ori %shift_left3A_539, %shift_right_logical3A_542 : vector<16xi32>
          %xor3A_544 = arith.xori %add3A_536, %or3A_543 : vector<16xi32>
          %add3A_545 = arith.addi %add3A_536, %xor3A_544 : vector<16xi32>
          %shift_left3A_546 = arith.constant 24 : i32
          %shift_left3A_547 = vector.broadcast %shift_left3A_546 : i32 to vector<16xi32>
          %shift_left3A_548 = arith.shli %xor3A_544, %shift_left3A_547 : vector<16xi32>
          %shift_right_logical3A_549 = arith.constant 8 : i32
          %shift_right_logical3A_550 = vector.broadcast %shift_right_logical3A_549 : i32 to vector<16xi32>
          %shift_right_logical3A_551 = arith.shrui %xor3A_544, %shift_right_logical3A_550 : vector<16xi32>
          %or3A_552 = arith.ori %shift_left3A_548, %shift_right_logical3A_551 : vector<16xi32>
          %xor3A_553 = arith.xori %add3A_545, %or3A_552 : vector<16xi32>
          %add3A_554 = arith.constant 270669613 : i32
          %add3A_555 = vector.broadcast %add3A_554 : i32 to vector<16xi32>
          %add3A_556 = arith.addi %add3A_545, %add3A_555 : vector<16xi32>
          %add3A_557 = arith.constant 1724713080 : i32
          %add3A_558 = vector.broadcast %add3A_557 : i32 to vector<16xi32>
          %add3A_559 = arith.addi %xor3A_553, %add3A_558 : vector<16xi32>
          %add3A_560 = arith.constant 4 : i32
          %add3A_561 = vector.broadcast %add3A_560 : i32 to vector<16xi32>
          %add3A_562 = arith.addi %add3A_559, %add3A_561 : vector<16xi32>
          %add3A_563 = arith.addi %add3A_556, %add3A_562 : vector<16xi32>
          %shift_left3A_564 = arith.constant 13 : i32
          %shift_left3A_565 = vector.broadcast %shift_left3A_564 : i32 to vector<16xi32>
          %shift_left3A_566 = arith.shli %add3A_562, %shift_left3A_565 : vector<16xi32>
          %shift_right_logical3A_567 = arith.constant 19 : i32
          %shift_right_logical3A_568 = vector.broadcast %shift_right_logical3A_567 : i32 to vector<16xi32>
          %shift_right_logical3A_569 = arith.shrui %add3A_562, %shift_right_logical3A_568 : vector<16xi32>
          %or3A_570 = arith.ori %shift_left3A_566, %shift_right_logical3A_569 : vector<16xi32>
          %xor3A_571 = arith.xori %add3A_563, %or3A_570 : vector<16xi32>
          %add3A_572 = arith.addi %add3A_563, %xor3A_571 : vector<16xi32>
          %shift_left3A_573 = arith.constant 15 : i32
          %shift_left3A_574 = vector.broadcast %shift_left3A_573 : i32 to vector<16xi32>
          %shift_left3A_575 = arith.shli %xor3A_571, %shift_left3A_574 : vector<16xi32>
          %shift_right_logical3A_576 = arith.constant 17 : i32
          %shift_right_logical3A_577 = vector.broadcast %shift_right_logical3A_576 : i32 to vector<16xi32>
          %shift_right_logical3A_578 = arith.shrui %xor3A_571, %shift_right_logical3A_577 : vector<16xi32>
          %or3A_579 = arith.ori %shift_left3A_575, %shift_right_logical3A_578 : vector<16xi32>
          %xor3A_580 = arith.xori %add3A_572, %or3A_579 : vector<16xi32>
          %add3A_581 = arith.addi %add3A_572, %xor3A_580 : vector<16xi32>
          %shift_left3A_582 = arith.constant 26 : i32
          %shift_left3A_583 = vector.broadcast %shift_left3A_582 : i32 to vector<16xi32>
          %shift_left3A_584 = arith.shli %xor3A_580, %shift_left3A_583 : vector<16xi32>
          %shift_right_logical3A_585 = arith.constant 6 : i32
          %shift_right_logical3A_586 = vector.broadcast %shift_right_logical3A_585 : i32 to vector<16xi32>
          %shift_right_logical3A_587 = arith.shrui %xor3A_580, %shift_right_logical3A_586 : vector<16xi32>
          %or3A_588 = arith.ori %shift_left3A_584, %shift_right_logical3A_587 : vector<16xi32>
          %xor3A_589 = arith.xori %add3A_581, %or3A_588 : vector<16xi32>
          %add3A_590 = arith.addi %add3A_581, %xor3A_589 : vector<16xi32>
          %shift_left3A_591 = arith.constant 6 : i32
          %shift_left3A_592 = vector.broadcast %shift_left3A_591 : i32 to vector<16xi32>
          %shift_left3A_593 = arith.shli %xor3A_589, %shift_left3A_592 : vector<16xi32>
          %shift_right_logical3A_594 = arith.constant 26 : i32
          %shift_right_logical3A_595 = vector.broadcast %shift_right_logical3A_594 : i32 to vector<16xi32>
          %shift_right_logical3A_596 = arith.shrui %xor3A_589, %shift_right_logical3A_595 : vector<16xi32>
          %or3A_597 = arith.ori %shift_left3A_593, %shift_right_logical3A_596 : vector<16xi32>
          %xor3A_598 = arith.xori %add3A_590, %or3A_597 : vector<16xi32>
          %add3A_599 = arith.constant 1724713080 : i32
          %add3A_600 = vector.broadcast %add3A_599 : i32 to vector<16xi32>
          %add3A_601 = arith.addi %add3A_590, %add3A_600 : vector<16xi32>
          %add3A_602 = arith.constant 1832780943 : i32
          %add3A_603 = vector.broadcast %add3A_602 : i32 to vector<16xi32>
          %add3A_604 = arith.addi %xor3A_598, %add3A_603 : vector<16xi32>
          %add3A_605 = arith.constant 5 : i32
          %add3A_606 = vector.broadcast %add3A_605 : i32 to vector<16xi32>
          %add3A_607 = arith.addi %add3A_604, %add3A_606 : vector<16xi32>
          %xor3A_608 = arith.xori %add3A_601, %add3A_607 : vector<16xi32>
          %ge3A_609 = arith.constant -15626240 : i32
          %ge3A_610 = vector.broadcast %ge3A_609 : i32 to vector<16xi32>
          %ge3A_611 = arith.cmpi uge, %xor3A_608, %ge3A_610 : vector<16xi32>
          %jit3A_612 = arith.constant 0.389012098 : f32
          %broadcast_in_dim3A_613 = vector.broadcast %jit3A_612 : f32 to vector<16xf32>
          %select_n3A_614 = arith.select %ge3A_611, %broadcast_in_dim3A_613, %get3A_373 : vector<16xi1>, vector<16xf32>
          %le3A_615 = arith.constant 14329343 : i32
          %le3A_616 = vector.broadcast %le3A_615 : i32 to vector<16xi32>
          %le3A_617 = arith.cmpi ule, %xor3A_608, %le3A_616 : vector<16xi32>
          %jit3A_618 = arith.constant -0.256260395 : f32
          %broadcast_in_dim3A_619 = vector.broadcast %jit3A_618 : f32 to vector<16xf32>
          %select_n3A_620 = arith.select %le3A_617, %broadcast_in_dim3A_619, %select_n3A_614 : vector<16xi1>, vector<16xf32>
          %swap3A_621 = arith.index_cast %add3A_110 : i32 to index
          %swap3A_622 = arith.index_cast %add3A_369 : i32 to index
          %swap3A_623 = tpu.vector_load %arg6[%swap3A_621, %swap3A_622] {strides = array<i32>} : memref<64x384xf32, #tpu.memory_space<vmem>>, vector<1x16xf32>,
          %swap3A_624 = vector.shape_cast %swap3A_623 : vector<1x16xf32> to vector<16xf32>
          %swap3A_625 = vector.shape_cast %select_n3A_620 : vector<16xf32> to vector<1x16xf32>
          tpu.vector_store %arg6[%swap3A_621, %swap3A_622], %swap3A_625 {strides = array<i32>} : memref<64x384xf32, #tpu.memory_space<vmem>>, vector<1x16xf32>,
          %mul3A_626 = arith.constant 128 : i32
          %mul3A_627 = arith.muli %shift_right_arithmetic3A_106, %mul3A_626 : i32
          %add3A_628 = arith.constant 32 : i32
          %add3A_629 = arith.addi %mul3A_627, %add3A_628 : i32
          %get3A_630 = arith.index_cast %add3A_110 : i32 to index
          %get3A_631 = arith.index_cast %add3A_629 : i32 to index
          %get3A_632 = tpu.vector_load %arg4[%get3A_630, %get3A_631] {strides = array<i32>} : memref<64x384xf32, #tpu.memory_space<vmem>>, vector<1x16xf32>,
          %get3A_633 = vector.shape_cast %get3A_632 : vector<1x16xf32> to vector<16xf32>
          %add3A_634 = arith.constant 32 : i32
          %add3A_635 = arith.addi %add3A_116, %add3A_634 : i32
          %add3A_636 = vector.broadcast %add3A_635 : i32 to vector<16xi32>
          %add3A_637 = arith.addi %add3A_636, %iota3A : vector<16xi32>
          %broadcast_in_dim3A_638 = arith.constant 1832780943 : i32
          %broadcast_in_dim3A_639 = vector.broadcast %broadcast_in_dim3A_638 : i32 to vector<16xi32>
          %add3A_640 = arith.constant 270669613 : i32
          %add3A_641 = vector.broadcast %add3A_640 : i32 to vector<16xi32>
          %add3A_642 = arith.addi %add3A_637, %add3A_641 : vector<16xi32>
          %add3A_643 = arith.addi %broadcast_in_dim3A_639, %add3A_642 : vector<16xi32>
          %shift_left3A_644 = arith.constant 13 : i32
          %shift_left3A_645 = vector.broadcast %shift_left3A_644 : i32 to vector<16xi32>
          %shift_left3A_646 = arith.shli %add3A_642, %shift_left3A_645 : vector<16xi32>
          %shift_right_logical3A_647 = arith.constant 19 : i32
          %shift_right_logical3A_648 = vector.broadcast %shift_right_logical3A_647 : i32 to vector<16xi32>
          %shift_right_logical3A_649 = arith.shrui %add3A_642, %shift_right_logical3A_648 : vector<16xi32>
          %or3A_650 = arith.ori %shift_left3A_646, %shift_right_logical3A_649 : vector<16xi32>
          %xor3A_651 = arith.xori %add3A_643, %or3A_650 : vector<16xi32>
          %add3A_652 = arith.addi %add3A_643, %xor3A_651 : vector<16xi32>
          %shift_left3A_653 = arith.constant 15 : i32
          %shift_left3A_654 = vector.broadcast %shift_left3A_653 : i32 to vector<16xi32>
          %shift_left3A_655 = arith.shli %xor3A_651, %shift_left3A_654 : vector<16xi32>
          %shift_right_logical3A_656 = arith.constant 17 : i32
          %shift_right_logical3A_657 = vector.broadcast %shift_right_logical3A_656 : i32 to vector<16xi32>
          %shift_right_logical3A_658 = arith.shrui %xor3A_651, %shift_right_logical3A_657 : vector<16xi32>
          %or3A_659 = arith.ori %shift_left3A_655, %shift_right_logical3A_658 : vector<16xi32>
          %xor3A_660 = arith.xori %add3A_652, %or3A_659 : vector<16xi32>
          %add3A_661 = arith.addi %add3A_652, %xor3A_660 : vector<16xi32>
          %shift_left3A_662 = arith.constant 26 : i32
          %shift_left3A_663 = vector.broadcast %shift_left3A_662 : i32 to vector<16xi32>
          %shift_left3A_664 = arith.shli %xor3A_660, %shift_left3A_663 : vector<16xi32>
          %shift_right_logical3A_665 = arith.constant 6 : i32
          %shift_right_logical3A_666 = vector.broadcast %shift_right_logical3A_665 : i32 to vector<16xi32>
          %shift_right_logical3A_667 = arith.shrui %xor3A_660, %shift_right_logical3A_666 : vector<16xi32>
          %or3A_668 = arith.ori %shift_left3A_664, %shift_right_logical3A_667 : vector<16xi32>
          %xor3A_669 = arith.xori %add3A_661, %or3A_668 : vector<16xi32>
          %add3A_670 = arith.addi %add3A_661, %xor3A_669 : vector<16xi32>
          %shift_left3A_671 = arith.constant 6 : i32
          %shift_left3A_672 = vector.broadcast %shift_left3A_671 : i32 to vector<16xi32>
          %shift_left3A_673 = arith.shli %xor3A_669, %shift_left3A_672 : vector<16xi32>
          %shift_right_logical3A_674 = arith.constant 26 : i32
          %shift_right_logical3A_675 = vector.broadcast %shift_right_logical3A_674 : i32 to vector<16xi32>
          %shift_right_logical3A_676 = arith.shrui %xor3A_669, %shift_right_logical3A_675 : vector<16xi32>
          %or3A_677 = arith.ori %shift_left3A_673, %shift_right_logical3A_676 : vector<16xi32>
          %xor3A_678 = arith.xori %add3A_670, %or3A_677 : vector<16xi32>
          %add3A_679 = arith.constant 270669613 : i32
          %add3A_680 = vector.broadcast %add3A_679 : i32 to vector<16xi32>
          %add3A_681 = arith.addi %add3A_670, %add3A_680 : vector<16xi32>
          %add3A_682 = arith.constant 1724713080 : i32
          %add3A_683 = vector.broadcast %add3A_682 : i32 to vector<16xi32>
          %add3A_684 = arith.addi %xor3A_678, %add3A_683 : vector<16xi32>
          %add3A_685 = arith.constant 1 : i32
          %add3A_686 = vector.broadcast %add3A_685 : i32 to vector<16xi32>
          %add3A_687 = arith.addi %add3A_684, %add3A_686 : vector<16xi32>
          %add3A_688 = arith.addi %add3A_681, %add3A_687 : vector<16xi32>
          %shift_left3A_689 = arith.constant 17 : i32
          %shift_left3A_690 = vector.broadcast %shift_left3A_689 : i32 to vector<16xi32>
          %shift_left3A_691 = arith.shli %add3A_687, %shift_left3A_690 : vector<16xi32>
          %shift_right_logical3A_692 = arith.constant 15 : i32
          %shift_right_logical3A_693 = vector.broadcast %shift_right_logical3A_692 : i32 to vector<16xi32>
          %shift_right_logical3A_694 = arith.shrui %add3A_687, %shift_right_logical3A_693 : vector<16xi32>
          %or3A_695 = arith.ori %shift_left3A_691, %shift_right_logical3A_694 : vector<16xi32>
          %xor3A_696 = arith.xori %add3A_688, %or3A_695 : vector<16xi32>
          %add3A_697 = arith.addi %add3A_688, %xor3A_696 : vector<16xi32>
          %shift_left3A_698 = arith.constant 29 : i32
          %shift_left3A_699 = vector.broadcast %shift_left3A_698 : i32 to vector<16xi32>
          %shift_left3A_700 = arith.shli %xor3A_696, %shift_left3A_699 : vector<16xi32>
          %shift_right_logical3A_701 = arith.constant 3 : i32
          %shift_right_logical3A_702 = vector.broadcast %shift_right_logical3A_701 : i32 to vector<16xi32>
          %shift_right_logical3A_703 = arith.shrui %xor3A_696, %shift_right_logical3A_702 : vector<16xi32>
          %or3A_704 = arith.ori %shift_left3A_700, %shift_right_logical3A_703 : vector<16xi32>
          %xor3A_705 = arith.xori %add3A_697, %or3A_704 : vector<16xi32>
          %add3A_706 = arith.addi %add3A_697, %xor3A_705 : vector<16xi32>
          %shift_left3A_707 = arith.constant 16 : i32
          %shift_left3A_708 = vector.broadcast %shift_left3A_707 : i32 to vector<16xi32>
          %shift_left3A_709 = arith.shli %xor3A_705, %shift_left3A_708 : vector<16xi32>
          %shift_right_logical3A_710 = arith.constant 16 : i32
          %shift_right_logical3A_711 = vector.broadcast %shift_right_logical3A_710 : i32 to vector<16xi32>
          %shift_right_logical3A_712 = arith.shrui %xor3A_705, %shift_right_logical3A_711 : vector<16xi32>
          %or3A_713 = arith.ori %shift_left3A_709, %shift_right_logical3A_712 : vector<16xi32>
          %xor3A_714 = arith.xori %add3A_706, %or3A_713 : vector<16xi32>
          %add3A_715 = arith.addi %add3A_706, %xor3A_714 : vector<16xi32>
          %shift_left3A_716 = arith.constant 24 : i32
          %shift_left3A_717 = vector.broadcast %shift_left3A_716 : i32 to vector<16xi32>
          %shift_left3A_718 = arith.shli %xor3A_714, %shift_left3A_717 : vector<16xi32>
          %shift_right_logical3A_719 = arith.constant 8 : i32
          %shift_right_logical3A_720 = vector.broadcast %shift_right_logical3A_719 : i32 to vector<16xi32>
          %shift_right_logical3A_721 = arith.shrui %xor3A_714, %shift_right_logical3A_720 : vector<16xi32>
          %or3A_722 = arith.ori %shift_left3A_718, %shift_right_logical3A_721 : vector<16xi32>
          %xor3A_723 = arith.xori %add3A_715, %or3A_722 : vector<16xi32>
          %add3A_724 = arith.constant 1724713080 : i32
          %add3A_725 = vector.broadcast %add3A_724 : i32 to vector<16xi32>
          %add3A_726 = arith.addi %add3A_715, %add3A_725 : vector<16xi32>
          %add3A_727 = arith.constant 1832780943 : i32
          %add3A_728 = vector.broadcast %add3A_727 : i32 to vector<16xi32>
          %add3A_729 = arith.addi %xor3A_723, %add3A_728 : vector<16xi32>
          %add3A_730 = arith.constant 2 : i32
          %add3A_731 = vector.broadcast %add3A_730 : i32 to vector<16xi32>
          %add3A_732 = arith.addi %add3A_729, %add3A_731 : vector<16xi32>
          %add3A_733 = arith.addi %add3A_726, %add3A_732 : vector<16xi32>
          %shift_left3A_734 = arith.constant 13 : i32
          %shift_left3A_735 = vector.broadcast %shift_left3A_734 : i32 to vector<16xi32>
          %shift_left3A_736 = arith.shli %add3A_732, %shift_left3A_735 : vector<16xi32>
          %shift_right_logical3A_737 = arith.constant 19 : i32
          %shift_right_logical3A_738 = vector.broadcast %shift_right_logical3A_737 : i32 to vector<16xi32>
          %shift_right_logical3A_739 = arith.shrui %add3A_732, %shift_right_logical3A_738 : vector<16xi32>
          %or3A_740 = arith.ori %shift_left3A_736, %shift_right_logical3A_739 : vector<16xi32>
          %xor3A_741 = arith.xori %add3A_733, %or3A_740 : vector<16xi32>
          %add3A_742 = arith.addi %add3A_733, %xor3A_741 : vector<16xi32>
          %shift_left3A_743 = arith.constant 15 : i32
          %shift_left3A_744 = vector.broadcast %shift_left3A_743 : i32 to vector<16xi32>
          %shift_left3A_745 = arith.shli %xor3A_741, %shift_left3A_744 : vector<16xi32>
          %shift_right_logical3A_746 = arith.constant 17 : i32
          %shift_right_logical3A_747 = vector.broadcast %shift_right_logical3A_746 : i32 to vector<16xi32>
          %shift_right_logical3A_748 = arith.shrui %xor3A_741, %shift_right_logical3A_747 : vector<16xi32>
          %or3A_749 = arith.ori %shift_left3A_745, %shift_right_logical3A_748 : vector<16xi32>
          %xor3A_750 = arith.xori %add3A_742, %or3A_749 : vector<16xi32>
          %add3A_751 = arith.addi %add3A_742, %xor3A_750 : vector<16xi32>
          %shift_left3A_752 = arith.constant 26 : i32
          %shift_left3A_753 = vector.broadcast %shift_left3A_752 : i32 to vector<16xi32>
          %shift_left3A_754 = arith.shli %xor3A_750, %shift_left3A_753 : vector<16xi32>
          %shift_right_logical3A_755 = arith.constant 6 : i32
          %shift_right_logical3A_756 = vector.broadcast %shift_right_logical3A_755 : i32 to vector<16xi32>
          %shift_right_logical3A_757 = arith.shrui %xor3A_750, %shift_right_logical3A_756 : vector<16xi32>
          %or3A_758 = arith.ori %shift_left3A_754, %shift_right_logical3A_757 : vector<16xi32>
          %xor3A_759 = arith.xori %add3A_751, %or3A_758 : vector<16xi32>
          %add3A_760 = arith.addi %add3A_751, %xor3A_759 : vector<16xi32>
          %shift_left3A_761 = arith.constant 6 : i32
          %shift_left3A_762 = vector.broadcast %shift_left3A_761 : i32 to vector<16xi32>
          %shift_left3A_763 = arith.shli %xor3A_759, %shift_left3A_762 : vector<16xi32>
          %shift_right_logical3A_764 = arith.constant 26 : i32
          %shift_right_logical3A_765 = vector.broadcast %shift_right_logical3A_764 : i32 to vector<16xi32>
          %shift_right_logical3A_766 = arith.shrui %xor3A_759, %shift_right_logical3A_765 : vector<16xi32>
          %or3A_767 = arith.ori %shift_left3A_763, %shift_right_logical3A_766 : vector<16xi32>
          %xor3A_768 = arith.xori %add3A_760, %or3A_767 : vector<16xi32>
          %add3A_769 = arith.constant 1832780943 : i32
          %add3A_770 = vector.broadcast %add3A_769 : i32 to vector<16xi32>
          %add3A_771 = arith.addi %add3A_760, %add3A_770 : vector<16xi32>
          %add3A_772 = arith.constant 270669613 : i32
          %add3A_773 = vector.broadcast %add3A_772 : i32 to vector<16xi32>
          %add3A_774 = arith.addi %xor3A_768, %add3A_773 : vector<16xi32>
          %add3A_775 = arith.constant 3 : i32
          %add3A_776 = vector.broadcast %add3A_775 : i32 to vector<16xi32>
          %add3A_777 = arith.addi %add3A_774, %add3A_776 : vector<16xi32>
          %add3A_778 = arith.addi %add3A_771, %add3A_777 : vector<16xi32>
          %shift_left3A_779 = arith.constant 17 : i32
          %shift_left3A_780 = vector.broadcast %shift_left3A_779 : i32 to vector<16xi32>
          %shift_left3A_781 = arith.shli %add3A_777, %shift_left3A_780 : vector<16xi32>
          %shift_right_logical3A_782 = arith.constant 15 : i32
          %shift_right_logical3A_783 = vector.broadcast %shift_right_logical3A_782 : i32 to vector<16xi32>
          %shift_right_logical3A_784 = arith.shrui %add3A_777, %shift_right_logical3A_783 : vector<16xi32>
          %or3A_785 = arith.ori %shift_left3A_781, %shift_right_logical3A_784 : vector<16xi32>
          %xor3A_786 = arith.xori %add3A_778, %or3A_785 : vector<16xi32>
          %add3A_787 = arith.addi %add3A_778, %xor3A_786 : vector<16xi32>
          %shift_left3A_788 = arith.constant 29 : i32
          %shift_left3A_789 = vector.broadcast %shift_left3A_788 : i32 to vector<16xi32>
          %shift_left3A_790 = arith.shli %xor3A_786, %shift_left3A_789 : vector<16xi32>
          %shift_right_logical3A_791 = arith.constant 3 : i32
          %shift_right_logical3A_792 = vector.broadcast %shift_right_logical3A_791 : i32 to vector<16xi32>
          %shift_right_logical3A_793 = arith.shrui %xor3A_786, %shift_right_logical3A_792 : vector<16xi32>
          %or3A_794 = arith.ori %shift_left3A_790, %shift_right_logical3A_793 : vector<16xi32>
          %xor3A_795 = arith.xori %add3A_787, %or3A_794 : vector<16xi32>
          %add3A_796 = arith.addi %add3A_787, %xor3A_795 : vector<16xi32>
          %shift_left3A_797 = arith.constant 16 : i32
          %shift_left3A_798 = vector.broadcast %shift_left3A_797 : i32 to vector<16xi32>
          %shift_left3A_799 = arith.shli %xor3A_795, %shift_left3A_798 : vector<16xi32>
          %shift_right_logical3A_800 = arith.constant 16 : i32
          %shift_right_logical3A_801 = vector.broadcast %shift_right_logical3A_800 : i32 to vector<16xi32>
          %shift_right_logical3A_802 = arith.shrui %xor3A_795, %shift_right_logical3A_801 : vector<16xi32>
          %or3A_803 = arith.ori %shift_left3A_799, %shift_right_logical3A_802 : vector<16xi32>
          %xor3A_804 = arith.xori %add3A_796, %or3A_803 : vector<16xi32>
          %add3A_805 = arith.addi %add3A_796, %xor3A_804 : vector<16xi32>
          %shift_left3A_806 = arith.constant 24 : i32
          %shift_left3A_807 = vector.broadcast %shift_left3A_806 : i32 to vector<16xi32>
          %shift_left3A_808 = arith.shli %xor3A_804, %shift_left3A_807 : vector<16xi32>
          %shift_right_logical3A_809 = arith.constant 8 : i32
          %shift_right_logical3A_810 = vector.broadcast %shift_right_logical3A_809 : i32 to vector<16xi32>
          %shift_right_logical3A_811 = arith.shrui %xor3A_804, %shift_right_logical3A_810 : vector<16xi32>
          %or3A_812 = arith.ori %shift_left3A_808, %shift_right_logical3A_811 : vector<16xi32>
          %xor3A_813 = arith.xori %add3A_805, %or3A_812 : vector<16xi32>
          %add3A_814 = arith.constant 270669613 : i32
          %add3A_815 = vector.broadcast %add3A_814 : i32 to vector<16xi32>
          %add3A_816 = arith.addi %add3A_805, %add3A_815 : vector<16xi32>
          %add3A_817 = arith.constant 1724713080 : i32
          %add3A_818 = vector.broadcast %add3A_817 : i32 to vector<16xi32>
          %add3A_819 = arith.addi %xor3A_813, %add3A_818 : vector<16xi32>
          %add3A_820 = arith.constant 4 : i32
          %add3A_821 = vector.broadcast %add3A_820 : i32 to vector<16xi32>
          %add3A_822 = arith.addi %add3A_819, %add3A_821 : vector<16xi32>
          %add3A_823 = arith.addi %add3A_816, %add3A_822 : vector<16xi32>
          %shift_left3A_824 = arith.constant 13 : i32
          %shift_left3A_825 = vector.broadcast %shift_left3A_824 : i32 to vector<16xi32>
          %shift_left3A_826 = arith.shli %add3A_822, %shift_left3A_825 : vector<16xi32>
          %shift_right_logical3A_827 = arith.constant 19 : i32
          %shift_right_logical3A_828 = vector.broadcast %shift_right_logical3A_827 : i32 to vector<16xi32>
          %shift_right_logical3A_829 = arith.shrui %add3A_822, %shift_right_logical3A_828 : vector<16xi32>
          %or3A_830 = arith.ori %shift_left3A_826, %shift_right_logical3A_829 : vector<16xi32>
          %xor3A_831 = arith.xori %add3A_823, %or3A_830 : vector<16xi32>
          %add3A_832 = arith.addi %add3A_823, %xor3A_831 : vector<16xi32>
          %shift_left3A_833 = arith.constant 15 : i32
          %shift_left3A_834 = vector.broadcast %shift_left3A_833 : i32 to vector<16xi32>
          %shift_left3A_835 = arith.shli %xor3A_831, %shift_left3A_834 : vector<16xi32>
          %shift_right_logical3A_836 = arith.constant 17 : i32
          %shift_right_logical3A_837 = vector.broadcast %shift_right_logical3A_836 : i32 to vector<16xi32>
          %shift_right_logical3A_838 = arith.shrui %xor3A_831, %shift_right_logical3A_837 : vector<16xi32>
          %or3A_839 = arith.ori %shift_left3A_835, %shift_right_logical3A_838 : vector<16xi32>
          %xor3A_840 = arith.xori %add3A_832, %or3A_839 : vector<16xi32>
          %add3A_841 = arith.addi %add3A_832, %xor3A_840 : vector<16xi32>
          %shift_left3A_842 = arith.constant 26 : i32
          %shift_left3A_843 = vector.broadcast %shift_left3A_842 : i32 to vector<16xi32>
          %shift_left3A_844 = arith.shli %xor3A_840, %shift_left3A_843 : vector<16xi32>
          %shift_right_logical3A_845 = arith.constant 6 : i32
          %shift_right_logical3A_846 = vector.broadcast %shift_right_logical3A_845 : i32 to vector<16xi32>
          %shift_right_logical3A_847 = arith.shrui %xor3A_840, %shift_right_logical3A_846 : vector<16xi32>
          %or3A_848 = arith.ori %shift_left3A_844, %shift_right_logical3A_847 : vector<16xi32>
          %xor3A_849 = arith.xori %add3A_841, %or3A_848 : vector<16xi32>
          %add3A_850 = arith.addi %add3A_841, %xor3A_849 : vector<16xi32>
          %shift_left3A_851 = arith.constant 6 : i32
          %shift_left3A_852 = vector.broadcast %shift_left3A_851 : i32 to vector<16xi32>
          %shift_left3A_853 = arith.shli %xor3A_849, %shift_left3A_852 : vector<16xi32>
          %shift_right_logical3A_854 = arith.constant 26 : i32
          %shift_right_logical3A_855 = vector.broadcast %shift_right_logical3A_854 : i32 to vector<16xi32>
          %shift_right_logical3A_856 = arith.shrui %xor3A_849, %shift_right_logical3A_855 : vector<16xi32>
          %or3A_857 = arith.ori %shift_left3A_853, %shift_right_logical3A_856 : vector<16xi32>
          %xor3A_858 = arith.xori %add3A_850, %or3A_857 : vector<16xi32>
          %add3A_859 = arith.constant 1724713080 : i32
          %add3A_860 = vector.broadcast %add3A_859 : i32 to vector<16xi32>
          %add3A_861 = arith.addi %add3A_850, %add3A_860 : vector<16xi32>
          %add3A_862 = arith.constant 1832780943 : i32
          %add3A_863 = vector.broadcast %add3A_862 : i32 to vector<16xi32>
          %add3A_864 = arith.addi %xor3A_858, %add3A_863 : vector<16xi32>
          %add3A_865 = arith.constant 5 : i32
          %add3A_866 = vector.broadcast %add3A_865 : i32 to vector<16xi32>
          %add3A_867 = arith.addi %add3A_864, %add3A_866 : vector<16xi32>
          %xor3A_868 = arith.xori %add3A_861, %add3A_867 : vector<16xi32>
          %ge3A_869 = arith.constant -15626240 : i32
          %ge3A_870 = vector.broadcast %ge3A_869 : i32 to vector<16xi32>
          %ge3A_871 = arith.cmpi uge, %xor3A_868, %ge3A_870 : vector<16xi32>
          %jit3A_872 = arith.constant 0.389012098 : f32
          %broadcast_in_dim3A_873 = vector.broadcast %jit3A_872 : f32 to vector<16xf32>
          %select_n3A_874 = arith.select %ge3A_871, %broadcast_in_dim3A_873, %get3A_633 : vector<16xi1>, vector<16xf32>
          %le3A_875 = arith.constant 14329343 : i32
          %le3A_876 = vector.broadcast %le3A_875 : i32 to vector<16xi32>
          %le3A_877 = arith.cmpi ule, %xor3A_868, %le3A_876 : vector<16xi32>
          %jit3A_878 = arith.constant -0.256260395 : f32
          %broadcast_in_dim3A_879 = vector.broadcast %jit3A_878 : f32 to vector<16xf32>
          %select_n3A_880 = arith.select %le3A_877, %broadcast_in_dim3A_879, %select_n3A_874 : vector<16xi1>, vector<16xf32>
          %swap3A_881 = arith.index_cast %add3A_110 : i32 to index
          %swap3A_882 = arith.index_cast %add3A_629 : i32 to index
          %swap3A_883 = tpu.vector_load %arg6[%swap3A_881, %swap3A_882] {strides = array<i32>} : memref<64x384xf32, #tpu.memory_space<vmem>>, vector<1x16xf32>,
          %swap3A_884 = vector.shape_cast %swap3A_883 : vector<1x16xf32> to vector<16xf32>
          %swap3A_885 = vector.shape_cast %select_n3A_880 : vector<16xf32> to vector<1x16xf32>
          tpu.vector_store %arg6[%swap3A_881, %swap3A_882], %swap3A_885 {strides = array<i32>} : memref<64x384xf32, #tpu.memory_space<vmem>>, vector<1x16xf32>,
          %mul3A_886 = arith.constant 128 : i32
          %mul3A_887 = arith.muli %shift_right_arithmetic3A_106, %mul3A_886 : i32
          %add3A_888 = arith.constant 48 : i32
          %add3A_889 = arith.addi %mul3A_887, %add3A_888 : i32
          %get3A_890 = arith.index_cast %add3A_110 : i32 to index
          %get3A_891 = arith.index_cast %add3A_889 : i32 to index
          %get3A_892 = tpu.vector_load %arg4[%get3A_890, %get3A_891] {strides = array<i32>} : memref<64x384xf32, #tpu.memory_space<vmem>>, vector<1x16xf32>,
          %get3A_893 = vector.shape_cast %get3A_892 : vector<1x16xf32> to vector<16xf32>
          %add3A_894 = arith.constant 48 : i32
          %add3A_895 = arith.addi %add3A_116, %add3A_894 : i32
          %add3A_896 = vector.broadcast %add3A_895 : i32 to vector<16xi32>
          %add3A_897 = arith.addi %add3A_896, %iota3A : vector<16xi32>
          %broadcast_in_dim3A_898 = arith.constant 1832780943 : i32
          %broadcast_in_dim3A_899 = vector.broadcast %broadcast_in_dim3A_898 : i32 to vector<16xi32>
          %add3A_900 = arith.constant 270669613 : i32
          %add3A_901 = vector.broadcast %add3A_900 : i32 to vector<16xi32>
          %add3A_902 = arith.addi %add3A_897, %add3A_901 : vector<16xi32>
          %add3A_903 = arith.addi %broadcast_in_dim3A_899, %add3A_902 : vector<16xi32>
          %shift_left3A_904 = arith.constant 13 : i32
          %shift_left3A_905 = vector.broadcast %shift_left3A_904 : i32 to vector<16xi32>
          %shift_left3A_906 = arith.shli %add3A_902, %shift_left3A_905 : vector<16xi32>
          %shift_right_logical3A_907 = arith.constant 19 : i32
          %shift_right_logical3A_908 = vector.broadcast %shift_right_logical3A_907 : i32 to vector<16xi32>
          %shift_right_logical3A_909 = arith.shrui %add3A_902, %shift_right_logical3A_908 : vector<16xi32>
          %or3A_910 = arith.ori %shift_left3A_906, %shift_right_logical3A_909 : vector<16xi32>
          %xor3A_911 = arith.xori %add3A_903, %or3A_910 : vector<16xi32>
          %add3A_912 = arith.addi %add3A_903, %xor3A_911 : vector<16xi32>
          %shift_left3A_913 = arith.constant 15 : i32
          %shift_left3A_914 = vector.broadcast %shift_left3A_913 : i32 to vector<16xi32>
          %shift_left3A_915 = arith.shli %xor3A_911, %shift_left3A_914 : vector<16xi32>
          %shift_right_logical3A_916 = arith.constant 17 : i32
          %shift_right_logical3A_917 = vector.broadcast %shift_right_logical3A_916 : i32 to vector<16xi32>
          %shift_right_logical3A_918 = arith.shrui %xor3A_911, %shift_right_logical3A_917 : vector<16xi32>
          %or3A_919 = arith.ori %shift_left3A_915, %shift_right_logical3A_918 : vector<16xi32>
          %xor3A_920 = arith.xori %add3A_912, %or3A_919 : vector<16xi32>
          %add3A_921 = arith.addi %add3A_912, %xor3A_920 : vector<16xi32>
          %shift_left3A_922 = arith.constant 26 : i32
          %shift_left3A_923 = vector.broadcast %shift_left3A_922 : i32 to vector<16xi32>
          %shift_left3A_924 = arith.shli %xor3A_920, %shift_left3A_923 : vector<16xi32>
          %shift_right_logical3A_925 = arith.constant 6 : i32
          %shift_right_logical3A_926 = vector.broadcast %shift_right_logical3A_925 : i32 to vector<16xi32>
          %shift_right_logical3A_927 = arith.shrui %xor3A_920, %shift_right_logical3A_926 : vector<16xi32>
          %or3A_928 = arith.ori %shift_left3A_924, %shift_right_logical3A_927 : vector<16xi32>
          %xor3A_929 = arith.xori %add3A_921, %or3A_928 : vector<16xi32>
          %add3A_930 = arith.addi %add3A_921, %xor3A_929 : vector<16xi32>
          %shift_left3A_931 = arith.constant 6 : i32
          %shift_left3A_932 = vector.broadcast %shift_left3A_931 : i32 to vector<16xi32>
          %shift_left3A_933 = arith.shli %xor3A_929, %shift_left3A_932 : vector<16xi32>
          %shift_right_logical3A_934 = arith.constant 26 : i32
          %shift_right_logical3A_935 = vector.broadcast %shift_right_logical3A_934 : i32 to vector<16xi32>
          %shift_right_logical3A_936 = arith.shrui %xor3A_929, %shift_right_logical3A_935 : vector<16xi32>
          %or3A_937 = arith.ori %shift_left3A_933, %shift_right_logical3A_936 : vector<16xi32>
          %xor3A_938 = arith.xori %add3A_930, %or3A_937 : vector<16xi32>
          %add3A_939 = arith.constant 270669613 : i32
          %add3A_940 = vector.broadcast %add3A_939 : i32 to vector<16xi32>
          %add3A_941 = arith.addi %add3A_930, %add3A_940 : vector<16xi32>
          %add3A_942 = arith.constant 1724713080 : i32
          %add3A_943 = vector.broadcast %add3A_942 : i32 to vector<16xi32>
          %add3A_944 = arith.addi %xor3A_938, %add3A_943 : vector<16xi32>
          %add3A_945 = arith.constant 1 : i32
          %add3A_946 = vector.broadcast %add3A_945 : i32 to vector<16xi32>
          %add3A_947 = arith.addi %add3A_944, %add3A_946 : vector<16xi32>
          %add3A_948 = arith.addi %add3A_941, %add3A_947 : vector<16xi32>
          %shift_left3A_949 = arith.constant 17 : i32
          %shift_left3A_950 = vector.broadcast %shift_left3A_949 : i32 to vector<16xi32>
          %shift_left3A_951 = arith.shli %add3A_947, %shift_left3A_950 : vector<16xi32>
          %shift_right_logical3A_952 = arith.constant 15 : i32
          %shift_right_logical3A_953 = vector.broadcast %shift_right_logical3A_952 : i32 to vector<16xi32>
          %shift_right_logical3A_954 = arith.shrui %add3A_947, %shift_right_logical3A_953 : vector<16xi32>
          %or3A_955 = arith.ori %shift_left3A_951, %shift_right_logical3A_954 : vector<16xi32>
          %xor3A_956 = arith.xori %add3A_948, %or3A_955 : vector<16xi32>
          %add3A_957 = arith.addi %add3A_948, %xor3A_956 : vector<16xi32>
          %shift_left3A_958 = arith.constant 29 : i32
          %shift_left3A_959 = vector.broadcast %shift_left3A_958 : i32 to vector<16xi32>
          %shift_left3A_960 = arith.shli %xor3A_956, %shift_left3A_959 : vector<16xi32>
          %shift_right_logical3A_961 = arith.constant 3 : i32
          %shift_right_logical3A_962 = vector.broadcast %shift_right_logical3A_961 : i32 to vector<16xi32>
          %shift_right_logical3A_963 = arith.shrui %xor3A_956, %shift_right_logical3A_962 : vector<16xi32>
          %or3A_964 = arith.ori %shift_left3A_960, %shift_right_logical3A_963 : vector<16xi32>
          %xor3A_965 = arith.xori %add3A_957, %or3A_964 : vector<16xi32>
          %add3A_966 = arith.addi %add3A_957, %xor3A_965 : vector<16xi32>
          %shift_left3A_967 = arith.constant 16 : i32
          %shift_left3A_968 = vector.broadcast %shift_left3A_967 : i32 to vector<16xi32>
          %shift_left3A_969 = arith.shli %xor3A_965, %shift_left3A_968 : vector<16xi32>
          %shift_right_logical3A_970 = arith.constant 16 : i32
          %shift_right_logical3A_971 = vector.broadcast %shift_right_logical3A_970 : i32 to vector<16xi32>
          %shift_right_logical3A_972 = arith.shrui %xor3A_965, %shift_right_logical3A_971 : vector<16xi32>
          %or3A_973 = arith.ori %shift_left3A_969, %shift_right_logical3A_972 : vector<16xi32>
          %xor3A_974 = arith.xori %add3A_966, %or3A_973 : vector<16xi32>
          %add3A_975 = arith.addi %add3A_966, %xor3A_974 : vector<16xi32>
          %shift_left3A_976 = arith.constant 24 : i32
          %shift_left3A_977 = vector.broadcast %shift_left3A_976 : i32 to vector<16xi32>
          %shift_left3A_978 = arith.shli %xor3A_974, %shift_left3A_977 : vector<16xi32>
          %shift_right_logical3A_979 = arith.constant 8 : i32
          %shift_right_logical3A_980 = vector.broadcast %shift_right_logical3A_979 : i32 to vector<16xi32>
          %shift_right_logical3A_981 = arith.shrui %xor3A_974, %shift_right_logical3A_980 : vector<16xi32>
          %or3A_982 = arith.ori %shift_left3A_978, %shift_right_logical3A_981 : vector<16xi32>
          %xor3A_983 = arith.xori %add3A_975, %or3A_982 : vector<16xi32>
          %add3A_984 = arith.constant 1724713080 : i32
          %add3A_985 = vector.broadcast %add3A_984 : i32 to vector<16xi32>
          %add3A_986 = arith.addi %add3A_975, %add3A_985 : vector<16xi32>
          %add3A_987 = arith.constant 1832780943 : i32
          %add3A_988 = vector.broadcast %add3A_987 : i32 to vector<16xi32>
          %add3A_989 = arith.addi %xor3A_983, %add3A_988 : vector<16xi32>
          %add3A_990 = arith.constant 2 : i32
          %add3A_991 = vector.broadcast %add3A_990 : i32 to vector<16xi32>
          %add3A_992 = arith.addi %add3A_989, %add3A_991 : vector<16xi32>
          %add3A_993 = arith.addi %add3A_986, %add3A_992 : vector<16xi32>
          %shift_left3A_994 = arith.constant 13 : i32
          %shift_left3A_995 = vector.broadcast %shift_left3A_994 : i32 to vector<16xi32>
          %shift_left3A_996 = arith.shli %add3A_992, %shift_left3A_995 : vector<16xi32>
          %shift_right_logical3A_997 = arith.constant 19 : i32
          %shift_right_logical3A_998 = vector.broadcast %shift_right_logical3A_997 : i32 to vector<16xi32>
          %shift_right_logical3A_999 = arith.shrui %add3A_992, %shift_right_logical3A_998 : vector<16xi32>
          %or3A_1000 = arith.ori %shift_left3A_996, %shift_right_logical3A_999 : vector<16xi32>
          %xor3A_1001 = arith.xori %add3A_993, %or3A_1000 : vector<16xi32>
          %add3A_1002 = arith.addi %add3A_993, %xor3A_1001 : vector<16xi32>
          %shift_left3A_1003 = arith.constant 15 : i32
          %shift_left3A_1004 = vector.broadcast %shift_left3A_1003 : i32 to vector<16xi32>
          %shift_left3A_1005 = arith.shli %xor3A_1001, %shift_left3A_1004 : vector<16xi32>
          %shift_right_logical3A_1006 = arith.constant 17 : i32
          %shift_right_logical3A_1007 = vector.broadcast %shift_right_logical3A_1006 : i32 to vector<16xi32>
          %shift_right_logical3A_1008 = arith.shrui %xor3A_1001, %shift_right_logical3A_1007 : vector<16xi32>
          %or3A_1009 = arith.ori %shift_left3A_1005, %shift_right_logical3A_1008 : vector<16xi32>
          %xor3A_1010 = arith.xori %add3A_1002, %or3A_1009 : vector<16xi32>
          %add3A_1011 = arith.addi %add3A_1002, %xor3A_1010 : vector<16xi32>
          %shift_left3A_1012 = arith.constant 26 : i32
          %shift_left3A_1013 = vector.broadcast %shift_left3A_1012 : i32 to vector<16xi32>
          %shift_left3A_1014 = arith.shli %xor3A_1010, %shift_left3A_1013 : vector<16xi32>
          %shift_right_logical3A_1015 = arith.constant 6 : i32
          %shift_right_logical3A_1016 = vector.broadcast %shift_right_logical3A_1015 : i32 to vector<16xi32>
          %shift_right_logical3A_1017 = arith.shrui %xor3A_1010, %shift_right_logical3A_1016 : vector<16xi32>
          %or3A_1018 = arith.ori %shift_left3A_1014, %shift_right_logical3A_1017 : vector<16xi32>
          %xor3A_1019 = arith.xori %add3A_1011, %or3A_1018 : vector<16xi32>
          %add3A_1020 = arith.addi %add3A_1011, %xor3A_1019 : vector<16xi32>
          %shift_left3A_1021 = arith.constant 6 : i32
          %shift_left3A_1022 = vector.broadcast %shift_left3A_1021 : i32 to vector<16xi32>
          %shift_left3A_1023 = arith.shli %xor3A_1019, %shift_left3A_1022 : vector<16xi32>
          %shift_right_logical3A_1024 = arith.constant 26 : i32
          %shift_right_logical3A_1025 = vector.broadcast %shift_right_logical3A_1024 : i32 to vector<16xi32>
          %shift_right_logical3A_1026 = arith.shrui %xor3A_1019, %shift_right_logical3A_1025 : vector<16xi32>
          %or3A_1027 = arith.ori %shift_left3A_1023, %shift_right_logical3A_1026 : vector<16xi32>
          %xor3A_1028 = arith.xori %add3A_1020, %or3A_1027 : vector<16xi32>
          %add3A_1029 = arith.constant 1832780943 : i32
          %add3A_1030 = vector.broadcast %add3A_1029 : i32 to vector<16xi32>
          %add3A_1031 = arith.addi %add3A_1020, %add3A_1030 : vector<16xi32>
          %add3A_1032 = arith.constant 270669613 : i32
          %add3A_1033 = vector.broadcast %add3A_1032 : i32 to vector<16xi32>
          %add3A_1034 = arith.addi %xor3A_1028, %add3A_1033 : vector<16xi32>
          %add3A_1035 = arith.constant 3 : i32
          %add3A_1036 = vector.broadcast %add3A_1035 : i32 to vector<16xi32>
          %add3A_1037 = arith.addi %add3A_1034, %add3A_1036 : vector<16xi32>
          %add3A_1038 = arith.addi %add3A_1031, %add3A_1037 : vector<16xi32>
          %shift_left3A_1039 = arith.constant 17 : i32
          %shift_left3A_1040 = vector.broadcast %shift_left3A_1039 : i32 to vector<16xi32>
          %shift_left3A_1041 = arith.shli %add3A_1037, %shift_left3A_1040 : vector<16xi32>
          %shift_right_logical3A_1042 = arith.constant 15 : i32
          %shift_right_logical3A_1043 = vector.broadcast %shift_right_logical3A_1042 : i32 to vector<16xi32>
          %shift_right_logical3A_1044 = arith.shrui %add3A_1037, %shift_right_logical3A_1043 : vector<16xi32>
          %or3A_1045 = arith.ori %shift_left3A_1041, %shift_right_logical3A_1044 : vector<16xi32>
          %xor3A_1046 = arith.xori %add3A_1038, %or3A_1045 : vector<16xi32>
          %add3A_1047 = arith.addi %add3A_1038, %xor3A_1046 : vector<16xi32>
          %shift_left3A_1048 = arith.constant 29 : i32
          %shift_left3A_1049 = vector.broadcast %shift_left3A_1048 : i32 to vector<16xi32>
          %shift_left3A_1050 = arith.shli %xor3A_1046, %shift_left3A_1049 : vector<16xi32>
          %shift_right_logical3A_1051 = arith.constant 3 : i32
          %shift_right_logical3A_1052 = vector.broadcast %shift_right_logical3A_1051 : i32 to vector<16xi32>
          %shift_right_logical3A_1053 = arith.shrui %xor3A_1046, %shift_right_logical3A_1052 : vector<16xi32>
          %or3A_1054 = arith.ori %shift_left3A_1050, %shift_right_logical3A_1053 : vector<16xi32>
          %xor3A_1055 = arith.xori %add3A_1047, %or3A_1054 : vector<16xi32>
          %add3A_1056 = arith.addi %add3A_1047, %xor3A_1055 : vector<16xi32>
          %shift_left3A_1057 = arith.constant 16 : i32
          %shift_left3A_1058 = vector.broadcast %shift_left3A_1057 : i32 to vector<16xi32>
          %shift_left3A_1059 = arith.shli %xor3A_1055, %shift_left3A_1058 : vector<16xi32>
          %shift_right_logical3A_1060 = arith.constant 16 : i32
          %shift_right_logical3A_1061 = vector.broadcast %shift_right_logical3A_1060 : i32 to vector<16xi32>
          %shift_right_logical3A_1062 = arith.shrui %xor3A_1055, %shift_right_logical3A_1061 : vector<16xi32>
          %or3A_1063 = arith.ori %shift_left3A_1059, %shift_right_logical3A_1062 : vector<16xi32>
          %xor3A_1064 = arith.xori %add3A_1056, %or3A_1063 : vector<16xi32>
          %add3A_1065 = arith.addi %add3A_1056, %xor3A_1064 : vector<16xi32>
          %shift_left3A_1066 = arith.constant 24 : i32
          %shift_left3A_1067 = vector.broadcast %shift_left3A_1066 : i32 to vector<16xi32>
          %shift_left3A_1068 = arith.shli %xor3A_1064, %shift_left3A_1067 : vector<16xi32>
          %shift_right_logical3A_1069 = arith.constant 8 : i32
          %shift_right_logical3A_1070 = vector.broadcast %shift_right_logical3A_1069 : i32 to vector<16xi32>
          %shift_right_logical3A_1071 = arith.shrui %xor3A_1064, %shift_right_logical3A_1070 : vector<16xi32>
          %or3A_1072 = arith.ori %shift_left3A_1068, %shift_right_logical3A_1071 : vector<16xi32>
          %xor3A_1073 = arith.xori %add3A_1065, %or3A_1072 : vector<16xi32>
          %add3A_1074 = arith.constant 270669613 : i32
          %add3A_1075 = vector.broadcast %add3A_1074 : i32 to vector<16xi32>
          %add3A_1076 = arith.addi %add3A_1065, %add3A_1075 : vector<16xi32>
          %add3A_1077 = arith.constant 1724713080 : i32
          %add3A_1078 = vector.broadcast %add3A_1077 : i32 to vector<16xi32>
          %add3A_1079 = arith.addi %xor3A_1073, %add3A_1078 : vector<16xi32>
          %add3A_1080 = arith.constant 4 : i32
          %add3A_1081 = vector.broadcast %add3A_1080 : i32 to vector<16xi32>
          %add3A_1082 = arith.addi %add3A_1079, %add3A_1081 : vector<16xi32>
          %add3A_1083 = arith.addi %add3A_1076, %add3A_1082 : vector<16xi32>
          %shift_left3A_1084 = arith.constant 13 : i32
          %shift_left3A_1085 = vector.broadcast %shift_left3A_1084 : i32 to vector<16xi32>
          %shift_left3A_1086 = arith.shli %add3A_1082, %shift_left3A_1085 : vector<16xi32>
          %shift_right_logical3A_1087 = arith.constant 19 : i32
          %shift_right_logical3A_1088 = vector.broadcast %shift_right_logical3A_1087 : i32 to vector<16xi32>
          %shift_right_logical3A_1089 = arith.shrui %add3A_1082, %shift_right_logical3A_1088 : vector<16xi32>
          %or3A_1090 = arith.ori %shift_left3A_1086, %shift_right_logical3A_1089 : vector<16xi32>
          %xor3A_1091 = arith.xori %add3A_1083, %or3A_1090 : vector<16xi32>
          %add3A_1092 = arith.addi %add3A_1083, %xor3A_1091 : vector<16xi32>
          %shift_left3A_1093 = arith.constant 15 : i32
          %shift_left3A_1094 = vector.broadcast %shift_left3A_1093 : i32 to vector<16xi32>
          %shift_left3A_1095 = arith.shli %xor3A_1091, %shift_left3A_1094 : vector<16xi32>
          %shift_right_logical3A_1096 = arith.constant 17 : i32
          %shift_right_logical3A_1097 = vector.broadcast %shift_right_logical3A_1096 : i32 to vector<16xi32>
          %shift_right_logical3A_1098 = arith.shrui %xor3A_1091, %shift_right_logical3A_1097 : vector<16xi32>
          %or3A_1099 = arith.ori %shift_left3A_1095, %shift_right_logical3A_1098 : vector<16xi32>
          %xor3A_1100 = arith.xori %add3A_1092, %or3A_1099 : vector<16xi32>
          %add3A_1101 = arith.addi %add3A_1092, %xor3A_1100 : vector<16xi32>
          %shift_left3A_1102 = arith.constant 26 : i32
          %shift_left3A_1103 = vector.broadcast %shift_left3A_1102 : i32 to vector<16xi32>
          %shift_left3A_1104 = arith.shli %xor3A_1100, %shift_left3A_1103 : vector<16xi32>
          %shift_right_logical3A_1105 = arith.constant 6 : i32
          %shift_right_logical3A_1106 = vector.broadcast %shift_right_logical3A_1105 : i32 to vector<16xi32>
          %shift_right_logical3A_1107 = arith.shrui %xor3A_1100, %shift_right_logical3A_1106 : vector<16xi32>
          %or3A_1108 = arith.ori %shift_left3A_1104, %shift_right_logical3A_1107 : vector<16xi32>
          %xor3A_1109 = arith.xori %add3A_1101, %or3A_1108 : vector<16xi32>
          %add3A_1110 = arith.addi %add3A_1101, %xor3A_1109 : vector<16xi32>
          %shift_left3A_1111 = arith.constant 6 : i32
          %shift_left3A_1112 = vector.broadcast %shift_left3A_1111 : i32 to vector<16xi32>
          %shift_left3A_1113 = arith.shli %xor3A_1109, %shift_left3A_1112 : vector<16xi32>
          %shift_right_logical3A_1114 = arith.constant 26 : i32
          %shift_right_logical3A_1115 = vector.broadcast %shift_right_logical3A_1114 : i32 to vector<16xi32>
          %shift_right_logical3A_1116 = arith.shrui %xor3A_1109, %shift_right_logical3A_1115 : vector<16xi32>
          %or3A_1117 = arith.ori %shift_left3A_1113, %shift_right_logical3A_1116 : vector<16xi32>
          %xor3A_1118 = arith.xori %add3A_1110, %or3A_1117 : vector<16xi32>
          %add3A_1119 = arith.constant 1724713080 : i32
          %add3A_1120 = vector.broadcast %add3A_1119 : i32 to vector<16xi32>
          %add3A_1121 = arith.addi %add3A_1110, %add3A_1120 : vector<16xi32>
          %add3A_1122 = arith.constant 1832780943 : i32
          %add3A_1123 = vector.broadcast %add3A_1122 : i32 to vector<16xi32>
          %add3A_1124 = arith.addi %xor3A_1118, %add3A_1123 : vector<16xi32>
          %add3A_1125 = arith.constant 5 : i32
          %add3A_1126 = vector.broadcast %add3A_1125 : i32 to vector<16xi32>
          %add3A_1127 = arith.addi %add3A_1124, %add3A_1126 : vector<16xi32>
          %xor3A_1128 = arith.xori %add3A_1121, %add3A_1127 : vector<16xi32>
          %ge3A_1129 = arith.constant -15626240 : i32
          %ge3A_1130 = vector.broadcast %ge3A_1129 : i32 to vector<16xi32>
          %ge3A_1131 = arith.cmpi uge, %xor3A_1128, %ge3A_1130 : vector<16xi32>
          %jit3A_1132 = arith.constant 0.389012098 : f32
          %broadcast_in_dim3A_1133 = vector.broadcast %jit3A_1132 : f32 to vector<16xf32>
          %select_n3A_1134 = arith.select %ge3A_1131, %broadcast_in_dim3A_1133, %get3A_893 : vector<16xi1>, vector<16xf32>
          %le3A_1135 = arith.constant 14329343 : i32
          %le3A_1136 = vector.broadcast %le3A_1135 : i32 to vector<16xi32>
          %le3A_1137 = arith.cmpi ule, %xor3A_1128, %le3A_1136 : vector<16xi32>
          %jit3A_1138 = arith.constant -0.256260395 : f32
          %broadcast_in_dim3A_1139 = vector.broadcast %jit3A_1138 : f32 to vector<16xf32>
          %select_n3A_1140 = arith.select %le3A_1137, %broadcast_in_dim3A_1139, %select_n3A_1134 : vector<16xi1>, vector<16xf32>
          %swap3A_1141 = arith.index_cast %add3A_110 : i32 to index
          %swap3A_1142 = arith.index_cast %add3A_889 : i32 to index
          %swap3A_1143 = tpu.vector_load %arg6[%swap3A_1141, %swap3A_1142] {strides = array<i32>} : memref<64x384xf32, #tpu.memory_space<vmem>>, vector<1x16xf32>,
          %swap3A_1144 = vector.shape_cast %swap3A_1143 : vector<1x16xf32> to vector<16xf32>
          %swap3A_1145 = vector.shape_cast %select_n3A_1140 : vector<16xf32> to vector<1x16xf32>
          tpu.vector_store %arg6[%swap3A_1141, %swap3A_1142], %swap3A_1145 {strides = array<i32>} : memref<64x384xf32, #tpu.memory_space<vmem>>, vector<1x16xf32>,
          %mul3A_1146 = arith.constant 128 : i32
          %mul3A_1147 = arith.muli %shift_right_arithmetic3A_106, %mul3A_1146 : i32
          %add3A_1148 = arith.constant 64 : i32
          %add3A_1149 = arith.addi %mul3A_1147, %add3A_1148 : i32
          %get3A_1150 = arith.index_cast %add3A_110 : i32 to index
          %get3A_1151 = arith.index_cast %add3A_1149 : i32 to index
          %get3A_1152 = tpu.vector_load %arg4[%get3A_1150, %get3A_1151] {strides = array<i32>} : memref<64x384xf32, #tpu.memory_space<vmem>>, vector<1x16xf32>,
          %get3A_1153 = vector.shape_cast %get3A_1152 : vector<1x16xf32> to vector<16xf32>
          %add3A_1154 = arith.constant 64 : i32
          %add3A_1155 = arith.addi %add3A_116, %add3A_1154 : i32
          %add3A_1156 = vector.broadcast %add3A_1155 : i32 to vector<16xi32>
          %add3A_1157 = arith.addi %add3A_1156, %iota3A : vector<16xi32>
          %broadcast_in_dim3A_1158 = arith.constant 1832780943 : i32
          %broadcast_in_dim3A_1159 = vector.broadcast %broadcast_in_dim3A_1158 : i32 to vector<16xi32>
          %add3A_1160 = arith.constant 270669613 : i32
          %add3A_1161 = vector.broadcast %add3A_1160 : i32 to vector<16xi32>
          %add3A_1162 = arith.addi %add3A_1157, %add3A_1161 : vector<16xi32>
          %add3A_1163 = arith.addi %broadcast_in_dim3A_1159, %add3A_1162 : vector<16xi32>
          %shift_left3A_1164 = arith.constant 13 : i32
          %shift_left3A_1165 = vector.broadcast %shift_left3A_1164 : i32 to vector<16xi32>
          %shift_left3A_1166 = arith.shli %add3A_1162, %shift_left3A_1165 : vector<16xi32>
          %shift_right_logical3A_1167 = arith.constant 19 : i32
          %shift_right_logical3A_1168 = vector.broadcast %shift_right_logical3A_1167 : i32 to vector<16xi32>
          %shift_right_logical3A_1169 = arith.shrui %add3A_1162, %shift_right_logical3A_1168 : vector<16xi32>
          %or3A_1170 = arith.ori %shift_left3A_1166, %shift_right_logical3A_1169 : vector<16xi32>
          %xor3A_1171 = arith.xori %add3A_1163, %or3A_1170 : vector<16xi32>
          %add3A_1172 = arith.addi %add3A_1163, %xor3A_1171 : vector<16xi32>
          %shift_left3A_1173 = arith.constant 15 : i32
          %shift_left3A_1174 = vector.broadcast %shift_left3A_1173 : i32 to vector<16xi32>
          %shift_left3A_1175 = arith.shli %xor3A_1171, %shift_left3A_1174 : vector<16xi32>
          %shift_right_logical3A_1176 = arith.constant 17 : i32
          %shift_right_logical3A_1177 = vector.broadcast %shift_right_logical3A_1176 : i32 to vector<16xi32>
          %shift_right_logical3A_1178 = arith.shrui %xor3A_1171, %shift_right_logical3A_1177 : vector<16xi32>
          %or3A_1179 = arith.ori %shift_left3A_1175, %shift_right_logical3A_1178 : vector<16xi32>
          %xor3A_1180 = arith.xori %add3A_1172, %or3A_1179 : vector<16xi32>
          %add3A_1181 = arith.addi %add3A_1172, %xor3A_1180 : vector<16xi32>
          %shift_left3A_1182 = arith.constant 26 : i32
          %shift_left3A_1183 = vector.broadcast %shift_left3A_1182 : i32 to vector<16xi32>
          %shift_left3A_1184 = arith.shli %xor3A_1180, %shift_left3A_1183 : vector<16xi32>
          %shift_right_logical3A_1185 = arith.constant 6 : i32
          %shift_right_logical3A_1186 = vector.broadcast %shift_right_logical3A_1185 : i32 to vector<16xi32>
          %shift_right_logical3A_1187 = arith.shrui %xor3A_1180, %shift_right_logical3A_1186 : vector<16xi32>
          %or3A_1188 = arith.ori %shift_left3A_1184, %shift_right_logical3A_1187 : vector<16xi32>
          %xor3A_1189 = arith.xori %add3A_1181, %or3A_1188 : vector<16xi32>
          %add3A_1190 = arith.addi %add3A_1181, %xor3A_1189 : vector<16xi32>
          %shift_left3A_1191 = arith.constant 6 : i32
          %shift_left3A_1192 = vector.broadcast %shift_left3A_1191 : i32 to vector<16xi32>
          %shift_left3A_1193 = arith.shli %xor3A_1189, %shift_left3A_1192 : vector<16xi32>
          %shift_right_logical3A_1194 = arith.constant 26 : i32
          %shift_right_logical3A_1195 = vector.broadcast %shift_right_logical3A_1194 : i32 to vector<16xi32>
          %shift_right_logical3A_1196 = arith.shrui %xor3A_1189, %shift_right_logical3A_1195 : vector<16xi32>
          %or3A_1197 = arith.ori %shift_left3A_1193, %shift_right_logical3A_1196 : vector<16xi32>
          %xor3A_1198 = arith.xori %add3A_1190, %or3A_1197 : vector<16xi32>
          %add3A_1199 = arith.constant 270669613 : i32
          %add3A_1200 = vector.broadcast %add3A_1199 : i32 to vector<16xi32>
          %add3A_1201 = arith.addi %add3A_1190, %add3A_1200 : vector<16xi32>
          %add3A_1202 = arith.constant 1724713080 : i32
          %add3A_1203 = vector.broadcast %add3A_1202 : i32 to vector<16xi32>
          %add3A_1204 = arith.addi %xor3A_1198, %add3A_1203 : vector<16xi32>
          %add3A_1205 = arith.constant 1 : i32
          %add3A_1206 = vector.broadcast %add3A_1205 : i32 to vector<16xi32>
          %add3A_1207 = arith.addi %add3A_1204, %add3A_1206 : vector<16xi32>
          %add3A_1208 = arith.addi %add3A_1201, %add3A_1207 : vector<16xi32>
          %shift_left3A_1209 = arith.constant 17 : i32
          %shift_left3A_1210 = vector.broadcast %shift_left3A_1209 : i32 to vector<16xi32>
          %shift_left3A_1211 = arith.shli %add3A_1207, %shift_left3A_1210 : vector<16xi32>
          %shift_right_logical3A_1212 = arith.constant 15 : i32
          %shift_right_logical3A_1213 = vector.broadcast %shift_right_logical3A_1212 : i32 to vector<16xi32>
          %shift_right_logical3A_1214 = arith.shrui %add3A_1207, %shift_right_logical3A_1213 : vector<16xi32>
          %or3A_1215 = arith.ori %shift_left3A_1211, %shift_right_logical3A_1214 : vector<16xi32>
          %xor3A_1216 = arith.xori %add3A_1208, %or3A_1215 : vector<16xi32>
          %add3A_1217 = arith.addi %add3A_1208, %xor3A_1216 : vector<16xi32>
          %shift_left3A_1218 = arith.constant 29 : i32
          %shift_left3A_1219 = vector.broadcast %shift_left3A_1218 : i32 to vector<16xi32>
          %shift_left3A_1220 = arith.shli %xor3A_1216, %shift_left3A_1219 : vector<16xi32>
          %shift_right_logical3A_1221 = arith.constant 3 : i32
          %shift_right_logical3A_1222 = vector.broadcast %shift_right_logical3A_1221 : i32 to vector<16xi32>
          %shift_right_logical3A_1223 = arith.shrui %xor3A_1216, %shift_right_logical3A_1222 : vector<16xi32>
          %or3A_1224 = arith.ori %shift_left3A_1220, %shift_right_logical3A_1223 : vector<16xi32>
          %xor3A_1225 = arith.xori %add3A_1217, %or3A_1224 : vector<16xi32>
          %add3A_1226 = arith.addi %add3A_1217, %xor3A_1225 : vector<16xi32>
          %shift_left3A_1227 = arith.constant 16 : i32
          %shift_left3A_1228 = vector.broadcast %shift_left3A_1227 : i32 to vector<16xi32>
          %shift_left3A_1229 = arith.shli %xor3A_1225, %shift_left3A_1228 : vector<16xi32>
          %shift_right_logical3A_1230 = arith.constant 16 : i32
          %shift_right_logical3A_1231 = vector.broadcast %shift_right_logical3A_1230 : i32 to vector<16xi32>
          %shift_right_logical3A_1232 = arith.shrui %xor3A_1225, %shift_right_logical3A_1231 : vector<16xi32>
          %or3A_1233 = arith.ori %shift_left3A_1229, %shift_right_logical3A_1232 : vector<16xi32>
          %xor3A_1234 = arith.xori %add3A_1226, %or3A_1233 : vector<16xi32>
          %add3A_1235 = arith.addi %add3A_1226, %xor3A_1234 : vector<16xi32>
          %shift_left3A_1236 = arith.constant 24 : i32
          %shift_left3A_1237 = vector.broadcast %shift_left3A_1236 : i32 to vector<16xi32>
          %shift_left3A_1238 = arith.shli %xor3A_1234, %shift_left3A_1237 : vector<16xi32>
          %shift_right_logical3A_1239 = arith.constant 8 : i32
          %shift_right_logical3A_1240 = vector.broadcast %shift_right_logical3A_1239 : i32 to vector<16xi32>
          %shift_right_logical3A_1241 = arith.shrui %xor3A_1234, %shift_right_logical3A_1240 : vector<16xi32>
          %or3A_1242 = arith.ori %shift_left3A_1238, %shift_right_logical3A_1241 : vector<16xi32>
          %xor3A_1243 = arith.xori %add3A_1235, %or3A_1242 : vector<16xi32>
          %add3A_1244 = arith.constant 1724713080 : i32
          %add3A_1245 = vector.broadcast %add3A_1244 : i32 to vector<16xi32>
          %add3A_1246 = arith.addi %add3A_1235, %add3A_1245 : vector<16xi32>
          %add3A_1247 = arith.constant 1832780943 : i32
          %add3A_1248 = vector.broadcast %add3A_1247 : i32 to vector<16xi32>
          %add3A_1249 = arith.addi %xor3A_1243, %add3A_1248 : vector<16xi32>
          %add3A_1250 = arith.constant 2 : i32
          %add3A_1251 = vector.broadcast %add3A_1250 : i32 to vector<16xi32>
          %add3A_1252 = arith.addi %add3A_1249, %add3A_1251 : vector<16xi32>
          %add3A_1253 = arith.addi %add3A_1246, %add3A_1252 : vector<16xi32>
          %shift_left3A_1254 = arith.constant 13 : i32
          %shift_left3A_1255 = vector.broadcast %shift_left3A_1254 : i32 to vector<16xi32>
          %shift_left3A_1256 = arith.shli %add3A_1252, %shift_left3A_1255 : vector<16xi32>
          %shift_right_logical3A_1257 = arith.constant 19 : i32
          %shift_right_logical3A_1258 = vector.broadcast %shift_right_logical3A_1257 : i32 to vector<16xi32>
          %shift_right_logical3A_1259 = arith.shrui %add3A_1252, %shift_right_logical3A_1258 : vector<16xi32>
          %or3A_1260 = arith.ori %shift_left3A_1256, %shift_right_logical3A_1259 : vector<16xi32>
          %xor3A_1261 = arith.xori %add3A_1253, %or3A_1260 : vector<16xi32>
          %add3A_1262 = arith.addi %add3A_1253, %xor3A_1261 : vector<16xi32>
          %shift_left3A_1263 = arith.constant 15 : i32
          %shift_left3A_1264 = vector.broadcast %shift_left3A_1263 : i32 to vector<16xi32>
          %shift_left3A_1265 = arith.shli %xor3A_1261, %shift_left3A_1264 : vector<16xi32>
          %shift_right_logical3A_1266 = arith.constant 17 : i32
          %shift_right_logical3A_1267 = vector.broadcast %shift_right_logical3A_1266 : i32 to vector<16xi32>
          %shift_right_logical3A_1268 = arith.shrui %xor3A_1261, %shift_right_logical3A_1267 : vector<16xi32>
          %or3A_1269 = arith.ori %shift_left3A_1265, %shift_right_logical3A_1268 : vector<16xi32>
          %xor3A_1270 = arith.xori %add3A_1262, %or3A_1269 : vector<16xi32>
          %add3A_1271 = arith.addi %add3A_1262, %xor3A_1270 : vector<16xi32>
          %shift_left3A_1272 = arith.constant 26 : i32
          %shift_left3A_1273 = vector.broadcast %shift_left3A_1272 : i32 to vector<16xi32>
          %shift_left3A_1274 = arith.shli %xor3A_1270, %shift_left3A_1273 : vector<16xi32>
          %shift_right_logical3A_1275 = arith.constant 6 : i32
          %shift_right_logical3A_1276 = vector.broadcast %shift_right_logical3A_1275 : i32 to vector<16xi32>
          %shift_right_logical3A_1277 = arith.shrui %xor3A_1270, %shift_right_logical3A_1276 : vector<16xi32>
          %or3A_1278 = arith.ori %shift_left3A_1274, %shift_right_logical3A_1277 : vector<16xi32>
          %xor3A_1279 = arith.xori %add3A_1271, %or3A_1278 : vector<16xi32>
          %add3A_1280 = arith.addi %add3A_1271, %xor3A_1279 : vector<16xi32>
          %shift_left3A_1281 = arith.constant 6 : i32
          %shift_left3A_1282 = vector.broadcast %shift_left3A_1281 : i32 to vector<16xi32>
          %shift_left3A_1283 = arith.shli %xor3A_1279, %shift_left3A_1282 : vector<16xi32>
          %shift_right_logical3A_1284 = arith.constant 26 : i32
          %shift_right_logical3A_1285 = vector.broadcast %shift_right_logical3A_1284 : i32 to vector<16xi32>
          %shift_right_logical3A_1286 = arith.shrui %xor3A_1279, %shift_right_logical3A_1285 : vector<16xi32>
          %or3A_1287 = arith.ori %shift_left3A_1283, %shift_right_logical3A_1286 : vector<16xi32>
          %xor3A_1288 = arith.xori %add3A_1280, %or3A_1287 : vector<16xi32>
          %add3A_1289 = arith.constant 1832780943 : i32
          %add3A_1290 = vector.broadcast %add3A_1289 : i32 to vector<16xi32>
          %add3A_1291 = arith.addi %add3A_1280, %add3A_1290 : vector<16xi32>
          %add3A_1292 = arith.constant 270669613 : i32
          %add3A_1293 = vector.broadcast %add3A_1292 : i32 to vector<16xi32>
          %add3A_1294 = arith.addi %xor3A_1288, %add3A_1293 : vector<16xi32>
          %add3A_1295 = arith.constant 3 : i32
          %add3A_1296 = vector.broadcast %add3A_1295 : i32 to vector<16xi32>
          %add3A_1297 = arith.addi %add3A_1294, %add3A_1296 : vector<16xi32>
          %add3A_1298 = arith.addi %add3A_1291, %add3A_1297 : vector<16xi32>
          %shift_left3A_1299 = arith.constant 17 : i32
          %shift_left3A_1300 = vector.broadcast %shift_left3A_1299 : i32 to vector<16xi32>
          %shift_left3A_1301 = arith.shli %add3A_1297, %shift_left3A_1300 : vector<16xi32>
          %shift_right_logical3A_1302 = arith.constant 15 : i32
          %shift_right_logical3A_1303 = vector.broadcast %shift_right_logical3A_1302 : i32 to vector<16xi32>
          %shift_right_logical3A_1304 = arith.shrui %add3A_1297, %shift_right_logical3A_1303 : vector<16xi32>
          %or3A_1305 = arith.ori %shift_left3A_1301, %shift_right_logical3A_1304 : vector<16xi32>
          %xor3A_1306 = arith.xori %add3A_1298, %or3A_1305 : vector<16xi32>
          %add3A_1307 = arith.addi %add3A_1298, %xor3A_1306 : vector<16xi32>
          %shift_left3A_1308 = arith.constant 29 : i32
          %shift_left3A_1309 = vector.broadcast %shift_left3A_1308 : i32 to vector<16xi32>
          %shift_left3A_1310 = arith.shli %xor3A_1306, %shift_left3A_1309 : vector<16xi32>
          %shift_right_logical3A_1311 = arith.constant 3 : i32
          %shift_right_logical3A_1312 = vector.broadcast %shift_right_logical3A_1311 : i32 to vector<16xi32>
          %shift_right_logical3A_1313 = arith.shrui %xor3A_1306, %shift_right_logical3A_1312 : vector<16xi32>
          %or3A_1314 = arith.ori %shift_left3A_1310, %shift_right_logical3A_1313 : vector<16xi32>
          %xor3A_1315 = arith.xori %add3A_1307, %or3A_1314 : vector<16xi32>
          %add3A_1316 = arith.addi %add3A_1307, %xor3A_1315 : vector<16xi32>
          %shift_left3A_1317 = arith.constant 16 : i32
          %shift_left3A_1318 = vector.broadcast %shift_left3A_1317 : i32 to vector<16xi32>
          %shift_left3A_1319 = arith.shli %xor3A_1315, %shift_left3A_1318 : vector<16xi32>
          %shift_right_logical3A_1320 = arith.constant 16 : i32
          %shift_right_logical3A_1321 = vector.broadcast %shift_right_logical3A_1320 : i32 to vector<16xi32>
          %shift_right_logical3A_1322 = arith.shrui %xor3A_1315, %shift_right_logical3A_1321 : vector<16xi32>
          %or3A_1323 = arith.ori %shift_left3A_1319, %shift_right_logical3A_1322 : vector<16xi32>
          %xor3A_1324 = arith.xori %add3A_1316, %or3A_1323 : vector<16xi32>
          %add3A_1325 = arith.addi %add3A_1316, %xor3A_1324 : vector<16xi32>
          %shift_left3A_1326 = arith.constant 24 : i32
          %shift_left3A_1327 = vector.broadcast %shift_left3A_1326 : i32 to vector<16xi32>
          %shift_left3A_1328 = arith.shli %xor3A_1324, %shift_left3A_1327 : vector<16xi32>
          %shift_right_logical3A_1329 = arith.constant 8 : i32
          %shift_right_logical3A_1330 = vector.broadcast %shift_right_logical3A_1329 : i32 to vector<16xi32>
          %shift_right_logical3A_1331 = arith.shrui %xor3A_1324, %shift_right_logical3A_1330 : vector<16xi32>
          %or3A_1332 = arith.ori %shift_left3A_1328, %shift_right_logical3A_1331 : vector<16xi32>
          %xor3A_1333 = arith.xori %add3A_1325, %or3A_1332 : vector<16xi32>
          %add3A_1334 = arith.constant 270669613 : i32
          %add3A_1335 = vector.broadcast %add3A_1334 : i32 to vector<16xi32>
          %add3A_1336 = arith.addi %add3A_1325, %add3A_1335 : vector<16xi32>
          %add3A_1337 = arith.constant 1724713080 : i32
          %add3A_1338 = vector.broadcast %add3A_1337 : i32 to vector<16xi32>
          %add3A_1339 = arith.addi %xor3A_1333, %add3A_1338 : vector<16xi32>
          %add3A_1340 = arith.constant 4 : i32
          %add3A_1341 = vector.broadcast %add3A_1340 : i32 to vector<16xi32>
          %add3A_1342 = arith.addi %add3A_1339, %add3A_1341 : vector<16xi32>
          %add3A_1343 = arith.addi %add3A_1336, %add3A_1342 : vector<16xi32>
          %shift_left3A_1344 = arith.constant 13 : i32
          %shift_left3A_1345 = vector.broadcast %shift_left3A_1344 : i32 to vector<16xi32>
          %shift_left3A_1346 = arith.shli %add3A_1342, %shift_left3A_1345 : vector<16xi32>
          %shift_right_logical3A_1347 = arith.constant 19 : i32
          %shift_right_logical3A_1348 = vector.broadcast %shift_right_logical3A_1347 : i32 to vector<16xi32>
          %shift_right_logical3A_1349 = arith.shrui %add3A_1342, %shift_right_logical3A_1348 : vector<16xi32>
          %or3A_1350 = arith.ori %shift_left3A_1346, %shift_right_logical3A_1349 : vector<16xi32>
          %xor3A_1351 = arith.xori %add3A_1343, %or3A_1350 : vector<16xi32>
          %add3A_1352 = arith.addi %add3A_1343, %xor3A_1351 : vector<16xi32>
          %shift_left3A_1353 = arith.constant 15 : i32
          %shift_left3A_1354 = vector.broadcast %shift_left3A_1353 : i32 to vector<16xi32>
          %shift_left3A_1355 = arith.shli %xor3A_1351, %shift_left3A_1354 : vector<16xi32>
          %shift_right_logical3A_1356 = arith.constant 17 : i32
          %shift_right_logical3A_1357 = vector.broadcast %shift_right_logical3A_1356 : i32 to vector<16xi32>
          %shift_right_logical3A_1358 = arith.shrui %xor3A_1351, %shift_right_logical3A_1357 : vector<16xi32>
          %or3A_1359 = arith.ori %shift_left3A_1355, %shift_right_logical3A_1358 : vector<16xi32>
          %xor3A_1360 = arith.xori %add3A_1352, %or3A_1359 : vector<16xi32>
          %add3A_1361 = arith.addi %add3A_1352, %xor3A_1360 : vector<16xi32>
          %shift_left3A_1362 = arith.constant 26 : i32
          %shift_left3A_1363 = vector.broadcast %shift_left3A_1362 : i32 to vector<16xi32>
          %shift_left3A_1364 = arith.shli %xor3A_1360, %shift_left3A_1363 : vector<16xi32>
          %shift_right_logical3A_1365 = arith.constant 6 : i32
          %shift_right_logical3A_1366 = vector.broadcast %shift_right_logical3A_1365 : i32 to vector<16xi32>
          %shift_right_logical3A_1367 = arith.shrui %xor3A_1360, %shift_right_logical3A_1366 : vector<16xi32>
          %or3A_1368 = arith.ori %shift_left3A_1364, %shift_right_logical3A_1367 : vector<16xi32>
          %xor3A_1369 = arith.xori %add3A_1361, %or3A_1368 : vector<16xi32>
          %add3A_1370 = arith.addi %add3A_1361, %xor3A_1369 : vector<16xi32>
          %shift_left3A_1371 = arith.constant 6 : i32
          %shift_left3A_1372 = vector.broadcast %shift_left3A_1371 : i32 to vector<16xi32>
          %shift_left3A_1373 = arith.shli %xor3A_1369, %shift_left3A_1372 : vector<16xi32>
          %shift_right_logical3A_1374 = arith.constant 26 : i32
          %shift_right_logical3A_1375 = vector.broadcast %shift_right_logical3A_1374 : i32 to vector<16xi32>
          %shift_right_logical3A_1376 = arith.shrui %xor3A_1369, %shift_right_logical3A_1375 : vector<16xi32>
          %or3A_1377 = arith.ori %shift_left3A_1373, %shift_right_logical3A_1376 : vector<16xi32>
          %xor3A_1378 = arith.xori %add3A_1370, %or3A_1377 : vector<16xi32>
          %add3A_1379 = arith.constant 1724713080 : i32
          %add3A_1380 = vector.broadcast %add3A_1379 : i32 to vector<16xi32>
          %add3A_1381 = arith.addi %add3A_1370, %add3A_1380 : vector<16xi32>
          %add3A_1382 = arith.constant 1832780943 : i32
          %add3A_1383 = vector.broadcast %add3A_1382 : i32 to vector<16xi32>
          %add3A_1384 = arith.addi %xor3A_1378, %add3A_1383 : vector<16xi32>
          %add3A_1385 = arith.constant 5 : i32
          %add3A_1386 = vector.broadcast %add3A_1385 : i32 to vector<16xi32>
          %add3A_1387 = arith.addi %add3A_1384, %add3A_1386 : vector<16xi32>
          %xor3A_1388 = arith.xori %add3A_1381, %add3A_1387 : vector<16xi32>
          %ge3A_1389 = arith.constant -15626240 : i32
          %ge3A_1390 = vector.broadcast %ge3A_1389 : i32 to vector<16xi32>
          %ge3A_1391 = arith.cmpi uge, %xor3A_1388, %ge3A_1390 : vector<16xi32>
          %jit3A_1392 = arith.constant 0.389012098 : f32
          %broadcast_in_dim3A_1393 = vector.broadcast %jit3A_1392 : f32 to vector<16xf32>
          %select_n3A_1394 = arith.select %ge3A_1391, %broadcast_in_dim3A_1393, %get3A_1153 : vector<16xi1>, vector<16xf32>
          %le3A_1395 = arith.constant 14329343 : i32
          %le3A_1396 = vector.broadcast %le3A_1395 : i32 to vector<16xi32>
          %le3A_1397 = arith.cmpi ule, %xor3A_1388, %le3A_1396 : vector<16xi32>
          %jit3A_1398 = arith.constant -0.256260395 : f32
          %broadcast_in_dim3A_1399 = vector.broadcast %jit3A_1398 : f32 to vector<16xf32>
          %select_n3A_1400 = arith.select %le3A_1397, %broadcast_in_dim3A_1399, %select_n3A_1394 : vector<16xi1>, vector<16xf32>
          %swap3A_1401 = arith.index_cast %add3A_110 : i32 to index
          %swap3A_1402 = arith.index_cast %add3A_1149 : i32 to index
          %swap3A_1403 = tpu.vector_load %arg6[%swap3A_1401, %swap3A_1402] {strides = array<i32>} : memref<64x384xf32, #tpu.memory_space<vmem>>, vector<1x16xf32>,
          %swap3A_1404 = vector.shape_cast %swap3A_1403 : vector<1x16xf32> to vector<16xf32>
          %swap3A_1405 = vector.shape_cast %select_n3A_1400 : vector<16xf32> to vector<1x16xf32>
          tpu.vector_store %arg6[%swap3A_1401, %swap3A_1402], %swap3A_1405 {strides = array<i32>} : memref<64x384xf32, #tpu.memory_space<vmem>>, vector<1x16xf32>,
          %mul3A_1406 = arith.constant 128 : i32
          %mul3A_1407 = arith.muli %shift_right_arithmetic3A_106, %mul3A_1406 : i32
          %add3A_1408 = arith.constant 80 : i32
          %add3A_1409 = arith.addi %mul3A_1407, %add3A_1408 : i32
          %get3A_1410 = arith.index_cast %add3A_110 : i32 to index
          %get3A_1411 = arith.index_cast %add3A_1409 : i32 to index
          %get3A_1412 = tpu.vector_load %arg4[%get3A_1410, %get3A_1411] {strides = array<i32>} : memref<64x384xf32, #tpu.memory_space<vmem>>, vector<1x16xf32>,
          %get3A_1413 = vector.shape_cast %get3A_1412 : vector<1x16xf32> to vector<16xf32>
          %add3A_1414 = arith.constant 80 : i32
          %add3A_1415 = arith.addi %add3A_116, %add3A_1414 : i32
          %add3A_1416 = vector.broadcast %add3A_1415 : i32 to vector<16xi32>
          %add3A_1417 = arith.addi %add3A_1416, %iota3A : vector<16xi32>
          %broadcast_in_dim3A_1418 = arith.constant 1832780943 : i32
          %broadcast_in_dim3A_1419 = vector.broadcast %broadcast_in_dim3A_1418 : i32 to vector<16xi32>
          %add3A_1420 = arith.constant 270669613 : i32
          %add3A_1421 = vector.broadcast %add3A_1420 : i32 to vector<16xi32>
          %add3A_1422 = arith.addi %add3A_1417, %add3A_1421 : vector<16xi32>
          %add3A_1423 = arith.addi %broadcast_in_dim3A_1419, %add3A_1422 : vector<16xi32>
          %shift_left3A_1424 = arith.constant 13 : i32
          %shift_left3A_1425 = vector.broadcast %shift_left3A_1424 : i32 to vector<16xi32>
          %shift_left3A_1426 = arith.shli %add3A_1422, %shift_left3A_1425 : vector<16xi32>
          %shift_right_logical3A_1427 = arith.constant 19 : i32
          %shift_right_logical3A_1428 = vector.broadcast %shift_right_logical3A_1427 : i32 to vector<16xi32>
          %shift_right_logical3A_1429 = arith.shrui %add3A_1422, %shift_right_logical3A_1428 : vector<16xi32>
          %or3A_1430 = arith.ori %shift_left3A_1426, %shift_right_logical3A_1429 : vector<16xi32>
          %xor3A_1431 = arith.xori %add3A_1423, %or3A_1430 : vector<16xi32>
          %add3A_1432 = arith.addi %add3A_1423, %xor3A_1431 : vector<16xi32>
          %shift_left3A_1433 = arith.constant 15 : i32
          %shift_left3A_1434 = vector.broadcast %shift_left3A_1433 : i32 to vector<16xi32>
          %shift_left3A_1435 = arith.shli %xor3A_1431, %shift_left3A_1434 : vector<16xi32>
          %shift_right_logical3A_1436 = arith.constant 17 : i32
          %shift_right_logical3A_1437 = vector.broadcast %shift_right_logical3A_1436 : i32 to vector<16xi32>
          %shift_right_logical3A_1438 = arith.shrui %xor3A_1431, %shift_right_logical3A_1437 : vector<16xi32>
          %or3A_1439 = arith.ori %shift_left3A_1435, %shift_right_logical3A_1438 : vector<16xi32>
          %xor3A_1440 = arith.xori %add3A_1432, %or3A_1439 : vector<16xi32>
          %add3A_1441 = arith.addi %add3A_1432, %xor3A_1440 : vector<16xi32>
          %shift_left3A_1442 = arith.constant 26 : i32
          %shift_left3A_1443 = vector.broadcast %shift_left3A_1442 : i32 to vector<16xi32>
          %shift_left3A_1444 = arith.shli %xor3A_1440, %shift_left3A_1443 : vector<16xi32>
          %shift_right_logical3A_1445 = arith.constant 6 : i32
          %shift_right_logical3A_1446 = vector.broadcast %shift_right_logical3A_1445 : i32 to vector<16xi32>
          %shift_right_logical3A_1447 = arith.shrui %xor3A_1440, %shift_right_logical3A_1446 : vector<16xi32>
          %or3A_1448 = arith.ori %shift_left3A_1444, %shift_right_logical3A_1447 : vector<16xi32>
          %xor3A_1449 = arith.xori %add3A_1441, %or3A_1448 : vector<16xi32>
          %add3A_1450 = arith.addi %add3A_1441, %xor3A_1449 : vector<16xi32>
          %shift_left3A_1451 = arith.constant 6 : i32
          %shift_left3A_1452 = vector.broadcast %shift_left3A_1451 : i32 to vector<16xi32>
          %shift_left3A_1453 = arith.shli %xor3A_1449, %shift_left3A_1452 : vector<16xi32>
          %shift_right_logical3A_1454 = arith.constant 26 : i32
          %shift_right_logical3A_1455 = vector.broadcast %shift_right_logical3A_1454 : i32 to vector<16xi32>
          %shift_right_logical3A_1456 = arith.shrui %xor3A_1449, %shift_right_logical3A_1455 : vector<16xi32>
          %or3A_1457 = arith.ori %shift_left3A_1453, %shift_right_logical3A_1456 : vector<16xi32>
          %xor3A_1458 = arith.xori %add3A_1450, %or3A_1457 : vector<16xi32>
          %add3A_1459 = arith.constant 270669613 : i32
          %add3A_1460 = vector.broadcast %add3A_1459 : i32 to vector<16xi32>
          %add3A_1461 = arith.addi %add3A_1450, %add3A_1460 : vector<16xi32>
          %add3A_1462 = arith.constant 1724713080 : i32
          %add3A_1463 = vector.broadcast %add3A_1462 : i32 to vector<16xi32>
          %add3A_1464 = arith.addi %xor3A_1458, %add3A_1463 : vector<16xi32>
          %add3A_1465 = arith.constant 1 : i32
          %add3A_1466 = vector.broadcast %add3A_1465 : i32 to vector<16xi32>
          %add3A_1467 = arith.addi %add3A_1464, %add3A_1466 : vector<16xi32>
          %add3A_1468 = arith.addi %add3A_1461, %add3A_1467 : vector<16xi32>
          %shift_left3A_1469 = arith.constant 17 : i32
          %shift_left3A_1470 = vector.broadcast %shift_left3A_1469 : i32 to vector<16xi32>
          %shift_left3A_1471 = arith.shli %add3A_1467, %shift_left3A_1470 : vector<16xi32>
          %shift_right_logical3A_1472 = arith.constant 15 : i32
          %shift_right_logical3A_1473 = vector.broadcast %shift_right_logical3A_1472 : i32 to vector<16xi32>
          %shift_right_logical3A_1474 = arith.shrui %add3A_1467, %shift_right_logical3A_1473 : vector<16xi32>
          %or3A_1475 = arith.ori %shift_left3A_1471, %shift_right_logical3A_1474 : vector<16xi32>
          %xor3A_1476 = arith.xori %add3A_1468, %or3A_1475 : vector<16xi32>
          %add3A_1477 = arith.addi %add3A_1468, %xor3A_1476 : vector<16xi32>
          %shift_left3A_1478 = arith.constant 29 : i32
          %shift_left3A_1479 = vector.broadcast %shift_left3A_1478 : i32 to vector<16xi32>
          %shift_left3A_1480 = arith.shli %xor3A_1476, %shift_left3A_1479 : vector<16xi32>
          %shift_right_logical3A_1481 = arith.constant 3 : i32
          %shift_right_logical3A_1482 = vector.broadcast %shift_right_logical3A_1481 : i32 to vector<16xi32>
          %shift_right_logical3A_1483 = arith.shrui %xor3A_1476, %shift_right_logical3A_1482 : vector<16xi32>
          %or3A_1484 = arith.ori %shift_left3A_1480, %shift_right_logical3A_1483 : vector<16xi32>
          %xor3A_1485 = arith.xori %add3A_1477, %or3A_1484 : vector<16xi32>
          %add3A_1486 = arith.addi %add3A_1477, %xor3A_1485 : vector<16xi32>
          %shift_left3A_1487 = arith.constant 16 : i32
          %shift_left3A_1488 = vector.broadcast %shift_left3A_1487 : i32 to vector<16xi32>
          %shift_left3A_1489 = arith.shli %xor3A_1485, %shift_left3A_1488 : vector<16xi32>
          %shift_right_logical3A_1490 = arith.constant 16 : i32
          %shift_right_logical3A_1491 = vector.broadcast %shift_right_logical3A_1490 : i32 to vector<16xi32>
          %shift_right_logical3A_1492 = arith.shrui %xor3A_1485, %shift_right_logical3A_1491 : vector<16xi32>
          %or3A_1493 = arith.ori %shift_left3A_1489, %shift_right_logical3A_1492 : vector<16xi32>
          %xor3A_1494 = arith.xori %add3A_1486, %or3A_1493 : vector<16xi32>
          %add3A_1495 = arith.addi %add3A_1486, %xor3A_1494 : vector<16xi32>
          %shift_left3A_1496 = arith.constant 24 : i32
          %shift_left3A_1497 = vector.broadcast %shift_left3A_1496 : i32 to vector<16xi32>
          %shift_left3A_1498 = arith.shli %xor3A_1494, %shift_left3A_1497 : vector<16xi32>
          %shift_right_logical3A_1499 = arith.constant 8 : i32
          %shift_right_logical3A_1500 = vector.broadcast %shift_right_logical3A_1499 : i32 to vector<16xi32>
          %shift_right_logical3A_1501 = arith.shrui %xor3A_1494, %shift_right_logical3A_1500 : vector<16xi32>
          %or3A_1502 = arith.ori %shift_left3A_1498, %shift_right_logical3A_1501 : vector<16xi32>
          %xor3A_1503 = arith.xori %add3A_1495, %or3A_1502 : vector<16xi32>
          %add3A_1504 = arith.constant 1724713080 : i32
          %add3A_1505 = vector.broadcast %add3A_1504 : i32 to vector<16xi32>
          %add3A_1506 = arith.addi %add3A_1495, %add3A_1505 : vector<16xi32>
          %add3A_1507 = arith.constant 1832780943 : i32
          %add3A_1508 = vector.broadcast %add3A_1507 : i32 to vector<16xi32>
          %add3A_1509 = arith.addi %xor3A_1503, %add3A_1508 : vector<16xi32>
          %add3A_1510 = arith.constant 2 : i32
          %add3A_1511 = vector.broadcast %add3A_1510 : i32 to vector<16xi32>
          %add3A_1512 = arith.addi %add3A_1509, %add3A_1511 : vector<16xi32>
          %add3A_1513 = arith.addi %add3A_1506, %add3A_1512 : vector<16xi32>
          %shift_left3A_1514 = arith.constant 13 : i32
          %shift_left3A_1515 = vector.broadcast %shift_left3A_1514 : i32 to vector<16xi32>
          %shift_left3A_1516 = arith.shli %add3A_1512, %shift_left3A_1515 : vector<16xi32>
          %shift_right_logical3A_1517 = arith.constant 19 : i32
          %shift_right_logical3A_1518 = vector.broadcast %shift_right_logical3A_1517 : i32 to vector<16xi32>
          %shift_right_logical3A_1519 = arith.shrui %add3A_1512, %shift_right_logical3A_1518 : vector<16xi32>
          %or3A_1520 = arith.ori %shift_left3A_1516, %shift_right_logical3A_1519 : vector<16xi32>
          %xor3A_1521 = arith.xori %add3A_1513, %or3A_1520 : vector<16xi32>
          %add3A_1522 = arith.addi %add3A_1513, %xor3A_1521 : vector<16xi32>
          %shift_left3A_1523 = arith.constant 15 : i32
          %shift_left3A_1524 = vector.broadcast %shift_left3A_1523 : i32 to vector<16xi32>
          %shift_left3A_1525 = arith.shli %xor3A_1521, %shift_left3A_1524 : vector<16xi32>
          %shift_right_logical3A_1526 = arith.constant 17 : i32
          %shift_right_logical3A_1527 = vector.broadcast %shift_right_logical3A_1526 : i32 to vector<16xi32>
          %shift_right_logical3A_1528 = arith.shrui %xor3A_1521, %shift_right_logical3A_1527 : vector<16xi32>
          %or3A_1529 = arith.ori %shift_left3A_1525, %shift_right_logical3A_1528 : vector<16xi32>
          %xor3A_1530 = arith.xori %add3A_1522, %or3A_1529 : vector<16xi32>
          %add3A_1531 = arith.addi %add3A_1522, %xor3A_1530 : vector<16xi32>
          %shift_left3A_1532 = arith.constant 26 : i32
          %shift_left3A_1533 = vector.broadcast %shift_left3A_1532 : i32 to vector<16xi32>
          %shift_left3A_1534 = arith.shli %xor3A_1530, %shift_left3A_1533 : vector<16xi32>
          %shift_right_logical3A_1535 = arith.constant 6 : i32
          %shift_right_logical3A_1536 = vector.broadcast %shift_right_logical3A_1535 : i32 to vector<16xi32>
          %shift_right_logical3A_1537 = arith.shrui %xor3A_1530, %shift_right_logical3A_1536 : vector<16xi32>
          %or3A_1538 = arith.ori %shift_left3A_1534, %shift_right_logical3A_1537 : vector<16xi32>
          %xor3A_1539 = arith.xori %add3A_1531, %or3A_1538 : vector<16xi32>
          %add3A_1540 = arith.addi %add3A_1531, %xor3A_1539 : vector<16xi32>
          %shift_left3A_1541 = arith.constant 6 : i32
          %shift_left3A_1542 = vector.broadcast %shift_left3A_1541 : i32 to vector<16xi32>
          %shift_left3A_1543 = arith.shli %xor3A_1539, %shift_left3A_1542 : vector<16xi32>
          %shift_right_logical3A_1544 = arith.constant 26 : i32
          %shift_right_logical3A_1545 = vector.broadcast %shift_right_logical3A_1544 : i32 to vector<16xi32>
          %shift_right_logical3A_1546 = arith.shrui %xor3A_1539, %shift_right_logical3A_1545 : vector<16xi32>
          %or3A_1547 = arith.ori %shift_left3A_1543, %shift_right_logical3A_1546 : vector<16xi32>
          %xor3A_1548 = arith.xori %add3A_1540, %or3A_1547 : vector<16xi32>
          %add3A_1549 = arith.constant 1832780943 : i32
          %add3A_1550 = vector.broadcast %add3A_1549 : i32 to vector<16xi32>
          %add3A_1551 = arith.addi %add3A_1540, %add3A_1550 : vector<16xi32>
          %add3A_1552 = arith.constant 270669613 : i32
          %add3A_1553 = vector.broadcast %add3A_1552 : i32 to vector<16xi32>
          %add3A_1554 = arith.addi %xor3A_1548, %add3A_1553 : vector<16xi32>
          %add3A_1555 = arith.constant 3 : i32
          %add3A_1556 = vector.broadcast %add3A_1555 : i32 to vector<16xi32>
          %add3A_1557 = arith.addi %add3A_1554, %add3A_1556 : vector<16xi32>
          %add3A_1558 = arith.addi %add3A_1551, %add3A_1557 : vector<16xi32>
          %shift_left3A_1559 = arith.constant 17 : i32
          %shift_left3A_1560 = vector.broadcast %shift_left3A_1559 : i32 to vector<16xi32>
          %shift_left3A_1561 = arith.shli %add3A_1557, %shift_left3A_1560 : vector<16xi32>
          %shift_right_logical3A_1562 = arith.constant 15 : i32
          %shift_right_logical3A_1563 = vector.broadcast %shift_right_logical3A_1562 : i32 to vector<16xi32>
          %shift_right_logical3A_1564 = arith.shrui %add3A_1557, %shift_right_logical3A_1563 : vector<16xi32>
          %or3A_1565 = arith.ori %shift_left3A_1561, %shift_right_logical3A_1564 : vector<16xi32>
          %xor3A_1566 = arith.xori %add3A_1558, %or3A_1565 : vector<16xi32>
          %add3A_1567 = arith.addi %add3A_1558, %xor3A_1566 : vector<16xi32>
          %shift_left3A_1568 = arith.constant 29 : i32
          %shift_left3A_1569 = vector.broadcast %shift_left3A_1568 : i32 to vector<16xi32>
          %shift_left3A_1570 = arith.shli %xor3A_1566, %shift_left3A_1569 : vector<16xi32>
          %shift_right_logical3A_1571 = arith.constant 3 : i32
          %shift_right_logical3A_1572 = vector.broadcast %shift_right_logical3A_1571 : i32 to vector<16xi32>
          %shift_right_logical3A_1573 = arith.shrui %xor3A_1566, %shift_right_logical3A_1572 : vector<16xi32>
          %or3A_1574 = arith.ori %shift_left3A_1570, %shift_right_logical3A_1573 : vector<16xi32>
          %xor3A_1575 = arith.xori %add3A_1567, %or3A_1574 : vector<16xi32>
          %add3A_1576 = arith.addi %add3A_1567, %xor3A_1575 : vector<16xi32>
          %shift_left3A_1577 = arith.constant 16 : i32
          %shift_left3A_1578 = vector.broadcast %shift_left3A_1577 : i32 to vector<16xi32>
          %shift_left3A_1579 = arith.shli %xor3A_1575, %shift_left3A_1578 : vector<16xi32>
          %shift_right_logical3A_1580 = arith.constant 16 : i32
          %shift_right_logical3A_1581 = vector.broadcast %shift_right_logical3A_1580 : i32 to vector<16xi32>
          %shift_right_logical3A_1582 = arith.shrui %xor3A_1575, %shift_right_logical3A_1581 : vector<16xi32>
          %or3A_1583 = arith.ori %shift_left3A_1579, %shift_right_logical3A_1582 : vector<16xi32>
          %xor3A_1584 = arith.xori %add3A_1576, %or3A_1583 : vector<16xi32>
          %add3A_1585 = arith.addi %add3A_1576, %xor3A_1584 : vector<16xi32>
          %shift_left3A_1586 = arith.constant 24 : i32
          %shift_left3A_1587 = vector.broadcast %shift_left3A_1586 : i32 to vector<16xi32>
          %shift_left3A_1588 = arith.shli %xor3A_1584, %shift_left3A_1587 : vector<16xi32>
          %shift_right_logical3A_1589 = arith.constant 8 : i32
          %shift_right_logical3A_1590 = vector.broadcast %shift_right_logical3A_1589 : i32 to vector<16xi32>
          %shift_right_logical3A_1591 = arith.shrui %xor3A_1584, %shift_right_logical3A_1590 : vector<16xi32>
          %or3A_1592 = arith.ori %shift_left3A_1588, %shift_right_logical3A_1591 : vector<16xi32>
          %xor3A_1593 = arith.xori %add3A_1585, %or3A_1592 : vector<16xi32>
          %add3A_1594 = arith.constant 270669613 : i32
          %add3A_1595 = vector.broadcast %add3A_1594 : i32 to vector<16xi32>
          %add3A_1596 = arith.addi %add3A_1585, %add3A_1595 : vector<16xi32>
          %add3A_1597 = arith.constant 1724713080 : i32
          %add3A_1598 = vector.broadcast %add3A_1597 : i32 to vector<16xi32>
          %add3A_1599 = arith.addi %xor3A_1593, %add3A_1598 : vector<16xi32>
          %add3A_1600 = arith.constant 4 : i32
          %add3A_1601 = vector.broadcast %add3A_1600 : i32 to vector<16xi32>
          %add3A_1602 = arith.addi %add3A_1599, %add3A_1601 : vector<16xi32>
          %add3A_1603 = arith.addi %add3A_1596, %add3A_1602 : vector<16xi32>
          %shift_left3A_1604 = arith.constant 13 : i32
          %shift_left3A_1605 = vector.broadcast %shift_left3A_1604 : i32 to vector<16xi32>
          %shift_left3A_1606 = arith.shli %add3A_1602, %shift_left3A_1605 : vector<16xi32>
          %shift_right_logical3A_1607 = arith.constant 19 : i32
          %shift_right_logical3A_1608 = vector.broadcast %shift_right_logical3A_1607 : i32 to vector<16xi32>
          %shift_right_logical3A_1609 = arith.shrui %add3A_1602, %shift_right_logical3A_1608 : vector<16xi32>
          %or3A_1610 = arith.ori %shift_left3A_1606, %shift_right_logical3A_1609 : vector<16xi32>
          %xor3A_1611 = arith.xori %add3A_1603, %or3A_1610 : vector<16xi32>
          %add3A_1612 = arith.addi %add3A_1603, %xor3A_1611 : vector<16xi32>
          %shift_left3A_1613 = arith.constant 15 : i32
          %shift_left3A_1614 = vector.broadcast %shift_left3A_1613 : i32 to vector<16xi32>
          %shift_left3A_1615 = arith.shli %xor3A_1611, %shift_left3A_1614 : vector<16xi32>
          %shift_right_logical3A_1616 = arith.constant 17 : i32
          %shift_right_logical3A_1617 = vector.broadcast %shift_right_logical3A_1616 : i32 to vector<16xi32>
          %shift_right_logical3A_1618 = arith.shrui %xor3A_1611, %shift_right_logical3A_1617 : vector<16xi32>
          %or3A_1619 = arith.ori %shift_left3A_1615, %shift_right_logical3A_1618 : vector<16xi32>
          %xor3A_1620 = arith.xori %add3A_1612, %or3A_1619 : vector<16xi32>
          %add3A_1621 = arith.addi %add3A_1612, %xor3A_1620 : vector<16xi32>
          %shift_left3A_1622 = arith.constant 26 : i32
          %shift_left3A_1623 = vector.broadcast %shift_left3A_1622 : i32 to vector<16xi32>
          %shift_left3A_1624 = arith.shli %xor3A_1620, %shift_left3A_1623 : vector<16xi32>
          %shift_right_logical3A_1625 = arith.constant 6 : i32
          %shift_right_logical3A_1626 = vector.broadcast %shift_right_logical3A_1625 : i32 to vector<16xi32>
          %shift_right_logical3A_1627 = arith.shrui %xor3A_1620, %shift_right_logical3A_1626 : vector<16xi32>
          %or3A_1628 = arith.ori %shift_left3A_1624, %shift_right_logical3A_1627 : vector<16xi32>
          %xor3A_1629 = arith.xori %add3A_1621, %or3A_1628 : vector<16xi32>
          %add3A_1630 = arith.addi %add3A_1621, %xor3A_1629 : vector<16xi32>
          %shift_left3A_1631 = arith.constant 6 : i32
          %shift_left3A_1632 = vector.broadcast %shift_left3A_1631 : i32 to vector<16xi32>
          %shift_left3A_1633 = arith.shli %xor3A_1629, %shift_left3A_1632 : vector<16xi32>
          %shift_right_logical3A_1634 = arith.constant 26 : i32
          %shift_right_logical3A_1635 = vector.broadcast %shift_right_logical3A_1634 : i32 to vector<16xi32>
          %shift_right_logical3A_1636 = arith.shrui %xor3A_1629, %shift_right_logical3A_1635 : vector<16xi32>
          %or3A_1637 = arith.ori %shift_left3A_1633, %shift_right_logical3A_1636 : vector<16xi32>
          %xor3A_1638 = arith.xori %add3A_1630, %or3A_1637 : vector<16xi32>
          %add3A_1639 = arith.constant 1724713080 : i32
          %add3A_1640 = vector.broadcast %add3A_1639 : i32 to vector<16xi32>
          %add3A_1641 = arith.addi %add3A_1630, %add3A_1640 : vector<16xi32>
          %add3A_1642 = arith.constant 1832780943 : i32
          %add3A_1643 = vector.broadcast %add3A_1642 : i32 to vector<16xi32>
          %add3A_1644 = arith.addi %xor3A_1638, %add3A_1643 : vector<16xi32>
          %add3A_1645 = arith.constant 5 : i32
          %add3A_1646 = vector.broadcast %add3A_1645 : i32 to vector<16xi32>
          %add3A_1647 = arith.addi %add3A_1644, %add3A_1646 : vector<16xi32>
          %xor3A_1648 = arith.xori %add3A_1641, %add3A_1647 : vector<16xi32>
          %ge3A_1649 = arith.constant -15626240 : i32
          %ge3A_1650 = vector.broadcast %ge3A_1649 : i32 to vector<16xi32>
          %ge3A_1651 = arith.cmpi uge, %xor3A_1648, %ge3A_1650 : vector<16xi32>
          %jit3A_1652 = arith.constant 0.389012098 : f32
          %broadcast_in_dim3A_1653 = vector.broadcast %jit3A_1652 : f32 to vector<16xf32>
          %select_n3A_1654 = arith.select %ge3A_1651, %broadcast_in_dim3A_1653, %get3A_1413 : vector<16xi1>, vector<16xf32>
          %le3A_1655 = arith.constant 14329343 : i32
          %le3A_1656 = vector.broadcast %le3A_1655 : i32 to vector<16xi32>
          %le3A_1657 = arith.cmpi ule, %xor3A_1648, %le3A_1656 : vector<16xi32>
          %jit3A_1658 = arith.constant -0.256260395 : f32
          %broadcast_in_dim3A_1659 = vector.broadcast %jit3A_1658 : f32 to vector<16xf32>
          %select_n3A_1660 = arith.select %le3A_1657, %broadcast_in_dim3A_1659, %select_n3A_1654 : vector<16xi1>, vector<16xf32>
          %swap3A_1661 = arith.index_cast %add3A_110 : i32 to index
          %swap3A_1662 = arith.index_cast %add3A_1409 : i32 to index
          %swap3A_1663 = tpu.vector_load %arg6[%swap3A_1661, %swap3A_1662] {strides = array<i32>} : memref<64x384xf32, #tpu.memory_space<vmem>>, vector<1x16xf32>,
          %swap3A_1664 = vector.shape_cast %swap3A_1663 : vector<1x16xf32> to vector<16xf32>
          %swap3A_1665 = vector.shape_cast %select_n3A_1660 : vector<16xf32> to vector<1x16xf32>
          tpu.vector_store %arg6[%swap3A_1661, %swap3A_1662], %swap3A_1665 {strides = array<i32>} : memref<64x384xf32, #tpu.memory_space<vmem>>, vector<1x16xf32>,
          %mul3A_1666 = arith.constant 128 : i32
          %mul3A_1667 = arith.muli %shift_right_arithmetic3A_106, %mul3A_1666 : i32
          %add3A_1668 = arith.constant 96 : i32
          %add3A_1669 = arith.addi %mul3A_1667, %add3A_1668 : i32
          %get3A_1670 = arith.index_cast %add3A_110 : i32 to index
          %get3A_1671 = arith.index_cast %add3A_1669 : i32 to index
          %get3A_1672 = tpu.vector_load %arg4[%get3A_1670, %get3A_1671] {strides = array<i32>} : memref<64x384xf32, #tpu.memory_space<vmem>>, vector<1x16xf32>,
          %get3A_1673 = vector.shape_cast %get3A_1672 : vector<1x16xf32> to vector<16xf32>
          %add3A_1674 = arith.constant 96 : i32
          %add3A_1675 = arith.addi %add3A_116, %add3A_1674 : i32
          %add3A_1676 = vector.broadcast %add3A_1675 : i32 to vector<16xi32>
          %add3A_1677 = arith.addi %add3A_1676, %iota3A : vector<16xi32>
          %broadcast_in_dim3A_1678 = arith.constant 1832780943 : i32
          %broadcast_in_dim3A_1679 = vector.broadcast %broadcast_in_dim3A_1678 : i32 to vector<16xi32>
          %add3A_1680 = arith.constant 270669613 : i32
          %add3A_1681 = vector.broadcast %add3A_1680 : i32 to vector<16xi32>
          %add3A_1682 = arith.addi %add3A_1677, %add3A_1681 : vector<16xi32>
          %add3A_1683 = arith.addi %broadcast_in_dim3A_1679, %add3A_1682 : vector<16xi32>
          %shift_left3A_1684 = arith.constant 13 : i32
          %shift_left3A_1685 = vector.broadcast %shift_left3A_1684 : i32 to vector<16xi32>
          %shift_left3A_1686 = arith.shli %add3A_1682, %shift_left3A_1685 : vector<16xi32>
          %shift_right_logical3A_1687 = arith.constant 19 : i32
          %shift_right_logical3A_1688 = vector.broadcast %shift_right_logical3A_1687 : i32 to vector<16xi32>
          %shift_right_logical3A_1689 = arith.shrui %add3A_1682, %shift_right_logical3A_1688 : vector<16xi32>
          %or3A_1690 = arith.ori %shift_left3A_1686, %shift_right_logical3A_1689 : vector<16xi32>
          %xor3A_1691 = arith.xori %add3A_1683, %or3A_1690 : vector<16xi32>
          %add3A_1692 = arith.addi %add3A_1683, %xor3A_1691 : vector<16xi32>
          %shift_left3A_1693 = arith.constant 15 : i32
          %shift_left3A_1694 = vector.broadcast %shift_left3A_1693 : i32 to vector<16xi32>
          %shift_left3A_1695 = arith.shli %xor3A_1691, %shift_left3A_1694 : vector<16xi32>
          %shift_right_logical3A_1696 = arith.constant 17 : i32
          %shift_right_logical3A_1697 = vector.broadcast %shift_right_logical3A_1696 : i32 to vector<16xi32>
          %shift_right_logical3A_1698 = arith.shrui %xor3A_1691, %shift_right_logical3A_1697 : vector<16xi32>
          %or3A_1699 = arith.ori %shift_left3A_1695, %shift_right_logical3A_1698 : vector<16xi32>
          %xor3A_1700 = arith.xori %add3A_1692, %or3A_1699 : vector<16xi32>
          %add3A_1701 = arith.addi %add3A_1692, %xor3A_1700 : vector<16xi32>
          %shift_left3A_1702 = arith.constant 26 : i32
          %shift_left3A_1703 = vector.broadcast %shift_left3A_1702 : i32 to vector<16xi32>
          %shift_left3A_1704 = arith.shli %xor3A_1700, %shift_left3A_1703 : vector<16xi32>
          %shift_right_logical3A_1705 = arith.constant 6 : i32
          %shift_right_logical3A_1706 = vector.broadcast %shift_right_logical3A_1705 : i32 to vector<16xi32>
          %shift_right_logical3A_1707 = arith.shrui %xor3A_1700, %shift_right_logical3A_1706 : vector<16xi32>
          %or3A_1708 = arith.ori %shift_left3A_1704, %shift_right_logical3A_1707 : vector<16xi32>
          %xor3A_1709 = arith.xori %add3A_1701, %or3A_1708 : vector<16xi32>
          %add3A_1710 = arith.addi %add3A_1701, %xor3A_1709 : vector<16xi32>
          %shift_left3A_1711 = arith.constant 6 : i32
          %shift_left3A_1712 = vector.broadcast %shift_left3A_1711 : i32 to vector<16xi32>
          %shift_left3A_1713 = arith.shli %xor3A_1709, %shift_left3A_1712 : vector<16xi32>
          %shift_right_logical3A_1714 = arith.constant 26 : i32
          %shift_right_logical3A_1715 = vector.broadcast %shift_right_logical3A_1714 : i32 to vector<16xi32>
          %shift_right_logical3A_1716 = arith.shrui %xor3A_1709, %shift_right_logical3A_1715 : vector<16xi32>
          %or3A_1717 = arith.ori %shift_left3A_1713, %shift_right_logical3A_1716 : vector<16xi32>
          %xor3A_1718 = arith.xori %add3A_1710, %or3A_1717 : vector<16xi32>
          %add3A_1719 = arith.constant 270669613 : i32
          %add3A_1720 = vector.broadcast %add3A_1719 : i32 to vector<16xi32>
          %add3A_1721 = arith.addi %add3A_1710, %add3A_1720 : vector<16xi32>
          %add3A_1722 = arith.constant 1724713080 : i32
          %add3A_1723 = vector.broadcast %add3A_1722 : i32 to vector<16xi32>
          %add3A_1724 = arith.addi %xor3A_1718, %add3A_1723 : vector<16xi32>
          %add3A_1725 = arith.constant 1 : i32
          %add3A_1726 = vector.broadcast %add3A_1725 : i32 to vector<16xi32>
          %add3A_1727 = arith.addi %add3A_1724, %add3A_1726 : vector<16xi32>
          %add3A_1728 = arith.addi %add3A_1721, %add3A_1727 : vector<16xi32>
          %shift_left3A_1729 = arith.constant 17 : i32
          %shift_left3A_1730 = vector.broadcast %shift_left3A_1729 : i32 to vector<16xi32>
          %shift_left3A_1731 = arith.shli %add3A_1727, %shift_left3A_1730 : vector<16xi32>
          %shift_right_logical3A_1732 = arith.constant 15 : i32
          %shift_right_logical3A_1733 = vector.broadcast %shift_right_logical3A_1732 : i32 to vector<16xi32>
          %shift_right_logical3A_1734 = arith.shrui %add3A_1727, %shift_right_logical3A_1733 : vector<16xi32>
          %or3A_1735 = arith.ori %shift_left3A_1731, %shift_right_logical3A_1734 : vector<16xi32>
          %xor3A_1736 = arith.xori %add3A_1728, %or3A_1735 : vector<16xi32>
          %add3A_1737 = arith.addi %add3A_1728, %xor3A_1736 : vector<16xi32>
          %shift_left3A_1738 = arith.constant 29 : i32
          %shift_left3A_1739 = vector.broadcast %shift_left3A_1738 : i32 to vector<16xi32>
          %shift_left3A_1740 = arith.shli %xor3A_1736, %shift_left3A_1739 : vector<16xi32>
          %shift_right_logical3A_1741 = arith.constant 3 : i32
          %shift_right_logical3A_1742 = vector.broadcast %shift_right_logical3A_1741 : i32 to vector<16xi32>
          %shift_right_logical3A_1743 = arith.shrui %xor3A_1736, %shift_right_logical3A_1742 : vector<16xi32>
          %or3A_1744 = arith.ori %shift_left3A_1740, %shift_right_logical3A_1743 : vector<16xi32>
          %xor3A_1745 = arith.xori %add3A_1737, %or3A_1744 : vector<16xi32>
          %add3A_1746 = arith.addi %add3A_1737, %xor3A_1745 : vector<16xi32>
          %shift_left3A_1747 = arith.constant 16 : i32
          %shift_left3A_1748 = vector.broadcast %shift_left3A_1747 : i32 to vector<16xi32>
          %shift_left3A_1749 = arith.shli %xor3A_1745, %shift_left3A_1748 : vector<16xi32>
          %shift_right_logical3A_1750 = arith.constant 16 : i32
          %shift_right_logical3A_1751 = vector.broadcast %shift_right_logical3A_1750 : i32 to vector<16xi32>
          %shift_right_logical3A_1752 = arith.shrui %xor3A_1745, %shift_right_logical3A_1751 : vector<16xi32>
          %or3A_1753 = arith.ori %shift_left3A_1749, %shift_right_logical3A_1752 : vector<16xi32>
          %xor3A_1754 = arith.xori %add3A_1746, %or3A_1753 : vector<16xi32>
          %add3A_1755 = arith.addi %add3A_1746, %xor3A_1754 : vector<16xi32>
          %shift_left3A_1756 = arith.constant 24 : i32
          %shift_left3A_1757 = vector.broadcast %shift_left3A_1756 : i32 to vector<16xi32>
          %shift_left3A_1758 = arith.shli %xor3A_1754, %shift_left3A_1757 : vector<16xi32>
          %shift_right_logical3A_1759 = arith.constant 8 : i32
          %shift_right_logical3A_1760 = vector.broadcast %shift_right_logical3A_1759 : i32 to vector<16xi32>
          %shift_right_logical3A_1761 = arith.shrui %xor3A_1754, %shift_right_logical3A_1760 : vector<16xi32>
          %or3A_1762 = arith.ori %shift_left3A_1758, %shift_right_logical3A_1761 : vector<16xi32>
          %xor3A_1763 = arith.xori %add3A_1755, %or3A_1762 : vector<16xi32>
          %add3A_1764 = arith.constant 1724713080 : i32
          %add3A_1765 = vector.broadcast %add3A_1764 : i32 to vector<16xi32>
          %add3A_1766 = arith.addi %add3A_1755, %add3A_1765 : vector<16xi32>
          %add3A_1767 = arith.constant 1832780943 : i32
          %add3A_1768 = vector.broadcast %add3A_1767 : i32 to vector<16xi32>
          %add3A_1769 = arith.addi %xor3A_1763, %add3A_1768 : vector<16xi32>
          %add3A_1770 = arith.constant 2 : i32
          %add3A_1771 = vector.broadcast %add3A_1770 : i32 to vector<16xi32>
          %add3A_1772 = arith.addi %add3A_1769, %add3A_1771 : vector<16xi32>
          %add3A_1773 = arith.addi %add3A_1766, %add3A_1772 : vector<16xi32>
          %shift_left3A_1774 = arith.constant 13 : i32
          %shift_left3A_1775 = vector.broadcast %shift_left3A_1774 : i32 to vector<16xi32>
          %shift_left3A_1776 = arith.shli %add3A_1772, %shift_left3A_1775 : vector<16xi32>
          %shift_right_logical3A_1777 = arith.constant 19 : i32
          %shift_right_logical3A_1778 = vector.broadcast %shift_right_logical3A_1777 : i32 to vector<16xi32>
          %shift_right_logical3A_1779 = arith.shrui %add3A_1772, %shift_right_logical3A_1778 : vector<16xi32>
          %or3A_1780 = arith.ori %shift_left3A_1776, %shift_right_logical3A_1779 : vector<16xi32>
          %xor3A_1781 = arith.xori %add3A_1773, %or3A_1780 : vector<16xi32>
          %add3A_1782 = arith.addi %add3A_1773, %xor3A_1781 : vector<16xi32>
          %shift_left3A_1783 = arith.constant 15 : i32
          %shift_left3A_1784 = vector.broadcast %shift_left3A_1783 : i32 to vector<16xi32>
          %shift_left3A_1785 = arith.shli %xor3A_1781, %shift_left3A_1784 : vector<16xi32>
          %shift_right_logical3A_1786 = arith.constant 17 : i32
          %shift_right_logical3A_1787 = vector.broadcast %shift_right_logical3A_1786 : i32 to vector<16xi32>
          %shift_right_logical3A_1788 = arith.shrui %xor3A_1781, %shift_right_logical3A_1787 : vector<16xi32>
          %or3A_1789 = arith.ori %shift_left3A_1785, %shift_right_logical3A_1788 : vector<16xi32>
          %xor3A_1790 = arith.xori %add3A_1782, %or3A_1789 : vector<16xi32>
          %add3A_1791 = arith.addi %add3A_1782, %xor3A_1790 : vector<16xi32>
          %shift_left3A_1792 = arith.constant 26 : i32
          %shift_left3A_1793 = vector.broadcast %shift_left3A_1792 : i32 to vector<16xi32>
          %shift_left3A_1794 = arith.shli %xor3A_1790, %shift_left3A_1793 : vector<16xi32>
          %shift_right_logical3A_1795 = arith.constant 6 : i32
          %shift_right_logical3A_1796 = vector.broadcast %shift_right_logical3A_1795 : i32 to vector<16xi32>
          %shift_right_logical3A_1797 = arith.shrui %xor3A_1790, %shift_right_logical3A_1796 : vector<16xi32>
          %or3A_1798 = arith.ori %shift_left3A_1794, %shift_right_logical3A_1797 : vector<16xi32>
          %xor3A_1799 = arith.xori %add3A_1791, %or3A_1798 : vector<16xi32>
          %add3A_1800 = arith.addi %add3A_1791, %xor3A_1799 : vector<16xi32>
          %shift_left3A_1801 = arith.constant 6 : i32
          %shift_left3A_1802 = vector.broadcast %shift_left3A_1801 : i32 to vector<16xi32>
          %shift_left3A_1803 = arith.shli %xor3A_1799, %shift_left3A_1802 : vector<16xi32>
          %shift_right_logical3A_1804 = arith.constant 26 : i32
          %shift_right_logical3A_1805 = vector.broadcast %shift_right_logical3A_1804 : i32 to vector<16xi32>
          %shift_right_logical3A_1806 = arith.shrui %xor3A_1799, %shift_right_logical3A_1805 : vector<16xi32>
          %or3A_1807 = arith.ori %shift_left3A_1803, %shift_right_logical3A_1806 : vector<16xi32>
          %xor3A_1808 = arith.xori %add3A_1800, %or3A_1807 : vector<16xi32>
          %add3A_1809 = arith.constant 1832780943 : i32
          %add3A_1810 = vector.broadcast %add3A_1809 : i32 to vector<16xi32>
          %add3A_1811 = arith.addi %add3A_1800, %add3A_1810 : vector<16xi32>
          %add3A_1812 = arith.constant 270669613 : i32
          %add3A_1813 = vector.broadcast %add3A_1812 : i32 to vector<16xi32>
          %add3A_1814 = arith.addi %xor3A_1808, %add3A_1813 : vector<16xi32>
          %add3A_1815 = arith.constant 3 : i32
          %add3A_1816 = vector.broadcast %add3A_1815 : i32 to vector<16xi32>
          %add3A_1817 = arith.addi %add3A_1814, %add3A_1816 : vector<16xi32>
          %add3A_1818 = arith.addi %add3A_1811, %add3A_1817 : vector<16xi32>
          %shift_left3A_1819 = arith.constant 17 : i32
          %shift_left3A_1820 = vector.broadcast %shift_left3A_1819 : i32 to vector<16xi32>
          %shift_left3A_1821 = arith.shli %add3A_1817, %shift_left3A_1820 : vector<16xi32>
          %shift_right_logical3A_1822 = arith.constant 15 : i32
          %shift_right_logical3A_1823 = vector.broadcast %shift_right_logical3A_1822 : i32 to vector<16xi32>
          %shift_right_logical3A_1824 = arith.shrui %add3A_1817, %shift_right_logical3A_1823 : vector<16xi32>
          %or3A_1825 = arith.ori %shift_left3A_1821, %shift_right_logical3A_1824 : vector<16xi32>
          %xor3A_1826 = arith.xori %add3A_1818, %or3A_1825 : vector<16xi32>
          %add3A_1827 = arith.addi %add3A_1818, %xor3A_1826 : vector<16xi32>
          %shift_left3A_1828 = arith.constant 29 : i32
          %shift_left3A_1829 = vector.broadcast %shift_left3A_1828 : i32 to vector<16xi32>
          %shift_left3A_1830 = arith.shli %xor3A_1826, %shift_left3A_1829 : vector<16xi32>
          %shift_right_logical3A_1831 = arith.constant 3 : i32
          %shift_right_logical3A_1832 = vector.broadcast %shift_right_logical3A_1831 : i32 to vector<16xi32>
          %shift_right_logical3A_1833 = arith.shrui %xor3A_1826, %shift_right_logical3A_1832 : vector<16xi32>
          %or3A_1834 = arith.ori %shift_left3A_1830, %shift_right_logical3A_1833 : vector<16xi32>
          %xor3A_1835 = arith.xori %add3A_1827, %or3A_1834 : vector<16xi32>
          %add3A_1836 = arith.addi %add3A_1827, %xor3A_1835 : vector<16xi32>
          %shift_left3A_1837 = arith.constant 16 : i32
          %shift_left3A_1838 = vector.broadcast %shift_left3A_1837 : i32 to vector<16xi32>
          %shift_left3A_1839 = arith.shli %xor3A_1835, %shift_left3A_1838 : vector<16xi32>
          %shift_right_logical3A_1840 = arith.constant 16 : i32
          %shift_right_logical3A_1841 = vector.broadcast %shift_right_logical3A_1840 : i32 to vector<16xi32>
          %shift_right_logical3A_1842 = arith.shrui %xor3A_1835, %shift_right_logical3A_1841 : vector<16xi32>
          %or3A_1843 = arith.ori %shift_left3A_1839, %shift_right_logical3A_1842 : vector<16xi32>
          %xor3A_1844 = arith.xori %add3A_1836, %or3A_1843 : vector<16xi32>
          %add3A_1845 = arith.addi %add3A_1836, %xor3A_1844 : vector<16xi32>
          %shift_left3A_1846 = arith.constant 24 : i32
          %shift_left3A_1847 = vector.broadcast %shift_left3A_1846 : i32 to vector<16xi32>
          %shift_left3A_1848 = arith.shli %xor3A_1844, %shift_left3A_1847 : vector<16xi32>
          %shift_right_logical3A_1849 = arith.constant 8 : i32
          %shift_right_logical3A_1850 = vector.broadcast %shift_right_logical3A_1849 : i32 to vector<16xi32>
          %shift_right_logical3A_1851 = arith.shrui %xor3A_1844, %shift_right_logical3A_1850 : vector<16xi32>
          %or3A_1852 = arith.ori %shift_left3A_1848, %shift_right_logical3A_1851 : vector<16xi32>
          %xor3A_1853 = arith.xori %add3A_1845, %or3A_1852 : vector<16xi32>
          %add3A_1854 = arith.constant 270669613 : i32
          %add3A_1855 = vector.broadcast %add3A_1854 : i32 to vector<16xi32>
          %add3A_1856 = arith.addi %add3A_1845, %add3A_1855 : vector<16xi32>
          %add3A_1857 = arith.constant 1724713080 : i32
          %add3A_1858 = vector.broadcast %add3A_1857 : i32 to vector<16xi32>
          %add3A_1859 = arith.addi %xor3A_1853, %add3A_1858 : vector<16xi32>
          %add3A_1860 = arith.constant 4 : i32
          %add3A_1861 = vector.broadcast %add3A_1860 : i32 to vector<16xi32>
          %add3A_1862 = arith.addi %add3A_1859, %add3A_1861 : vector<16xi32>
          %add3A_1863 = arith.addi %add3A_1856, %add3A_1862 : vector<16xi32>
          %shift_left3A_1864 = arith.constant 13 : i32
          %shift_left3A_1865 = vector.broadcast %shift_left3A_1864 : i32 to vector<16xi32>
          %shift_left3A_1866 = arith.shli %add3A_1862, %shift_left3A_1865 : vector<16xi32>
          %shift_right_logical3A_1867 = arith.constant 19 : i32
          %shift_right_logical3A_1868 = vector.broadcast %shift_right_logical3A_1867 : i32 to vector<16xi32>
          %shift_right_logical3A_1869 = arith.shrui %add3A_1862, %shift_right_logical3A_1868 : vector<16xi32>
          %or3A_1870 = arith.ori %shift_left3A_1866, %shift_right_logical3A_1869 : vector<16xi32>
          %xor3A_1871 = arith.xori %add3A_1863, %or3A_1870 : vector<16xi32>
          %add3A_1872 = arith.addi %add3A_1863, %xor3A_1871 : vector<16xi32>
          %shift_left3A_1873 = arith.constant 15 : i32
          %shift_left3A_1874 = vector.broadcast %shift_left3A_1873 : i32 to vector<16xi32>
          %shift_left3A_1875 = arith.shli %xor3A_1871, %shift_left3A_1874 : vector<16xi32>
          %shift_right_logical3A_1876 = arith.constant 17 : i32
          %shift_right_logical3A_1877 = vector.broadcast %shift_right_logical3A_1876 : i32 to vector<16xi32>
          %shift_right_logical3A_1878 = arith.shrui %xor3A_1871, %shift_right_logical3A_1877 : vector<16xi32>
          %or3A_1879 = arith.ori %shift_left3A_1875, %shift_right_logical3A_1878 : vector<16xi32>
          %xor3A_1880 = arith.xori %add3A_1872, %or3A_1879 : vector<16xi32>
          %add3A_1881 = arith.addi %add3A_1872, %xor3A_1880 : vector<16xi32>
          %shift_left3A_1882 = arith.constant 26 : i32
          %shift_left3A_1883 = vector.broadcast %shift_left3A_1882 : i32 to vector<16xi32>
          %shift_left3A_1884 = arith.shli %xor3A_1880, %shift_left3A_1883 : vector<16xi32>
          %shift_right_logical3A_1885 = arith.constant 6 : i32
          %shift_right_logical3A_1886 = vector.broadcast %shift_right_logical3A_1885 : i32 to vector<16xi32>
          %shift_right_logical3A_1887 = arith.shrui %xor3A_1880, %shift_right_logical3A_1886 : vector<16xi32>
          %or3A_1888 = arith.ori %shift_left3A_1884, %shift_right_logical3A_1887 : vector<16xi32>
          %xor3A_1889 = arith.xori %add3A_1881, %or3A_1888 : vector<16xi32>
          %add3A_1890 = arith.addi %add3A_1881, %xor3A_1889 : vector<16xi32>
          %shift_left3A_1891 = arith.constant 6 : i32
          %shift_left3A_1892 = vector.broadcast %shift_left3A_1891 : i32 to vector<16xi32>
          %shift_left3A_1893 = arith.shli %xor3A_1889, %shift_left3A_1892 : vector<16xi32>
          %shift_right_logical3A_1894 = arith.constant 26 : i32
          %shift_right_logical3A_1895 = vector.broadcast %shift_right_logical3A_1894 : i32 to vector<16xi32>
          %shift_right_logical3A_1896 = arith.shrui %xor3A_1889, %shift_right_logical3A_1895 : vector<16xi32>
          %or3A_1897 = arith.ori %shift_left3A_1893, %shift_right_logical3A_1896 : vector<16xi32>
          %xor3A_1898 = arith.xori %add3A_1890, %or3A_1897 : vector<16xi32>
          %add3A_1899 = arith.constant 1724713080 : i32
          %add3A_1900 = vector.broadcast %add3A_1899 : i32 to vector<16xi32>
          %add3A_1901 = arith.addi %add3A_1890, %add3A_1900 : vector<16xi32>
          %add3A_1902 = arith.constant 1832780943 : i32
          %add3A_1903 = vector.broadcast %add3A_1902 : i32 to vector<16xi32>
          %add3A_1904 = arith.addi %xor3A_1898, %add3A_1903 : vector<16xi32>
          %add3A_1905 = arith.constant 5 : i32
          %add3A_1906 = vector.broadcast %add3A_1905 : i32 to vector<16xi32>
          %add3A_1907 = arith.addi %add3A_1904, %add3A_1906 : vector<16xi32>
          %xor3A_1908 = arith.xori %add3A_1901, %add3A_1907 : vector<16xi32>
          %ge3A_1909 = arith.constant -15626240 : i32
          %ge3A_1910 = vector.broadcast %ge3A_1909 : i32 to vector<16xi32>
          %ge3A_1911 = arith.cmpi uge, %xor3A_1908, %ge3A_1910 : vector<16xi32>
          %jit3A_1912 = arith.constant 0.389012098 : f32
          %broadcast_in_dim3A_1913 = vector.broadcast %jit3A_1912 : f32 to vector<16xf32>
          %select_n3A_1914 = arith.select %ge3A_1911, %broadcast_in_dim3A_1913, %get3A_1673 : vector<16xi1>, vector<16xf32>
          %le3A_1915 = arith.constant 14329343 : i32
          %le3A_1916 = vector.broadcast %le3A_1915 : i32 to vector<16xi32>
          %le3A_1917 = arith.cmpi ule, %xor3A_1908, %le3A_1916 : vector<16xi32>
          %jit3A_1918 = arith.constant -0.256260395 : f32
          %broadcast_in_dim3A_1919 = vector.broadcast %jit3A_1918 : f32 to vector<16xf32>
          %select_n3A_1920 = arith.select %le3A_1917, %broadcast_in_dim3A_1919, %select_n3A_1914 : vector<16xi1>, vector<16xf32>
          %swap3A_1921 = arith.index_cast %add3A_110 : i32 to index
          %swap3A_1922 = arith.index_cast %add3A_1669 : i32 to index
          %swap3A_1923 = tpu.vector_load %arg6[%swap3A_1921, %swap3A_1922] {strides = array<i32>} : memref<64x384xf32, #tpu.memory_space<vmem>>, vector<1x16xf32>,
          %swap3A_1924 = vector.shape_cast %swap3A_1923 : vector<1x16xf32> to vector<16xf32>
          %swap3A_1925 = vector.shape_cast %select_n3A_1920 : vector<16xf32> to vector<1x16xf32>
          tpu.vector_store %arg6[%swap3A_1921, %swap3A_1922], %swap3A_1925 {strides = array<i32>} : memref<64x384xf32, #tpu.memory_space<vmem>>, vector<1x16xf32>,
          %mul3A_1926 = arith.constant 128 : i32
          %mul3A_1927 = arith.muli %shift_right_arithmetic3A_106, %mul3A_1926 : i32
          %add3A_1928 = arith.constant 112 : i32
          %add3A_1929 = arith.addi %mul3A_1927, %add3A_1928 : i32
          %get3A_1930 = arith.index_cast %add3A_110 : i32 to index
          %get3A_1931 = arith.index_cast %add3A_1929 : i32 to index
          %get3A_1932 = tpu.vector_load %arg4[%get3A_1930, %get3A_1931] {strides = array<i32>} : memref<64x384xf32, #tpu.memory_space<vmem>>, vector<1x16xf32>,
          %get3A_1933 = vector.shape_cast %get3A_1932 : vector<1x16xf32> to vector<16xf32>
          %add3A_1934 = arith.constant 112 : i32
          %add3A_1935 = arith.addi %add3A_116, %add3A_1934 : i32
          %add3A_1936 = vector.broadcast %add3A_1935 : i32 to vector<16xi32>
          %add3A_1937 = arith.addi %add3A_1936, %iota3A : vector<16xi32>
          %broadcast_in_dim3A_1938 = arith.constant 1832780943 : i32
          %broadcast_in_dim3A_1939 = vector.broadcast %broadcast_in_dim3A_1938 : i32 to vector<16xi32>
          %add3A_1940 = arith.constant 270669613 : i32
          %add3A_1941 = vector.broadcast %add3A_1940 : i32 to vector<16xi32>
          %add3A_1942 = arith.addi %add3A_1937, %add3A_1941 : vector<16xi32>
          %add3A_1943 = arith.addi %broadcast_in_dim3A_1939, %add3A_1942 : vector<16xi32>
          %shift_left3A_1944 = arith.constant 13 : i32
          %shift_left3A_1945 = vector.broadcast %shift_left3A_1944 : i32 to vector<16xi32>
          %shift_left3A_1946 = arith.shli %add3A_1942, %shift_left3A_1945 : vector<16xi32>
          %shift_right_logical3A_1947 = arith.constant 19 : i32
          %shift_right_logical3A_1948 = vector.broadcast %shift_right_logical3A_1947 : i32 to vector<16xi32>
          %shift_right_logical3A_1949 = arith.shrui %add3A_1942, %shift_right_logical3A_1948 : vector<16xi32>
          %or3A_1950 = arith.ori %shift_left3A_1946, %shift_right_logical3A_1949 : vector<16xi32>
          %xor3A_1951 = arith.xori %add3A_1943, %or3A_1950 : vector<16xi32>
          %add3A_1952 = arith.addi %add3A_1943, %xor3A_1951 : vector<16xi32>
          %shift_left3A_1953 = arith.constant 15 : i32
          %shift_left3A_1954 = vector.broadcast %shift_left3A_1953 : i32 to vector<16xi32>
          %shift_left3A_1955 = arith.shli %xor3A_1951, %shift_left3A_1954 : vector<16xi32>
          %shift_right_logical3A_1956 = arith.constant 17 : i32
          %shift_right_logical3A_1957 = vector.broadcast %shift_right_logical3A_1956 : i32 to vector<16xi32>
          %shift_right_logical3A_1958 = arith.shrui %xor3A_1951, %shift_right_logical3A_1957 : vector<16xi32>
          %or3A_1959 = arith.ori %shift_left3A_1955, %shift_right_logical3A_1958 : vector<16xi32>
          %xor3A_1960 = arith.xori %add3A_1952, %or3A_1959 : vector<16xi32>
          %add3A_1961 = arith.addi %add3A_1952, %xor3A_1960 : vector<16xi32>
          %shift_left3A_1962 = arith.constant 26 : i32
          %shift_left3A_1963 = vector.broadcast %shift_left3A_1962 : i32 to vector<16xi32>
          %shift_left3A_1964 = arith.shli %xor3A_1960, %shift_left3A_1963 : vector<16xi32>
          %shift_right_logical3A_1965 = arith.constant 6 : i32
          %shift_right_logical3A_1966 = vector.broadcast %shift_right_logical3A_1965 : i32 to vector<16xi32>
          %shift_right_logical3A_1967 = arith.shrui %xor3A_1960, %shift_right_logical3A_1966 : vector<16xi32>
          %or3A_1968 = arith.ori %shift_left3A_1964, %shift_right_logical3A_1967 : vector<16xi32>
          %xor3A_1969 = arith.xori %add3A_1961, %or3A_1968 : vector<16xi32>
          %add3A_1970 = arith.addi %add3A_1961, %xor3A_1969 : vector<16xi32>
          %shift_left3A_1971 = arith.constant 6 : i32
          %shift_left3A_1972 = vector.broadcast %shift_left3A_1971 : i32 to vector<16xi32>
          %shift_left3A_1973 = arith.shli %xor3A_1969, %shift_left3A_1972 : vector<16xi32>
          %shift_right_logical3A_1974 = arith.constant 26 : i32
          %shift_right_logical3A_1975 = vector.broadcast %shift_right_logical3A_1974 : i32 to vector<16xi32>
          %shift_right_logical3A_1976 = arith.shrui %xor3A_1969, %shift_right_logical3A_1975 : vector<16xi32>
          %or3A_1977 = arith.ori %shift_left3A_1973, %shift_right_logical3A_1976 : vector<16xi32>
          %xor3A_1978 = arith.xori %add3A_1970, %or3A_1977 : vector<16xi32>
          %add3A_1979 = arith.constant 270669613 : i32
          %add3A_1980 = vector.broadcast %add3A_1979 : i32 to vector<16xi32>
          %add3A_1981 = arith.addi %add3A_1970, %add3A_1980 : vector<16xi32>
          %add3A_1982 = arith.constant 1724713080 : i32
          %add3A_1983 = vector.broadcast %add3A_1982 : i32 to vector<16xi32>
          %add3A_1984 = arith.addi %xor3A_1978, %add3A_1983 : vector<16xi32>
          %add3A_1985 = arith.constant 1 : i32
          %add3A_1986 = vector.broadcast %add3A_1985 : i32 to vector<16xi32>
          %add3A_1987 = arith.addi %add3A_1984, %add3A_1986 : vector<16xi32>
          %add3A_1988 = arith.addi %add3A_1981, %add3A_1987 : vector<16xi32>
          %shift_left3A_1989 = arith.constant 17 : i32
          %shift_left3A_1990 = vector.broadcast %shift_left3A_1989 : i32 to vector<16xi32>
          %shift_left3A_1991 = arith.shli %add3A_1987, %shift_left3A_1990 : vector<16xi32>
          %shift_right_logical3A_1992 = arith.constant 15 : i32
          %shift_right_logical3A_1993 = vector.broadcast %shift_right_logical3A_1992 : i32 to vector<16xi32>
          %shift_right_logical3A_1994 = arith.shrui %add3A_1987, %shift_right_logical3A_1993 : vector<16xi32>
          %or3A_1995 = arith.ori %shift_left3A_1991, %shift_right_logical3A_1994 : vector<16xi32>
          %xor3A_1996 = arith.xori %add3A_1988, %or3A_1995 : vector<16xi32>
          %add3A_1997 = arith.addi %add3A_1988, %xor3A_1996 : vector<16xi32>
          %shift_left3A_1998 = arith.constant 29 : i32
          %shift_left3A_1999 = vector.broadcast %shift_left3A_1998 : i32 to vector<16xi32>
          %shift_left3A_2000 = arith.shli %xor3A_1996, %shift_left3A_1999 : vector<16xi32>
          %shift_right_logical3A_2001 = arith.constant 3 : i32
          %shift_right_logical3A_2002 = vector.broadcast %shift_right_logical3A_2001 : i32 to vector<16xi32>
          %shift_right_logical3A_2003 = arith.shrui %xor3A_1996, %shift_right_logical3A_2002 : vector<16xi32>
          %or3A_2004 = arith.ori %shift_left3A_2000, %shift_right_logical3A_2003 : vector<16xi32>
          %xor3A_2005 = arith.xori %add3A_1997, %or3A_2004 : vector<16xi32>
          %add3A_2006 = arith.addi %add3A_1997, %xor3A_2005 : vector<16xi32>
          %shift_left3A_2007 = arith.constant 16 : i32
          %shift_left3A_2008 = vector.broadcast %shift_left3A_2007 : i32 to vector<16xi32>
          %shift_left3A_2009 = arith.shli %xor3A_2005, %shift_left3A_2008 : vector<16xi32>
          %shift_right_logical3A_2010 = arith.constant 16 : i32
          %shift_right_logical3A_2011 = vector.broadcast %shift_right_logical3A_2010 : i32 to vector<16xi32>
          %shift_right_logical3A_2012 = arith.shrui %xor3A_2005, %shift_right_logical3A_2011 : vector<16xi32>
          %or3A_2013 = arith.ori %shift_left3A_2009, %shift_right_logical3A_2012 : vector<16xi32>
          %xor3A_2014 = arith.xori %add3A_2006, %or3A_2013 : vector<16xi32>
          %add3A_2015 = arith.addi %add3A_2006, %xor3A_2014 : vector<16xi32>
          %shift_left3A_2016 = arith.constant 24 : i32
          %shift_left3A_2017 = vector.broadcast %shift_left3A_2016 : i32 to vector<16xi32>
          %shift_left3A_2018 = arith.shli %xor3A_2014, %shift_left3A_2017 : vector<16xi32>
          %shift_right_logical3A_2019 = arith.constant 8 : i32
          %shift_right_logical3A_2020 = vector.broadcast %shift_right_logical3A_2019 : i32 to vector<16xi32>
          %shift_right_logical3A_2021 = arith.shrui %xor3A_2014, %shift_right_logical3A_2020 : vector<16xi32>
          %or3A_2022 = arith.ori %shift_left3A_2018, %shift_right_logical3A_2021 : vector<16xi32>
          %xor3A_2023 = arith.xori %add3A_2015, %or3A_2022 : vector<16xi32>
          %add3A_2024 = arith.constant 1724713080 : i32
          %add3A_2025 = vector.broadcast %add3A_2024 : i32 to vector<16xi32>
          %add3A_2026 = arith.addi %add3A_2015, %add3A_2025 : vector<16xi32>
          %add3A_2027 = arith.constant 1832780943 : i32
          %add3A_2028 = vector.broadcast %add3A_2027 : i32 to vector<16xi32>
          %add3A_2029 = arith.addi %xor3A_2023, %add3A_2028 : vector<16xi32>
          %add3A_2030 = arith.constant 2 : i32
          %add3A_2031 = vector.broadcast %add3A_2030 : i32 to vector<16xi32>
          %add3A_2032 = arith.addi %add3A_2029, %add3A_2031 : vector<16xi32>
          %add3A_2033 = arith.addi %add3A_2026, %add3A_2032 : vector<16xi32>
          %shift_left3A_2034 = arith.constant 13 : i32
          %shift_left3A_2035 = vector.broadcast %shift_left3A_2034 : i32 to vector<16xi32>
          %shift_left3A_2036 = arith.shli %add3A_2032, %shift_left3A_2035 : vector<16xi32>
          %shift_right_logical3A_2037 = arith.constant 19 : i32
          %shift_right_logical3A_2038 = vector.broadcast %shift_right_logical3A_2037 : i32 to vector<16xi32>
          %shift_right_logical3A_2039 = arith.shrui %add3A_2032, %shift_right_logical3A_2038 : vector<16xi32>
          %or3A_2040 = arith.ori %shift_left3A_2036, %shift_right_logical3A_2039 : vector<16xi32>
          %xor3A_2041 = arith.xori %add3A_2033, %or3A_2040 : vector<16xi32>
          %add3A_2042 = arith.addi %add3A_2033, %xor3A_2041 : vector<16xi32>
          %shift_left3A_2043 = arith.constant 15 : i32
          %shift_left3A_2044 = vector.broadcast %shift_left3A_2043 : i32 to vector<16xi32>
          %shift_left3A_2045 = arith.shli %xor3A_2041, %shift_left3A_2044 : vector<16xi32>
          %shift_right_logical3A_2046 = arith.constant 17 : i32
          %shift_right_logical3A_2047 = vector.broadcast %shift_right_logical3A_2046 : i32 to vector<16xi32>
          %shift_right_logical3A_2048 = arith.shrui %xor3A_2041, %shift_right_logical3A_2047 : vector<16xi32>
          %or3A_2049 = arith.ori %shift_left3A_2045, %shift_right_logical3A_2048 : vector<16xi32>
          %xor3A_2050 = arith.xori %add3A_2042, %or3A_2049 : vector<16xi32>
          %add3A_2051 = arith.addi %add3A_2042, %xor3A_2050 : vector<16xi32>
          %shift_left3A_2052 = arith.constant 26 : i32
          %shift_left3A_2053 = vector.broadcast %shift_left3A_2052 : i32 to vector<16xi32>
          %shift_left3A_2054 = arith.shli %xor3A_2050, %shift_left3A_2053 : vector<16xi32>
          %shift_right_logical3A_2055 = arith.constant 6 : i32
          %shift_right_logical3A_2056 = vector.broadcast %shift_right_logical3A_2055 : i32 to vector<16xi32>
          %shift_right_logical3A_2057 = arith.shrui %xor3A_2050, %shift_right_logical3A_2056 : vector<16xi32>
          %or3A_2058 = arith.ori %shift_left3A_2054, %shift_right_logical3A_2057 : vector<16xi32>
          %xor3A_2059 = arith.xori %add3A_2051, %or3A_2058 : vector<16xi32>
          %add3A_2060 = arith.addi %add3A_2051, %xor3A_2059 : vector<16xi32>
          %shift_left3A_2061 = arith.constant 6 : i32
          %shift_left3A_2062 = vector.broadcast %shift_left3A_2061 : i32 to vector<16xi32>
          %shift_left3A_2063 = arith.shli %xor3A_2059, %shift_left3A_2062 : vector<16xi32>
          %shift_right_logical3A_2064 = arith.constant 26 : i32
          %shift_right_logical3A_2065 = vector.broadcast %shift_right_logical3A_2064 : i32 to vector<16xi32>
          %shift_right_logical3A_2066 = arith.shrui %xor3A_2059, %shift_right_logical3A_2065 : vector<16xi32>
          %or3A_2067 = arith.ori %shift_left3A_2063, %shift_right_logical3A_2066 : vector<16xi32>
          %xor3A_2068 = arith.xori %add3A_2060, %or3A_2067 : vector<16xi32>
          %add3A_2069 = arith.constant 1832780943 : i32
          %add3A_2070 = vector.broadcast %add3A_2069 : i32 to vector<16xi32>
          %add3A_2071 = arith.addi %add3A_2060, %add3A_2070 : vector<16xi32>
          %add3A_2072 = arith.constant 270669613 : i32
          %add3A_2073 = vector.broadcast %add3A_2072 : i32 to vector<16xi32>
          %add3A_2074 = arith.addi %xor3A_2068, %add3A_2073 : vector<16xi32>
          %add3A_2075 = arith.constant 3 : i32
          %add3A_2076 = vector.broadcast %add3A_2075 : i32 to vector<16xi32>
          %add3A_2077 = arith.addi %add3A_2074, %add3A_2076 : vector<16xi32>
          %add3A_2078 = arith.addi %add3A_2071, %add3A_2077 : vector<16xi32>
          %shift_left3A_2079 = arith.constant 17 : i32
          %shift_left3A_2080 = vector.broadcast %shift_left3A_2079 : i32 to vector<16xi32>
          %shift_left3A_2081 = arith.shli %add3A_2077, %shift_left3A_2080 : vector<16xi32>
          %shift_right_logical3A_2082 = arith.constant 15 : i32
          %shift_right_logical3A_2083 = vector.broadcast %shift_right_logical3A_2082 : i32 to vector<16xi32>
          %shift_right_logical3A_2084 = arith.shrui %add3A_2077, %shift_right_logical3A_2083 : vector<16xi32>
          %or3A_2085 = arith.ori %shift_left3A_2081, %shift_right_logical3A_2084 : vector<16xi32>
          %xor3A_2086 = arith.xori %add3A_2078, %or3A_2085 : vector<16xi32>
          %add3A_2087 = arith.addi %add3A_2078, %xor3A_2086 : vector<16xi32>
          %shift_left3A_2088 = arith.constant 29 : i32
          %shift_left3A_2089 = vector.broadcast %shift_left3A_2088 : i32 to vector<16xi32>
          %shift_left3A_2090 = arith.shli %xor3A_2086, %shift_left3A_2089 : vector<16xi32>
          %shift_right_logical3A_2091 = arith.constant 3 : i32
          %shift_right_logical3A_2092 = vector.broadcast %shift_right_logical3A_2091 : i32 to vector<16xi32>
          %shift_right_logical3A_2093 = arith.shrui %xor3A_2086, %shift_right_logical3A_2092 : vector<16xi32>
          %or3A_2094 = arith.ori %shift_left3A_2090, %shift_right_logical3A_2093 : vector<16xi32>
          %xor3A_2095 = arith.xori %add3A_2087, %or3A_2094 : vector<16xi32>
          %add3A_2096 = arith.addi %add3A_2087, %xor3A_2095 : vector<16xi32>
          %shift_left3A_2097 = arith.constant 16 : i32
          %shift_left3A_2098 = vector.broadcast %shift_left3A_2097 : i32 to vector<16xi32>
          %shift_left3A_2099 = arith.shli %xor3A_2095, %shift_left3A_2098 : vector<16xi32>
          %shift_right_logical3A_2100 = arith.constant 16 : i32
          %shift_right_logical3A_2101 = vector.broadcast %shift_right_logical3A_2100 : i32 to vector<16xi32>
          %shift_right_logical3A_2102 = arith.shrui %xor3A_2095, %shift_right_logical3A_2101 : vector<16xi32>
          %or3A_2103 = arith.ori %shift_left3A_2099, %shift_right_logical3A_2102 : vector<16xi32>
          %xor3A_2104 = arith.xori %add3A_2096, %or3A_2103 : vector<16xi32>
          %add3A_2105 = arith.addi %add3A_2096, %xor3A_2104 : vector<16xi32>
          %shift_left3A_2106 = arith.constant 24 : i32
          %shift_left3A_2107 = vector.broadcast %shift_left3A_2106 : i32 to vector<16xi32>
          %shift_left3A_2108 = arith.shli %xor3A_2104, %shift_left3A_2107 : vector<16xi32>
          %shift_right_logical3A_2109 = arith.constant 8 : i32
          %shift_right_logical3A_2110 = vector.broadcast %shift_right_logical3A_2109 : i32 to vector<16xi32>
          %shift_right_logical3A_2111 = arith.shrui %xor3A_2104, %shift_right_logical3A_2110 : vector<16xi32>
          %or3A_2112 = arith.ori %shift_left3A_2108, %shift_right_logical3A_2111 : vector<16xi32>
          %xor3A_2113 = arith.xori %add3A_2105, %or3A_2112 : vector<16xi32>
          %add3A_2114 = arith.constant 270669613 : i32
          %add3A_2115 = vector.broadcast %add3A_2114 : i32 to vector<16xi32>
          %add3A_2116 = arith.addi %add3A_2105, %add3A_2115 : vector<16xi32>
          %add3A_2117 = arith.constant 1724713080 : i32
          %add3A_2118 = vector.broadcast %add3A_2117 : i32 to vector<16xi32>
          %add3A_2119 = arith.addi %xor3A_2113, %add3A_2118 : vector<16xi32>
          %add3A_2120 = arith.constant 4 : i32
          %add3A_2121 = vector.broadcast %add3A_2120 : i32 to vector<16xi32>
          %add3A_2122 = arith.addi %add3A_2119, %add3A_2121 : vector<16xi32>
          %add3A_2123 = arith.addi %add3A_2116, %add3A_2122 : vector<16xi32>
          %shift_left3A_2124 = arith.constant 13 : i32
          %shift_left3A_2125 = vector.broadcast %shift_left3A_2124 : i32 to vector<16xi32>
          %shift_left3A_2126 = arith.shli %add3A_2122, %shift_left3A_2125 : vector<16xi32>
          %shift_right_logical3A_2127 = arith.constant 19 : i32
          %shift_right_logical3A_2128 = vector.broadcast %shift_right_logical3A_2127 : i32 to vector<16xi32>
          %shift_right_logical3A_2129 = arith.shrui %add3A_2122, %shift_right_logical3A_2128 : vector<16xi32>
          %or3A_2130 = arith.ori %shift_left3A_2126, %shift_right_logical3A_2129 : vector<16xi32>
          %xor3A_2131 = arith.xori %add3A_2123, %or3A_2130 : vector<16xi32>
          %add3A_2132 = arith.addi %add3A_2123, %xor3A_2131 : vector<16xi32>
          %shift_left3A_2133 = arith.constant 15 : i32
          %shift_left3A_2134 = vector.broadcast %shift_left3A_2133 : i32 to vector<16xi32>
          %shift_left3A_2135 = arith.shli %xor3A_2131, %shift_left3A_2134 : vector<16xi32>
          %shift_right_logical3A_2136 = arith.constant 17 : i32
          %shift_right_logical3A_2137 = vector.broadcast %shift_right_logical3A_2136 : i32 to vector<16xi32>
          %shift_right_logical3A_2138 = arith.shrui %xor3A_2131, %shift_right_logical3A_2137 : vector<16xi32>
          %or3A_2139 = arith.ori %shift_left3A_2135, %shift_right_logical3A_2138 : vector<16xi32>
          %xor3A_2140 = arith.xori %add3A_2132, %or3A_2139 : vector<16xi32>
          %add3A_2141 = arith.addi %add3A_2132, %xor3A_2140 : vector<16xi32>
          %shift_left3A_2142 = arith.constant 26 : i32
          %shift_left3A_2143 = vector.broadcast %shift_left3A_2142 : i32 to vector<16xi32>
          %shift_left3A_2144 = arith.shli %xor3A_2140, %shift_left3A_2143 : vector<16xi32>
          %shift_right_logical3A_2145 = arith.constant 6 : i32
          %shift_right_logical3A_2146 = vector.broadcast %shift_right_logical3A_2145 : i32 to vector<16xi32>
          %shift_right_logical3A_2147 = arith.shrui %xor3A_2140, %shift_right_logical3A_2146 : vector<16xi32>
          %or3A_2148 = arith.ori %shift_left3A_2144, %shift_right_logical3A_2147 : vector<16xi32>
          %xor3A_2149 = arith.xori %add3A_2141, %or3A_2148 : vector<16xi32>
          %add3A_2150 = arith.addi %add3A_2141, %xor3A_2149 : vector<16xi32>
          %shift_left3A_2151 = arith.constant 6 : i32
          %shift_left3A_2152 = vector.broadcast %shift_left3A_2151 : i32 to vector<16xi32>
          %shift_left3A_2153 = arith.shli %xor3A_2149, %shift_left3A_2152 : vector<16xi32>
          %shift_right_logical3A_2154 = arith.constant 26 : i32
          %shift_right_logical3A_2155 = vector.broadcast %shift_right_logical3A_2154 : i32 to vector<16xi32>
          %shift_right_logical3A_2156 = arith.shrui %xor3A_2149, %shift_right_logical3A_2155 : vector<16xi32>
          %or3A_2157 = arith.ori %shift_left3A_2153, %shift_right_logical3A_2156 : vector<16xi32>
          %xor3A_2158 = arith.xori %add3A_2150, %or3A_2157 : vector<16xi32>
          %add3A_2159 = arith.constant 1724713080 : i32
          %add3A_2160 = vector.broadcast %add3A_2159 : i32 to vector<16xi32>
          %add3A_2161 = arith.addi %add3A_2150, %add3A_2160 : vector<16xi32>
          %add3A_2162 = arith.constant 1832780943 : i32
          %add3A_2163 = vector.broadcast %add3A_2162 : i32 to vector<16xi32>
          %add3A_2164 = arith.addi %xor3A_2158, %add3A_2163 : vector<16xi32>
          %add3A_2165 = arith.constant 5 : i32
          %add3A_2166 = vector.broadcast %add3A_2165 : i32 to vector<16xi32>
          %add3A_2167 = arith.addi %add3A_2164, %add3A_2166 : vector<16xi32>
          %xor3A_2168 = arith.xori %add3A_2161, %add3A_2167 : vector<16xi32>
          %ge3A_2169 = arith.constant -15626240 : i32
          %ge3A_2170 = vector.broadcast %ge3A_2169 : i32 to vector<16xi32>
          %ge3A_2171 = arith.cmpi uge, %xor3A_2168, %ge3A_2170 : vector<16xi32>
          %jit3A_2172 = arith.constant 0.389012098 : f32
          %broadcast_in_dim3A_2173 = vector.broadcast %jit3A_2172 : f32 to vector<16xf32>
          %select_n3A_2174 = arith.select %ge3A_2171, %broadcast_in_dim3A_2173, %get3A_1933 : vector<16xi1>, vector<16xf32>
          %le3A_2175 = arith.constant 14329343 : i32
          %le3A_2176 = vector.broadcast %le3A_2175 : i32 to vector<16xi32>
          %le3A_2177 = arith.cmpi ule, %xor3A_2168, %le3A_2176 : vector<16xi32>
          %jit3A_2178 = arith.constant -0.256260395 : f32
          %broadcast_in_dim3A_2179 = vector.broadcast %jit3A_2178 : f32 to vector<16xf32>
          %select_n3A_2180 = arith.select %le3A_2177, %broadcast_in_dim3A_2179, %select_n3A_2174 : vector<16xi1>, vector<16xf32>
          %swap3A_2181 = arith.index_cast %add3A_110 : i32 to index
          %swap3A_2182 = arith.index_cast %add3A_1929 : i32 to index
          %swap3A_2183 = tpu.vector_load %arg6[%swap3A_2181, %swap3A_2182] {strides = array<i32>} : memref<64x384xf32, #tpu.memory_space<vmem>>, vector<1x16xf32>,
          %swap3A_2184 = vector.shape_cast %swap3A_2183 : vector<1x16xf32> to vector<16xf32>
          %swap3A_2185 = vector.shape_cast %select_n3A_2180 : vector<16xf32> to vector<1x16xf32>
          tpu.vector_store %arg6[%swap3A_2181, %swap3A_2182], %swap3A_2185 {strides = array<i32>} : memref<64x384xf32, #tpu.memory_space<vmem>>, vector<1x16xf32>,
        }
        %scan3A_104 = arith.constant 24 : i32
      }
      %scan3A_57 = arith.constant 8 : i32
      %mul3A_58 = arith.constant 64 : i32
      %mul3A_59 = arith.muli %mul3A_30, %mul3A_58 : i32
      %add3A_60 = arith.addi %mul3A_6, %mul3A_59 : i32
      %dma_start3A_61 = arith.constant 0 : i32
      %dma_start3A_62 = tpu.memref_slice %arg3[%add3A_60, %dma_start3A_61] : memref<20480x384xf32, #tpu.memory_space<hbm>> -> memref<64x384xf32, #tpu.memory_space<hbm>>
      %dma_start3A_63 = arith.constant 0 : i32
      %dma_start3A_64 = tpu.memref_slice %arg3[%add3A_60, %dma_start3A_63] : memref<20480x384xf32, #tpu.memory_space<hbm>> -> memref<64x384xf32, #tpu.memory_space<hbm>>
      tpu.enqueue_dma source(%arg6 : memref<64x384xf32, #tpu.memory_space<vmem>>) target(%dma_start3A_64 : memref<64x384xf32, #tpu.memory_space<hbm>>) target_semaphore(%arg10 : memref<!tpu.dma_semaphore, #tpu.memory_space<semaphore_mem>>)
      %add3A_65 = arith.constant 1 : i32
      %add3A_66 = arith.addi %scan3A_28, %add3A_65 : i32
      %lt3A = arith.constant 5 : i32
      %lt3A_67 = arith.cmpi slt, %add3A_66, %lt3A : i32
      %convert_element_type3A_68 = arith.extui %lt3A_67 : i1 to i32
      %cond3A_69 = arith.constant 0 : i32
      %cond3A_70 = arith.cmpi ne, %convert_element_type3A_68, %cond3A_69 : i32
      scf.if %cond3A_70 {
        %add3A_99 = arith.constant 2 : i32
        %add3A_100 = arith.addi %mul3A_30, %add3A_99 : i32
        %mul3A_101 = arith.constant 64 : i32
        %mul3A_102 = arith.muli %add3A_100, %mul3A_101 : i32
        %add3A_103 = arith.addi %add3A_4, %mul3A_102 : i32
        %dma_start3A_104 = arith.constant 0 : i32
        %dma_start3A_105 = tpu.memref_slice %arg2[%add3A_103, %dma_start3A_104] : memref<73728x384xf32, #tpu.memory_space<hbm>> -> memref<64x384xf32, #tpu.memory_space<hbm>>
        %dma_start3A_106 = arith.constant 0 : i32
        %dma_start3A_107 = tpu.memref_slice %arg2[%add3A_103, %dma_start3A_106] : memref<73728x384xf32, #tpu.memory_space<hbm>> -> memref<64x384xf32, #tpu.memory_space<hbm>>
        tpu.enqueue_dma source(%dma_start3A_107 : memref<64x384xf32, #tpu.memory_space<hbm>>) target(%arg4 : memref<64x384xf32, #tpu.memory_space<vmem>>) target_semaphore(%arg8 : memref<!tpu.dma_semaphore, #tpu.memory_space<semaphore_mem>>)
      } else {
      }
      %mul3A_71 = arith.constant 64 : i32
      %mul3A_72 = arith.muli %add3A_32, %mul3A_71 : i32
      %add3A_73 = arith.addi %add3A_4, %mul3A_72 : i32
      %dma_wait3A_74 = arith.constant 0 : i32
      %dma_wait3A_75 = tpu.memref_slice %arg2[%add3A_73, %dma_wait3A_74] : memref<73728x384xf32, #tpu.memory_space<hbm>> -> memref<64x384xf32, #tpu.memory_space<hbm>>
      %dma_wait3A_76 = arith.constant 0 : i32
      %dma_wait3A_77 = tpu.memref_slice %arg2[%add3A_73, %dma_wait3A_76] : memref<73728x384xf32, #tpu.memory_space<hbm>> -> memref<64x384xf32, #tpu.memory_space<hbm>>
      tpu.wait_dma2 semaphore(%arg9 : memref<!tpu.dma_semaphore, #tpu.memory_space<semaphore_mem>>) src(%dma_wait3A_77 : memref<64x384xf32, #tpu.memory_space<hbm>>) dst(%arg5 : memref<64x384xf32, #tpu.memory_space<vmem>>)
      %gt3A_78 = arith.constant 0 : i32
      %gt3A_79 = arith.cmpi sgt, %scan3A_28, %gt3A_78 : i32
      %convert_element_type3A_80 = arith.extui %gt3A_79 : i1 to i32
      %cond3A_81 = arith.constant 0 : i32
      %cond3A_82 = arith.cmpi ne, %convert_element_type3A_80, %cond3A_81 : i32
      scf.if %cond3A_82 {
        %sub3A = arith.constant 2 : i32
        %sub3A_99 = arith.subi %add3A_32, %sub3A : i32
        %mul3A_100 = arith.constant 64 : i32
        %mul3A_101 = arith.muli %sub3A_99, %mul3A_100 : i32
        %add3A_102 = arith.addi %mul3A_6, %mul3A_101 : i32
        %dma_wait3A_103 = arith.constant 0 : i32
        %dma_wait3A_104 = tpu.memref_slice %arg3[%add3A_102, %dma_wait3A_103] : memref<20480x384xf32, #tpu.memory_space<hbm>> -> memref<64x384xf32, #tpu.memory_space<hbm>>
        %dma_wait3A_105 = arith.constant 0 : i32
        %dma_wait3A_106 = tpu.memref_slice %arg3[%add3A_102, %dma_wait3A_105] : memref<20480x384xf32, #tpu.memory_space<hbm>> -> memref<64x384xf32, #tpu.memory_space<hbm>>
        tpu.wait_dma2 semaphore(%arg11 : memref<!tpu.dma_semaphore, #tpu.memory_space<semaphore_mem>>) src(%arg7 : memref<64x384xf32, #tpu.memory_space<vmem>>) dst(%dma_wait3A_106 : memref<64x384xf32, #tpu.memory_space<hbm>>)
      } else {
      }
      %mul3A_83 = arith.constant 64 : i32
      %mul3A_84 = arith.muli %add3A_32, %mul3A_83 : i32
      %add3A_85 = arith.addi %add3A_4, %mul3A_84 : i32
      %scan3A_86 = arith.constant 0 : i32
      %scan3A_87 = arith.constant 0 : i32
      %scan3A_88 = arith.constant 8 : i32
      %scan3A_89 = arith.addi %scan3A_87, %scan3A_88 : i32
      %scan3A_90 = arith.constant 1 : i32
      scf.for %scan3A_99 = %scan3A_87 to %scan3A_89 step %scan3A_90  : i32 {
        %scan3A_100 = arith.constant 0 : i32
        %scan3A_101 = arith.constant 24 : i32
        %scan3A_102 = arith.addi %scan3A_100, %scan3A_101 : i32
        %scan3A_103 = arith.constant 1 : i32
        scf.for %scan3A_105 = %scan3A_100 to %scan3A_102 step %scan3A_103  : i32 {
          %shift_right_arithmetic3A = arith.constant 3 : i32
          %shift_right_arithmetic3A_106 = arith.shrsi %scan3A_105, %shift_right_arithmetic3A : i32
          %and3A = arith.constant 7 : i32
          %and3A_107 = arith.andi %scan3A_105, %and3A : i32
          %mul3A_108 = arith.constant 8 : i32
          %mul3A_109 = arith.muli %scan3A_99, %mul3A_108 : i32
          %add3A_110 = arith.addi %mul3A_109, %and3A_107 : i32
          %add3A_111 = arith.addi %add3A_85, %add3A_110 : i32
          %mul3A_112 = arith.constant 384 : i32
          %mul3A_113 = arith.muli %add3A_111, %mul3A_112 : i32
          %mul3A_114 = arith.constant 128 : i32
          %mul3A_115 = arith.muli %shift_right_arithmetic3A_106, %mul3A_114 : i32
          %add3A_116 = arith.addi %mul3A_113, %mul3A_115 : i32
          %mul3A_117 = arith.constant 128 : i32
          %mul3A_118 = arith.muli %shift_right_arithmetic3A_106, %mul3A_117 : i32
          %add3A_119 = arith.constant 0 : i32
          %add3A_120 = arith.addi %mul3A_118, %add3A_119 : i32
          %get3A = arith.index_cast %add3A_110 : i32 to index
          %get3A_121 = arith.index_cast %add3A_120 : i32 to index
          %get3A_122 = tpu.vector_load %arg5[%get3A, %get3A_121] {strides = array<i32>} : memref<64x384xf32, #tpu.memory_space<vmem>>, vector<1x16xf32>,
          %get3A_123 = vector.shape_cast %get3A_122 : vector<1x16xf32> to vector<16xf32>
          %add3A_124 = arith.constant 0 : i32
          %add3A_125 = arith.addi %add3A_116, %add3A_124 : i32
          %add3A_126 = vector.broadcast %add3A_125 : i32 to vector<16xi32>
          %add3A_127 = arith.addi %add3A_126, %iota3A : vector<16xi32>
          %broadcast_in_dim3A = arith.constant 1832780943 : i32
          %broadcast_in_dim3A_128 = vector.broadcast %broadcast_in_dim3A : i32 to vector<16xi32>
          %add3A_129 = arith.constant 270669613 : i32
          %add3A_130 = vector.broadcast %add3A_129 : i32 to vector<16xi32>
          %add3A_131 = arith.addi %add3A_127, %add3A_130 : vector<16xi32>
          %add3A_132 = arith.addi %broadcast_in_dim3A_128, %add3A_131 : vector<16xi32>
          %shift_left3A = arith.constant 13 : i32
          %shift_left3A_133 = vector.broadcast %shift_left3A : i32 to vector<16xi32>
          %shift_left3A_134 = arith.shli %add3A_131, %shift_left3A_133 : vector<16xi32>
          %shift_right_logical3A = arith.constant 19 : i32
          %shift_right_logical3A_135 = vector.broadcast %shift_right_logical3A : i32 to vector<16xi32>
          %shift_right_logical3A_136 = arith.shrui %add3A_131, %shift_right_logical3A_135 : vector<16xi32>
          %or3A = arith.ori %shift_left3A_134, %shift_right_logical3A_136 : vector<16xi32>
          %xor3A = arith.xori %add3A_132, %or3A : vector<16xi32>
          %add3A_137 = arith.addi %add3A_132, %xor3A : vector<16xi32>
          %shift_left3A_138 = arith.constant 15 : i32
          %shift_left3A_139 = vector.broadcast %shift_left3A_138 : i32 to vector<16xi32>
          %shift_left3A_140 = arith.shli %xor3A, %shift_left3A_139 : vector<16xi32>
          %shift_right_logical3A_141 = arith.constant 17 : i32
          %shift_right_logical3A_142 = vector.broadcast %shift_right_logical3A_141 : i32 to vector<16xi32>
          %shift_right_logical3A_143 = arith.shrui %xor3A, %shift_right_logical3A_142 : vector<16xi32>
          %or3A_144 = arith.ori %shift_left3A_140, %shift_right_logical3A_143 : vector<16xi32>
          %xor3A_145 = arith.xori %add3A_137, %or3A_144 : vector<16xi32>
          %add3A_146 = arith.addi %add3A_137, %xor3A_145 : vector<16xi32>
          %shift_left3A_147 = arith.constant 26 : i32
          %shift_left3A_148 = vector.broadcast %shift_left3A_147 : i32 to vector<16xi32>
          %shift_left3A_149 = arith.shli %xor3A_145, %shift_left3A_148 : vector<16xi32>
          %shift_right_logical3A_150 = arith.constant 6 : i32
          %shift_right_logical3A_151 = vector.broadcast %shift_right_logical3A_150 : i32 to vector<16xi32>
          %shift_right_logical3A_152 = arith.shrui %xor3A_145, %shift_right_logical3A_151 : vector<16xi32>
          %or3A_153 = arith.ori %shift_left3A_149, %shift_right_logical3A_152 : vector<16xi32>
          %xor3A_154 = arith.xori %add3A_146, %or3A_153 : vector<16xi32>
          %add3A_155 = arith.addi %add3A_146, %xor3A_154 : vector<16xi32>
          %shift_left3A_156 = arith.constant 6 : i32
          %shift_left3A_157 = vector.broadcast %shift_left3A_156 : i32 to vector<16xi32>
          %shift_left3A_158 = arith.shli %xor3A_154, %shift_left3A_157 : vector<16xi32>
          %shift_right_logical3A_159 = arith.constant 26 : i32
          %shift_right_logical3A_160 = vector.broadcast %shift_right_logical3A_159 : i32 to vector<16xi32>
          %shift_right_logical3A_161 = arith.shrui %xor3A_154, %shift_right_logical3A_160 : vector<16xi32>
          %or3A_162 = arith.ori %shift_left3A_158, %shift_right_logical3A_161 : vector<16xi32>
          %xor3A_163 = arith.xori %add3A_155, %or3A_162 : vector<16xi32>
          %add3A_164 = arith.constant 270669613 : i32
          %add3A_165 = vector.broadcast %add3A_164 : i32 to vector<16xi32>
          %add3A_166 = arith.addi %add3A_155, %add3A_165 : vector<16xi32>
          %add3A_167 = arith.constant 1724713080 : i32
          %add3A_168 = vector.broadcast %add3A_167 : i32 to vector<16xi32>
          %add3A_169 = arith.addi %xor3A_163, %add3A_168 : vector<16xi32>
          %add3A_170 = arith.constant 1 : i32
          %add3A_171 = vector.broadcast %add3A_170 : i32 to vector<16xi32>
          %add3A_172 = arith.addi %add3A_169, %add3A_171 : vector<16xi32>
          %add3A_173 = arith.addi %add3A_166, %add3A_172 : vector<16xi32>
          %shift_left3A_174 = arith.constant 17 : i32
          %shift_left3A_175 = vector.broadcast %shift_left3A_174 : i32 to vector<16xi32>
          %shift_left3A_176 = arith.shli %add3A_172, %shift_left3A_175 : vector<16xi32>
          %shift_right_logical3A_177 = arith.constant 15 : i32
          %shift_right_logical3A_178 = vector.broadcast %shift_right_logical3A_177 : i32 to vector<16xi32>
          %shift_right_logical3A_179 = arith.shrui %add3A_172, %shift_right_logical3A_178 : vector<16xi32>
          %or3A_180 = arith.ori %shift_left3A_176, %shift_right_logical3A_179 : vector<16xi32>
          %xor3A_181 = arith.xori %add3A_173, %or3A_180 : vector<16xi32>
          %add3A_182 = arith.addi %add3A_173, %xor3A_181 : vector<16xi32>
          %shift_left3A_183 = arith.constant 29 : i32
          %shift_left3A_184 = vector.broadcast %shift_left3A_183 : i32 to vector<16xi32>
          %shift_left3A_185 = arith.shli %xor3A_181, %shift_left3A_184 : vector<16xi32>
          %shift_right_logical3A_186 = arith.constant 3 : i32
          %shift_right_logical3A_187 = vector.broadcast %shift_right_logical3A_186 : i32 to vector<16xi32>
          %shift_right_logical3A_188 = arith.shrui %xor3A_181, %shift_right_logical3A_187 : vector<16xi32>
          %or3A_189 = arith.ori %shift_left3A_185, %shift_right_logical3A_188 : vector<16xi32>
          %xor3A_190 = arith.xori %add3A_182, %or3A_189 : vector<16xi32>
          %add3A_191 = arith.addi %add3A_182, %xor3A_190 : vector<16xi32>
          %shift_left3A_192 = arith.constant 16 : i32
          %shift_left3A_193 = vector.broadcast %shift_left3A_192 : i32 to vector<16xi32>
          %shift_left3A_194 = arith.shli %xor3A_190, %shift_left3A_193 : vector<16xi32>
          %shift_right_logical3A_195 = arith.constant 16 : i32
          %shift_right_logical3A_196 = vector.broadcast %shift_right_logical3A_195 : i32 to vector<16xi32>
          %shift_right_logical3A_197 = arith.shrui %xor3A_190, %shift_right_logical3A_196 : vector<16xi32>
          %or3A_198 = arith.ori %shift_left3A_194, %shift_right_logical3A_197 : vector<16xi32>
          %xor3A_199 = arith.xori %add3A_191, %or3A_198 : vector<16xi32>
          %add3A_200 = arith.addi %add3A_191, %xor3A_199 : vector<16xi32>
          %shift_left3A_201 = arith.constant 24 : i32
          %shift_left3A_202 = vector.broadcast %shift_left3A_201 : i32 to vector<16xi32>
          %shift_left3A_203 = arith.shli %xor3A_199, %shift_left3A_202 : vector<16xi32>
          %shift_right_logical3A_204 = arith.constant 8 : i32
          %shift_right_logical3A_205 = vector.broadcast %shift_right_logical3A_204 : i32 to vector<16xi32>
          %shift_right_logical3A_206 = arith.shrui %xor3A_199, %shift_right_logical3A_205 : vector<16xi32>
          %or3A_207 = arith.ori %shift_left3A_203, %shift_right_logical3A_206 : vector<16xi32>
          %xor3A_208 = arith.xori %add3A_200, %or3A_207 : vector<16xi32>
          %add3A_209 = arith.constant 1724713080 : i32
          %add3A_210 = vector.broadcast %add3A_209 : i32 to vector<16xi32>
          %add3A_211 = arith.addi %add3A_200, %add3A_210 : vector<16xi32>
          %add3A_212 = arith.constant 1832780943 : i32
          %add3A_213 = vector.broadcast %add3A_212 : i32 to vector<16xi32>
          %add3A_214 = arith.addi %xor3A_208, %add3A_213 : vector<16xi32>
          %add3A_215 = arith.constant 2 : i32
          %add3A_216 = vector.broadcast %add3A_215 : i32 to vector<16xi32>
          %add3A_217 = arith.addi %add3A_214, %add3A_216 : vector<16xi32>
          %add3A_218 = arith.addi %add3A_211, %add3A_217 : vector<16xi32>
          %shift_left3A_219 = arith.constant 13 : i32
          %shift_left3A_220 = vector.broadcast %shift_left3A_219 : i32 to vector<16xi32>
          %shift_left3A_221 = arith.shli %add3A_217, %shift_left3A_220 : vector<16xi32>
          %shift_right_logical3A_222 = arith.constant 19 : i32
          %shift_right_logical3A_223 = vector.broadcast %shift_right_logical3A_222 : i32 to vector<16xi32>
          %shift_right_logical3A_224 = arith.shrui %add3A_217, %shift_right_logical3A_223 : vector<16xi32>
          %or3A_225 = arith.ori %shift_left3A_221, %shift_right_logical3A_224 : vector<16xi32>
          %xor3A_226 = arith.xori %add3A_218, %or3A_225 : vector<16xi32>
          %add3A_227 = arith.addi %add3A_218, %xor3A_226 : vector<16xi32>
          %shift_left3A_228 = arith.constant 15 : i32
          %shift_left3A_229 = vector.broadcast %shift_left3A_228 : i32 to vector<16xi32>
          %shift_left3A_230 = arith.shli %xor3A_226, %shift_left3A_229 : vector<16xi32>
          %shift_right_logical3A_231 = arith.constant 17 : i32
          %shift_right_logical3A_232 = vector.broadcast %shift_right_logical3A_231 : i32 to vector<16xi32>
          %shift_right_logical3A_233 = arith.shrui %xor3A_226, %shift_right_logical3A_232 : vector<16xi32>
          %or3A_234 = arith.ori %shift_left3A_230, %shift_right_logical3A_233 : vector<16xi32>
          %xor3A_235 = arith.xori %add3A_227, %or3A_234 : vector<16xi32>
          %add3A_236 = arith.addi %add3A_227, %xor3A_235 : vector<16xi32>
          %shift_left3A_237 = arith.constant 26 : i32
          %shift_left3A_238 = vector.broadcast %shift_left3A_237 : i32 to vector<16xi32>
          %shift_left3A_239 = arith.shli %xor3A_235, %shift_left3A_238 : vector<16xi32>
          %shift_right_logical3A_240 = arith.constant 6 : i32
          %shift_right_logical3A_241 = vector.broadcast %shift_right_logical3A_240 : i32 to vector<16xi32>
          %shift_right_logical3A_242 = arith.shrui %xor3A_235, %shift_right_logical3A_241 : vector<16xi32>
          %or3A_243 = arith.ori %shift_left3A_239, %shift_right_logical3A_242 : vector<16xi32>
          %xor3A_244 = arith.xori %add3A_236, %or3A_243 : vector<16xi32>
          %add3A_245 = arith.addi %add3A_236, %xor3A_244 : vector<16xi32>
          %shift_left3A_246 = arith.constant 6 : i32
          %shift_left3A_247 = vector.broadcast %shift_left3A_246 : i32 to vector<16xi32>
          %shift_left3A_248 = arith.shli %xor3A_244, %shift_left3A_247 : vector<16xi32>
          %shift_right_logical3A_249 = arith.constant 26 : i32
          %shift_right_logical3A_250 = vector.broadcast %shift_right_logical3A_249 : i32 to vector<16xi32>
          %shift_right_logical3A_251 = arith.shrui %xor3A_244, %shift_right_logical3A_250 : vector<16xi32>
          %or3A_252 = arith.ori %shift_left3A_248, %shift_right_logical3A_251 : vector<16xi32>
          %xor3A_253 = arith.xori %add3A_245, %or3A_252 : vector<16xi32>
          %add3A_254 = arith.constant 1832780943 : i32
          %add3A_255 = vector.broadcast %add3A_254 : i32 to vector<16xi32>
          %add3A_256 = arith.addi %add3A_245, %add3A_255 : vector<16xi32>
          %add3A_257 = arith.constant 270669613 : i32
          %add3A_258 = vector.broadcast %add3A_257 : i32 to vector<16xi32>
          %add3A_259 = arith.addi %xor3A_253, %add3A_258 : vector<16xi32>
          %add3A_260 = arith.constant 3 : i32
          %add3A_261 = vector.broadcast %add3A_260 : i32 to vector<16xi32>
          %add3A_262 = arith.addi %add3A_259, %add3A_261 : vector<16xi32>
          %add3A_263 = arith.addi %add3A_256, %add3A_262 : vector<16xi32>
          %shift_left3A_264 = arith.constant 17 : i32
          %shift_left3A_265 = vector.broadcast %shift_left3A_264 : i32 to vector<16xi32>
          %shift_left3A_266 = arith.shli %add3A_262, %shift_left3A_265 : vector<16xi32>
          %shift_right_logical3A_267 = arith.constant 15 : i32
          %shift_right_logical3A_268 = vector.broadcast %shift_right_logical3A_267 : i32 to vector<16xi32>
          %shift_right_logical3A_269 = arith.shrui %add3A_262, %shift_right_logical3A_268 : vector<16xi32>
          %or3A_270 = arith.ori %shift_left3A_266, %shift_right_logical3A_269 : vector<16xi32>
          %xor3A_271 = arith.xori %add3A_263, %or3A_270 : vector<16xi32>
          %add3A_272 = arith.addi %add3A_263, %xor3A_271 : vector<16xi32>
          %shift_left3A_273 = arith.constant 29 : i32
          %shift_left3A_274 = vector.broadcast %shift_left3A_273 : i32 to vector<16xi32>
          %shift_left3A_275 = arith.shli %xor3A_271, %shift_left3A_274 : vector<16xi32>
          %shift_right_logical3A_276 = arith.constant 3 : i32
          %shift_right_logical3A_277 = vector.broadcast %shift_right_logical3A_276 : i32 to vector<16xi32>
          %shift_right_logical3A_278 = arith.shrui %xor3A_271, %shift_right_logical3A_277 : vector<16xi32>
          %or3A_279 = arith.ori %shift_left3A_275, %shift_right_logical3A_278 : vector<16xi32>
          %xor3A_280 = arith.xori %add3A_272, %or3A_279 : vector<16xi32>
          %add3A_281 = arith.addi %add3A_272, %xor3A_280 : vector<16xi32>
          %shift_left3A_282 = arith.constant 16 : i32
          %shift_left3A_283 = vector.broadcast %shift_left3A_282 : i32 to vector<16xi32>
          %shift_left3A_284 = arith.shli %xor3A_280, %shift_left3A_283 : vector<16xi32>
          %shift_right_logical3A_285 = arith.constant 16 : i32
          %shift_right_logical3A_286 = vector.broadcast %shift_right_logical3A_285 : i32 to vector<16xi32>
          %shift_right_logical3A_287 = arith.shrui %xor3A_280, %shift_right_logical3A_286 : vector<16xi32>
          %or3A_288 = arith.ori %shift_left3A_284, %shift_right_logical3A_287 : vector<16xi32>
          %xor3A_289 = arith.xori %add3A_281, %or3A_288 : vector<16xi32>
          %add3A_290 = arith.addi %add3A_281, %xor3A_289 : vector<16xi32>
          %shift_left3A_291 = arith.constant 24 : i32
          %shift_left3A_292 = vector.broadcast %shift_left3A_291 : i32 to vector<16xi32>
          %shift_left3A_293 = arith.shli %xor3A_289, %shift_left3A_292 : vector<16xi32>
          %shift_right_logical3A_294 = arith.constant 8 : i32
          %shift_right_logical3A_295 = vector.broadcast %shift_right_logical3A_294 : i32 to vector<16xi32>
          %shift_right_logical3A_296 = arith.shrui %xor3A_289, %shift_right_logical3A_295 : vector<16xi32>
          %or3A_297 = arith.ori %shift_left3A_293, %shift_right_logical3A_296 : vector<16xi32>
          %xor3A_298 = arith.xori %add3A_290, %or3A_297 : vector<16xi32>
          %add3A_299 = arith.constant 270669613 : i32
          %add3A_300 = vector.broadcast %add3A_299 : i32 to vector<16xi32>
          %add3A_301 = arith.addi %add3A_290, %add3A_300 : vector<16xi32>
          %add3A_302 = arith.constant 1724713080 : i32
          %add3A_303 = vector.broadcast %add3A_302 : i32 to vector<16xi32>
          %add3A_304 = arith.addi %xor3A_298, %add3A_303 : vector<16xi32>
          %add3A_305 = arith.constant 4 : i32
          %add3A_306 = vector.broadcast %add3A_305 : i32 to vector<16xi32>
          %add3A_307 = arith.addi %add3A_304, %add3A_306 : vector<16xi32>
          %add3A_308 = arith.addi %add3A_301, %add3A_307 : vector<16xi32>
          %shift_left3A_309 = arith.constant 13 : i32
          %shift_left3A_310 = vector.broadcast %shift_left3A_309 : i32 to vector<16xi32>
          %shift_left3A_311 = arith.shli %add3A_307, %shift_left3A_310 : vector<16xi32>
          %shift_right_logical3A_312 = arith.constant 19 : i32
          %shift_right_logical3A_313 = vector.broadcast %shift_right_logical3A_312 : i32 to vector<16xi32>
          %shift_right_logical3A_314 = arith.shrui %add3A_307, %shift_right_logical3A_313 : vector<16xi32>
          %or3A_315 = arith.ori %shift_left3A_311, %shift_right_logical3A_314 : vector<16xi32>
          %xor3A_316 = arith.xori %add3A_308, %or3A_315 : vector<16xi32>
          %add3A_317 = arith.addi %add3A_308, %xor3A_316 : vector<16xi32>
          %shift_left3A_318 = arith.constant 15 : i32
          %shift_left3A_319 = vector.broadcast %shift_left3A_318 : i32 to vector<16xi32>
          %shift_left3A_320 = arith.shli %xor3A_316, %shift_left3A_319 : vector<16xi32>
          %shift_right_logical3A_321 = arith.constant 17 : i32
          %shift_right_logical3A_322 = vector.broadcast %shift_right_logical3A_321 : i32 to vector<16xi32>
          %shift_right_logical3A_323 = arith.shrui %xor3A_316, %shift_right_logical3A_322 : vector<16xi32>
          %or3A_324 = arith.ori %shift_left3A_320, %shift_right_logical3A_323 : vector<16xi32>
          %xor3A_325 = arith.xori %add3A_317, %or3A_324 : vector<16xi32>
          %add3A_326 = arith.addi %add3A_317, %xor3A_325 : vector<16xi32>
          %shift_left3A_327 = arith.constant 26 : i32
          %shift_left3A_328 = vector.broadcast %shift_left3A_327 : i32 to vector<16xi32>
          %shift_left3A_329 = arith.shli %xor3A_325, %shift_left3A_328 : vector<16xi32>
          %shift_right_logical3A_330 = arith.constant 6 : i32
          %shift_right_logical3A_331 = vector.broadcast %shift_right_logical3A_330 : i32 to vector<16xi32>
          %shift_right_logical3A_332 = arith.shrui %xor3A_325, %shift_right_logical3A_331 : vector<16xi32>
          %or3A_333 = arith.ori %shift_left3A_329, %shift_right_logical3A_332 : vector<16xi32>
          %xor3A_334 = arith.xori %add3A_326, %or3A_333 : vector<16xi32>
          %add3A_335 = arith.addi %add3A_326, %xor3A_334 : vector<16xi32>
          %shift_left3A_336 = arith.constant 6 : i32
          %shift_left3A_337 = vector.broadcast %shift_left3A_336 : i32 to vector<16xi32>
          %shift_left3A_338 = arith.shli %xor3A_334, %shift_left3A_337 : vector<16xi32>
          %shift_right_logical3A_339 = arith.constant 26 : i32
          %shift_right_logical3A_340 = vector.broadcast %shift_right_logical3A_339 : i32 to vector<16xi32>
          %shift_right_logical3A_341 = arith.shrui %xor3A_334, %shift_right_logical3A_340 : vector<16xi32>
          %or3A_342 = arith.ori %shift_left3A_338, %shift_right_logical3A_341 : vector<16xi32>
          %xor3A_343 = arith.xori %add3A_335, %or3A_342 : vector<16xi32>
          %add3A_344 = arith.constant 1724713080 : i32
          %add3A_345 = vector.broadcast %add3A_344 : i32 to vector<16xi32>
          %add3A_346 = arith.addi %add3A_335, %add3A_345 : vector<16xi32>
          %add3A_347 = arith.constant 1832780943 : i32
          %add3A_348 = vector.broadcast %add3A_347 : i32 to vector<16xi32>
          %add3A_349 = arith.addi %xor3A_343, %add3A_348 : vector<16xi32>
          %add3A_350 = arith.constant 5 : i32
          %add3A_351 = vector.broadcast %add3A_350 : i32 to vector<16xi32>
          %add3A_352 = arith.addi %add3A_349, %add3A_351 : vector<16xi32>
          %xor3A_353 = arith.xori %add3A_346, %add3A_352 : vector<16xi32>
          %ge3A = arith.constant -15626240 : i32
          %ge3A_354 = vector.broadcast %ge3A : i32 to vector<16xi32>
          %ge3A_355 = arith.cmpi uge, %xor3A_353, %ge3A_354 : vector<16xi32>
          %jit3A = arith.constant 0.389012098 : f32
          %broadcast_in_dim3A_356 = vector.broadcast %jit3A : f32 to vector<16xf32>
          %select_n3A = arith.select %ge3A_355, %broadcast_in_dim3A_356, %get3A_123 : vector<16xi1>, vector<16xf32>
          %le3A = arith.constant 14329343 : i32
          %le3A_357 = vector.broadcast %le3A : i32 to vector<16xi32>
          %le3A_358 = arith.cmpi ule, %xor3A_353, %le3A_357 : vector<16xi32>
          %jit3A_359 = arith.constant -0.256260395 : f32
          %broadcast_in_dim3A_360 = vector.broadcast %jit3A_359 : f32 to vector<16xf32>
          %select_n3A_361 = arith.select %le3A_358, %broadcast_in_dim3A_360, %select_n3A : vector<16xi1>, vector<16xf32>
          %swap3A = arith.index_cast %add3A_110 : i32 to index
          %swap3A_362 = arith.index_cast %add3A_120 : i32 to index
          %swap3A_363 = tpu.vector_load %arg7[%swap3A, %swap3A_362] {strides = array<i32>} : memref<64x384xf32, #tpu.memory_space<vmem>>, vector<1x16xf32>,
          %swap3A_364 = vector.shape_cast %swap3A_363 : vector<1x16xf32> to vector<16xf32>
          %swap3A_365 = vector.shape_cast %select_n3A_361 : vector<16xf32> to vector<1x16xf32>
          tpu.vector_store %arg7[%swap3A, %swap3A_362], %swap3A_365 {strides = array<i32>} : memref<64x384xf32, #tpu.memory_space<vmem>>, vector<1x16xf32>,
          %mul3A_366 = arith.constant 128 : i32
          %mul3A_367 = arith.muli %shift_right_arithmetic3A_106, %mul3A_366 : i32
          %add3A_368 = arith.constant 16 : i32
          %add3A_369 = arith.addi %mul3A_367, %add3A_368 : i32
          %get3A_370 = arith.index_cast %add3A_110 : i32 to index
          %get3A_371 = arith.index_cast %add3A_369 : i32 to index
          %get3A_372 = tpu.vector_load %arg5[%get3A_370, %get3A_371] {strides = array<i32>} : memref<64x384xf32, #tpu.memory_space<vmem>>, vector<1x16xf32>,
          %get3A_373 = vector.shape_cast %get3A_372 : vector<1x16xf32> to vector<16xf32>
          %add3A_374 = arith.constant 16 : i32
          %add3A_375 = arith.addi %add3A_116, %add3A_374 : i32
          %add3A_376 = vector.broadcast %add3A_375 : i32 to vector<16xi32>
          %add3A_377 = arith.addi %add3A_376, %iota3A : vector<16xi32>
          %broadcast_in_dim3A_378 = arith.constant 1832780943 : i32
          %broadcast_in_dim3A_379 = vector.broadcast %broadcast_in_dim3A_378 : i32 to vector<16xi32>
          %add3A_380 = arith.constant 270669613 : i32
          %add3A_381 = vector.broadcast %add3A_380 : i32 to vector<16xi32>
          %add3A_382 = arith.addi %add3A_377, %add3A_381 : vector<16xi32>
          %add3A_383 = arith.addi %broadcast_in_dim3A_379, %add3A_382 : vector<16xi32>
          %shift_left3A_384 = arith.constant 13 : i32
          %shift_left3A_385 = vector.broadcast %shift_left3A_384 : i32 to vector<16xi32>
          %shift_left3A_386 = arith.shli %add3A_382, %shift_left3A_385 : vector<16xi32>
          %shift_right_logical3A_387 = arith.constant 19 : i32
          %shift_right_logical3A_388 = vector.broadcast %shift_right_logical3A_387 : i32 to vector<16xi32>
          %shift_right_logical3A_389 = arith.shrui %add3A_382, %shift_right_logical3A_388 : vector<16xi32>
          %or3A_390 = arith.ori %shift_left3A_386, %shift_right_logical3A_389 : vector<16xi32>
          %xor3A_391 = arith.xori %add3A_383, %or3A_390 : vector<16xi32>
          %add3A_392 = arith.addi %add3A_383, %xor3A_391 : vector<16xi32>
          %shift_left3A_393 = arith.constant 15 : i32
          %shift_left3A_394 = vector.broadcast %shift_left3A_393 : i32 to vector<16xi32>
          %shift_left3A_395 = arith.shli %xor3A_391, %shift_left3A_394 : vector<16xi32>
          %shift_right_logical3A_396 = arith.constant 17 : i32
          %shift_right_logical3A_397 = vector.broadcast %shift_right_logical3A_396 : i32 to vector<16xi32>
          %shift_right_logical3A_398 = arith.shrui %xor3A_391, %shift_right_logical3A_397 : vector<16xi32>
          %or3A_399 = arith.ori %shift_left3A_395, %shift_right_logical3A_398 : vector<16xi32>
          %xor3A_400 = arith.xori %add3A_392, %or3A_399 : vector<16xi32>
          %add3A_401 = arith.addi %add3A_392, %xor3A_400 : vector<16xi32>
          %shift_left3A_402 = arith.constant 26 : i32
          %shift_left3A_403 = vector.broadcast %shift_left3A_402 : i32 to vector<16xi32>
          %shift_left3A_404 = arith.shli %xor3A_400, %shift_left3A_403 : vector<16xi32>
          %shift_right_logical3A_405 = arith.constant 6 : i32
          %shift_right_logical3A_406 = vector.broadcast %shift_right_logical3A_405 : i32 to vector<16xi32>
          %shift_right_logical3A_407 = arith.shrui %xor3A_400, %shift_right_logical3A_406 : vector<16xi32>
          %or3A_408 = arith.ori %shift_left3A_404, %shift_right_logical3A_407 : vector<16xi32>
          %xor3A_409 = arith.xori %add3A_401, %or3A_408 : vector<16xi32>
          %add3A_410 = arith.addi %add3A_401, %xor3A_409 : vector<16xi32>
          %shift_left3A_411 = arith.constant 6 : i32
          %shift_left3A_412 = vector.broadcast %shift_left3A_411 : i32 to vector<16xi32>
          %shift_left3A_413 = arith.shli %xor3A_409, %shift_left3A_412 : vector<16xi32>
          %shift_right_logical3A_414 = arith.constant 26 : i32
          %shift_right_logical3A_415 = vector.broadcast %shift_right_logical3A_414 : i32 to vector<16xi32>
          %shift_right_logical3A_416 = arith.shrui %xor3A_409, %shift_right_logical3A_415 : vector<16xi32>
          %or3A_417 = arith.ori %shift_left3A_413, %shift_right_logical3A_416 : vector<16xi32>
          %xor3A_418 = arith.xori %add3A_410, %or3A_417 : vector<16xi32>
          %add3A_419 = arith.constant 270669613 : i32
          %add3A_420 = vector.broadcast %add3A_419 : i32 to vector<16xi32>
          %add3A_421 = arith.addi %add3A_410, %add3A_420 : vector<16xi32>
          %add3A_422 = arith.constant 1724713080 : i32
          %add3A_423 = vector.broadcast %add3A_422 : i32 to vector<16xi32>
          %add3A_424 = arith.addi %xor3A_418, %add3A_423 : vector<16xi32>
          %add3A_425 = arith.constant 1 : i32
          %add3A_426 = vector.broadcast %add3A_425 : i32 to vector<16xi32>
          %add3A_427 = arith.addi %add3A_424, %add3A_426 : vector<16xi32>
          %add3A_428 = arith.addi %add3A_421, %add3A_427 : vector<16xi32>
          %shift_left3A_429 = arith.constant 17 : i32
          %shift_left3A_430 = vector.broadcast %shift_left3A_429 : i32 to vector<16xi32>
          %shift_left3A_431 = arith.shli %add3A_427, %shift_left3A_430 : vector<16xi32>
          %shift_right_logical3A_432 = arith.constant 15 : i32
          %shift_right_logical3A_433 = vector.broadcast %shift_right_logical3A_432 : i32 to vector<16xi32>
          %shift_right_logical3A_434 = arith.shrui %add3A_427, %shift_right_logical3A_433 : vector<16xi32>
          %or3A_435 = arith.ori %shift_left3A_431, %shift_right_logical3A_434 : vector<16xi32>
          %xor3A_436 = arith.xori %add3A_428, %or3A_435 : vector<16xi32>
          %add3A_437 = arith.addi %add3A_428, %xor3A_436 : vector<16xi32>
          %shift_left3A_438 = arith.constant 29 : i32
          %shift_left3A_439 = vector.broadcast %shift_left3A_438 : i32 to vector<16xi32>
          %shift_left3A_440 = arith.shli %xor3A_436, %shift_left3A_439 : vector<16xi32>
          %shift_right_logical3A_441 = arith.constant 3 : i32
          %shift_right_logical3A_442 = vector.broadcast %shift_right_logical3A_441 : i32 to vector<16xi32>
          %shift_right_logical3A_443 = arith.shrui %xor3A_436, %shift_right_logical3A_442 : vector<16xi32>
          %or3A_444 = arith.ori %shift_left3A_440, %shift_right_logical3A_443 : vector<16xi32>
          %xor3A_445 = arith.xori %add3A_437, %or3A_444 : vector<16xi32>
          %add3A_446 = arith.addi %add3A_437, %xor3A_445 : vector<16xi32>
          %shift_left3A_447 = arith.constant 16 : i32
          %shift_left3A_448 = vector.broadcast %shift_left3A_447 : i32 to vector<16xi32>
          %shift_left3A_449 = arith.shli %xor3A_445, %shift_left3A_448 : vector<16xi32>
          %shift_right_logical3A_450 = arith.constant 16 : i32
          %shift_right_logical3A_451 = vector.broadcast %shift_right_logical3A_450 : i32 to vector<16xi32>
          %shift_right_logical3A_452 = arith.shrui %xor3A_445, %shift_right_logical3A_451 : vector<16xi32>
          %or3A_453 = arith.ori %shift_left3A_449, %shift_right_logical3A_452 : vector<16xi32>
          %xor3A_454 = arith.xori %add3A_446, %or3A_453 : vector<16xi32>
          %add3A_455 = arith.addi %add3A_446, %xor3A_454 : vector<16xi32>
          %shift_left3A_456 = arith.constant 24 : i32
          %shift_left3A_457 = vector.broadcast %shift_left3A_456 : i32 to vector<16xi32>
          %shift_left3A_458 = arith.shli %xor3A_454, %shift_left3A_457 : vector<16xi32>
          %shift_right_logical3A_459 = arith.constant 8 : i32
          %shift_right_logical3A_460 = vector.broadcast %shift_right_logical3A_459 : i32 to vector<16xi32>
          %shift_right_logical3A_461 = arith.shrui %xor3A_454, %shift_right_logical3A_460 : vector<16xi32>
          %or3A_462 = arith.ori %shift_left3A_458, %shift_right_logical3A_461 : vector<16xi32>
          %xor3A_463 = arith.xori %add3A_455, %or3A_462 : vector<16xi32>
          %add3A_464 = arith.constant 1724713080 : i32
          %add3A_465 = vector.broadcast %add3A_464 : i32 to vector<16xi32>
          %add3A_466 = arith.addi %add3A_455, %add3A_465 : vector<16xi32>
          %add3A_467 = arith.constant 1832780943 : i32
          %add3A_468 = vector.broadcast %add3A_467 : i32 to vector<16xi32>
          %add3A_469 = arith.addi %xor3A_463, %add3A_468 : vector<16xi32>
          %add3A_470 = arith.constant 2 : i32
          %add3A_471 = vector.broadcast %add3A_470 : i32 to vector<16xi32>
          %add3A_472 = arith.addi %add3A_469, %add3A_471 : vector<16xi32>
          %add3A_473 = arith.addi %add3A_466, %add3A_472 : vector<16xi32>
          %shift_left3A_474 = arith.constant 13 : i32
          %shift_left3A_475 = vector.broadcast %shift_left3A_474 : i32 to vector<16xi32>
          %shift_left3A_476 = arith.shli %add3A_472, %shift_left3A_475 : vector<16xi32>
          %shift_right_logical3A_477 = arith.constant 19 : i32
          %shift_right_logical3A_478 = vector.broadcast %shift_right_logical3A_477 : i32 to vector<16xi32>
          %shift_right_logical3A_479 = arith.shrui %add3A_472, %shift_right_logical3A_478 : vector<16xi32>
          %or3A_480 = arith.ori %shift_left3A_476, %shift_right_logical3A_479 : vector<16xi32>
          %xor3A_481 = arith.xori %add3A_473, %or3A_480 : vector<16xi32>
          %add3A_482 = arith.addi %add3A_473, %xor3A_481 : vector<16xi32>
          %shift_left3A_483 = arith.constant 15 : i32
          %shift_left3A_484 = vector.broadcast %shift_left3A_483 : i32 to vector<16xi32>
          %shift_left3A_485 = arith.shli %xor3A_481, %shift_left3A_484 : vector<16xi32>
          %shift_right_logical3A_486 = arith.constant 17 : i32
          %shift_right_logical3A_487 = vector.broadcast %shift_right_logical3A_486 : i32 to vector<16xi32>
          %shift_right_logical3A_488 = arith.shrui %xor3A_481, %shift_right_logical3A_487 : vector<16xi32>
          %or3A_489 = arith.ori %shift_left3A_485, %shift_right_logical3A_488 : vector<16xi32>
          %xor3A_490 = arith.xori %add3A_482, %or3A_489 : vector<16xi32>
          %add3A_491 = arith.addi %add3A_482, %xor3A_490 : vector<16xi32>
          %shift_left3A_492 = arith.constant 26 : i32
          %shift_left3A_493 = vector.broadcast %shift_left3A_492 : i32 to vector<16xi32>
          %shift_left3A_494 = arith.shli %xor3A_490, %shift_left3A_493 : vector<16xi32>
          %shift_right_logical3A_495 = arith.constant 6 : i32
          %shift_right_logical3A_496 = vector.broadcast %shift_right_logical3A_495 : i32 to vector<16xi32>
          %shift_right_logical3A_497 = arith.shrui %xor3A_490, %shift_right_logical3A_496 : vector<16xi32>
          %or3A_498 = arith.ori %shift_left3A_494, %shift_right_logical3A_497 : vector<16xi32>
          %xor3A_499 = arith.xori %add3A_491, %or3A_498 : vector<16xi32>
          %add3A_500 = arith.addi %add3A_491, %xor3A_499 : vector<16xi32>
          %shift_left3A_501 = arith.constant 6 : i32
          %shift_left3A_502 = vector.broadcast %shift_left3A_501 : i32 to vector<16xi32>
          %shift_left3A_503 = arith.shli %xor3A_499, %shift_left3A_502 : vector<16xi32>
          %shift_right_logical3A_504 = arith.constant 26 : i32
          %shift_right_logical3A_505 = vector.broadcast %shift_right_logical3A_504 : i32 to vector<16xi32>
          %shift_right_logical3A_506 = arith.shrui %xor3A_499, %shift_right_logical3A_505 : vector<16xi32>
          %or3A_507 = arith.ori %shift_left3A_503, %shift_right_logical3A_506 : vector<16xi32>
          %xor3A_508 = arith.xori %add3A_500, %or3A_507 : vector<16xi32>
          %add3A_509 = arith.constant 1832780943 : i32
          %add3A_510 = vector.broadcast %add3A_509 : i32 to vector<16xi32>
          %add3A_511 = arith.addi %add3A_500, %add3A_510 : vector<16xi32>
          %add3A_512 = arith.constant 270669613 : i32
          %add3A_513 = vector.broadcast %add3A_512 : i32 to vector<16xi32>
          %add3A_514 = arith.addi %xor3A_508, %add3A_513 : vector<16xi32>
          %add3A_515 = arith.constant 3 : i32
          %add3A_516 = vector.broadcast %add3A_515 : i32 to vector<16xi32>
          %add3A_517 = arith.addi %add3A_514, %add3A_516 : vector<16xi32>
          %add3A_518 = arith.addi %add3A_511, %add3A_517 : vector<16xi32>
          %shift_left3A_519 = arith.constant 17 : i32
          %shift_left3A_520 = vector.broadcast %shift_left3A_519 : i32 to vector<16xi32>
          %shift_left3A_521 = arith.shli %add3A_517, %shift_left3A_520 : vector<16xi32>
          %shift_right_logical3A_522 = arith.constant 15 : i32
          %shift_right_logical3A_523 = vector.broadcast %shift_right_logical3A_522 : i32 to vector<16xi32>
          %shift_right_logical3A_524 = arith.shrui %add3A_517, %shift_right_logical3A_523 : vector<16xi32>
          %or3A_525 = arith.ori %shift_left3A_521, %shift_right_logical3A_524 : vector<16xi32>
          %xor3A_526 = arith.xori %add3A_518, %or3A_525 : vector<16xi32>
          %add3A_527 = arith.addi %add3A_518, %xor3A_526 : vector<16xi32>
          %shift_left3A_528 = arith.constant 29 : i32
          %shift_left3A_529 = vector.broadcast %shift_left3A_528 : i32 to vector<16xi32>
          %shift_left3A_530 = arith.shli %xor3A_526, %shift_left3A_529 : vector<16xi32>
          %shift_right_logical3A_531 = arith.constant 3 : i32
          %shift_right_logical3A_532 = vector.broadcast %shift_right_logical3A_531 : i32 to vector<16xi32>
          %shift_right_logical3A_533 = arith.shrui %xor3A_526, %shift_right_logical3A_532 : vector<16xi32>
          %or3A_534 = arith.ori %shift_left3A_530, %shift_right_logical3A_533 : vector<16xi32>
          %xor3A_535 = arith.xori %add3A_527, %or3A_534 : vector<16xi32>
          %add3A_536 = arith.addi %add3A_527, %xor3A_535 : vector<16xi32>
          %shift_left3A_537 = arith.constant 16 : i32
          %shift_left3A_538 = vector.broadcast %shift_left3A_537 : i32 to vector<16xi32>
          %shift_left3A_539 = arith.shli %xor3A_535, %shift_left3A_538 : vector<16xi32>
          %shift_right_logical3A_540 = arith.constant 16 : i32
          %shift_right_logical3A_541 = vector.broadcast %shift_right_logical3A_540 : i32 to vector<16xi32>
          %shift_right_logical3A_542 = arith.shrui %xor3A_535, %shift_right_logical3A_541 : vector<16xi32>
          %or3A_543 = arith.ori %shift_left3A_539, %shift_right_logical3A_542 : vector<16xi32>
          %xor3A_544 = arith.xori %add3A_536, %or3A_543 : vector<16xi32>
          %add3A_545 = arith.addi %add3A_536, %xor3A_544 : vector<16xi32>
          %shift_left3A_546 = arith.constant 24 : i32
          %shift_left3A_547 = vector.broadcast %shift_left3A_546 : i32 to vector<16xi32>
          %shift_left3A_548 = arith.shli %xor3A_544, %shift_left3A_547 : vector<16xi32>
          %shift_right_logical3A_549 = arith.constant 8 : i32
          %shift_right_logical3A_550 = vector.broadcast %shift_right_logical3A_549 : i32 to vector<16xi32>
          %shift_right_logical3A_551 = arith.shrui %xor3A_544, %shift_right_logical3A_550 : vector<16xi32>
          %or3A_552 = arith.ori %shift_left3A_548, %shift_right_logical3A_551 : vector<16xi32>
          %xor3A_553 = arith.xori %add3A_545, %or3A_552 : vector<16xi32>
          %add3A_554 = arith.constant 270669613 : i32
          %add3A_555 = vector.broadcast %add3A_554 : i32 to vector<16xi32>
          %add3A_556 = arith.addi %add3A_545, %add3A_555 : vector<16xi32>
          %add3A_557 = arith.constant 1724713080 : i32
          %add3A_558 = vector.broadcast %add3A_557 : i32 to vector<16xi32>
          %add3A_559 = arith.addi %xor3A_553, %add3A_558 : vector<16xi32>
          %add3A_560 = arith.constant 4 : i32
          %add3A_561 = vector.broadcast %add3A_560 : i32 to vector<16xi32>
          %add3A_562 = arith.addi %add3A_559, %add3A_561 : vector<16xi32>
          %add3A_563 = arith.addi %add3A_556, %add3A_562 : vector<16xi32>
          %shift_left3A_564 = arith.constant 13 : i32
          %shift_left3A_565 = vector.broadcast %shift_left3A_564 : i32 to vector<16xi32>
          %shift_left3A_566 = arith.shli %add3A_562, %shift_left3A_565 : vector<16xi32>
          %shift_right_logical3A_567 = arith.constant 19 : i32
          %shift_right_logical3A_568 = vector.broadcast %shift_right_logical3A_567 : i32 to vector<16xi32>
          %shift_right_logical3A_569 = arith.shrui %add3A_562, %shift_right_logical3A_568 : vector<16xi32>
          %or3A_570 = arith.ori %shift_left3A_566, %shift_right_logical3A_569 : vector<16xi32>
          %xor3A_571 = arith.xori %add3A_563, %or3A_570 : vector<16xi32>
          %add3A_572 = arith.addi %add3A_563, %xor3A_571 : vector<16xi32>
          %shift_left3A_573 = arith.constant 15 : i32
          %shift_left3A_574 = vector.broadcast %shift_left3A_573 : i32 to vector<16xi32>
          %shift_left3A_575 = arith.shli %xor3A_571, %shift_left3A_574 : vector<16xi32>
          %shift_right_logical3A_576 = arith.constant 17 : i32
          %shift_right_logical3A_577 = vector.broadcast %shift_right_logical3A_576 : i32 to vector<16xi32>
          %shift_right_logical3A_578 = arith.shrui %xor3A_571, %shift_right_logical3A_577 : vector<16xi32>
          %or3A_579 = arith.ori %shift_left3A_575, %shift_right_logical3A_578 : vector<16xi32>
          %xor3A_580 = arith.xori %add3A_572, %or3A_579 : vector<16xi32>
          %add3A_581 = arith.addi %add3A_572, %xor3A_580 : vector<16xi32>
          %shift_left3A_582 = arith.constant 26 : i32
          %shift_left3A_583 = vector.broadcast %shift_left3A_582 : i32 to vector<16xi32>
          %shift_left3A_584 = arith.shli %xor3A_580, %shift_left3A_583 : vector<16xi32>
          %shift_right_logical3A_585 = arith.constant 6 : i32
          %shift_right_logical3A_586 = vector.broadcast %shift_right_logical3A_585 : i32 to vector<16xi32>
          %shift_right_logical3A_587 = arith.shrui %xor3A_580, %shift_right_logical3A_586 : vector<16xi32>
          %or3A_588 = arith.ori %shift_left3A_584, %shift_right_logical3A_587 : vector<16xi32>
          %xor3A_589 = arith.xori %add3A_581, %or3A_588 : vector<16xi32>
          %add3A_590 = arith.addi %add3A_581, %xor3A_589 : vector<16xi32>
          %shift_left3A_591 = arith.constant 6 : i32
          %shift_left3A_592 = vector.broadcast %shift_left3A_591 : i32 to vector<16xi32>
          %shift_left3A_593 = arith.shli %xor3A_589, %shift_left3A_592 : vector<16xi32>
          %shift_right_logical3A_594 = arith.constant 26 : i32
          %shift_right_logical3A_595 = vector.broadcast %shift_right_logical3A_594 : i32 to vector<16xi32>
          %shift_right_logical3A_596 = arith.shrui %xor3A_589, %shift_right_logical3A_595 : vector<16xi32>
          %or3A_597 = arith.ori %shift_left3A_593, %shift_right_logical3A_596 : vector<16xi32>
          %xor3A_598 = arith.xori %add3A_590, %or3A_597 : vector<16xi32>
          %add3A_599 = arith.constant 1724713080 : i32
          %add3A_600 = vector.broadcast %add3A_599 : i32 to vector<16xi32>
          %add3A_601 = arith.addi %add3A_590, %add3A_600 : vector<16xi32>
          %add3A_602 = arith.constant 1832780943 : i32
          %add3A_603 = vector.broadcast %add3A_602 : i32 to vector<16xi32>
          %add3A_604 = arith.addi %xor3A_598, %add3A_603 : vector<16xi32>
          %add3A_605 = arith.constant 5 : i32
          %add3A_606 = vector.broadcast %add3A_605 : i32 to vector<16xi32>
          %add3A_607 = arith.addi %add3A_604, %add3A_606 : vector<16xi32>
          %xor3A_608 = arith.xori %add3A_601, %add3A_607 : vector<16xi32>
          %ge3A_609 = arith.constant -15626240 : i32
          %ge3A_610 = vector.broadcast %ge3A_609 : i32 to vector<16xi32>
          %ge3A_611 = arith.cmpi uge, %xor3A_608, %ge3A_610 : vector<16xi32>
          %jit3A_612 = arith.constant 0.389012098 : f32
          %broadcast_in_dim3A_613 = vector.broadcast %jit3A_612 : f32 to vector<16xf32>
          %select_n3A_614 = arith.select %ge3A_611, %broadcast_in_dim3A_613, %get3A_373 : vector<16xi1>, vector<16xf32>
          %le3A_615 = arith.constant 14329343 : i32
          %le3A_616 = vector.broadcast %le3A_615 : i32 to vector<16xi32>
          %le3A_617 = arith.cmpi ule, %xor3A_608, %le3A_616 : vector<16xi32>
          %jit3A_618 = arith.constant -0.256260395 : f32
          %broadcast_in_dim3A_619 = vector.broadcast %jit3A_618 : f32 to vector<16xf32>
          %select_n3A_620 = arith.select %le3A_617, %broadcast_in_dim3A_619, %select_n3A_614 : vector<16xi1>, vector<16xf32>
          %swap3A_621 = arith.index_cast %add3A_110 : i32 to index
          %swap3A_622 = arith.index_cast %add3A_369 : i32 to index
          %swap3A_623 = tpu.vector_load %arg7[%swap3A_621, %swap3A_622] {strides = array<i32>} : memref<64x384xf32, #tpu.memory_space<vmem>>, vector<1x16xf32>,
          %swap3A_624 = vector.shape_cast %swap3A_623 : vector<1x16xf32> to vector<16xf32>
          %swap3A_625 = vector.shape_cast %select_n3A_620 : vector<16xf32> to vector<1x16xf32>
          tpu.vector_store %arg7[%swap3A_621, %swap3A_622], %swap3A_625 {strides = array<i32>} : memref<64x384xf32, #tpu.memory_space<vmem>>, vector<1x16xf32>,
          %mul3A_626 = arith.constant 128 : i32
          %mul3A_627 = arith.muli %shift_right_arithmetic3A_106, %mul3A_626 : i32
          %add3A_628 = arith.constant 32 : i32
          %add3A_629 = arith.addi %mul3A_627, %add3A_628 : i32
          %get3A_630 = arith.index_cast %add3A_110 : i32 to index
          %get3A_631 = arith.index_cast %add3A_629 : i32 to index
          %get3A_632 = tpu.vector_load %arg5[%get3A_630, %get3A_631] {strides = array<i32>} : memref<64x384xf32, #tpu.memory_space<vmem>>, vector<1x16xf32>,
          %get3A_633 = vector.shape_cast %get3A_632 : vector<1x16xf32> to vector<16xf32>
          %add3A_634 = arith.constant 32 : i32
          %add3A_635 = arith.addi %add3A_116, %add3A_634 : i32
          %add3A_636 = vector.broadcast %add3A_635 : i32 to vector<16xi32>
          %add3A_637 = arith.addi %add3A_636, %iota3A : vector<16xi32>
          %broadcast_in_dim3A_638 = arith.constant 1832780943 : i32
          %broadcast_in_dim3A_639 = vector.broadcast %broadcast_in_dim3A_638 : i32 to vector<16xi32>
          %add3A_640 = arith.constant 270669613 : i32
          %add3A_641 = vector.broadcast %add3A_640 : i32 to vector<16xi32>
          %add3A_642 = arith.addi %add3A_637, %add3A_641 : vector<16xi32>
          %add3A_643 = arith.addi %broadcast_in_dim3A_639, %add3A_642 : vector<16xi32>
          %shift_left3A_644 = arith.constant 13 : i32
          %shift_left3A_645 = vector.broadcast %shift_left3A_644 : i32 to vector<16xi32>
          %shift_left3A_646 = arith.shli %add3A_642, %shift_left3A_645 : vector<16xi32>
          %shift_right_logical3A_647 = arith.constant 19 : i32
          %shift_right_logical3A_648 = vector.broadcast %shift_right_logical3A_647 : i32 to vector<16xi32>
          %shift_right_logical3A_649 = arith.shrui %add3A_642, %shift_right_logical3A_648 : vector<16xi32>
          %or3A_650 = arith.ori %shift_left3A_646, %shift_right_logical3A_649 : vector<16xi32>
          %xor3A_651 = arith.xori %add3A_643, %or3A_650 : vector<16xi32>
          %add3A_652 = arith.addi %add3A_643, %xor3A_651 : vector<16xi32>
          %shift_left3A_653 = arith.constant 15 : i32
          %shift_left3A_654 = vector.broadcast %shift_left3A_653 : i32 to vector<16xi32>
          %shift_left3A_655 = arith.shli %xor3A_651, %shift_left3A_654 : vector<16xi32>
          %shift_right_logical3A_656 = arith.constant 17 : i32
          %shift_right_logical3A_657 = vector.broadcast %shift_right_logical3A_656 : i32 to vector<16xi32>
          %shift_right_logical3A_658 = arith.shrui %xor3A_651, %shift_right_logical3A_657 : vector<16xi32>
          %or3A_659 = arith.ori %shift_left3A_655, %shift_right_logical3A_658 : vector<16xi32>
          %xor3A_660 = arith.xori %add3A_652, %or3A_659 : vector<16xi32>
          %add3A_661 = arith.addi %add3A_652, %xor3A_660 : vector<16xi32>
          %shift_left3A_662 = arith.constant 26 : i32
          %shift_left3A_663 = vector.broadcast %shift_left3A_662 : i32 to vector<16xi32>
          %shift_left3A_664 = arith.shli %xor3A_660, %shift_left3A_663 : vector<16xi32>
          %shift_right_logical3A_665 = arith.constant 6 : i32
          %shift_right_logical3A_666 = vector.broadcast %shift_right_logical3A_665 : i32 to vector<16xi32>
          %shift_right_logical3A_667 = arith.shrui %xor3A_660, %shift_right_logical3A_666 : vector<16xi32>
          %or3A_668 = arith.ori %shift_left3A_664, %shift_right_logical3A_667 : vector<16xi32>
          %xor3A_669 = arith.xori %add3A_661, %or3A_668 : vector<16xi32>
          %add3A_670 = arith.addi %add3A_661, %xor3A_669 : vector<16xi32>
          %shift_left3A_671 = arith.constant 6 : i32
          %shift_left3A_672 = vector.broadcast %shift_left3A_671 : i32 to vector<16xi32>
          %shift_left3A_673 = arith.shli %xor3A_669, %shift_left3A_672 : vector<16xi32>
          %shift_right_logical3A_674 = arith.constant 26 : i32
          %shift_right_logical3A_675 = vector.broadcast %shift_right_logical3A_674 : i32 to vector<16xi32>
          %shift_right_logical3A_676 = arith.shrui %xor3A_669, %shift_right_logical3A_675 : vector<16xi32>
          %or3A_677 = arith.ori %shift_left3A_673, %shift_right_logical3A_676 : vector<16xi32>
          %xor3A_678 = arith.xori %add3A_670, %or3A_677 : vector<16xi32>
          %add3A_679 = arith.constant 270669613 : i32
          %add3A_680 = vector.broadcast %add3A_679 : i32 to vector<16xi32>
          %add3A_681 = arith.addi %add3A_670, %add3A_680 : vector<16xi32>
          %add3A_682 = arith.constant 1724713080 : i32
          %add3A_683 = vector.broadcast %add3A_682 : i32 to vector<16xi32>
          %add3A_684 = arith.addi %xor3A_678, %add3A_683 : vector<16xi32>
          %add3A_685 = arith.constant 1 : i32
          %add3A_686 = vector.broadcast %add3A_685 : i32 to vector<16xi32>
          %add3A_687 = arith.addi %add3A_684, %add3A_686 : vector<16xi32>
          %add3A_688 = arith.addi %add3A_681, %add3A_687 : vector<16xi32>
          %shift_left3A_689 = arith.constant 17 : i32
          %shift_left3A_690 = vector.broadcast %shift_left3A_689 : i32 to vector<16xi32>
          %shift_left3A_691 = arith.shli %add3A_687, %shift_left3A_690 : vector<16xi32>
          %shift_right_logical3A_692 = arith.constant 15 : i32
          %shift_right_logical3A_693 = vector.broadcast %shift_right_logical3A_692 : i32 to vector<16xi32>
          %shift_right_logical3A_694 = arith.shrui %add3A_687, %shift_right_logical3A_693 : vector<16xi32>
          %or3A_695 = arith.ori %shift_left3A_691, %shift_right_logical3A_694 : vector<16xi32>
          %xor3A_696 = arith.xori %add3A_688, %or3A_695 : vector<16xi32>
          %add3A_697 = arith.addi %add3A_688, %xor3A_696 : vector<16xi32>
          %shift_left3A_698 = arith.constant 29 : i32
          %shift_left3A_699 = vector.broadcast %shift_left3A_698 : i32 to vector<16xi32>
          %shift_left3A_700 = arith.shli %xor3A_696, %shift_left3A_699 : vector<16xi32>
          %shift_right_logical3A_701 = arith.constant 3 : i32
          %shift_right_logical3A_702 = vector.broadcast %shift_right_logical3A_701 : i32 to vector<16xi32>
          %shift_right_logical3A_703 = arith.shrui %xor3A_696, %shift_right_logical3A_702 : vector<16xi32>
          %or3A_704 = arith.ori %shift_left3A_700, %shift_right_logical3A_703 : vector<16xi32>
          %xor3A_705 = arith.xori %add3A_697, %or3A_704 : vector<16xi32>
          %add3A_706 = arith.addi %add3A_697, %xor3A_705 : vector<16xi32>
          %shift_left3A_707 = arith.constant 16 : i32
          %shift_left3A_708 = vector.broadcast %shift_left3A_707 : i32 to vector<16xi32>
          %shift_left3A_709 = arith.shli %xor3A_705, %shift_left3A_708 : vector<16xi32>
          %shift_right_logical3A_710 = arith.constant 16 : i32
          %shift_right_logical3A_711 = vector.broadcast %shift_right_logical3A_710 : i32 to vector<16xi32>
          %shift_right_logical3A_712 = arith.shrui %xor3A_705, %shift_right_logical3A_711 : vector<16xi32>
          %or3A_713 = arith.ori %shift_left3A_709, %shift_right_logical3A_712 : vector<16xi32>
          %xor3A_714 = arith.xori %add3A_706, %or3A_713 : vector<16xi32>
          %add3A_715 = arith.addi %add3A_706, %xor3A_714 : vector<16xi32>
          %shift_left3A_716 = arith.constant 24 : i32
          %shift_left3A_717 = vector.broadcast %shift_left3A_716 : i32 to vector<16xi32>
          %shift_left3A_718 = arith.shli %xor3A_714, %shift_left3A_717 : vector<16xi32>
          %shift_right_logical3A_719 = arith.constant 8 : i32
          %shift_right_logical3A_720 = vector.broadcast %shift_right_logical3A_719 : i32 to vector<16xi32>
          %shift_right_logical3A_721 = arith.shrui %xor3A_714, %shift_right_logical3A_720 : vector<16xi32>
          %or3A_722 = arith.ori %shift_left3A_718, %shift_right_logical3A_721 : vector<16xi32>
          %xor3A_723 = arith.xori %add3A_715, %or3A_722 : vector<16xi32>
          %add3A_724 = arith.constant 1724713080 : i32
          %add3A_725 = vector.broadcast %add3A_724 : i32 to vector<16xi32>
          %add3A_726 = arith.addi %add3A_715, %add3A_725 : vector<16xi32>
          %add3A_727 = arith.constant 1832780943 : i32
          %add3A_728 = vector.broadcast %add3A_727 : i32 to vector<16xi32>
          %add3A_729 = arith.addi %xor3A_723, %add3A_728 : vector<16xi32>
          %add3A_730 = arith.constant 2 : i32
          %add3A_731 = vector.broadcast %add3A_730 : i32 to vector<16xi32>
          %add3A_732 = arith.addi %add3A_729, %add3A_731 : vector<16xi32>
          %add3A_733 = arith.addi %add3A_726, %add3A_732 : vector<16xi32>
          %shift_left3A_734 = arith.constant 13 : i32
          %shift_left3A_735 = vector.broadcast %shift_left3A_734 : i32 to vector<16xi32>
          %shift_left3A_736 = arith.shli %add3A_732, %shift_left3A_735 : vector<16xi32>
          %shift_right_logical3A_737 = arith.constant 19 : i32
          %shift_right_logical3A_738 = vector.broadcast %shift_right_logical3A_737 : i32 to vector<16xi32>
          %shift_right_logical3A_739 = arith.shrui %add3A_732, %shift_right_logical3A_738 : vector<16xi32>
          %or3A_740 = arith.ori %shift_left3A_736, %shift_right_logical3A_739 : vector<16xi32>
          %xor3A_741 = arith.xori %add3A_733, %or3A_740 : vector<16xi32>
          %add3A_742 = arith.addi %add3A_733, %xor3A_741 : vector<16xi32>
          %shift_left3A_743 = arith.constant 15 : i32
          %shift_left3A_744 = vector.broadcast %shift_left3A_743 : i32 to vector<16xi32>
          %shift_left3A_745 = arith.shli %xor3A_741, %shift_left3A_744 : vector<16xi32>
          %shift_right_logical3A_746 = arith.constant 17 : i32
          %shift_right_logical3A_747 = vector.broadcast %shift_right_logical3A_746 : i32 to vector<16xi32>
          %shift_right_logical3A_748 = arith.shrui %xor3A_741, %shift_right_logical3A_747 : vector<16xi32>
          %or3A_749 = arith.ori %shift_left3A_745, %shift_right_logical3A_748 : vector<16xi32>
          %xor3A_750 = arith.xori %add3A_742, %or3A_749 : vector<16xi32>
          %add3A_751 = arith.addi %add3A_742, %xor3A_750 : vector<16xi32>
          %shift_left3A_752 = arith.constant 26 : i32
          %shift_left3A_753 = vector.broadcast %shift_left3A_752 : i32 to vector<16xi32>
          %shift_left3A_754 = arith.shli %xor3A_750, %shift_left3A_753 : vector<16xi32>
          %shift_right_logical3A_755 = arith.constant 6 : i32
          %shift_right_logical3A_756 = vector.broadcast %shift_right_logical3A_755 : i32 to vector<16xi32>
          %shift_right_logical3A_757 = arith.shrui %xor3A_750, %shift_right_logical3A_756 : vector<16xi32>
          %or3A_758 = arith.ori %shift_left3A_754, %shift_right_logical3A_757 : vector<16xi32>
          %xor3A_759 = arith.xori %add3A_751, %or3A_758 : vector<16xi32>
          %add3A_760 = arith.addi %add3A_751, %xor3A_759 : vector<16xi32>
          %shift_left3A_761 = arith.constant 6 : i32
          %shift_left3A_762 = vector.broadcast %shift_left3A_761 : i32 to vector<16xi32>
          %shift_left3A_763 = arith.shli %xor3A_759, %shift_left3A_762 : vector<16xi32>
          %shift_right_logical3A_764 = arith.constant 26 : i32
          %shift_right_logical3A_765 = vector.broadcast %shift_right_logical3A_764 : i32 to vector<16xi32>
          %shift_right_logical3A_766 = arith.shrui %xor3A_759, %shift_right_logical3A_765 : vector<16xi32>
          %or3A_767 = arith.ori %shift_left3A_763, %shift_right_logical3A_766 : vector<16xi32>
          %xor3A_768 = arith.xori %add3A_760, %or3A_767 : vector<16xi32>
          %add3A_769 = arith.constant 1832780943 : i32
          %add3A_770 = vector.broadcast %add3A_769 : i32 to vector<16xi32>
          %add3A_771 = arith.addi %add3A_760, %add3A_770 : vector<16xi32>
          %add3A_772 = arith.constant 270669613 : i32
          %add3A_773 = vector.broadcast %add3A_772 : i32 to vector<16xi32>
          %add3A_774 = arith.addi %xor3A_768, %add3A_773 : vector<16xi32>
          %add3A_775 = arith.constant 3 : i32
          %add3A_776 = vector.broadcast %add3A_775 : i32 to vector<16xi32>
          %add3A_777 = arith.addi %add3A_774, %add3A_776 : vector<16xi32>
          %add3A_778 = arith.addi %add3A_771, %add3A_777 : vector<16xi32>
          %shift_left3A_779 = arith.constant 17 : i32
          %shift_left3A_780 = vector.broadcast %shift_left3A_779 : i32 to vector<16xi32>
          %shift_left3A_781 = arith.shli %add3A_777, %shift_left3A_780 : vector<16xi32>
          %shift_right_logical3A_782 = arith.constant 15 : i32
          %shift_right_logical3A_783 = vector.broadcast %shift_right_logical3A_782 : i32 to vector<16xi32>
          %shift_right_logical3A_784 = arith.shrui %add3A_777, %shift_right_logical3A_783 : vector<16xi32>
          %or3A_785 = arith.ori %shift_left3A_781, %shift_right_logical3A_784 : vector<16xi32>
          %xor3A_786 = arith.xori %add3A_778, %or3A_785 : vector<16xi32>
          %add3A_787 = arith.addi %add3A_778, %xor3A_786 : vector<16xi32>
          %shift_left3A_788 = arith.constant 29 : i32
          %shift_left3A_789 = vector.broadcast %shift_left3A_788 : i32 to vector<16xi32>
          %shift_left3A_790 = arith.shli %xor3A_786, %shift_left3A_789 : vector<16xi32>
          %shift_right_logical3A_791 = arith.constant 3 : i32
          %shift_right_logical3A_792 = vector.broadcast %shift_right_logical3A_791 : i32 to vector<16xi32>
          %shift_right_logical3A_793 = arith.shrui %xor3A_786, %shift_right_logical3A_792 : vector<16xi32>
          %or3A_794 = arith.ori %shift_left3A_790, %shift_right_logical3A_793 : vector<16xi32>
          %xor3A_795 = arith.xori %add3A_787, %or3A_794 : vector<16xi32>
          %add3A_796 = arith.addi %add3A_787, %xor3A_795 : vector<16xi32>
          %shift_left3A_797 = arith.constant 16 : i32
          %shift_left3A_798 = vector.broadcast %shift_left3A_797 : i32 to vector<16xi32>
          %shift_left3A_799 = arith.shli %xor3A_795, %shift_left3A_798 : vector<16xi32>
          %shift_right_logical3A_800 = arith.constant 16 : i32
          %shift_right_logical3A_801 = vector.broadcast %shift_right_logical3A_800 : i32 to vector<16xi32>
          %shift_right_logical3A_802 = arith.shrui %xor3A_795, %shift_right_logical3A_801 : vector<16xi32>
          %or3A_803 = arith.ori %shift_left3A_799, %shift_right_logical3A_802 : vector<16xi32>
          %xor3A_804 = arith.xori %add3A_796, %or3A_803 : vector<16xi32>
          %add3A_805 = arith.addi %add3A_796, %xor3A_804 : vector<16xi32>
          %shift_left3A_806 = arith.constant 24 : i32
          %shift_left3A_807 = vector.broadcast %shift_left3A_806 : i32 to vector<16xi32>
          %shift_left3A_808 = arith.shli %xor3A_804, %shift_left3A_807 : vector<16xi32>
          %shift_right_logical3A_809 = arith.constant 8 : i32
          %shift_right_logical3A_810 = vector.broadcast %shift_right_logical3A_809 : i32 to vector<16xi32>
          %shift_right_logical3A_811 = arith.shrui %xor3A_804, %shift_right_logical3A_810 : vector<16xi32>
          %or3A_812 = arith.ori %shift_left3A_808, %shift_right_logical3A_811 : vector<16xi32>
          %xor3A_813 = arith.xori %add3A_805, %or3A_812 : vector<16xi32>
          %add3A_814 = arith.constant 270669613 : i32
          %add3A_815 = vector.broadcast %add3A_814 : i32 to vector<16xi32>
          %add3A_816 = arith.addi %add3A_805, %add3A_815 : vector<16xi32>
          %add3A_817 = arith.constant 1724713080 : i32
          %add3A_818 = vector.broadcast %add3A_817 : i32 to vector<16xi32>
          %add3A_819 = arith.addi %xor3A_813, %add3A_818 : vector<16xi32>
          %add3A_820 = arith.constant 4 : i32
          %add3A_821 = vector.broadcast %add3A_820 : i32 to vector<16xi32>
          %add3A_822 = arith.addi %add3A_819, %add3A_821 : vector<16xi32>
          %add3A_823 = arith.addi %add3A_816, %add3A_822 : vector<16xi32>
          %shift_left3A_824 = arith.constant 13 : i32
          %shift_left3A_825 = vector.broadcast %shift_left3A_824 : i32 to vector<16xi32>
          %shift_left3A_826 = arith.shli %add3A_822, %shift_left3A_825 : vector<16xi32>
          %shift_right_logical3A_827 = arith.constant 19 : i32
          %shift_right_logical3A_828 = vector.broadcast %shift_right_logical3A_827 : i32 to vector<16xi32>
          %shift_right_logical3A_829 = arith.shrui %add3A_822, %shift_right_logical3A_828 : vector<16xi32>
          %or3A_830 = arith.ori %shift_left3A_826, %shift_right_logical3A_829 : vector<16xi32>
          %xor3A_831 = arith.xori %add3A_823, %or3A_830 : vector<16xi32>
          %add3A_832 = arith.addi %add3A_823, %xor3A_831 : vector<16xi32>
          %shift_left3A_833 = arith.constant 15 : i32
          %shift_left3A_834 = vector.broadcast %shift_left3A_833 : i32 to vector<16xi32>
          %shift_left3A_835 = arith.shli %xor3A_831, %shift_left3A_834 : vector<16xi32>
          %shift_right_logical3A_836 = arith.constant 17 : i32
          %shift_right_logical3A_837 = vector.broadcast %shift_right_logical3A_836 : i32 to vector<16xi32>
          %shift_right_logical3A_838 = arith.shrui %xor3A_831, %shift_right_logical3A_837 : vector<16xi32>
          %or3A_839 = arith.ori %shift_left3A_835, %shift_right_logical3A_838 : vector<16xi32>
          %xor3A_840 = arith.xori %add3A_832, %or3A_839 : vector<16xi32>
          %add3A_841 = arith.addi %add3A_832, %xor3A_840 : vector<16xi32>
          %shift_left3A_842 = arith.constant 26 : i32
          %shift_left3A_843 = vector.broadcast %shift_left3A_842 : i32 to vector<16xi32>
          %shift_left3A_844 = arith.shli %xor3A_840, %shift_left3A_843 : vector<16xi32>
          %shift_right_logical3A_845 = arith.constant 6 : i32
          %shift_right_logical3A_846 = vector.broadcast %shift_right_logical3A_845 : i32 to vector<16xi32>
          %shift_right_logical3A_847 = arith.shrui %xor3A_840, %shift_right_logical3A_846 : vector<16xi32>
          %or3A_848 = arith.ori %shift_left3A_844, %shift_right_logical3A_847 : vector<16xi32>
          %xor3A_849 = arith.xori %add3A_841, %or3A_848 : vector<16xi32>
          %add3A_850 = arith.addi %add3A_841, %xor3A_849 : vector<16xi32>
          %shift_left3A_851 = arith.constant 6 : i32
          %shift_left3A_852 = vector.broadcast %shift_left3A_851 : i32 to vector<16xi32>
          %shift_left3A_853 = arith.shli %xor3A_849, %shift_left3A_852 : vector<16xi32>
          %shift_right_logical3A_854 = arith.constant 26 : i32
          %shift_right_logical3A_855 = vector.broadcast %shift_right_logical3A_854 : i32 to vector<16xi32>
          %shift_right_logical3A_856 = arith.shrui %xor3A_849, %shift_right_logical3A_855 : vector<16xi32>
          %or3A_857 = arith.ori %shift_left3A_853, %shift_right_logical3A_856 : vector<16xi32>
          %xor3A_858 = arith.xori %add3A_850, %or3A_857 : vector<16xi32>
          %add3A_859 = arith.constant 1724713080 : i32
          %add3A_860 = vector.broadcast %add3A_859 : i32 to vector<16xi32>
          %add3A_861 = arith.addi %add3A_850, %add3A_860 : vector<16xi32>
          %add3A_862 = arith.constant 1832780943 : i32
          %add3A_863 = vector.broadcast %add3A_862 : i32 to vector<16xi32>
          %add3A_864 = arith.addi %xor3A_858, %add3A_863 : vector<16xi32>
          %add3A_865 = arith.constant 5 : i32
          %add3A_866 = vector.broadcast %add3A_865 : i32 to vector<16xi32>
          %add3A_867 = arith.addi %add3A_864, %add3A_866 : vector<16xi32>
          %xor3A_868 = arith.xori %add3A_861, %add3A_867 : vector<16xi32>
          %ge3A_869 = arith.constant -15626240 : i32
          %ge3A_870 = vector.broadcast %ge3A_869 : i32 to vector<16xi32>
          %ge3A_871 = arith.cmpi uge, %xor3A_868, %ge3A_870 : vector<16xi32>
          %jit3A_872 = arith.constant 0.389012098 : f32
          %broadcast_in_dim3A_873 = vector.broadcast %jit3A_872 : f32 to vector<16xf32>
          %select_n3A_874 = arith.select %ge3A_871, %broadcast_in_dim3A_873, %get3A_633 : vector<16xi1>, vector<16xf32>
          %le3A_875 = arith.constant 14329343 : i32
          %le3A_876 = vector.broadcast %le3A_875 : i32 to vector<16xi32>
          %le3A_877 = arith.cmpi ule, %xor3A_868, %le3A_876 : vector<16xi32>
          %jit3A_878 = arith.constant -0.256260395 : f32
          %broadcast_in_dim3A_879 = vector.broadcast %jit3A_878 : f32 to vector<16xf32>
          %select_n3A_880 = arith.select %le3A_877, %broadcast_in_dim3A_879, %select_n3A_874 : vector<16xi1>, vector<16xf32>
          %swap3A_881 = arith.index_cast %add3A_110 : i32 to index
          %swap3A_882 = arith.index_cast %add3A_629 : i32 to index
          %swap3A_883 = tpu.vector_load %arg7[%swap3A_881, %swap3A_882] {strides = array<i32>} : memref<64x384xf32, #tpu.memory_space<vmem>>, vector<1x16xf32>,
          %swap3A_884 = vector.shape_cast %swap3A_883 : vector<1x16xf32> to vector<16xf32>
          %swap3A_885 = vector.shape_cast %select_n3A_880 : vector<16xf32> to vector<1x16xf32>
          tpu.vector_store %arg7[%swap3A_881, %swap3A_882], %swap3A_885 {strides = array<i32>} : memref<64x384xf32, #tpu.memory_space<vmem>>, vector<1x16xf32>,
          %mul3A_886 = arith.constant 128 : i32
          %mul3A_887 = arith.muli %shift_right_arithmetic3A_106, %mul3A_886 : i32
          %add3A_888 = arith.constant 48 : i32
          %add3A_889 = arith.addi %mul3A_887, %add3A_888 : i32
          %get3A_890 = arith.index_cast %add3A_110 : i32 to index
          %get3A_891 = arith.index_cast %add3A_889 : i32 to index
          %get3A_892 = tpu.vector_load %arg5[%get3A_890, %get3A_891] {strides = array<i32>} : memref<64x384xf32, #tpu.memory_space<vmem>>, vector<1x16xf32>,
          %get3A_893 = vector.shape_cast %get3A_892 : vector<1x16xf32> to vector<16xf32>
          %add3A_894 = arith.constant 48 : i32
          %add3A_895 = arith.addi %add3A_116, %add3A_894 : i32
          %add3A_896 = vector.broadcast %add3A_895 : i32 to vector<16xi32>
          %add3A_897 = arith.addi %add3A_896, %iota3A : vector<16xi32>
          %broadcast_in_dim3A_898 = arith.constant 1832780943 : i32
          %broadcast_in_dim3A_899 = vector.broadcast %broadcast_in_dim3A_898 : i32 to vector<16xi32>
          %add3A_900 = arith.constant 270669613 : i32
          %add3A_901 = vector.broadcast %add3A_900 : i32 to vector<16xi32>
          %add3A_902 = arith.addi %add3A_897, %add3A_901 : vector<16xi32>
          %add3A_903 = arith.addi %broadcast_in_dim3A_899, %add3A_902 : vector<16xi32>
          %shift_left3A_904 = arith.constant 13 : i32
          %shift_left3A_905 = vector.broadcast %shift_left3A_904 : i32 to vector<16xi32>
          %shift_left3A_906 = arith.shli %add3A_902, %shift_left3A_905 : vector<16xi32>
          %shift_right_logical3A_907 = arith.constant 19 : i32
          %shift_right_logical3A_908 = vector.broadcast %shift_right_logical3A_907 : i32 to vector<16xi32>
          %shift_right_logical3A_909 = arith.shrui %add3A_902, %shift_right_logical3A_908 : vector<16xi32>
          %or3A_910 = arith.ori %shift_left3A_906, %shift_right_logical3A_909 : vector<16xi32>
          %xor3A_911 = arith.xori %add3A_903, %or3A_910 : vector<16xi32>
          %add3A_912 = arith.addi %add3A_903, %xor3A_911 : vector<16xi32>
          %shift_left3A_913 = arith.constant 15 : i32
          %shift_left3A_914 = vector.broadcast %shift_left3A_913 : i32 to vector<16xi32>
          %shift_left3A_915 = arith.shli %xor3A_911, %shift_left3A_914 : vector<16xi32>
          %shift_right_logical3A_916 = arith.constant 17 : i32
          %shift_right_logical3A_917 = vector.broadcast %shift_right_logical3A_916 : i32 to vector<16xi32>
          %shift_right_logical3A_918 = arith.shrui %xor3A_911, %shift_right_logical3A_917 : vector<16xi32>
          %or3A_919 = arith.ori %shift_left3A_915, %shift_right_logical3A_918 : vector<16xi32>
          %xor3A_920 = arith.xori %add3A_912, %or3A_919 : vector<16xi32>
          %add3A_921 = arith.addi %add3A_912, %xor3A_920 : vector<16xi32>
          %shift_left3A_922 = arith.constant 26 : i32
          %shift_left3A_923 = vector.broadcast %shift_left3A_922 : i32 to vector<16xi32>
          %shift_left3A_924 = arith.shli %xor3A_920, %shift_left3A_923 : vector<16xi32>
          %shift_right_logical3A_925 = arith.constant 6 : i32
          %shift_right_logical3A_926 = vector.broadcast %shift_right_logical3A_925 : i32 to vector<16xi32>
          %shift_right_logical3A_927 = arith.shrui %xor3A_920, %shift_right_logical3A_926 : vector<16xi32>
          %or3A_928 = arith.ori %shift_left3A_924, %shift_right_logical3A_927 : vector<16xi32>
          %xor3A_929 = arith.xori %add3A_921, %or3A_928 : vector<16xi32>
          %add3A_930 = arith.addi %add3A_921, %xor3A_929 : vector<16xi32>
          %shift_left3A_931 = arith.constant 6 : i32
          %shift_left3A_932 = vector.broadcast %shift_left3A_931 : i32 to vector<16xi32>
          %shift_left3A_933 = arith.shli %xor3A_929, %shift_left3A_932 : vector<16xi32>
          %shift_right_logical3A_934 = arith.constant 26 : i32
          %shift_right_logical3A_935 = vector.broadcast %shift_right_logical3A_934 : i32 to vector<16xi32>
          %shift_right_logical3A_936 = arith.shrui %xor3A_929, %shift_right_logical3A_935 : vector<16xi32>
          %or3A_937 = arith.ori %shift_left3A_933, %shift_right_logical3A_936 : vector<16xi32>
          %xor3A_938 = arith.xori %add3A_930, %or3A_937 : vector<16xi32>
          %add3A_939 = arith.constant 270669613 : i32
          %add3A_940 = vector.broadcast %add3A_939 : i32 to vector<16xi32>
          %add3A_941 = arith.addi %add3A_930, %add3A_940 : vector<16xi32>
          %add3A_942 = arith.constant 1724713080 : i32
          %add3A_943 = vector.broadcast %add3A_942 : i32 to vector<16xi32>
          %add3A_944 = arith.addi %xor3A_938, %add3A_943 : vector<16xi32>
          %add3A_945 = arith.constant 1 : i32
          %add3A_946 = vector.broadcast %add3A_945 : i32 to vector<16xi32>
          %add3A_947 = arith.addi %add3A_944, %add3A_946 : vector<16xi32>
          %add3A_948 = arith.addi %add3A_941, %add3A_947 : vector<16xi32>
          %shift_left3A_949 = arith.constant 17 : i32
          %shift_left3A_950 = vector.broadcast %shift_left3A_949 : i32 to vector<16xi32>
          %shift_left3A_951 = arith.shli %add3A_947, %shift_left3A_950 : vector<16xi32>
          %shift_right_logical3A_952 = arith.constant 15 : i32
          %shift_right_logical3A_953 = vector.broadcast %shift_right_logical3A_952 : i32 to vector<16xi32>
          %shift_right_logical3A_954 = arith.shrui %add3A_947, %shift_right_logical3A_953 : vector<16xi32>
          %or3A_955 = arith.ori %shift_left3A_951, %shift_right_logical3A_954 : vector<16xi32>
          %xor3A_956 = arith.xori %add3A_948, %or3A_955 : vector<16xi32>
          %add3A_957 = arith.addi %add3A_948, %xor3A_956 : vector<16xi32>
          %shift_left3A_958 = arith.constant 29 : i32
          %shift_left3A_959 = vector.broadcast %shift_left3A_958 : i32 to vector<16xi32>
          %shift_left3A_960 = arith.shli %xor3A_956, %shift_left3A_959 : vector<16xi32>
          %shift_right_logical3A_961 = arith.constant 3 : i32
          %shift_right_logical3A_962 = vector.broadcast %shift_right_logical3A_961 : i32 to vector<16xi32>
          %shift_right_logical3A_963 = arith.shrui %xor3A_956, %shift_right_logical3A_962 : vector<16xi32>
          %or3A_964 = arith.ori %shift_left3A_960, %shift_right_logical3A_963 : vector<16xi32>
          %xor3A_965 = arith.xori %add3A_957, %or3A_964 : vector<16xi32>
          %add3A_966 = arith.addi %add3A_957, %xor3A_965 : vector<16xi32>
          %shift_left3A_967 = arith.constant 16 : i32
          %shift_left3A_968 = vector.broadcast %shift_left3A_967 : i32 to vector<16xi32>
          %shift_left3A_969 = arith.shli %xor3A_965, %shift_left3A_968 : vector<16xi32>
          %shift_right_logical3A_970 = arith.constant 16 : i32
          %shift_right_logical3A_971 = vector.broadcast %shift_right_logical3A_970 : i32 to vector<16xi32>
          %shift_right_logical3A_972 = arith.shrui %xor3A_965, %shift_right_logical3A_971 : vector<16xi32>
          %or3A_973 = arith.ori %shift_left3A_969, %shift_right_logical3A_972 : vector<16xi32>
          %xor3A_974 = arith.xori %add3A_966, %or3A_973 : vector<16xi32>
          %add3A_975 = arith.addi %add3A_966, %xor3A_974 : vector<16xi32>
          %shift_left3A_976 = arith.constant 24 : i32
          %shift_left3A_977 = vector.broadcast %shift_left3A_976 : i32 to vector<16xi32>
          %shift_left3A_978 = arith.shli %xor3A_974, %shift_left3A_977 : vector<16xi32>
          %shift_right_logical3A_979 = arith.constant 8 : i32
          %shift_right_logical3A_980 = vector.broadcast %shift_right_logical3A_979 : i32 to vector<16xi32>
          %shift_right_logical3A_981 = arith.shrui %xor3A_974, %shift_right_logical3A_980 : vector<16xi32>
          %or3A_982 = arith.ori %shift_left3A_978, %shift_right_logical3A_981 : vector<16xi32>
          %xor3A_983 = arith.xori %add3A_975, %or3A_982 : vector<16xi32>
          %add3A_984 = arith.constant 1724713080 : i32
          %add3A_985 = vector.broadcast %add3A_984 : i32 to vector<16xi32>
          %add3A_986 = arith.addi %add3A_975, %add3A_985 : vector<16xi32>
          %add3A_987 = arith.constant 1832780943 : i32
          %add3A_988 = vector.broadcast %add3A_987 : i32 to vector<16xi32>
          %add3A_989 = arith.addi %xor3A_983, %add3A_988 : vector<16xi32>
          %add3A_990 = arith.constant 2 : i32
          %add3A_991 = vector.broadcast %add3A_990 : i32 to vector<16xi32>
          %add3A_992 = arith.addi %add3A_989, %add3A_991 : vector<16xi32>
          %add3A_993 = arith.addi %add3A_986, %add3A_992 : vector<16xi32>
          %shift_left3A_994 = arith.constant 13 : i32
          %shift_left3A_995 = vector.broadcast %shift_left3A_994 : i32 to vector<16xi32>
          %shift_left3A_996 = arith.shli %add3A_992, %shift_left3A_995 : vector<16xi32>
          %shift_right_logical3A_997 = arith.constant 19 : i32
          %shift_right_logical3A_998 = vector.broadcast %shift_right_logical3A_997 : i32 to vector<16xi32>
          %shift_right_logical3A_999 = arith.shrui %add3A_992, %shift_right_logical3A_998 : vector<16xi32>
          %or3A_1000 = arith.ori %shift_left3A_996, %shift_right_logical3A_999 : vector<16xi32>
          %xor3A_1001 = arith.xori %add3A_993, %or3A_1000 : vector<16xi32>
          %add3A_1002 = arith.addi %add3A_993, %xor3A_1001 : vector<16xi32>
          %shift_left3A_1003 = arith.constant 15 : i32
          %shift_left3A_1004 = vector.broadcast %shift_left3A_1003 : i32 to vector<16xi32>
          %shift_left3A_1005 = arith.shli %xor3A_1001, %shift_left3A_1004 : vector<16xi32>
          %shift_right_logical3A_1006 = arith.constant 17 : i32
          %shift_right_logical3A_1007 = vector.broadcast %shift_right_logical3A_1006 : i32 to vector<16xi32>
          %shift_right_logical3A_1008 = arith.shrui %xor3A_1001, %shift_right_logical3A_1007 : vector<16xi32>
          %or3A_1009 = arith.ori %shift_left3A_1005, %shift_right_logical3A_1008 : vector<16xi32>
          %xor3A_1010 = arith.xori %add3A_1002, %or3A_1009 : vector<16xi32>
          %add3A_1011 = arith.addi %add3A_1002, %xor3A_1010 : vector<16xi32>
          %shift_left3A_1012 = arith.constant 26 : i32
          %shift_left3A_1013 = vector.broadcast %shift_left3A_1012 : i32 to vector<16xi32>
          %shift_left3A_1014 = arith.shli %xor3A_1010, %shift_left3A_1013 : vector<16xi32>
          %shift_right_logical3A_1015 = arith.constant 6 : i32
          %shift_right_logical3A_1016 = vector.broadcast %shift_right_logical3A_1015 : i32 to vector<16xi32>
          %shift_right_logical3A_1017 = arith.shrui %xor3A_1010, %shift_right_logical3A_1016 : vector<16xi32>
          %or3A_1018 = arith.ori %shift_left3A_1014, %shift_right_logical3A_1017 : vector<16xi32>
          %xor3A_1019 = arith.xori %add3A_1011, %or3A_1018 : vector<16xi32>
          %add3A_1020 = arith.addi %add3A_1011, %xor3A_1019 : vector<16xi32>
          %shift_left3A_1021 = arith.constant 6 : i32
          %shift_left3A_1022 = vector.broadcast %shift_left3A_1021 : i32 to vector<16xi32>
          %shift_left3A_1023 = arith.shli %xor3A_1019, %shift_left3A_1022 : vector<16xi32>
          %shift_right_logical3A_1024 = arith.constant 26 : i32
          %shift_right_logical3A_1025 = vector.broadcast %shift_right_logical3A_1024 : i32 to vector<16xi32>
          %shift_right_logical3A_1026 = arith.shrui %xor3A_1019, %shift_right_logical3A_1025 : vector<16xi32>
          %or3A_1027 = arith.ori %shift_left3A_1023, %shift_right_logical3A_1026 : vector<16xi32>
          %xor3A_1028 = arith.xori %add3A_1020, %or3A_1027 : vector<16xi32>
          %add3A_1029 = arith.constant 1832780943 : i32
          %add3A_1030 = vector.broadcast %add3A_1029 : i32 to vector<16xi32>
          %add3A_1031 = arith.addi %add3A_1020, %add3A_1030 : vector<16xi32>
          %add3A_1032 = arith.constant 270669613 : i32
          %add3A_1033 = vector.broadcast %add3A_1032 : i32 to vector<16xi32>
          %add3A_1034 = arith.addi %xor3A_1028, %add3A_1033 : vector<16xi32>
          %add3A_1035 = arith.constant 3 : i32
          %add3A_1036 = vector.broadcast %add3A_1035 : i32 to vector<16xi32>
          %add3A_1037 = arith.addi %add3A_1034, %add3A_1036 : vector<16xi32>
          %add3A_1038 = arith.addi %add3A_1031, %add3A_1037 : vector<16xi32>
          %shift_left3A_1039 = arith.constant 17 : i32
          %shift_left3A_1040 = vector.broadcast %shift_left3A_1039 : i32 to vector<16xi32>
          %shift_left3A_1041 = arith.shli %add3A_1037, %shift_left3A_1040 : vector<16xi32>
          %shift_right_logical3A_1042 = arith.constant 15 : i32
          %shift_right_logical3A_1043 = vector.broadcast %shift_right_logical3A_1042 : i32 to vector<16xi32>
          %shift_right_logical3A_1044 = arith.shrui %add3A_1037, %shift_right_logical3A_1043 : vector<16xi32>
          %or3A_1045 = arith.ori %shift_left3A_1041, %shift_right_logical3A_1044 : vector<16xi32>
          %xor3A_1046 = arith.xori %add3A_1038, %or3A_1045 : vector<16xi32>
          %add3A_1047 = arith.addi %add3A_1038, %xor3A_1046 : vector<16xi32>
          %shift_left3A_1048 = arith.constant 29 : i32
          %shift_left3A_1049 = vector.broadcast %shift_left3A_1048 : i32 to vector<16xi32>
          %shift_left3A_1050 = arith.shli %xor3A_1046, %shift_left3A_1049 : vector<16xi32>
          %shift_right_logical3A_1051 = arith.constant 3 : i32
          %shift_right_logical3A_1052 = vector.broadcast %shift_right_logical3A_1051 : i32 to vector<16xi32>
          %shift_right_logical3A_1053 = arith.shrui %xor3A_1046, %shift_right_logical3A_1052 : vector<16xi32>
          %or3A_1054 = arith.ori %shift_left3A_1050, %shift_right_logical3A_1053 : vector<16xi32>
          %xor3A_1055 = arith.xori %add3A_1047, %or3A_1054 : vector<16xi32>
          %add3A_1056 = arith.addi %add3A_1047, %xor3A_1055 : vector<16xi32>
          %shift_left3A_1057 = arith.constant 16 : i32
          %shift_left3A_1058 = vector.broadcast %shift_left3A_1057 : i32 to vector<16xi32>
          %shift_left3A_1059 = arith.shli %xor3A_1055, %shift_left3A_1058 : vector<16xi32>
          %shift_right_logical3A_1060 = arith.constant 16 : i32
          %shift_right_logical3A_1061 = vector.broadcast %shift_right_logical3A_1060 : i32 to vector<16xi32>
          %shift_right_logical3A_1062 = arith.shrui %xor3A_1055, %shift_right_logical3A_1061 : vector<16xi32>
          %or3A_1063 = arith.ori %shift_left3A_1059, %shift_right_logical3A_1062 : vector<16xi32>
          %xor3A_1064 = arith.xori %add3A_1056, %or3A_1063 : vector<16xi32>
          %add3A_1065 = arith.addi %add3A_1056, %xor3A_1064 : vector<16xi32>
          %shift_left3A_1066 = arith.constant 24 : i32
          %shift_left3A_1067 = vector.broadcast %shift_left3A_1066 : i32 to vector<16xi32>
          %shift_left3A_1068 = arith.shli %xor3A_1064, %shift_left3A_1067 : vector<16xi32>
          %shift_right_logical3A_1069 = arith.constant 8 : i32
          %shift_right_logical3A_1070 = vector.broadcast %shift_right_logical3A_1069 : i32 to vector<16xi32>
          %shift_right_logical3A_1071 = arith.shrui %xor3A_1064, %shift_right_logical3A_1070 : vector<16xi32>
          %or3A_1072 = arith.ori %shift_left3A_1068, %shift_right_logical3A_1071 : vector<16xi32>
          %xor3A_1073 = arith.xori %add3A_1065, %or3A_1072 : vector<16xi32>
          %add3A_1074 = arith.constant 270669613 : i32
          %add3A_1075 = vector.broadcast %add3A_1074 : i32 to vector<16xi32>
          %add3A_1076 = arith.addi %add3A_1065, %add3A_1075 : vector<16xi32>
          %add3A_1077 = arith.constant 1724713080 : i32
          %add3A_1078 = vector.broadcast %add3A_1077 : i32 to vector<16xi32>
          %add3A_1079 = arith.addi %xor3A_1073, %add3A_1078 : vector<16xi32>
          %add3A_1080 = arith.constant 4 : i32
          %add3A_1081 = vector.broadcast %add3A_1080 : i32 to vector<16xi32>
          %add3A_1082 = arith.addi %add3A_1079, %add3A_1081 : vector<16xi32>
          %add3A_1083 = arith.addi %add3A_1076, %add3A_1082 : vector<16xi32>
          %shift_left3A_1084 = arith.constant 13 : i32
          %shift_left3A_1085 = vector.broadcast %shift_left3A_1084 : i32 to vector<16xi32>
          %shift_left3A_1086 = arith.shli %add3A_1082, %shift_left3A_1085 : vector<16xi32>
          %shift_right_logical3A_1087 = arith.constant 19 : i32
          %shift_right_logical3A_1088 = vector.broadcast %shift_right_logical3A_1087 : i32 to vector<16xi32>
          %shift_right_logical3A_1089 = arith.shrui %add3A_1082, %shift_right_logical3A_1088 : vector<16xi32>
          %or3A_1090 = arith.ori %shift_left3A_1086, %shift_right_logical3A_1089 : vector<16xi32>
          %xor3A_1091 = arith.xori %add3A_1083, %or3A_1090 : vector<16xi32>
          %add3A_1092 = arith.addi %add3A_1083, %xor3A_1091 : vector<16xi32>
          %shift_left3A_1093 = arith.constant 15 : i32
          %shift_left3A_1094 = vector.broadcast %shift_left3A_1093 : i32 to vector<16xi32>
          %shift_left3A_1095 = arith.shli %xor3A_1091, %shift_left3A_1094 : vector<16xi32>
          %shift_right_logical3A_1096 = arith.constant 17 : i32
          %shift_right_logical3A_1097 = vector.broadcast %shift_right_logical3A_1096 : i32 to vector<16xi32>
          %shift_right_logical3A_1098 = arith.shrui %xor3A_1091, %shift_right_logical3A_1097 : vector<16xi32>
          %or3A_1099 = arith.ori %shift_left3A_1095, %shift_right_logical3A_1098 : vector<16xi32>
          %xor3A_1100 = arith.xori %add3A_1092, %or3A_1099 : vector<16xi32>
          %add3A_1101 = arith.addi %add3A_1092, %xor3A_1100 : vector<16xi32>
          %shift_left3A_1102 = arith.constant 26 : i32
          %shift_left3A_1103 = vector.broadcast %shift_left3A_1102 : i32 to vector<16xi32>
          %shift_left3A_1104 = arith.shli %xor3A_1100, %shift_left3A_1103 : vector<16xi32>
          %shift_right_logical3A_1105 = arith.constant 6 : i32
          %shift_right_logical3A_1106 = vector.broadcast %shift_right_logical3A_1105 : i32 to vector<16xi32>
          %shift_right_logical3A_1107 = arith.shrui %xor3A_1100, %shift_right_logical3A_1106 : vector<16xi32>
          %or3A_1108 = arith.ori %shift_left3A_1104, %shift_right_logical3A_1107 : vector<16xi32>
          %xor3A_1109 = arith.xori %add3A_1101, %or3A_1108 : vector<16xi32>
          %add3A_1110 = arith.addi %add3A_1101, %xor3A_1109 : vector<16xi32>
          %shift_left3A_1111 = arith.constant 6 : i32
          %shift_left3A_1112 = vector.broadcast %shift_left3A_1111 : i32 to vector<16xi32>
          %shift_left3A_1113 = arith.shli %xor3A_1109, %shift_left3A_1112 : vector<16xi32>
          %shift_right_logical3A_1114 = arith.constant 26 : i32
          %shift_right_logical3A_1115 = vector.broadcast %shift_right_logical3A_1114 : i32 to vector<16xi32>
          %shift_right_logical3A_1116 = arith.shrui %xor3A_1109, %shift_right_logical3A_1115 : vector<16xi32>
          %or3A_1117 = arith.ori %shift_left3A_1113, %shift_right_logical3A_1116 : vector<16xi32>
          %xor3A_1118 = arith.xori %add3A_1110, %or3A_1117 : vector<16xi32>
          %add3A_1119 = arith.constant 1724713080 : i32
          %add3A_1120 = vector.broadcast %add3A_1119 : i32 to vector<16xi32>
          %add3A_1121 = arith.addi %add3A_1110, %add3A_1120 : vector<16xi32>
          %add3A_1122 = arith.constant 1832780943 : i32
          %add3A_1123 = vector.broadcast %add3A_1122 : i32 to vector<16xi32>
          %add3A_1124 = arith.addi %xor3A_1118, %add3A_1123 : vector<16xi32>
          %add3A_1125 = arith.constant 5 : i32
          %add3A_1126 = vector.broadcast %add3A_1125 : i32 to vector<16xi32>
          %add3A_1127 = arith.addi %add3A_1124, %add3A_1126 : vector<16xi32>
          %xor3A_1128 = arith.xori %add3A_1121, %add3A_1127 : vector<16xi32>
          %ge3A_1129 = arith.constant -15626240 : i32
          %ge3A_1130 = vector.broadcast %ge3A_1129 : i32 to vector<16xi32>
          %ge3A_1131 = arith.cmpi uge, %xor3A_1128, %ge3A_1130 : vector<16xi32>
          %jit3A_1132 = arith.constant 0.389012098 : f32
          %broadcast_in_dim3A_1133 = vector.broadcast %jit3A_1132 : f32 to vector<16xf32>
          %select_n3A_1134 = arith.select %ge3A_1131, %broadcast_in_dim3A_1133, %get3A_893 : vector<16xi1>, vector<16xf32>
          %le3A_1135 = arith.constant 14329343 : i32
          %le3A_1136 = vector.broadcast %le3A_1135 : i32 to vector<16xi32>
          %le3A_1137 = arith.cmpi ule, %xor3A_1128, %le3A_1136 : vector<16xi32>
          %jit3A_1138 = arith.constant -0.256260395 : f32
          %broadcast_in_dim3A_1139 = vector.broadcast %jit3A_1138 : f32 to vector<16xf32>
          %select_n3A_1140 = arith.select %le3A_1137, %broadcast_in_dim3A_1139, %select_n3A_1134 : vector<16xi1>, vector<16xf32>
          %swap3A_1141 = arith.index_cast %add3A_110 : i32 to index
          %swap3A_1142 = arith.index_cast %add3A_889 : i32 to index
          %swap3A_1143 = tpu.vector_load %arg7[%swap3A_1141, %swap3A_1142] {strides = array<i32>} : memref<64x384xf32, #tpu.memory_space<vmem>>, vector<1x16xf32>,
          %swap3A_1144 = vector.shape_cast %swap3A_1143 : vector<1x16xf32> to vector<16xf32>
          %swap3A_1145 = vector.shape_cast %select_n3A_1140 : vector<16xf32> to vector<1x16xf32>
          tpu.vector_store %arg7[%swap3A_1141, %swap3A_1142], %swap3A_1145 {strides = array<i32>} : memref<64x384xf32, #tpu.memory_space<vmem>>, vector<1x16xf32>,
          %mul3A_1146 = arith.constant 128 : i32
          %mul3A_1147 = arith.muli %shift_right_arithmetic3A_106, %mul3A_1146 : i32
          %add3A_1148 = arith.constant 64 : i32
          %add3A_1149 = arith.addi %mul3A_1147, %add3A_1148 : i32
          %get3A_1150 = arith.index_cast %add3A_110 : i32 to index
          %get3A_1151 = arith.index_cast %add3A_1149 : i32 to index
          %get3A_1152 = tpu.vector_load %arg5[%get3A_1150, %get3A_1151] {strides = array<i32>} : memref<64x384xf32, #tpu.memory_space<vmem>>, vector<1x16xf32>,
          %get3A_1153 = vector.shape_cast %get3A_1152 : vector<1x16xf32> to vector<16xf32>
          %add3A_1154 = arith.constant 64 : i32
          %add3A_1155 = arith.addi %add3A_116, %add3A_1154 : i32
          %add3A_1156 = vector.broadcast %add3A_1155 : i32 to vector<16xi32>
          %add3A_1157 = arith.addi %add3A_1156, %iota3A : vector<16xi32>
          %broadcast_in_dim3A_1158 = arith.constant 1832780943 : i32
          %broadcast_in_dim3A_1159 = vector.broadcast %broadcast_in_dim3A_1158 : i32 to vector<16xi32>
          %add3A_1160 = arith.constant 270669613 : i32
          %add3A_1161 = vector.broadcast %add3A_1160 : i32 to vector<16xi32>
          %add3A_1162 = arith.addi %add3A_1157, %add3A_1161 : vector<16xi32>
          %add3A_1163 = arith.addi %broadcast_in_dim3A_1159, %add3A_1162 : vector<16xi32>
          %shift_left3A_1164 = arith.constant 13 : i32
          %shift_left3A_1165 = vector.broadcast %shift_left3A_1164 : i32 to vector<16xi32>
          %shift_left3A_1166 = arith.shli %add3A_1162, %shift_left3A_1165 : vector<16xi32>
          %shift_right_logical3A_1167 = arith.constant 19 : i32
          %shift_right_logical3A_1168 = vector.broadcast %shift_right_logical3A_1167 : i32 to vector<16xi32>
          %shift_right_logical3A_1169 = arith.shrui %add3A_1162, %shift_right_logical3A_1168 : vector<16xi32>
          %or3A_1170 = arith.ori %shift_left3A_1166, %shift_right_logical3A_1169 : vector<16xi32>
          %xor3A_1171 = arith.xori %add3A_1163, %or3A_1170 : vector<16xi32>
          %add3A_1172 = arith.addi %add3A_1163, %xor3A_1171 : vector<16xi32>
          %shift_left3A_1173 = arith.constant 15 : i32
          %shift_left3A_1174 = vector.broadcast %shift_left3A_1173 : i32 to vector<16xi32>
          %shift_left3A_1175 = arith.shli %xor3A_1171, %shift_left3A_1174 : vector<16xi32>
          %shift_right_logical3A_1176 = arith.constant 17 : i32
          %shift_right_logical3A_1177 = vector.broadcast %shift_right_logical3A_1176 : i32 to vector<16xi32>
          %shift_right_logical3A_1178 = arith.shrui %xor3A_1171, %shift_right_logical3A_1177 : vector<16xi32>
          %or3A_1179 = arith.ori %shift_left3A_1175, %shift_right_logical3A_1178 : vector<16xi32>
          %xor3A_1180 = arith.xori %add3A_1172, %or3A_1179 : vector<16xi32>
          %add3A_1181 = arith.addi %add3A_1172, %xor3A_1180 : vector<16xi32>
          %shift_left3A_1182 = arith.constant 26 : i32
          %shift_left3A_1183 = vector.broadcast %shift_left3A_1182 : i32 to vector<16xi32>
          %shift_left3A_1184 = arith.shli %xor3A_1180, %shift_left3A_1183 : vector<16xi32>
          %shift_right_logical3A_1185 = arith.constant 6 : i32
          %shift_right_logical3A_1186 = vector.broadcast %shift_right_logical3A_1185 : i32 to vector<16xi32>
          %shift_right_logical3A_1187 = arith.shrui %xor3A_1180, %shift_right_logical3A_1186 : vector<16xi32>
          %or3A_1188 = arith.ori %shift_left3A_1184, %shift_right_logical3A_1187 : vector<16xi32>
          %xor3A_1189 = arith.xori %add3A_1181, %or3A_1188 : vector<16xi32>
          %add3A_1190 = arith.addi %add3A_1181, %xor3A_1189 : vector<16xi32>
          %shift_left3A_1191 = arith.constant 6 : i32
          %shift_left3A_1192 = vector.broadcast %shift_left3A_1191 : i32 to vector<16xi32>
          %shift_left3A_1193 = arith.shli %xor3A_1189, %shift_left3A_1192 : vector<16xi32>
          %shift_right_logical3A_1194 = arith.constant 26 : i32
          %shift_right_logical3A_1195 = vector.broadcast %shift_right_logical3A_1194 : i32 to vector<16xi32>
          %shift_right_logical3A_1196 = arith.shrui %xor3A_1189, %shift_right_logical3A_1195 : vector<16xi32>
          %or3A_1197 = arith.ori %shift_left3A_1193, %shift_right_logical3A_1196 : vector<16xi32>
          %xor3A_1198 = arith.xori %add3A_1190, %or3A_1197 : vector<16xi32>
          %add3A_1199 = arith.constant 270669613 : i32
          %add3A_1200 = vector.broadcast %add3A_1199 : i32 to vector<16xi32>
          %add3A_1201 = arith.addi %add3A_1190, %add3A_1200 : vector<16xi32>
          %add3A_1202 = arith.constant 1724713080 : i32
          %add3A_1203 = vector.broadcast %add3A_1202 : i32 to vector<16xi32>
          %add3A_1204 = arith.addi %xor3A_1198, %add3A_1203 : vector<16xi32>
          %add3A_1205 = arith.constant 1 : i32
          %add3A_1206 = vector.broadcast %add3A_1205 : i32 to vector<16xi32>
          %add3A_1207 = arith.addi %add3A_1204, %add3A_1206 : vector<16xi32>
          %add3A_1208 = arith.addi %add3A_1201, %add3A_1207 : vector<16xi32>
          %shift_left3A_1209 = arith.constant 17 : i32
          %shift_left3A_1210 = vector.broadcast %shift_left3A_1209 : i32 to vector<16xi32>
          %shift_left3A_1211 = arith.shli %add3A_1207, %shift_left3A_1210 : vector<16xi32>
          %shift_right_logical3A_1212 = arith.constant 15 : i32
          %shift_right_logical3A_1213 = vector.broadcast %shift_right_logical3A_1212 : i32 to vector<16xi32>
          %shift_right_logical3A_1214 = arith.shrui %add3A_1207, %shift_right_logical3A_1213 : vector<16xi32>
          %or3A_1215 = arith.ori %shift_left3A_1211, %shift_right_logical3A_1214 : vector<16xi32>
          %xor3A_1216 = arith.xori %add3A_1208, %or3A_1215 : vector<16xi32>
          %add3A_1217 = arith.addi %add3A_1208, %xor3A_1216 : vector<16xi32>
          %shift_left3A_1218 = arith.constant 29 : i32
          %shift_left3A_1219 = vector.broadcast %shift_left3A_1218 : i32 to vector<16xi32>
          %shift_left3A_1220 = arith.shli %xor3A_1216, %shift_left3A_1219 : vector<16xi32>
          %shift_right_logical3A_1221 = arith.constant 3 : i32
          %shift_right_logical3A_1222 = vector.broadcast %shift_right_logical3A_1221 : i32 to vector<16xi32>
          %shift_right_logical3A_1223 = arith.shrui %xor3A_1216, %shift_right_logical3A_1222 : vector<16xi32>
          %or3A_1224 = arith.ori %shift_left3A_1220, %shift_right_logical3A_1223 : vector<16xi32>
          %xor3A_1225 = arith.xori %add3A_1217, %or3A_1224 : vector<16xi32>
          %add3A_1226 = arith.addi %add3A_1217, %xor3A_1225 : vector<16xi32>
          %shift_left3A_1227 = arith.constant 16 : i32
          %shift_left3A_1228 = vector.broadcast %shift_left3A_1227 : i32 to vector<16xi32>
          %shift_left3A_1229 = arith.shli %xor3A_1225, %shift_left3A_1228 : vector<16xi32>
          %shift_right_logical3A_1230 = arith.constant 16 : i32
          %shift_right_logical3A_1231 = vector.broadcast %shift_right_logical3A_1230 : i32 to vector<16xi32>
          %shift_right_logical3A_1232 = arith.shrui %xor3A_1225, %shift_right_logical3A_1231 : vector<16xi32>
          %or3A_1233 = arith.ori %shift_left3A_1229, %shift_right_logical3A_1232 : vector<16xi32>
          %xor3A_1234 = arith.xori %add3A_1226, %or3A_1233 : vector<16xi32>
          %add3A_1235 = arith.addi %add3A_1226, %xor3A_1234 : vector<16xi32>
          %shift_left3A_1236 = arith.constant 24 : i32
          %shift_left3A_1237 = vector.broadcast %shift_left3A_1236 : i32 to vector<16xi32>
          %shift_left3A_1238 = arith.shli %xor3A_1234, %shift_left3A_1237 : vector<16xi32>
          %shift_right_logical3A_1239 = arith.constant 8 : i32
          %shift_right_logical3A_1240 = vector.broadcast %shift_right_logical3A_1239 : i32 to vector<16xi32>
          %shift_right_logical3A_1241 = arith.shrui %xor3A_1234, %shift_right_logical3A_1240 : vector<16xi32>
          %or3A_1242 = arith.ori %shift_left3A_1238, %shift_right_logical3A_1241 : vector<16xi32>
          %xor3A_1243 = arith.xori %add3A_1235, %or3A_1242 : vector<16xi32>
          %add3A_1244 = arith.constant 1724713080 : i32
          %add3A_1245 = vector.broadcast %add3A_1244 : i32 to vector<16xi32>
          %add3A_1246 = arith.addi %add3A_1235, %add3A_1245 : vector<16xi32>
          %add3A_1247 = arith.constant 1832780943 : i32
          %add3A_1248 = vector.broadcast %add3A_1247 : i32 to vector<16xi32>
          %add3A_1249 = arith.addi %xor3A_1243, %add3A_1248 : vector<16xi32>
          %add3A_1250 = arith.constant 2 : i32
          %add3A_1251 = vector.broadcast %add3A_1250 : i32 to vector<16xi32>
          %add3A_1252 = arith.addi %add3A_1249, %add3A_1251 : vector<16xi32>
          %add3A_1253 = arith.addi %add3A_1246, %add3A_1252 : vector<16xi32>
          %shift_left3A_1254 = arith.constant 13 : i32
          %shift_left3A_1255 = vector.broadcast %shift_left3A_1254 : i32 to vector<16xi32>
          %shift_left3A_1256 = arith.shli %add3A_1252, %shift_left3A_1255 : vector<16xi32>
          %shift_right_logical3A_1257 = arith.constant 19 : i32
          %shift_right_logical3A_1258 = vector.broadcast %shift_right_logical3A_1257 : i32 to vector<16xi32>
          %shift_right_logical3A_1259 = arith.shrui %add3A_1252, %shift_right_logical3A_1258 : vector<16xi32>
          %or3A_1260 = arith.ori %shift_left3A_1256, %shift_right_logical3A_1259 : vector<16xi32>
          %xor3A_1261 = arith.xori %add3A_1253, %or3A_1260 : vector<16xi32>
          %add3A_1262 = arith.addi %add3A_1253, %xor3A_1261 : vector<16xi32>
          %shift_left3A_1263 = arith.constant 15 : i32
          %shift_left3A_1264 = vector.broadcast %shift_left3A_1263 : i32 to vector<16xi32>
          %shift_left3A_1265 = arith.shli %xor3A_1261, %shift_left3A_1264 : vector<16xi32>
          %shift_right_logical3A_1266 = arith.constant 17 : i32
          %shift_right_logical3A_1267 = vector.broadcast %shift_right_logical3A_1266 : i32 to vector<16xi32>
          %shift_right_logical3A_1268 = arith.shrui %xor3A_1261, %shift_right_logical3A_1267 : vector<16xi32>
          %or3A_1269 = arith.ori %shift_left3A_1265, %shift_right_logical3A_1268 : vector<16xi32>
          %xor3A_1270 = arith.xori %add3A_1262, %or3A_1269 : vector<16xi32>
          %add3A_1271 = arith.addi %add3A_1262, %xor3A_1270 : vector<16xi32>
          %shift_left3A_1272 = arith.constant 26 : i32
          %shift_left3A_1273 = vector.broadcast %shift_left3A_1272 : i32 to vector<16xi32>
          %shift_left3A_1274 = arith.shli %xor3A_1270, %shift_left3A_1273 : vector<16xi32>
          %shift_right_logical3A_1275 = arith.constant 6 : i32
          %shift_right_logical3A_1276 = vector.broadcast %shift_right_logical3A_1275 : i32 to vector<16xi32>
          %shift_right_logical3A_1277 = arith.shrui %xor3A_1270, %shift_right_logical3A_1276 : vector<16xi32>
          %or3A_1278 = arith.ori %shift_left3A_1274, %shift_right_logical3A_1277 : vector<16xi32>
          %xor3A_1279 = arith.xori %add3A_1271, %or3A_1278 : vector<16xi32>
          %add3A_1280 = arith.addi %add3A_1271, %xor3A_1279 : vector<16xi32>
          %shift_left3A_1281 = arith.constant 6 : i32
          %shift_left3A_1282 = vector.broadcast %shift_left3A_1281 : i32 to vector<16xi32>
          %shift_left3A_1283 = arith.shli %xor3A_1279, %shift_left3A_1282 : vector<16xi32>
          %shift_right_logical3A_1284 = arith.constant 26 : i32
          %shift_right_logical3A_1285 = vector.broadcast %shift_right_logical3A_1284 : i32 to vector<16xi32>
          %shift_right_logical3A_1286 = arith.shrui %xor3A_1279, %shift_right_logical3A_1285 : vector<16xi32>
          %or3A_1287 = arith.ori %shift_left3A_1283, %shift_right_logical3A_1286 : vector<16xi32>
          %xor3A_1288 = arith.xori %add3A_1280, %or3A_1287 : vector<16xi32>
          %add3A_1289 = arith.constant 1832780943 : i32
          %add3A_1290 = vector.broadcast %add3A_1289 : i32 to vector<16xi32>
          %add3A_1291 = arith.addi %add3A_1280, %add3A_1290 : vector<16xi32>
          %add3A_1292 = arith.constant 270669613 : i32
          %add3A_1293 = vector.broadcast %add3A_1292 : i32 to vector<16xi32>
          %add3A_1294 = arith.addi %xor3A_1288, %add3A_1293 : vector<16xi32>
          %add3A_1295 = arith.constant 3 : i32
          %add3A_1296 = vector.broadcast %add3A_1295 : i32 to vector<16xi32>
          %add3A_1297 = arith.addi %add3A_1294, %add3A_1296 : vector<16xi32>
          %add3A_1298 = arith.addi %add3A_1291, %add3A_1297 : vector<16xi32>
          %shift_left3A_1299 = arith.constant 17 : i32
          %shift_left3A_1300 = vector.broadcast %shift_left3A_1299 : i32 to vector<16xi32>
          %shift_left3A_1301 = arith.shli %add3A_1297, %shift_left3A_1300 : vector<16xi32>
          %shift_right_logical3A_1302 = arith.constant 15 : i32
          %shift_right_logical3A_1303 = vector.broadcast %shift_right_logical3A_1302 : i32 to vector<16xi32>
          %shift_right_logical3A_1304 = arith.shrui %add3A_1297, %shift_right_logical3A_1303 : vector<16xi32>
          %or3A_1305 = arith.ori %shift_left3A_1301, %shift_right_logical3A_1304 : vector<16xi32>
          %xor3A_1306 = arith.xori %add3A_1298, %or3A_1305 : vector<16xi32>
          %add3A_1307 = arith.addi %add3A_1298, %xor3A_1306 : vector<16xi32>
          %shift_left3A_1308 = arith.constant 29 : i32
          %shift_left3A_1309 = vector.broadcast %shift_left3A_1308 : i32 to vector<16xi32>
          %shift_left3A_1310 = arith.shli %xor3A_1306, %shift_left3A_1309 : vector<16xi32>
          %shift_right_logical3A_1311 = arith.constant 3 : i32
          %shift_right_logical3A_1312 = vector.broadcast %shift_right_logical3A_1311 : i32 to vector<16xi32>
          %shift_right_logical3A_1313 = arith.shrui %xor3A_1306, %shift_right_logical3A_1312 : vector<16xi32>
          %or3A_1314 = arith.ori %shift_left3A_1310, %shift_right_logical3A_1313 : vector<16xi32>
          %xor3A_1315 = arith.xori %add3A_1307, %or3A_1314 : vector<16xi32>
          %add3A_1316 = arith.addi %add3A_1307, %xor3A_1315 : vector<16xi32>
          %shift_left3A_1317 = arith.constant 16 : i32
          %shift_left3A_1318 = vector.broadcast %shift_left3A_1317 : i32 to vector<16xi32>
          %shift_left3A_1319 = arith.shli %xor3A_1315, %shift_left3A_1318 : vector<16xi32>
          %shift_right_logical3A_1320 = arith.constant 16 : i32
          %shift_right_logical3A_1321 = vector.broadcast %shift_right_logical3A_1320 : i32 to vector<16xi32>
          %shift_right_logical3A_1322 = arith.shrui %xor3A_1315, %shift_right_logical3A_1321 : vector<16xi32>
          %or3A_1323 = arith.ori %shift_left3A_1319, %shift_right_logical3A_1322 : vector<16xi32>
          %xor3A_1324 = arith.xori %add3A_1316, %or3A_1323 : vector<16xi32>
          %add3A_1325 = arith.addi %add3A_1316, %xor3A_1324 : vector<16xi32>
          %shift_left3A_1326 = arith.constant 24 : i32
          %shift_left3A_1327 = vector.broadcast %shift_left3A_1326 : i32 to vector<16xi32>
          %shift_left3A_1328 = arith.shli %xor3A_1324, %shift_left3A_1327 : vector<16xi32>
          %shift_right_logical3A_1329 = arith.constant 8 : i32
          %shift_right_logical3A_1330 = vector.broadcast %shift_right_logical3A_1329 : i32 to vector<16xi32>
          %shift_right_logical3A_1331 = arith.shrui %xor3A_1324, %shift_right_logical3A_1330 : vector<16xi32>
          %or3A_1332 = arith.ori %shift_left3A_1328, %shift_right_logical3A_1331 : vector<16xi32>
          %xor3A_1333 = arith.xori %add3A_1325, %or3A_1332 : vector<16xi32>
          %add3A_1334 = arith.constant 270669613 : i32
          %add3A_1335 = vector.broadcast %add3A_1334 : i32 to vector<16xi32>
          %add3A_1336 = arith.addi %add3A_1325, %add3A_1335 : vector<16xi32>
          %add3A_1337 = arith.constant 1724713080 : i32
          %add3A_1338 = vector.broadcast %add3A_1337 : i32 to vector<16xi32>
          %add3A_1339 = arith.addi %xor3A_1333, %add3A_1338 : vector<16xi32>
          %add3A_1340 = arith.constant 4 : i32
          %add3A_1341 = vector.broadcast %add3A_1340 : i32 to vector<16xi32>
          %add3A_1342 = arith.addi %add3A_1339, %add3A_1341 : vector<16xi32>
          %add3A_1343 = arith.addi %add3A_1336, %add3A_1342 : vector<16xi32>
          %shift_left3A_1344 = arith.constant 13 : i32
          %shift_left3A_1345 = vector.broadcast %shift_left3A_1344 : i32 to vector<16xi32>
          %shift_left3A_1346 = arith.shli %add3A_1342, %shift_left3A_1345 : vector<16xi32>
          %shift_right_logical3A_1347 = arith.constant 19 : i32
          %shift_right_logical3A_1348 = vector.broadcast %shift_right_logical3A_1347 : i32 to vector<16xi32>
          %shift_right_logical3A_1349 = arith.shrui %add3A_1342, %shift_right_logical3A_1348 : vector<16xi32>
          %or3A_1350 = arith.ori %shift_left3A_1346, %shift_right_logical3A_1349 : vector<16xi32>
          %xor3A_1351 = arith.xori %add3A_1343, %or3A_1350 : vector<16xi32>
          %add3A_1352 = arith.addi %add3A_1343, %xor3A_1351 : vector<16xi32>
          %shift_left3A_1353 = arith.constant 15 : i32
          %shift_left3A_1354 = vector.broadcast %shift_left3A_1353 : i32 to vector<16xi32>
          %shift_left3A_1355 = arith.shli %xor3A_1351, %shift_left3A_1354 : vector<16xi32>
          %shift_right_logical3A_1356 = arith.constant 17 : i32
          %shift_right_logical3A_1357 = vector.broadcast %shift_right_logical3A_1356 : i32 to vector<16xi32>
          %shift_right_logical3A_1358 = arith.shrui %xor3A_1351, %shift_right_logical3A_1357 : vector<16xi32>
          %or3A_1359 = arith.ori %shift_left3A_1355, %shift_right_logical3A_1358 : vector<16xi32>
          %xor3A_1360 = arith.xori %add3A_1352, %or3A_1359 : vector<16xi32>
          %add3A_1361 = arith.addi %add3A_1352, %xor3A_1360 : vector<16xi32>
          %shift_left3A_1362 = arith.constant 26 : i32
          %shift_left3A_1363 = vector.broadcast %shift_left3A_1362 : i32 to vector<16xi32>
          %shift_left3A_1364 = arith.shli %xor3A_1360, %shift_left3A_1363 : vector<16xi32>
          %shift_right_logical3A_1365 = arith.constant 6 : i32
          %shift_right_logical3A_1366 = vector.broadcast %shift_right_logical3A_1365 : i32 to vector<16xi32>
          %shift_right_logical3A_1367 = arith.shrui %xor3A_1360, %shift_right_logical3A_1366 : vector<16xi32>
          %or3A_1368 = arith.ori %shift_left3A_1364, %shift_right_logical3A_1367 : vector<16xi32>
          %xor3A_1369 = arith.xori %add3A_1361, %or3A_1368 : vector<16xi32>
          %add3A_1370 = arith.addi %add3A_1361, %xor3A_1369 : vector<16xi32>
          %shift_left3A_1371 = arith.constant 6 : i32
          %shift_left3A_1372 = vector.broadcast %shift_left3A_1371 : i32 to vector<16xi32>
          %shift_left3A_1373 = arith.shli %xor3A_1369, %shift_left3A_1372 : vector<16xi32>
          %shift_right_logical3A_1374 = arith.constant 26 : i32
          %shift_right_logical3A_1375 = vector.broadcast %shift_right_logical3A_1374 : i32 to vector<16xi32>
          %shift_right_logical3A_1376 = arith.shrui %xor3A_1369, %shift_right_logical3A_1375 : vector<16xi32>
          %or3A_1377 = arith.ori %shift_left3A_1373, %shift_right_logical3A_1376 : vector<16xi32>
          %xor3A_1378 = arith.xori %add3A_1370, %or3A_1377 : vector<16xi32>
          %add3A_1379 = arith.constant 1724713080 : i32
          %add3A_1380 = vector.broadcast %add3A_1379 : i32 to vector<16xi32>
          %add3A_1381 = arith.addi %add3A_1370, %add3A_1380 : vector<16xi32>
          %add3A_1382 = arith.constant 1832780943 : i32
          %add3A_1383 = vector.broadcast %add3A_1382 : i32 to vector<16xi32>
          %add3A_1384 = arith.addi %xor3A_1378, %add3A_1383 : vector<16xi32>
          %add3A_1385 = arith.constant 5 : i32
          %add3A_1386 = vector.broadcast %add3A_1385 : i32 to vector<16xi32>
          %add3A_1387 = arith.addi %add3A_1384, %add3A_1386 : vector<16xi32>
          %xor3A_1388 = arith.xori %add3A_1381, %add3A_1387 : vector<16xi32>
          %ge3A_1389 = arith.constant -15626240 : i32
          %ge3A_1390 = vector.broadcast %ge3A_1389 : i32 to vector<16xi32>
          %ge3A_1391 = arith.cmpi uge, %xor3A_1388, %ge3A_1390 : vector<16xi32>
          %jit3A_1392 = arith.constant 0.389012098 : f32
          %broadcast_in_dim3A_1393 = vector.broadcast %jit3A_1392 : f32 to vector<16xf32>
          %select_n3A_1394 = arith.select %ge3A_1391, %broadcast_in_dim3A_1393, %get3A_1153 : vector<16xi1>, vector<16xf32>
          %le3A_1395 = arith.constant 14329343 : i32
          %le3A_1396 = vector.broadcast %le3A_1395 : i32 to vector<16xi32>
          %le3A_1397 = arith.cmpi ule, %xor3A_1388, %le3A_1396 : vector<16xi32>
          %jit3A_1398 = arith.constant -0.256260395 : f32
          %broadcast_in_dim3A_1399 = vector.broadcast %jit3A_1398 : f32 to vector<16xf32>
          %select_n3A_1400 = arith.select %le3A_1397, %broadcast_in_dim3A_1399, %select_n3A_1394 : vector<16xi1>, vector<16xf32>
          %swap3A_1401 = arith.index_cast %add3A_110 : i32 to index
          %swap3A_1402 = arith.index_cast %add3A_1149 : i32 to index
          %swap3A_1403 = tpu.vector_load %arg7[%swap3A_1401, %swap3A_1402] {strides = array<i32>} : memref<64x384xf32, #tpu.memory_space<vmem>>, vector<1x16xf32>,
          %swap3A_1404 = vector.shape_cast %swap3A_1403 : vector<1x16xf32> to vector<16xf32>
          %swap3A_1405 = vector.shape_cast %select_n3A_1400 : vector<16xf32> to vector<1x16xf32>
          tpu.vector_store %arg7[%swap3A_1401, %swap3A_1402], %swap3A_1405 {strides = array<i32>} : memref<64x384xf32, #tpu.memory_space<vmem>>, vector<1x16xf32>,
          %mul3A_1406 = arith.constant 128 : i32
          %mul3A_1407 = arith.muli %shift_right_arithmetic3A_106, %mul3A_1406 : i32
          %add3A_1408 = arith.constant 80 : i32
          %add3A_1409 = arith.addi %mul3A_1407, %add3A_1408 : i32
          %get3A_1410 = arith.index_cast %add3A_110 : i32 to index
          %get3A_1411 = arith.index_cast %add3A_1409 : i32 to index
          %get3A_1412 = tpu.vector_load %arg5[%get3A_1410, %get3A_1411] {strides = array<i32>} : memref<64x384xf32, #tpu.memory_space<vmem>>, vector<1x16xf32>,
          %get3A_1413 = vector.shape_cast %get3A_1412 : vector<1x16xf32> to vector<16xf32>
          %add3A_1414 = arith.constant 80 : i32
          %add3A_1415 = arith.addi %add3A_116, %add3A_1414 : i32
          %add3A_1416 = vector.broadcast %add3A_1415 : i32 to vector<16xi32>
          %add3A_1417 = arith.addi %add3A_1416, %iota3A : vector<16xi32>
          %broadcast_in_dim3A_1418 = arith.constant 1832780943 : i32
          %broadcast_in_dim3A_1419 = vector.broadcast %broadcast_in_dim3A_1418 : i32 to vector<16xi32>
          %add3A_1420 = arith.constant 270669613 : i32
          %add3A_1421 = vector.broadcast %add3A_1420 : i32 to vector<16xi32>
          %add3A_1422 = arith.addi %add3A_1417, %add3A_1421 : vector<16xi32>
          %add3A_1423 = arith.addi %broadcast_in_dim3A_1419, %add3A_1422 : vector<16xi32>
          %shift_left3A_1424 = arith.constant 13 : i32
          %shift_left3A_1425 = vector.broadcast %shift_left3A_1424 : i32 to vector<16xi32>
          %shift_left3A_1426 = arith.shli %add3A_1422, %shift_left3A_1425 : vector<16xi32>
          %shift_right_logical3A_1427 = arith.constant 19 : i32
          %shift_right_logical3A_1428 = vector.broadcast %shift_right_logical3A_1427 : i32 to vector<16xi32>
          %shift_right_logical3A_1429 = arith.shrui %add3A_1422, %shift_right_logical3A_1428 : vector<16xi32>
          %or3A_1430 = arith.ori %shift_left3A_1426, %shift_right_logical3A_1429 : vector<16xi32>
          %xor3A_1431 = arith.xori %add3A_1423, %or3A_1430 : vector<16xi32>
          %add3A_1432 = arith.addi %add3A_1423, %xor3A_1431 : vector<16xi32>
          %shift_left3A_1433 = arith.constant 15 : i32
          %shift_left3A_1434 = vector.broadcast %shift_left3A_1433 : i32 to vector<16xi32>
          %shift_left3A_1435 = arith.shli %xor3A_1431, %shift_left3A_1434 : vector<16xi32>
          %shift_right_logical3A_1436 = arith.constant 17 : i32
          %shift_right_logical3A_1437 = vector.broadcast %shift_right_logical3A_1436 : i32 to vector<16xi32>
          %shift_right_logical3A_1438 = arith.shrui %xor3A_1431, %shift_right_logical3A_1437 : vector<16xi32>
          %or3A_1439 = arith.ori %shift_left3A_1435, %shift_right_logical3A_1438 : vector<16xi32>
          %xor3A_1440 = arith.xori %add3A_1432, %or3A_1439 : vector<16xi32>
          %add3A_1441 = arith.addi %add3A_1432, %xor3A_1440 : vector<16xi32>
          %shift_left3A_1442 = arith.constant 26 : i32
          %shift_left3A_1443 = vector.broadcast %shift_left3A_1442 : i32 to vector<16xi32>
          %shift_left3A_1444 = arith.shli %xor3A_1440, %shift_left3A_1443 : vector<16xi32>
          %shift_right_logical3A_1445 = arith.constant 6 : i32
          %shift_right_logical3A_1446 = vector.broadcast %shift_right_logical3A_1445 : i32 to vector<16xi32>
          %shift_right_logical3A_1447 = arith.shrui %xor3A_1440, %shift_right_logical3A_1446 : vector<16xi32>
          %or3A_1448 = arith.ori %shift_left3A_1444, %shift_right_logical3A_1447 : vector<16xi32>
          %xor3A_1449 = arith.xori %add3A_1441, %or3A_1448 : vector<16xi32>
          %add3A_1450 = arith.addi %add3A_1441, %xor3A_1449 : vector<16xi32>
          %shift_left3A_1451 = arith.constant 6 : i32
          %shift_left3A_1452 = vector.broadcast %shift_left3A_1451 : i32 to vector<16xi32>
          %shift_left3A_1453 = arith.shli %xor3A_1449, %shift_left3A_1452 : vector<16xi32>
          %shift_right_logical3A_1454 = arith.constant 26 : i32
          %shift_right_logical3A_1455 = vector.broadcast %shift_right_logical3A_1454 : i32 to vector<16xi32>
          %shift_right_logical3A_1456 = arith.shrui %xor3A_1449, %shift_right_logical3A_1455 : vector<16xi32>
          %or3A_1457 = arith.ori %shift_left3A_1453, %shift_right_logical3A_1456 : vector<16xi32>
          %xor3A_1458 = arith.xori %add3A_1450, %or3A_1457 : vector<16xi32>
          %add3A_1459 = arith.constant 270669613 : i32
          %add3A_1460 = vector.broadcast %add3A_1459 : i32 to vector<16xi32>
          %add3A_1461 = arith.addi %add3A_1450, %add3A_1460 : vector<16xi32>
          %add3A_1462 = arith.constant 1724713080 : i32
          %add3A_1463 = vector.broadcast %add3A_1462 : i32 to vector<16xi32>
          %add3A_1464 = arith.addi %xor3A_1458, %add3A_1463 : vector<16xi32>
          %add3A_1465 = arith.constant 1 : i32
          %add3A_1466 = vector.broadcast %add3A_1465 : i32 to vector<16xi32>
          %add3A_1467 = arith.addi %add3A_1464, %add3A_1466 : vector<16xi32>
          %add3A_1468 = arith.addi %add3A_1461, %add3A_1467 : vector<16xi32>
          %shift_left3A_1469 = arith.constant 17 : i32
          %shift_left3A_1470 = vector.broadcast %shift_left3A_1469 : i32 to vector<16xi32>
          %shift_left3A_1471 = arith.shli %add3A_1467, %shift_left3A_1470 : vector<16xi32>
          %shift_right_logical3A_1472 = arith.constant 15 : i32
          %shift_right_logical3A_1473 = vector.broadcast %shift_right_logical3A_1472 : i32 to vector<16xi32>
          %shift_right_logical3A_1474 = arith.shrui %add3A_1467, %shift_right_logical3A_1473 : vector<16xi32>
          %or3A_1475 = arith.ori %shift_left3A_1471, %shift_right_logical3A_1474 : vector<16xi32>
          %xor3A_1476 = arith.xori %add3A_1468, %or3A_1475 : vector<16xi32>
          %add3A_1477 = arith.addi %add3A_1468, %xor3A_1476 : vector<16xi32>
          %shift_left3A_1478 = arith.constant 29 : i32
          %shift_left3A_1479 = vector.broadcast %shift_left3A_1478 : i32 to vector<16xi32>
          %shift_left3A_1480 = arith.shli %xor3A_1476, %shift_left3A_1479 : vector<16xi32>
          %shift_right_logical3A_1481 = arith.constant 3 : i32
          %shift_right_logical3A_1482 = vector.broadcast %shift_right_logical3A_1481 : i32 to vector<16xi32>
          %shift_right_logical3A_1483 = arith.shrui %xor3A_1476, %shift_right_logical3A_1482 : vector<16xi32>
          %or3A_1484 = arith.ori %shift_left3A_1480, %shift_right_logical3A_1483 : vector<16xi32>
          %xor3A_1485 = arith.xori %add3A_1477, %or3A_1484 : vector<16xi32>
          %add3A_1486 = arith.addi %add3A_1477, %xor3A_1485 : vector<16xi32>
          %shift_left3A_1487 = arith.constant 16 : i32
          %shift_left3A_1488 = vector.broadcast %shift_left3A_1487 : i32 to vector<16xi32>
          %shift_left3A_1489 = arith.shli %xor3A_1485, %shift_left3A_1488 : vector<16xi32>
          %shift_right_logical3A_1490 = arith.constant 16 : i32
          %shift_right_logical3A_1491 = vector.broadcast %shift_right_logical3A_1490 : i32 to vector<16xi32>
          %shift_right_logical3A_1492 = arith.shrui %xor3A_1485, %shift_right_logical3A_1491 : vector<16xi32>
          %or3A_1493 = arith.ori %shift_left3A_1489, %shift_right_logical3A_1492 : vector<16xi32>
          %xor3A_1494 = arith.xori %add3A_1486, %or3A_1493 : vector<16xi32>
          %add3A_1495 = arith.addi %add3A_1486, %xor3A_1494 : vector<16xi32>
          %shift_left3A_1496 = arith.constant 24 : i32
          %shift_left3A_1497 = vector.broadcast %shift_left3A_1496 : i32 to vector<16xi32>
          %shift_left3A_1498 = arith.shli %xor3A_1494, %shift_left3A_1497 : vector<16xi32>
          %shift_right_logical3A_1499 = arith.constant 8 : i32
          %shift_right_logical3A_1500 = vector.broadcast %shift_right_logical3A_1499 : i32 to vector<16xi32>
          %shift_right_logical3A_1501 = arith.shrui %xor3A_1494, %shift_right_logical3A_1500 : vector<16xi32>
          %or3A_1502 = arith.ori %shift_left3A_1498, %shift_right_logical3A_1501 : vector<16xi32>
          %xor3A_1503 = arith.xori %add3A_1495, %or3A_1502 : vector<16xi32>
          %add3A_1504 = arith.constant 1724713080 : i32
          %add3A_1505 = vector.broadcast %add3A_1504 : i32 to vector<16xi32>
          %add3A_1506 = arith.addi %add3A_1495, %add3A_1505 : vector<16xi32>
          %add3A_1507 = arith.constant 1832780943 : i32
          %add3A_1508 = vector.broadcast %add3A_1507 : i32 to vector<16xi32>
          %add3A_1509 = arith.addi %xor3A_1503, %add3A_1508 : vector<16xi32>
          %add3A_1510 = arith.constant 2 : i32
          %add3A_1511 = vector.broadcast %add3A_1510 : i32 to vector<16xi32>
          %add3A_1512 = arith.addi %add3A_1509, %add3A_1511 : vector<16xi32>
          %add3A_1513 = arith.addi %add3A_1506, %add3A_1512 : vector<16xi32>
          %shift_left3A_1514 = arith.constant 13 : i32
          %shift_left3A_1515 = vector.broadcast %shift_left3A_1514 : i32 to vector<16xi32>
          %shift_left3A_1516 = arith.shli %add3A_1512, %shift_left3A_1515 : vector<16xi32>
          %shift_right_logical3A_1517 = arith.constant 19 : i32
          %shift_right_logical3A_1518 = vector.broadcast %shift_right_logical3A_1517 : i32 to vector<16xi32>
          %shift_right_logical3A_1519 = arith.shrui %add3A_1512, %shift_right_logical3A_1518 : vector<16xi32>
          %or3A_1520 = arith.ori %shift_left3A_1516, %shift_right_logical3A_1519 : vector<16xi32>
          %xor3A_1521 = arith.xori %add3A_1513, %or3A_1520 : vector<16xi32>
          %add3A_1522 = arith.addi %add3A_1513, %xor3A_1521 : vector<16xi32>
          %shift_left3A_1523 = arith.constant 15 : i32
          %shift_left3A_1524 = vector.broadcast %shift_left3A_1523 : i32 to vector<16xi32>
          %shift_left3A_1525 = arith.shli %xor3A_1521, %shift_left3A_1524 : vector<16xi32>
          %shift_right_logical3A_1526 = arith.constant 17 : i32
          %shift_right_logical3A_1527 = vector.broadcast %shift_right_logical3A_1526 : i32 to vector<16xi32>
          %shift_right_logical3A_1528 = arith.shrui %xor3A_1521, %shift_right_logical3A_1527 : vector<16xi32>
          %or3A_1529 = arith.ori %shift_left3A_1525, %shift_right_logical3A_1528 : vector<16xi32>
          %xor3A_1530 = arith.xori %add3A_1522, %or3A_1529 : vector<16xi32>
          %add3A_1531 = arith.addi %add3A_1522, %xor3A_1530 : vector<16xi32>
          %shift_left3A_1532 = arith.constant 26 : i32
          %shift_left3A_1533 = vector.broadcast %shift_left3A_1532 : i32 to vector<16xi32>
          %shift_left3A_1534 = arith.shli %xor3A_1530, %shift_left3A_1533 : vector<16xi32>
          %shift_right_logical3A_1535 = arith.constant 6 : i32
          %shift_right_logical3A_1536 = vector.broadcast %shift_right_logical3A_1535 : i32 to vector<16xi32>
          %shift_right_logical3A_1537 = arith.shrui %xor3A_1530, %shift_right_logical3A_1536 : vector<16xi32>
          %or3A_1538 = arith.ori %shift_left3A_1534, %shift_right_logical3A_1537 : vector<16xi32>
          %xor3A_1539 = arith.xori %add3A_1531, %or3A_1538 : vector<16xi32>
          %add3A_1540 = arith.addi %add3A_1531, %xor3A_1539 : vector<16xi32>
          %shift_left3A_1541 = arith.constant 6 : i32
          %shift_left3A_1542 = vector.broadcast %shift_left3A_1541 : i32 to vector<16xi32>
          %shift_left3A_1543 = arith.shli %xor3A_1539, %shift_left3A_1542 : vector<16xi32>
          %shift_right_logical3A_1544 = arith.constant 26 : i32
          %shift_right_logical3A_1545 = vector.broadcast %shift_right_logical3A_1544 : i32 to vector<16xi32>
          %shift_right_logical3A_1546 = arith.shrui %xor3A_1539, %shift_right_logical3A_1545 : vector<16xi32>
          %or3A_1547 = arith.ori %shift_left3A_1543, %shift_right_logical3A_1546 : vector<16xi32>
          %xor3A_1548 = arith.xori %add3A_1540, %or3A_1547 : vector<16xi32>
          %add3A_1549 = arith.constant 1832780943 : i32
          %add3A_1550 = vector.broadcast %add3A_1549 : i32 to vector<16xi32>
          %add3A_1551 = arith.addi %add3A_1540, %add3A_1550 : vector<16xi32>
          %add3A_1552 = arith.constant 270669613 : i32
          %add3A_1553 = vector.broadcast %add3A_1552 : i32 to vector<16xi32>
          %add3A_1554 = arith.addi %xor3A_1548, %add3A_1553 : vector<16xi32>
          %add3A_1555 = arith.constant 3 : i32
          %add3A_1556 = vector.broadcast %add3A_1555 : i32 to vector<16xi32>
          %add3A_1557 = arith.addi %add3A_1554, %add3A_1556 : vector<16xi32>
          %add3A_1558 = arith.addi %add3A_1551, %add3A_1557 : vector<16xi32>
          %shift_left3A_1559 = arith.constant 17 : i32
          %shift_left3A_1560 = vector.broadcast %shift_left3A_1559 : i32 to vector<16xi32>
          %shift_left3A_1561 = arith.shli %add3A_1557, %shift_left3A_1560 : vector<16xi32>
          %shift_right_logical3A_1562 = arith.constant 15 : i32
          %shift_right_logical3A_1563 = vector.broadcast %shift_right_logical3A_1562 : i32 to vector<16xi32>
          %shift_right_logical3A_1564 = arith.shrui %add3A_1557, %shift_right_logical3A_1563 : vector<16xi32>
          %or3A_1565 = arith.ori %shift_left3A_1561, %shift_right_logical3A_1564 : vector<16xi32>
          %xor3A_1566 = arith.xori %add3A_1558, %or3A_1565 : vector<16xi32>
          %add3A_1567 = arith.addi %add3A_1558, %xor3A_1566 : vector<16xi32>
          %shift_left3A_1568 = arith.constant 29 : i32
          %shift_left3A_1569 = vector.broadcast %shift_left3A_1568 : i32 to vector<16xi32>
          %shift_left3A_1570 = arith.shli %xor3A_1566, %shift_left3A_1569 : vector<16xi32>
          %shift_right_logical3A_1571 = arith.constant 3 : i32
          %shift_right_logical3A_1572 = vector.broadcast %shift_right_logical3A_1571 : i32 to vector<16xi32>
          %shift_right_logical3A_1573 = arith.shrui %xor3A_1566, %shift_right_logical3A_1572 : vector<16xi32>
          %or3A_1574 = arith.ori %shift_left3A_1570, %shift_right_logical3A_1573 : vector<16xi32>
          %xor3A_1575 = arith.xori %add3A_1567, %or3A_1574 : vector<16xi32>
          %add3A_1576 = arith.addi %add3A_1567, %xor3A_1575 : vector<16xi32>
          %shift_left3A_1577 = arith.constant 16 : i32
          %shift_left3A_1578 = vector.broadcast %shift_left3A_1577 : i32 to vector<16xi32>
          %shift_left3A_1579 = arith.shli %xor3A_1575, %shift_left3A_1578 : vector<16xi32>
          %shift_right_logical3A_1580 = arith.constant 16 : i32
          %shift_right_logical3A_1581 = vector.broadcast %shift_right_logical3A_1580 : i32 to vector<16xi32>
          %shift_right_logical3A_1582 = arith.shrui %xor3A_1575, %shift_right_logical3A_1581 : vector<16xi32>
          %or3A_1583 = arith.ori %shift_left3A_1579, %shift_right_logical3A_1582 : vector<16xi32>
          %xor3A_1584 = arith.xori %add3A_1576, %or3A_1583 : vector<16xi32>
          %add3A_1585 = arith.addi %add3A_1576, %xor3A_1584 : vector<16xi32>
          %shift_left3A_1586 = arith.constant 24 : i32
          %shift_left3A_1587 = vector.broadcast %shift_left3A_1586 : i32 to vector<16xi32>
          %shift_left3A_1588 = arith.shli %xor3A_1584, %shift_left3A_1587 : vector<16xi32>
          %shift_right_logical3A_1589 = arith.constant 8 : i32
          %shift_right_logical3A_1590 = vector.broadcast %shift_right_logical3A_1589 : i32 to vector<16xi32>
          %shift_right_logical3A_1591 = arith.shrui %xor3A_1584, %shift_right_logical3A_1590 : vector<16xi32>
          %or3A_1592 = arith.ori %shift_left3A_1588, %shift_right_logical3A_1591 : vector<16xi32>
          %xor3A_1593 = arith.xori %add3A_1585, %or3A_1592 : vector<16xi32>
          %add3A_1594 = arith.constant 270669613 : i32
          %add3A_1595 = vector.broadcast %add3A_1594 : i32 to vector<16xi32>
          %add3A_1596 = arith.addi %add3A_1585, %add3A_1595 : vector<16xi32>
          %add3A_1597 = arith.constant 1724713080 : i32
          %add3A_1598 = vector.broadcast %add3A_1597 : i32 to vector<16xi32>
          %add3A_1599 = arith.addi %xor3A_1593, %add3A_1598 : vector<16xi32>
          %add3A_1600 = arith.constant 4 : i32
          %add3A_1601 = vector.broadcast %add3A_1600 : i32 to vector<16xi32>
          %add3A_1602 = arith.addi %add3A_1599, %add3A_1601 : vector<16xi32>
          %add3A_1603 = arith.addi %add3A_1596, %add3A_1602 : vector<16xi32>
          %shift_left3A_1604 = arith.constant 13 : i32
          %shift_left3A_1605 = vector.broadcast %shift_left3A_1604 : i32 to vector<16xi32>
          %shift_left3A_1606 = arith.shli %add3A_1602, %shift_left3A_1605 : vector<16xi32>
          %shift_right_logical3A_1607 = arith.constant 19 : i32
          %shift_right_logical3A_1608 = vector.broadcast %shift_right_logical3A_1607 : i32 to vector<16xi32>
          %shift_right_logical3A_1609 = arith.shrui %add3A_1602, %shift_right_logical3A_1608 : vector<16xi32>
          %or3A_1610 = arith.ori %shift_left3A_1606, %shift_right_logical3A_1609 : vector<16xi32>
          %xor3A_1611 = arith.xori %add3A_1603, %or3A_1610 : vector<16xi32>
          %add3A_1612 = arith.addi %add3A_1603, %xor3A_1611 : vector<16xi32>
          %shift_left3A_1613 = arith.constant 15 : i32
          %shift_left3A_1614 = vector.broadcast %shift_left3A_1613 : i32 to vector<16xi32>
          %shift_left3A_1615 = arith.shli %xor3A_1611, %shift_left3A_1614 : vector<16xi32>
          %shift_right_logical3A_1616 = arith.constant 17 : i32
          %shift_right_logical3A_1617 = vector.broadcast %shift_right_logical3A_1616 : i32 to vector<16xi32>
          %shift_right_logical3A_1618 = arith.shrui %xor3A_1611, %shift_right_logical3A_1617 : vector<16xi32>
          %or3A_1619 = arith.ori %shift_left3A_1615, %shift_right_logical3A_1618 : vector<16xi32>
          %xor3A_1620 = arith.xori %add3A_1612, %or3A_1619 : vector<16xi32>
          %add3A_1621 = arith.addi %add3A_1612, %xor3A_1620 : vector<16xi32>
          %shift_left3A_1622 = arith.constant 26 : i32
          %shift_left3A_1623 = vector.broadcast %shift_left3A_1622 : i32 to vector<16xi32>
          %shift_left3A_1624 = arith.shli %xor3A_1620, %shift_left3A_1623 : vector<16xi32>
          %shift_right_logical3A_1625 = arith.constant 6 : i32
          %shift_right_logical3A_1626 = vector.broadcast %shift_right_logical3A_1625 : i32 to vector<16xi32>
          %shift_right_logical3A_1627 = arith.shrui %xor3A_1620, %shift_right_logical3A_1626 : vector<16xi32>
          %or3A_1628 = arith.ori %shift_left3A_1624, %shift_right_logical3A_1627 : vector<16xi32>
          %xor3A_1629 = arith.xori %add3A_1621, %or3A_1628 : vector<16xi32>
          %add3A_1630 = arith.addi %add3A_1621, %xor3A_1629 : vector<16xi32>
          %shift_left3A_1631 = arith.constant 6 : i32
          %shift_left3A_1632 = vector.broadcast %shift_left3A_1631 : i32 to vector<16xi32>
          %shift_left3A_1633 = arith.shli %xor3A_1629, %shift_left3A_1632 : vector<16xi32>
          %shift_right_logical3A_1634 = arith.constant 26 : i32
          %shift_right_logical3A_1635 = vector.broadcast %shift_right_logical3A_1634 : i32 to vector<16xi32>
          %shift_right_logical3A_1636 = arith.shrui %xor3A_1629, %shift_right_logical3A_1635 : vector<16xi32>
          %or3A_1637 = arith.ori %shift_left3A_1633, %shift_right_logical3A_1636 : vector<16xi32>
          %xor3A_1638 = arith.xori %add3A_1630, %or3A_1637 : vector<16xi32>
          %add3A_1639 = arith.constant 1724713080 : i32
          %add3A_1640 = vector.broadcast %add3A_1639 : i32 to vector<16xi32>
          %add3A_1641 = arith.addi %add3A_1630, %add3A_1640 : vector<16xi32>
          %add3A_1642 = arith.constant 1832780943 : i32
          %add3A_1643 = vector.broadcast %add3A_1642 : i32 to vector<16xi32>
          %add3A_1644 = arith.addi %xor3A_1638, %add3A_1643 : vector<16xi32>
          %add3A_1645 = arith.constant 5 : i32
          %add3A_1646 = vector.broadcast %add3A_1645 : i32 to vector<16xi32>
          %add3A_1647 = arith.addi %add3A_1644, %add3A_1646 : vector<16xi32>
          %xor3A_1648 = arith.xori %add3A_1641, %add3A_1647 : vector<16xi32>
          %ge3A_1649 = arith.constant -15626240 : i32
          %ge3A_1650 = vector.broadcast %ge3A_1649 : i32 to vector<16xi32>
          %ge3A_1651 = arith.cmpi uge, %xor3A_1648, %ge3A_1650 : vector<16xi32>
          %jit3A_1652 = arith.constant 0.389012098 : f32
          %broadcast_in_dim3A_1653 = vector.broadcast %jit3A_1652 : f32 to vector<16xf32>
          %select_n3A_1654 = arith.select %ge3A_1651, %broadcast_in_dim3A_1653, %get3A_1413 : vector<16xi1>, vector<16xf32>
          %le3A_1655 = arith.constant 14329343 : i32
          %le3A_1656 = vector.broadcast %le3A_1655 : i32 to vector<16xi32>
          %le3A_1657 = arith.cmpi ule, %xor3A_1648, %le3A_1656 : vector<16xi32>
          %jit3A_1658 = arith.constant -0.256260395 : f32
          %broadcast_in_dim3A_1659 = vector.broadcast %jit3A_1658 : f32 to vector<16xf32>
          %select_n3A_1660 = arith.select %le3A_1657, %broadcast_in_dim3A_1659, %select_n3A_1654 : vector<16xi1>, vector<16xf32>
          %swap3A_1661 = arith.index_cast %add3A_110 : i32 to index
          %swap3A_1662 = arith.index_cast %add3A_1409 : i32 to index
          %swap3A_1663 = tpu.vector_load %arg7[%swap3A_1661, %swap3A_1662] {strides = array<i32>} : memref<64x384xf32, #tpu.memory_space<vmem>>, vector<1x16xf32>,
          %swap3A_1664 = vector.shape_cast %swap3A_1663 : vector<1x16xf32> to vector<16xf32>
          %swap3A_1665 = vector.shape_cast %select_n3A_1660 : vector<16xf32> to vector<1x16xf32>
          tpu.vector_store %arg7[%swap3A_1661, %swap3A_1662], %swap3A_1665 {strides = array<i32>} : memref<64x384xf32, #tpu.memory_space<vmem>>, vector<1x16xf32>,
          %mul3A_1666 = arith.constant 128 : i32
          %mul3A_1667 = arith.muli %shift_right_arithmetic3A_106, %mul3A_1666 : i32
          %add3A_1668 = arith.constant 96 : i32
          %add3A_1669 = arith.addi %mul3A_1667, %add3A_1668 : i32
          %get3A_1670 = arith.index_cast %add3A_110 : i32 to index
          %get3A_1671 = arith.index_cast %add3A_1669 : i32 to index
          %get3A_1672 = tpu.vector_load %arg5[%get3A_1670, %get3A_1671] {strides = array<i32>} : memref<64x384xf32, #tpu.memory_space<vmem>>, vector<1x16xf32>,
          %get3A_1673 = vector.shape_cast %get3A_1672 : vector<1x16xf32> to vector<16xf32>
          %add3A_1674 = arith.constant 96 : i32
          %add3A_1675 = arith.addi %add3A_116, %add3A_1674 : i32
          %add3A_1676 = vector.broadcast %add3A_1675 : i32 to vector<16xi32>
          %add3A_1677 = arith.addi %add3A_1676, %iota3A : vector<16xi32>
          %broadcast_in_dim3A_1678 = arith.constant 1832780943 : i32
          %broadcast_in_dim3A_1679 = vector.broadcast %broadcast_in_dim3A_1678 : i32 to vector<16xi32>
          %add3A_1680 = arith.constant 270669613 : i32
          %add3A_1681 = vector.broadcast %add3A_1680 : i32 to vector<16xi32>
          %add3A_1682 = arith.addi %add3A_1677, %add3A_1681 : vector<16xi32>
          %add3A_1683 = arith.addi %broadcast_in_dim3A_1679, %add3A_1682 : vector<16xi32>
          %shift_left3A_1684 = arith.constant 13 : i32
          %shift_left3A_1685 = vector.broadcast %shift_left3A_1684 : i32 to vector<16xi32>
          %shift_left3A_1686 = arith.shli %add3A_1682, %shift_left3A_1685 : vector<16xi32>
          %shift_right_logical3A_1687 = arith.constant 19 : i32
          %shift_right_logical3A_1688 = vector.broadcast %shift_right_logical3A_1687 : i32 to vector<16xi32>
          %shift_right_logical3A_1689 = arith.shrui %add3A_1682, %shift_right_logical3A_1688 : vector<16xi32>
          %or3A_1690 = arith.ori %shift_left3A_1686, %shift_right_logical3A_1689 : vector<16xi32>
          %xor3A_1691 = arith.xori %add3A_1683, %or3A_1690 : vector<16xi32>
          %add3A_1692 = arith.addi %add3A_1683, %xor3A_1691 : vector<16xi32>
          %shift_left3A_1693 = arith.constant 15 : i32
          %shift_left3A_1694 = vector.broadcast %shift_left3A_1693 : i32 to vector<16xi32>
          %shift_left3A_1695 = arith.shli %xor3A_1691, %shift_left3A_1694 : vector<16xi32>
          %shift_right_logical3A_1696 = arith.constant 17 : i32
          %shift_right_logical3A_1697 = vector.broadcast %shift_right_logical3A_1696 : i32 to vector<16xi32>
          %shift_right_logical3A_1698 = arith.shrui %xor3A_1691, %shift_right_logical3A_1697 : vector<16xi32>
          %or3A_1699 = arith.ori %shift_left3A_1695, %shift_right_logical3A_1698 : vector<16xi32>
          %xor3A_1700 = arith.xori %add3A_1692, %or3A_1699 : vector<16xi32>
          %add3A_1701 = arith.addi %add3A_1692, %xor3A_1700 : vector<16xi32>
          %shift_left3A_1702 = arith.constant 26 : i32
          %shift_left3A_1703 = vector.broadcast %shift_left3A_1702 : i32 to vector<16xi32>
          %shift_left3A_1704 = arith.shli %xor3A_1700, %shift_left3A_1703 : vector<16xi32>
          %shift_right_logical3A_1705 = arith.constant 6 : i32
          %shift_right_logical3A_1706 = vector.broadcast %shift_right_logical3A_1705 : i32 to vector<16xi32>
          %shift_right_logical3A_1707 = arith.shrui %xor3A_1700, %shift_right_logical3A_1706 : vector<16xi32>
          %or3A_1708 = arith.ori %shift_left3A_1704, %shift_right_logical3A_1707 : vector<16xi32>
          %xor3A_1709 = arith.xori %add3A_1701, %or3A_1708 : vector<16xi32>
          %add3A_1710 = arith.addi %add3A_1701, %xor3A_1709 : vector<16xi32>
          %shift_left3A_1711 = arith.constant 6 : i32
          %shift_left3A_1712 = vector.broadcast %shift_left3A_1711 : i32 to vector<16xi32>
          %shift_left3A_1713 = arith.shli %xor3A_1709, %shift_left3A_1712 : vector<16xi32>
          %shift_right_logical3A_1714 = arith.constant 26 : i32
          %shift_right_logical3A_1715 = vector.broadcast %shift_right_logical3A_1714 : i32 to vector<16xi32>
          %shift_right_logical3A_1716 = arith.shrui %xor3A_1709, %shift_right_logical3A_1715 : vector<16xi32>
          %or3A_1717 = arith.ori %shift_left3A_1713, %shift_right_logical3A_1716 : vector<16xi32>
          %xor3A_1718 = arith.xori %add3A_1710, %or3A_1717 : vector<16xi32>
          %add3A_1719 = arith.constant 270669613 : i32
          %add3A_1720 = vector.broadcast %add3A_1719 : i32 to vector<16xi32>
          %add3A_1721 = arith.addi %add3A_1710, %add3A_1720 : vector<16xi32>
          %add3A_1722 = arith.constant 1724713080 : i32
          %add3A_1723 = vector.broadcast %add3A_1722 : i32 to vector<16xi32>
          %add3A_1724 = arith.addi %xor3A_1718, %add3A_1723 : vector<16xi32>
          %add3A_1725 = arith.constant 1 : i32
          %add3A_1726 = vector.broadcast %add3A_1725 : i32 to vector<16xi32>
          %add3A_1727 = arith.addi %add3A_1724, %add3A_1726 : vector<16xi32>
          %add3A_1728 = arith.addi %add3A_1721, %add3A_1727 : vector<16xi32>
          %shift_left3A_1729 = arith.constant 17 : i32
          %shift_left3A_1730 = vector.broadcast %shift_left3A_1729 : i32 to vector<16xi32>
          %shift_left3A_1731 = arith.shli %add3A_1727, %shift_left3A_1730 : vector<16xi32>
          %shift_right_logical3A_1732 = arith.constant 15 : i32
          %shift_right_logical3A_1733 = vector.broadcast %shift_right_logical3A_1732 : i32 to vector<16xi32>
          %shift_right_logical3A_1734 = arith.shrui %add3A_1727, %shift_right_logical3A_1733 : vector<16xi32>
          %or3A_1735 = arith.ori %shift_left3A_1731, %shift_right_logical3A_1734 : vector<16xi32>
          %xor3A_1736 = arith.xori %add3A_1728, %or3A_1735 : vector<16xi32>
          %add3A_1737 = arith.addi %add3A_1728, %xor3A_1736 : vector<16xi32>
          %shift_left3A_1738 = arith.constant 29 : i32
          %shift_left3A_1739 = vector.broadcast %shift_left3A_1738 : i32 to vector<16xi32>
          %shift_left3A_1740 = arith.shli %xor3A_1736, %shift_left3A_1739 : vector<16xi32>
          %shift_right_logical3A_1741 = arith.constant 3 : i32
          %shift_right_logical3A_1742 = vector.broadcast %shift_right_logical3A_1741 : i32 to vector<16xi32>
          %shift_right_logical3A_1743 = arith.shrui %xor3A_1736, %shift_right_logical3A_1742 : vector<16xi32>
          %or3A_1744 = arith.ori %shift_left3A_1740, %shift_right_logical3A_1743 : vector<16xi32>
          %xor3A_1745 = arith.xori %add3A_1737, %or3A_1744 : vector<16xi32>
          %add3A_1746 = arith.addi %add3A_1737, %xor3A_1745 : vector<16xi32>
          %shift_left3A_1747 = arith.constant 16 : i32
          %shift_left3A_1748 = vector.broadcast %shift_left3A_1747 : i32 to vector<16xi32>
          %shift_left3A_1749 = arith.shli %xor3A_1745, %shift_left3A_1748 : vector<16xi32>
          %shift_right_logical3A_1750 = arith.constant 16 : i32
          %shift_right_logical3A_1751 = vector.broadcast %shift_right_logical3A_1750 : i32 to vector<16xi32>
          %shift_right_logical3A_1752 = arith.shrui %xor3A_1745, %shift_right_logical3A_1751 : vector<16xi32>
          %or3A_1753 = arith.ori %shift_left3A_1749, %shift_right_logical3A_1752 : vector<16xi32>
          %xor3A_1754 = arith.xori %add3A_1746, %or3A_1753 : vector<16xi32>
          %add3A_1755 = arith.addi %add3A_1746, %xor3A_1754 : vector<16xi32>
          %shift_left3A_1756 = arith.constant 24 : i32
          %shift_left3A_1757 = vector.broadcast %shift_left3A_1756 : i32 to vector<16xi32>
          %shift_left3A_1758 = arith.shli %xor3A_1754, %shift_left3A_1757 : vector<16xi32>
          %shift_right_logical3A_1759 = arith.constant 8 : i32
          %shift_right_logical3A_1760 = vector.broadcast %shift_right_logical3A_1759 : i32 to vector<16xi32>
          %shift_right_logical3A_1761 = arith.shrui %xor3A_1754, %shift_right_logical3A_1760 : vector<16xi32>
          %or3A_1762 = arith.ori %shift_left3A_1758, %shift_right_logical3A_1761 : vector<16xi32>
          %xor3A_1763 = arith.xori %add3A_1755, %or3A_1762 : vector<16xi32>
          %add3A_1764 = arith.constant 1724713080 : i32
          %add3A_1765 = vector.broadcast %add3A_1764 : i32 to vector<16xi32>
          %add3A_1766 = arith.addi %add3A_1755, %add3A_1765 : vector<16xi32>
          %add3A_1767 = arith.constant 1832780943 : i32
          %add3A_1768 = vector.broadcast %add3A_1767 : i32 to vector<16xi32>
          %add3A_1769 = arith.addi %xor3A_1763, %add3A_1768 : vector<16xi32>
          %add3A_1770 = arith.constant 2 : i32
          %add3A_1771 = vector.broadcast %add3A_1770 : i32 to vector<16xi32>
          %add3A_1772 = arith.addi %add3A_1769, %add3A_1771 : vector<16xi32>
          %add3A_1773 = arith.addi %add3A_1766, %add3A_1772 : vector<16xi32>
          %shift_left3A_1774 = arith.constant 13 : i32
          %shift_left3A_1775 = vector.broadcast %shift_left3A_1774 : i32 to vector<16xi32>
          %shift_left3A_1776 = arith.shli %add3A_1772, %shift_left3A_1775 : vector<16xi32>
          %shift_right_logical3A_1777 = arith.constant 19 : i32
          %shift_right_logical3A_1778 = vector.broadcast %shift_right_logical3A_1777 : i32 to vector<16xi32>
          %shift_right_logical3A_1779 = arith.shrui %add3A_1772, %shift_right_logical3A_1778 : vector<16xi32>
          %or3A_1780 = arith.ori %shift_left3A_1776, %shift_right_logical3A_1779 : vector<16xi32>
          %xor3A_1781 = arith.xori %add3A_1773, %or3A_1780 : vector<16xi32>
          %add3A_1782 = arith.addi %add3A_1773, %xor3A_1781 : vector<16xi32>
          %shift_left3A_1783 = arith.constant 15 : i32
          %shift_left3A_1784 = vector.broadcast %shift_left3A_1783 : i32 to vector<16xi32>
          %shift_left3A_1785 = arith.shli %xor3A_1781, %shift_left3A_1784 : vector<16xi32>
          %shift_right_logical3A_1786 = arith.constant 17 : i32
          %shift_right_logical3A_1787 = vector.broadcast %shift_right_logical3A_1786 : i32 to vector<16xi32>
          %shift_right_logical3A_1788 = arith.shrui %xor3A_1781, %shift_right_logical3A_1787 : vector<16xi32>
          %or3A_1789 = arith.ori %shift_left3A_1785, %shift_right_logical3A_1788 : vector<16xi32>
          %xor3A_1790 = arith.xori %add3A_1782, %or3A_1789 : vector<16xi32>
          %add3A_1791 = arith.addi %add3A_1782, %xor3A_1790 : vector<16xi32>
          %shift_left3A_1792 = arith.constant 26 : i32
          %shift_left3A_1793 = vector.broadcast %shift_left3A_1792 : i32 to vector<16xi32>
          %shift_left3A_1794 = arith.shli %xor3A_1790, %shift_left3A_1793 : vector<16xi32>
          %shift_right_logical3A_1795 = arith.constant 6 : i32
          %shift_right_logical3A_1796 = vector.broadcast %shift_right_logical3A_1795 : i32 to vector<16xi32>
          %shift_right_logical3A_1797 = arith.shrui %xor3A_1790, %shift_right_logical3A_1796 : vector<16xi32>
          %or3A_1798 = arith.ori %shift_left3A_1794, %shift_right_logical3A_1797 : vector<16xi32>
          %xor3A_1799 = arith.xori %add3A_1791, %or3A_1798 : vector<16xi32>
          %add3A_1800 = arith.addi %add3A_1791, %xor3A_1799 : vector<16xi32>
          %shift_left3A_1801 = arith.constant 6 : i32
          %shift_left3A_1802 = vector.broadcast %shift_left3A_1801 : i32 to vector<16xi32>
          %shift_left3A_1803 = arith.shli %xor3A_1799, %shift_left3A_1802 : vector<16xi32>
          %shift_right_logical3A_1804 = arith.constant 26 : i32
          %shift_right_logical3A_1805 = vector.broadcast %shift_right_logical3A_1804 : i32 to vector<16xi32>
          %shift_right_logical3A_1806 = arith.shrui %xor3A_1799, %shift_right_logical3A_1805 : vector<16xi32>
          %or3A_1807 = arith.ori %shift_left3A_1803, %shift_right_logical3A_1806 : vector<16xi32>
          %xor3A_1808 = arith.xori %add3A_1800, %or3A_1807 : vector<16xi32>
          %add3A_1809 = arith.constant 1832780943 : i32
          %add3A_1810 = vector.broadcast %add3A_1809 : i32 to vector<16xi32>
          %add3A_1811 = arith.addi %add3A_1800, %add3A_1810 : vector<16xi32>
          %add3A_1812 = arith.constant 270669613 : i32
          %add3A_1813 = vector.broadcast %add3A_1812 : i32 to vector<16xi32>
          %add3A_1814 = arith.addi %xor3A_1808, %add3A_1813 : vector<16xi32>
          %add3A_1815 = arith.constant 3 : i32
          %add3A_1816 = vector.broadcast %add3A_1815 : i32 to vector<16xi32>
          %add3A_1817 = arith.addi %add3A_1814, %add3A_1816 : vector<16xi32>
          %add3A_1818 = arith.addi %add3A_1811, %add3A_1817 : vector<16xi32>
          %shift_left3A_1819 = arith.constant 17 : i32
          %shift_left3A_1820 = vector.broadcast %shift_left3A_1819 : i32 to vector<16xi32>
          %shift_left3A_1821 = arith.shli %add3A_1817, %shift_left3A_1820 : vector<16xi32>
          %shift_right_logical3A_1822 = arith.constant 15 : i32
          %shift_right_logical3A_1823 = vector.broadcast %shift_right_logical3A_1822 : i32 to vector<16xi32>
          %shift_right_logical3A_1824 = arith.shrui %add3A_1817, %shift_right_logical3A_1823 : vector<16xi32>
          %or3A_1825 = arith.ori %shift_left3A_1821, %shift_right_logical3A_1824 : vector<16xi32>
          %xor3A_1826 = arith.xori %add3A_1818, %or3A_1825 : vector<16xi32>
          %add3A_1827 = arith.addi %add3A_1818, %xor3A_1826 : vector<16xi32>
          %shift_left3A_1828 = arith.constant 29 : i32
          %shift_left3A_1829 = vector.broadcast %shift_left3A_1828 : i32 to vector<16xi32>
          %shift_left3A_1830 = arith.shli %xor3A_1826, %shift_left3A_1829 : vector<16xi32>
          %shift_right_logical3A_1831 = arith.constant 3 : i32
          %shift_right_logical3A_1832 = vector.broadcast %shift_right_logical3A_1831 : i32 to vector<16xi32>
          %shift_right_logical3A_1833 = arith.shrui %xor3A_1826, %shift_right_logical3A_1832 : vector<16xi32>
          %or3A_1834 = arith.ori %shift_left3A_1830, %shift_right_logical3A_1833 : vector<16xi32>
          %xor3A_1835 = arith.xori %add3A_1827, %or3A_1834 : vector<16xi32>
          %add3A_1836 = arith.addi %add3A_1827, %xor3A_1835 : vector<16xi32>
          %shift_left3A_1837 = arith.constant 16 : i32
          %shift_left3A_1838 = vector.broadcast %shift_left3A_1837 : i32 to vector<16xi32>
          %shift_left3A_1839 = arith.shli %xor3A_1835, %shift_left3A_1838 : vector<16xi32>
          %shift_right_logical3A_1840 = arith.constant 16 : i32
          %shift_right_logical3A_1841 = vector.broadcast %shift_right_logical3A_1840 : i32 to vector<16xi32>
          %shift_right_logical3A_1842 = arith.shrui %xor3A_1835, %shift_right_logical3A_1841 : vector<16xi32>
          %or3A_1843 = arith.ori %shift_left3A_1839, %shift_right_logical3A_1842 : vector<16xi32>
          %xor3A_1844 = arith.xori %add3A_1836, %or3A_1843 : vector<16xi32>
          %add3A_1845 = arith.addi %add3A_1836, %xor3A_1844 : vector<16xi32>
          %shift_left3A_1846 = arith.constant 24 : i32
          %shift_left3A_1847 = vector.broadcast %shift_left3A_1846 : i32 to vector<16xi32>
          %shift_left3A_1848 = arith.shli %xor3A_1844, %shift_left3A_1847 : vector<16xi32>
          %shift_right_logical3A_1849 = arith.constant 8 : i32
          %shift_right_logical3A_1850 = vector.broadcast %shift_right_logical3A_1849 : i32 to vector<16xi32>
          %shift_right_logical3A_1851 = arith.shrui %xor3A_1844, %shift_right_logical3A_1850 : vector<16xi32>
          %or3A_1852 = arith.ori %shift_left3A_1848, %shift_right_logical3A_1851 : vector<16xi32>
          %xor3A_1853 = arith.xori %add3A_1845, %or3A_1852 : vector<16xi32>
          %add3A_1854 = arith.constant 270669613 : i32
          %add3A_1855 = vector.broadcast %add3A_1854 : i32 to vector<16xi32>
          %add3A_1856 = arith.addi %add3A_1845, %add3A_1855 : vector<16xi32>
          %add3A_1857 = arith.constant 1724713080 : i32
          %add3A_1858 = vector.broadcast %add3A_1857 : i32 to vector<16xi32>
          %add3A_1859 = arith.addi %xor3A_1853, %add3A_1858 : vector<16xi32>
          %add3A_1860 = arith.constant 4 : i32
          %add3A_1861 = vector.broadcast %add3A_1860 : i32 to vector<16xi32>
          %add3A_1862 = arith.addi %add3A_1859, %add3A_1861 : vector<16xi32>
          %add3A_1863 = arith.addi %add3A_1856, %add3A_1862 : vector<16xi32>
          %shift_left3A_1864 = arith.constant 13 : i32
          %shift_left3A_1865 = vector.broadcast %shift_left3A_1864 : i32 to vector<16xi32>
          %shift_left3A_1866 = arith.shli %add3A_1862, %shift_left3A_1865 : vector<16xi32>
          %shift_right_logical3A_1867 = arith.constant 19 : i32
          %shift_right_logical3A_1868 = vector.broadcast %shift_right_logical3A_1867 : i32 to vector<16xi32>
          %shift_right_logical3A_1869 = arith.shrui %add3A_1862, %shift_right_logical3A_1868 : vector<16xi32>
          %or3A_1870 = arith.ori %shift_left3A_1866, %shift_right_logical3A_1869 : vector<16xi32>
          %xor3A_1871 = arith.xori %add3A_1863, %or3A_1870 : vector<16xi32>
          %add3A_1872 = arith.addi %add3A_1863, %xor3A_1871 : vector<16xi32>
          %shift_left3A_1873 = arith.constant 15 : i32
          %shift_left3A_1874 = vector.broadcast %shift_left3A_1873 : i32 to vector<16xi32>
          %shift_left3A_1875 = arith.shli %xor3A_1871, %shift_left3A_1874 : vector<16xi32>
          %shift_right_logical3A_1876 = arith.constant 17 : i32
          %shift_right_logical3A_1877 = vector.broadcast %shift_right_logical3A_1876 : i32 to vector<16xi32>
          %shift_right_logical3A_1878 = arith.shrui %xor3A_1871, %shift_right_logical3A_1877 : vector<16xi32>
          %or3A_1879 = arith.ori %shift_left3A_1875, %shift_right_logical3A_1878 : vector<16xi32>
          %xor3A_1880 = arith.xori %add3A_1872, %or3A_1879 : vector<16xi32>
          %add3A_1881 = arith.addi %add3A_1872, %xor3A_1880 : vector<16xi32>
          %shift_left3A_1882 = arith.constant 26 : i32
          %shift_left3A_1883 = vector.broadcast %shift_left3A_1882 : i32 to vector<16xi32>
          %shift_left3A_1884 = arith.shli %xor3A_1880, %shift_left3A_1883 : vector<16xi32>
          %shift_right_logical3A_1885 = arith.constant 6 : i32
          %shift_right_logical3A_1886 = vector.broadcast %shift_right_logical3A_1885 : i32 to vector<16xi32>
          %shift_right_logical3A_1887 = arith.shrui %xor3A_1880, %shift_right_logical3A_1886 : vector<16xi32>
          %or3A_1888 = arith.ori %shift_left3A_1884, %shift_right_logical3A_1887 : vector<16xi32>
          %xor3A_1889 = arith.xori %add3A_1881, %or3A_1888 : vector<16xi32>
          %add3A_1890 = arith.addi %add3A_1881, %xor3A_1889 : vector<16xi32>
          %shift_left3A_1891 = arith.constant 6 : i32
          %shift_left3A_1892 = vector.broadcast %shift_left3A_1891 : i32 to vector<16xi32>
          %shift_left3A_1893 = arith.shli %xor3A_1889, %shift_left3A_1892 : vector<16xi32>
          %shift_right_logical3A_1894 = arith.constant 26 : i32
          %shift_right_logical3A_1895 = vector.broadcast %shift_right_logical3A_1894 : i32 to vector<16xi32>
          %shift_right_logical3A_1896 = arith.shrui %xor3A_1889, %shift_right_logical3A_1895 : vector<16xi32>
          %or3A_1897 = arith.ori %shift_left3A_1893, %shift_right_logical3A_1896 : vector<16xi32>
          %xor3A_1898 = arith.xori %add3A_1890, %or3A_1897 : vector<16xi32>
          %add3A_1899 = arith.constant 1724713080 : i32
          %add3A_1900 = vector.broadcast %add3A_1899 : i32 to vector<16xi32>
          %add3A_1901 = arith.addi %add3A_1890, %add3A_1900 : vector<16xi32>
          %add3A_1902 = arith.constant 1832780943 : i32
          %add3A_1903 = vector.broadcast %add3A_1902 : i32 to vector<16xi32>
          %add3A_1904 = arith.addi %xor3A_1898, %add3A_1903 : vector<16xi32>
          %add3A_1905 = arith.constant 5 : i32
          %add3A_1906 = vector.broadcast %add3A_1905 : i32 to vector<16xi32>
          %add3A_1907 = arith.addi %add3A_1904, %add3A_1906 : vector<16xi32>
          %xor3A_1908 = arith.xori %add3A_1901, %add3A_1907 : vector<16xi32>
          %ge3A_1909 = arith.constant -15626240 : i32
          %ge3A_1910 = vector.broadcast %ge3A_1909 : i32 to vector<16xi32>
          %ge3A_1911 = arith.cmpi uge, %xor3A_1908, %ge3A_1910 : vector<16xi32>
          %jit3A_1912 = arith.constant 0.389012098 : f32
          %broadcast_in_dim3A_1913 = vector.broadcast %jit3A_1912 : f32 to vector<16xf32>
          %select_n3A_1914 = arith.select %ge3A_1911, %broadcast_in_dim3A_1913, %get3A_1673 : vector<16xi1>, vector<16xf32>
          %le3A_1915 = arith.constant 14329343 : i32
          %le3A_1916 = vector.broadcast %le3A_1915 : i32 to vector<16xi32>
          %le3A_1917 = arith.cmpi ule, %xor3A_1908, %le3A_1916 : vector<16xi32>
          %jit3A_1918 = arith.constant -0.256260395 : f32
          %broadcast_in_dim3A_1919 = vector.broadcast %jit3A_1918 : f32 to vector<16xf32>
          %select_n3A_1920 = arith.select %le3A_1917, %broadcast_in_dim3A_1919, %select_n3A_1914 : vector<16xi1>, vector<16xf32>
          %swap3A_1921 = arith.index_cast %add3A_110 : i32 to index
          %swap3A_1922 = arith.index_cast %add3A_1669 : i32 to index
          %swap3A_1923 = tpu.vector_load %arg7[%swap3A_1921, %swap3A_1922] {strides = array<i32>} : memref<64x384xf32, #tpu.memory_space<vmem>>, vector<1x16xf32>,
          %swap3A_1924 = vector.shape_cast %swap3A_1923 : vector<1x16xf32> to vector<16xf32>
          %swap3A_1925 = vector.shape_cast %select_n3A_1920 : vector<16xf32> to vector<1x16xf32>
          tpu.vector_store %arg7[%swap3A_1921, %swap3A_1922], %swap3A_1925 {strides = array<i32>} : memref<64x384xf32, #tpu.memory_space<vmem>>, vector<1x16xf32>,
          %mul3A_1926 = arith.constant 128 : i32
          %mul3A_1927 = arith.muli %shift_right_arithmetic3A_106, %mul3A_1926 : i32
          %add3A_1928 = arith.constant 112 : i32
          %add3A_1929 = arith.addi %mul3A_1927, %add3A_1928 : i32
          %get3A_1930 = arith.index_cast %add3A_110 : i32 to index
          %get3A_1931 = arith.index_cast %add3A_1929 : i32 to index
          %get3A_1932 = tpu.vector_load %arg5[%get3A_1930, %get3A_1931] {strides = array<i32>} : memref<64x384xf32, #tpu.memory_space<vmem>>, vector<1x16xf32>,
          %get3A_1933 = vector.shape_cast %get3A_1932 : vector<1x16xf32> to vector<16xf32>
          %add3A_1934 = arith.constant 112 : i32
          %add3A_1935 = arith.addi %add3A_116, %add3A_1934 : i32
          %add3A_1936 = vector.broadcast %add3A_1935 : i32 to vector<16xi32>
          %add3A_1937 = arith.addi %add3A_1936, %iota3A : vector<16xi32>
          %broadcast_in_dim3A_1938 = arith.constant 1832780943 : i32
          %broadcast_in_dim3A_1939 = vector.broadcast %broadcast_in_dim3A_1938 : i32 to vector<16xi32>
          %add3A_1940 = arith.constant 270669613 : i32
          %add3A_1941 = vector.broadcast %add3A_1940 : i32 to vector<16xi32>
          %add3A_1942 = arith.addi %add3A_1937, %add3A_1941 : vector<16xi32>
          %add3A_1943 = arith.addi %broadcast_in_dim3A_1939, %add3A_1942 : vector<16xi32>
          %shift_left3A_1944 = arith.constant 13 : i32
          %shift_left3A_1945 = vector.broadcast %shift_left3A_1944 : i32 to vector<16xi32>
          %shift_left3A_1946 = arith.shli %add3A_1942, %shift_left3A_1945 : vector<16xi32>
          %shift_right_logical3A_1947 = arith.constant 19 : i32
          %shift_right_logical3A_1948 = vector.broadcast %shift_right_logical3A_1947 : i32 to vector<16xi32>
          %shift_right_logical3A_1949 = arith.shrui %add3A_1942, %shift_right_logical3A_1948 : vector<16xi32>
          %or3A_1950 = arith.ori %shift_left3A_1946, %shift_right_logical3A_1949 : vector<16xi32>
          %xor3A_1951 = arith.xori %add3A_1943, %or3A_1950 : vector<16xi32>
          %add3A_1952 = arith.addi %add3A_1943, %xor3A_1951 : vector<16xi32>
          %shift_left3A_1953 = arith.constant 15 : i32
          %shift_left3A_1954 = vector.broadcast %shift_left3A_1953 : i32 to vector<16xi32>
          %shift_left3A_1955 = arith.shli %xor3A_1951, %shift_left3A_1954 : vector<16xi32>
          %shift_right_logical3A_1956 = arith.constant 17 : i32
          %shift_right_logical3A_1957 = vector.broadcast %shift_right_logical3A_1956 : i32 to vector<16xi32>
          %shift_right_logical3A_1958 = arith.shrui %xor3A_1951, %shift_right_logical3A_1957 : vector<16xi32>
          %or3A_1959 = arith.ori %shift_left3A_1955, %shift_right_logical3A_1958 : vector<16xi32>
          %xor3A_1960 = arith.xori %add3A_1952, %or3A_1959 : vector<16xi32>
          %add3A_1961 = arith.addi %add3A_1952, %xor3A_1960 : vector<16xi32>
          %shift_left3A_1962 = arith.constant 26 : i32
          %shift_left3A_1963 = vector.broadcast %shift_left3A_1962 : i32 to vector<16xi32>
          %shift_left3A_1964 = arith.shli %xor3A_1960, %shift_left3A_1963 : vector<16xi32>
          %shift_right_logical3A_1965 = arith.constant 6 : i32
          %shift_right_logical3A_1966 = vector.broadcast %shift_right_logical3A_1965 : i32 to vector<16xi32>
          %shift_right_logical3A_1967 = arith.shrui %xor3A_1960, %shift_right_logical3A_1966 : vector<16xi32>
          %or3A_1968 = arith.ori %shift_left3A_1964, %shift_right_logical3A_1967 : vector<16xi32>
          %xor3A_1969 = arith.xori %add3A_1961, %or3A_1968 : vector<16xi32>
          %add3A_1970 = arith.addi %add3A_1961, %xor3A_1969 : vector<16xi32>
          %shift_left3A_1971 = arith.constant 6 : i32
          %shift_left3A_1972 = vector.broadcast %shift_left3A_1971 : i32 to vector<16xi32>
          %shift_left3A_1973 = arith.shli %xor3A_1969, %shift_left3A_1972 : vector<16xi32>
          %shift_right_logical3A_1974 = arith.constant 26 : i32
          %shift_right_logical3A_1975 = vector.broadcast %shift_right_logical3A_1974 : i32 to vector<16xi32>
          %shift_right_logical3A_1976 = arith.shrui %xor3A_1969, %shift_right_logical3A_1975 : vector<16xi32>
          %or3A_1977 = arith.ori %shift_left3A_1973, %shift_right_logical3A_1976 : vector<16xi32>
          %xor3A_1978 = arith.xori %add3A_1970, %or3A_1977 : vector<16xi32>
          %add3A_1979 = arith.constant 270669613 : i32
          %add3A_1980 = vector.broadcast %add3A_1979 : i32 to vector<16xi32>
          %add3A_1981 = arith.addi %add3A_1970, %add3A_1980 : vector<16xi32>
          %add3A_1982 = arith.constant 1724713080 : i32
          %add3A_1983 = vector.broadcast %add3A_1982 : i32 to vector<16xi32>
          %add3A_1984 = arith.addi %xor3A_1978, %add3A_1983 : vector<16xi32>
          %add3A_1985 = arith.constant 1 : i32
          %add3A_1986 = vector.broadcast %add3A_1985 : i32 to vector<16xi32>
          %add3A_1987 = arith.addi %add3A_1984, %add3A_1986 : vector<16xi32>
          %add3A_1988 = arith.addi %add3A_1981, %add3A_1987 : vector<16xi32>
          %shift_left3A_1989 = arith.constant 17 : i32
          %shift_left3A_1990 = vector.broadcast %shift_left3A_1989 : i32 to vector<16xi32>
          %shift_left3A_1991 = arith.shli %add3A_1987, %shift_left3A_1990 : vector<16xi32>
          %shift_right_logical3A_1992 = arith.constant 15 : i32
          %shift_right_logical3A_1993 = vector.broadcast %shift_right_logical3A_1992 : i32 to vector<16xi32>
          %shift_right_logical3A_1994 = arith.shrui %add3A_1987, %shift_right_logical3A_1993 : vector<16xi32>
          %or3A_1995 = arith.ori %shift_left3A_1991, %shift_right_logical3A_1994 : vector<16xi32>
          %xor3A_1996 = arith.xori %add3A_1988, %or3A_1995 : vector<16xi32>
          %add3A_1997 = arith.addi %add3A_1988, %xor3A_1996 : vector<16xi32>
          %shift_left3A_1998 = arith.constant 29 : i32
          %shift_left3A_1999 = vector.broadcast %shift_left3A_1998 : i32 to vector<16xi32>
          %shift_left3A_2000 = arith.shli %xor3A_1996, %shift_left3A_1999 : vector<16xi32>
          %shift_right_logical3A_2001 = arith.constant 3 : i32
          %shift_right_logical3A_2002 = vector.broadcast %shift_right_logical3A_2001 : i32 to vector<16xi32>
          %shift_right_logical3A_2003 = arith.shrui %xor3A_1996, %shift_right_logical3A_2002 : vector<16xi32>
          %or3A_2004 = arith.ori %shift_left3A_2000, %shift_right_logical3A_2003 : vector<16xi32>
          %xor3A_2005 = arith.xori %add3A_1997, %or3A_2004 : vector<16xi32>
          %add3A_2006 = arith.addi %add3A_1997, %xor3A_2005 : vector<16xi32>
          %shift_left3A_2007 = arith.constant 16 : i32
          %shift_left3A_2008 = vector.broadcast %shift_left3A_2007 : i32 to vector<16xi32>
          %shift_left3A_2009 = arith.shli %xor3A_2005, %shift_left3A_2008 : vector<16xi32>
          %shift_right_logical3A_2010 = arith.constant 16 : i32
          %shift_right_logical3A_2011 = vector.broadcast %shift_right_logical3A_2010 : i32 to vector<16xi32>
          %shift_right_logical3A_2012 = arith.shrui %xor3A_2005, %shift_right_logical3A_2011 : vector<16xi32>
          %or3A_2013 = arith.ori %shift_left3A_2009, %shift_right_logical3A_2012 : vector<16xi32>
          %xor3A_2014 = arith.xori %add3A_2006, %or3A_2013 : vector<16xi32>
          %add3A_2015 = arith.addi %add3A_2006, %xor3A_2014 : vector<16xi32>
          %shift_left3A_2016 = arith.constant 24 : i32
          %shift_left3A_2017 = vector.broadcast %shift_left3A_2016 : i32 to vector<16xi32>
          %shift_left3A_2018 = arith.shli %xor3A_2014, %shift_left3A_2017 : vector<16xi32>
          %shift_right_logical3A_2019 = arith.constant 8 : i32
          %shift_right_logical3A_2020 = vector.broadcast %shift_right_logical3A_2019 : i32 to vector<16xi32>
          %shift_right_logical3A_2021 = arith.shrui %xor3A_2014, %shift_right_logical3A_2020 : vector<16xi32>
          %or3A_2022 = arith.ori %shift_left3A_2018, %shift_right_logical3A_2021 : vector<16xi32>
          %xor3A_2023 = arith.xori %add3A_2015, %or3A_2022 : vector<16xi32>
          %add3A_2024 = arith.constant 1724713080 : i32
          %add3A_2025 = vector.broadcast %add3A_2024 : i32 to vector<16xi32>
          %add3A_2026 = arith.addi %add3A_2015, %add3A_2025 : vector<16xi32>
          %add3A_2027 = arith.constant 1832780943 : i32
          %add3A_2028 = vector.broadcast %add3A_2027 : i32 to vector<16xi32>
          %add3A_2029 = arith.addi %xor3A_2023, %add3A_2028 : vector<16xi32>
          %add3A_2030 = arith.constant 2 : i32
          %add3A_2031 = vector.broadcast %add3A_2030 : i32 to vector<16xi32>
          %add3A_2032 = arith.addi %add3A_2029, %add3A_2031 : vector<16xi32>
          %add3A_2033 = arith.addi %add3A_2026, %add3A_2032 : vector<16xi32>
          %shift_left3A_2034 = arith.constant 13 : i32
          %shift_left3A_2035 = vector.broadcast %shift_left3A_2034 : i32 to vector<16xi32>
          %shift_left3A_2036 = arith.shli %add3A_2032, %shift_left3A_2035 : vector<16xi32>
          %shift_right_logical3A_2037 = arith.constant 19 : i32
          %shift_right_logical3A_2038 = vector.broadcast %shift_right_logical3A_2037 : i32 to vector<16xi32>
          %shift_right_logical3A_2039 = arith.shrui %add3A_2032, %shift_right_logical3A_2038 : vector<16xi32>
          %or3A_2040 = arith.ori %shift_left3A_2036, %shift_right_logical3A_2039 : vector<16xi32>
          %xor3A_2041 = arith.xori %add3A_2033, %or3A_2040 : vector<16xi32>
          %add3A_2042 = arith.addi %add3A_2033, %xor3A_2041 : vector<16xi32>
          %shift_left3A_2043 = arith.constant 15 : i32
          %shift_left3A_2044 = vector.broadcast %shift_left3A_2043 : i32 to vector<16xi32>
          %shift_left3A_2045 = arith.shli %xor3A_2041, %shift_left3A_2044 : vector<16xi32>
          %shift_right_logical3A_2046 = arith.constant 17 : i32
          %shift_right_logical3A_2047 = vector.broadcast %shift_right_logical3A_2046 : i32 to vector<16xi32>
          %shift_right_logical3A_2048 = arith.shrui %xor3A_2041, %shift_right_logical3A_2047 : vector<16xi32>
          %or3A_2049 = arith.ori %shift_left3A_2045, %shift_right_logical3A_2048 : vector<16xi32>
          %xor3A_2050 = arith.xori %add3A_2042, %or3A_2049 : vector<16xi32>
          %add3A_2051 = arith.addi %add3A_2042, %xor3A_2050 : vector<16xi32>
          %shift_left3A_2052 = arith.constant 26 : i32
          %shift_left3A_2053 = vector.broadcast %shift_left3A_2052 : i32 to vector<16xi32>
          %shift_left3A_2054 = arith.shli %xor3A_2050, %shift_left3A_2053 : vector<16xi32>
          %shift_right_logical3A_2055 = arith.constant 6 : i32
          %shift_right_logical3A_2056 = vector.broadcast %shift_right_logical3A_2055 : i32 to vector<16xi32>
          %shift_right_logical3A_2057 = arith.shrui %xor3A_2050, %shift_right_logical3A_2056 : vector<16xi32>
          %or3A_2058 = arith.ori %shift_left3A_2054, %shift_right_logical3A_2057 : vector<16xi32>
          %xor3A_2059 = arith.xori %add3A_2051, %or3A_2058 : vector<16xi32>
          %add3A_2060 = arith.addi %add3A_2051, %xor3A_2059 : vector<16xi32>
          %shift_left3A_2061 = arith.constant 6 : i32
          %shift_left3A_2062 = vector.broadcast %shift_left3A_2061 : i32 to vector<16xi32>
          %shift_left3A_2063 = arith.shli %xor3A_2059, %shift_left3A_2062 : vector<16xi32>
          %shift_right_logical3A_2064 = arith.constant 26 : i32
          %shift_right_logical3A_2065 = vector.broadcast %shift_right_logical3A_2064 : i32 to vector<16xi32>
          %shift_right_logical3A_2066 = arith.shrui %xor3A_2059, %shift_right_logical3A_2065 : vector<16xi32>
          %or3A_2067 = arith.ori %shift_left3A_2063, %shift_right_logical3A_2066 : vector<16xi32>
          %xor3A_2068 = arith.xori %add3A_2060, %or3A_2067 : vector<16xi32>
          %add3A_2069 = arith.constant 1832780943 : i32
          %add3A_2070 = vector.broadcast %add3A_2069 : i32 to vector<16xi32>
          %add3A_2071 = arith.addi %add3A_2060, %add3A_2070 : vector<16xi32>
          %add3A_2072 = arith.constant 270669613 : i32
          %add3A_2073 = vector.broadcast %add3A_2072 : i32 to vector<16xi32>
          %add3A_2074 = arith.addi %xor3A_2068, %add3A_2073 : vector<16xi32>
          %add3A_2075 = arith.constant 3 : i32
          %add3A_2076 = vector.broadcast %add3A_2075 : i32 to vector<16xi32>
          %add3A_2077 = arith.addi %add3A_2074, %add3A_2076 : vector<16xi32>
          %add3A_2078 = arith.addi %add3A_2071, %add3A_2077 : vector<16xi32>
          %shift_left3A_2079 = arith.constant 17 : i32
          %shift_left3A_2080 = vector.broadcast %shift_left3A_2079 : i32 to vector<16xi32>
          %shift_left3A_2081 = arith.shli %add3A_2077, %shift_left3A_2080 : vector<16xi32>
          %shift_right_logical3A_2082 = arith.constant 15 : i32
          %shift_right_logical3A_2083 = vector.broadcast %shift_right_logical3A_2082 : i32 to vector<16xi32>
          %shift_right_logical3A_2084 = arith.shrui %add3A_2077, %shift_right_logical3A_2083 : vector<16xi32>
          %or3A_2085 = arith.ori %shift_left3A_2081, %shift_right_logical3A_2084 : vector<16xi32>
          %xor3A_2086 = arith.xori %add3A_2078, %or3A_2085 : vector<16xi32>
          %add3A_2087 = arith.addi %add3A_2078, %xor3A_2086 : vector<16xi32>
          %shift_left3A_2088 = arith.constant 29 : i32
          %shift_left3A_2089 = vector.broadcast %shift_left3A_2088 : i32 to vector<16xi32>
          %shift_left3A_2090 = arith.shli %xor3A_2086, %shift_left3A_2089 : vector<16xi32>
          %shift_right_logical3A_2091 = arith.constant 3 : i32
          %shift_right_logical3A_2092 = vector.broadcast %shift_right_logical3A_2091 : i32 to vector<16xi32>
          %shift_right_logical3A_2093 = arith.shrui %xor3A_2086, %shift_right_logical3A_2092 : vector<16xi32>
          %or3A_2094 = arith.ori %shift_left3A_2090, %shift_right_logical3A_2093 : vector<16xi32>
          %xor3A_2095 = arith.xori %add3A_2087, %or3A_2094 : vector<16xi32>
          %add3A_2096 = arith.addi %add3A_2087, %xor3A_2095 : vector<16xi32>
          %shift_left3A_2097 = arith.constant 16 : i32
          %shift_left3A_2098 = vector.broadcast %shift_left3A_2097 : i32 to vector<16xi32>
          %shift_left3A_2099 = arith.shli %xor3A_2095, %shift_left3A_2098 : vector<16xi32>
          %shift_right_logical3A_2100 = arith.constant 16 : i32
          %shift_right_logical3A_2101 = vector.broadcast %shift_right_logical3A_2100 : i32 to vector<16xi32>
          %shift_right_logical3A_2102 = arith.shrui %xor3A_2095, %shift_right_logical3A_2101 : vector<16xi32>
          %or3A_2103 = arith.ori %shift_left3A_2099, %shift_right_logical3A_2102 : vector<16xi32>
          %xor3A_2104 = arith.xori %add3A_2096, %or3A_2103 : vector<16xi32>
          %add3A_2105 = arith.addi %add3A_2096, %xor3A_2104 : vector<16xi32>
          %shift_left3A_2106 = arith.constant 24 : i32
          %shift_left3A_2107 = vector.broadcast %shift_left3A_2106 : i32 to vector<16xi32>
          %shift_left3A_2108 = arith.shli %xor3A_2104, %shift_left3A_2107 : vector<16xi32>
          %shift_right_logical3A_2109 = arith.constant 8 : i32
          %shift_right_logical3A_2110 = vector.broadcast %shift_right_logical3A_2109 : i32 to vector<16xi32>
          %shift_right_logical3A_2111 = arith.shrui %xor3A_2104, %shift_right_logical3A_2110 : vector<16xi32>
          %or3A_2112 = arith.ori %shift_left3A_2108, %shift_right_logical3A_2111 : vector<16xi32>
          %xor3A_2113 = arith.xori %add3A_2105, %or3A_2112 : vector<16xi32>
          %add3A_2114 = arith.constant 270669613 : i32
          %add3A_2115 = vector.broadcast %add3A_2114 : i32 to vector<16xi32>
          %add3A_2116 = arith.addi %add3A_2105, %add3A_2115 : vector<16xi32>
          %add3A_2117 = arith.constant 1724713080 : i32
          %add3A_2118 = vector.broadcast %add3A_2117 : i32 to vector<16xi32>
          %add3A_2119 = arith.addi %xor3A_2113, %add3A_2118 : vector<16xi32>
          %add3A_2120 = arith.constant 4 : i32
          %add3A_2121 = vector.broadcast %add3A_2120 : i32 to vector<16xi32>
          %add3A_2122 = arith.addi %add3A_2119, %add3A_2121 : vector<16xi32>
          %add3A_2123 = arith.addi %add3A_2116, %add3A_2122 : vector<16xi32>
          %shift_left3A_2124 = arith.constant 13 : i32
          %shift_left3A_2125 = vector.broadcast %shift_left3A_2124 : i32 to vector<16xi32>
          %shift_left3A_2126 = arith.shli %add3A_2122, %shift_left3A_2125 : vector<16xi32>
          %shift_right_logical3A_2127 = arith.constant 19 : i32
          %shift_right_logical3A_2128 = vector.broadcast %shift_right_logical3A_2127 : i32 to vector<16xi32>
          %shift_right_logical3A_2129 = arith.shrui %add3A_2122, %shift_right_logical3A_2128 : vector<16xi32>
          %or3A_2130 = arith.ori %shift_left3A_2126, %shift_right_logical3A_2129 : vector<16xi32>
          %xor3A_2131 = arith.xori %add3A_2123, %or3A_2130 : vector<16xi32>
          %add3A_2132 = arith.addi %add3A_2123, %xor3A_2131 : vector<16xi32>
          %shift_left3A_2133 = arith.constant 15 : i32
          %shift_left3A_2134 = vector.broadcast %shift_left3A_2133 : i32 to vector<16xi32>
          %shift_left3A_2135 = arith.shli %xor3A_2131, %shift_left3A_2134 : vector<16xi32>
          %shift_right_logical3A_2136 = arith.constant 17 : i32
          %shift_right_logical3A_2137 = vector.broadcast %shift_right_logical3A_2136 : i32 to vector<16xi32>
          %shift_right_logical3A_2138 = arith.shrui %xor3A_2131, %shift_right_logical3A_2137 : vector<16xi32>
          %or3A_2139 = arith.ori %shift_left3A_2135, %shift_right_logical3A_2138 : vector<16xi32>
          %xor3A_2140 = arith.xori %add3A_2132, %or3A_2139 : vector<16xi32>
          %add3A_2141 = arith.addi %add3A_2132, %xor3A_2140 : vector<16xi32>
          %shift_left3A_2142 = arith.constant 26 : i32
          %shift_left3A_2143 = vector.broadcast %shift_left3A_2142 : i32 to vector<16xi32>
          %shift_left3A_2144 = arith.shli %xor3A_2140, %shift_left3A_2143 : vector<16xi32>
          %shift_right_logical3A_2145 = arith.constant 6 : i32
          %shift_right_logical3A_2146 = vector.broadcast %shift_right_logical3A_2145 : i32 to vector<16xi32>
          %shift_right_logical3A_2147 = arith.shrui %xor3A_2140, %shift_right_logical3A_2146 : vector<16xi32>
          %or3A_2148 = arith.ori %shift_left3A_2144, %shift_right_logical3A_2147 : vector<16xi32>
          %xor3A_2149 = arith.xori %add3A_2141, %or3A_2148 : vector<16xi32>
          %add3A_2150 = arith.addi %add3A_2141, %xor3A_2149 : vector<16xi32>
          %shift_left3A_2151 = arith.constant 6 : i32
          %shift_left3A_2152 = vector.broadcast %shift_left3A_2151 : i32 to vector<16xi32>
          %shift_left3A_2153 = arith.shli %xor3A_2149, %shift_left3A_2152 : vector<16xi32>
          %shift_right_logical3A_2154 = arith.constant 26 : i32
          %shift_right_logical3A_2155 = vector.broadcast %shift_right_logical3A_2154 : i32 to vector<16xi32>
          %shift_right_logical3A_2156 = arith.shrui %xor3A_2149, %shift_right_logical3A_2155 : vector<16xi32>
          %or3A_2157 = arith.ori %shift_left3A_2153, %shift_right_logical3A_2156 : vector<16xi32>
          %xor3A_2158 = arith.xori %add3A_2150, %or3A_2157 : vector<16xi32>
          %add3A_2159 = arith.constant 1724713080 : i32
          %add3A_2160 = vector.broadcast %add3A_2159 : i32 to vector<16xi32>
          %add3A_2161 = arith.addi %add3A_2150, %add3A_2160 : vector<16xi32>
          %add3A_2162 = arith.constant 1832780943 : i32
          %add3A_2163 = vector.broadcast %add3A_2162 : i32 to vector<16xi32>
          %add3A_2164 = arith.addi %xor3A_2158, %add3A_2163 : vector<16xi32>
          %add3A_2165 = arith.constant 5 : i32
          %add3A_2166 = vector.broadcast %add3A_2165 : i32 to vector<16xi32>
          %add3A_2167 = arith.addi %add3A_2164, %add3A_2166 : vector<16xi32>
          %xor3A_2168 = arith.xori %add3A_2161, %add3A_2167 : vector<16xi32>
          %ge3A_2169 = arith.constant -15626240 : i32
          %ge3A_2170 = vector.broadcast %ge3A_2169 : i32 to vector<16xi32>
          %ge3A_2171 = arith.cmpi uge, %xor3A_2168, %ge3A_2170 : vector<16xi32>
          %jit3A_2172 = arith.constant 0.389012098 : f32
          %broadcast_in_dim3A_2173 = vector.broadcast %jit3A_2172 : f32 to vector<16xf32>
          %select_n3A_2174 = arith.select %ge3A_2171, %broadcast_in_dim3A_2173, %get3A_1933 : vector<16xi1>, vector<16xf32>
          %le3A_2175 = arith.constant 14329343 : i32
          %le3A_2176 = vector.broadcast %le3A_2175 : i32 to vector<16xi32>
          %le3A_2177 = arith.cmpi ule, %xor3A_2168, %le3A_2176 : vector<16xi32>
          %jit3A_2178 = arith.constant -0.256260395 : f32
          %broadcast_in_dim3A_2179 = vector.broadcast %jit3A_2178 : f32 to vector<16xf32>
          %select_n3A_2180 = arith.select %le3A_2177, %broadcast_in_dim3A_2179, %select_n3A_2174 : vector<16xi1>, vector<16xf32>
          %swap3A_2181 = arith.index_cast %add3A_110 : i32 to index
          %swap3A_2182 = arith.index_cast %add3A_1929 : i32 to index
          %swap3A_2183 = tpu.vector_load %arg7[%swap3A_2181, %swap3A_2182] {strides = array<i32>} : memref<64x384xf32, #tpu.memory_space<vmem>>, vector<1x16xf32>,
          %swap3A_2184 = vector.shape_cast %swap3A_2183 : vector<1x16xf32> to vector<16xf32>
          %swap3A_2185 = vector.shape_cast %select_n3A_2180 : vector<16xf32> to vector<1x16xf32>
          tpu.vector_store %arg7[%swap3A_2181, %swap3A_2182], %swap3A_2185 {strides = array<i32>} : memref<64x384xf32, #tpu.memory_space<vmem>>, vector<1x16xf32>,
        }
        %scan3A_104 = arith.constant 24 : i32
      }
      %scan3A_91 = arith.constant 8 : i32
      %mul3A_92 = arith.constant 64 : i32
      %mul3A_93 = arith.muli %add3A_32, %mul3A_92 : i32
      %add3A_94 = arith.addi %mul3A_6, %mul3A_93 : i32
      %dma_start3A_95 = arith.constant 0 : i32
      %dma_start3A_96 = tpu.memref_slice %arg3[%add3A_94, %dma_start3A_95] : memref<20480x384xf32, #tpu.memory_space<hbm>> -> memref<64x384xf32, #tpu.memory_space<hbm>>
      %dma_start3A_97 = arith.constant 0 : i32
      %dma_start3A_98 = tpu.memref_slice %arg3[%add3A_94, %dma_start3A_97] : memref<20480x384xf32, #tpu.memory_space<hbm>> -> memref<64x384xf32, #tpu.memory_space<hbm>>
      tpu.enqueue_dma source(%arg7 : memref<64x384xf32, #tpu.memory_space<vmem>>) target(%dma_start3A_98 : memref<64x384xf32, #tpu.memory_space<hbm>>) target_semaphore(%arg11 : memref<!tpu.dma_semaphore, #tpu.memory_space<semaphore_mem>>)
    }
    %scan3A_16 = arith.constant 5 : i32
    %add3A_17 = arith.constant 512 : i32
    %add3A_18 = arith.addi %mul3A_6, %add3A_17 : i32
    %dma_wait3A = arith.constant 0 : i32
    %dma_wait3A_19 = tpu.memref_slice %arg3[%add3A_18, %dma_wait3A] : memref<20480x384xf32, #tpu.memory_space<hbm>> -> memref<64x384xf32, #tpu.memory_space<hbm>>
    %dma_wait3A_20 = arith.constant 0 : i32
    %dma_wait3A_21 = tpu.memref_slice %arg3[%add3A_18, %dma_wait3A_20] : memref<20480x384xf32, #tpu.memory_space<hbm>> -> memref<64x384xf32, #tpu.memory_space<hbm>>
    tpu.wait_dma2 semaphore(%arg10 : memref<!tpu.dma_semaphore, #tpu.memory_space<semaphore_mem>>) src(%arg6 : memref<64x384xf32, #tpu.memory_space<vmem>>) dst(%dma_wait3A_21 : memref<64x384xf32, #tpu.memory_space<hbm>>)
    %add3A_22 = arith.constant 576 : i32
    %add3A_23 = arith.addi %mul3A_6, %add3A_22 : i32
    %dma_wait3A_24 = arith.constant 0 : i32
    %dma_wait3A_25 = tpu.memref_slice %arg3[%add3A_23, %dma_wait3A_24] : memref<20480x384xf32, #tpu.memory_space<hbm>> -> memref<64x384xf32, #tpu.memory_space<hbm>>
    %dma_wait3A_26 = arith.constant 0 : i32
    %dma_wait3A_27 = tpu.memref_slice %arg3[%add3A_23, %dma_wait3A_26] : memref<20480x384xf32, #tpu.memory_space<hbm>> -> memref<64x384xf32, #tpu.memory_space<hbm>>
    tpu.wait_dma2 semaphore(%arg11 : memref<!tpu.dma_semaphore, #tpu.memory_space<semaphore_mem>>) src(%arg7 : memref<64x384xf32, #tpu.memory_space<vmem>>) dst(%dma_wait3A_27 : memref<64x384xf32, #tpu.memory_space<hbm>>)
    return
  }
}

module attributes {stable_mosaic.version = 14 : i64} {
  func.func @_body(%arg0: i32, %arg1: memref<2048x384xf32, #tpu.memory_space<vmem>>, %arg2: memref<2048x384xf32, #tpu.memory_space<vmem>>) attributes {dimension_semantics = [#tpu.dimension_semantics<arbitrary>], iteration_bounds = array<i64: 26>, scalar_prefetch = 0 : i64, scratch_operands = 0 : i64, tpu.core_type = #tpu.core_type<tc>, window_params = [{transform_indices = @transform_0, window_bounds = array<i64: 2048, 384>}, {transform_indices = @transform_1, window_bounds = array<i64: 2048, 384>}]} {
    %mul3A = arith.constant 2048 : i32
    %mul3A_0 = arith.muli %arg0, %mul3A : i32
    %iota3A = tpu.iota {dimensions = array<i32: 0>} : vector<2048x384xi32>
    %iota3A_1 = tpu.iota {dimensions = array<i32: 1>} : vector<2048x384xi32>
    %add3A = vector.broadcast %mul3A_0 : i32 to vector<2048x384xi32>
    %add3A_2 = arith.addi %add3A, %iota3A : vector<2048x384xi32>
    %mul3A_3 = arith.constant 384 : i32
    %mul3A_4 = vector.broadcast %mul3A_3 : i32 to vector<2048x384xi32>
    %mul3A_5 = arith.muli %add3A_2, %mul3A_4 : vector<2048x384xi32>
    %add3A_6 = arith.addi %mul3A_5, %iota3A_1 : vector<2048x384xi32>
    %broadcast_in_dim3A = arith.constant 1832780943 : i32
    %broadcast_in_dim3A_7 = vector.broadcast %broadcast_in_dim3A : i32 to vector<2048x384xi32>
    %add3A_8 = arith.constant 270669613 : i32
    %add3A_9 = vector.broadcast %add3A_8 : i32 to vector<2048x384xi32>
    %add3A_10 = arith.addi %add3A_6, %add3A_9 : vector<2048x384xi32>
    %add3A_11 = arith.addi %broadcast_in_dim3A_7, %add3A_10 : vector<2048x384xi32>
    %shift_left3A = arith.constant 13 : i32
    %shift_left3A_12 = vector.broadcast %shift_left3A : i32 to vector<2048x384xi32>
    %shift_left3A_13 = arith.shli %add3A_10, %shift_left3A_12 : vector<2048x384xi32>
    %shift_right_logical3A = arith.constant 19 : i32
    %shift_right_logical3A_14 = vector.broadcast %shift_right_logical3A : i32 to vector<2048x384xi32>
    %shift_right_logical3A_15 = arith.shrui %add3A_10, %shift_right_logical3A_14 : vector<2048x384xi32>
    %or3A = arith.ori %shift_left3A_13, %shift_right_logical3A_15 : vector<2048x384xi32>
    %xor3A = arith.xori %add3A_11, %or3A : vector<2048x384xi32>
    %add3A_16 = arith.addi %add3A_11, %xor3A : vector<2048x384xi32>
    %shift_left3A_17 = arith.constant 15 : i32
    %shift_left3A_18 = vector.broadcast %shift_left3A_17 : i32 to vector<2048x384xi32>
    %shift_left3A_19 = arith.shli %xor3A, %shift_left3A_18 : vector<2048x384xi32>
    %shift_right_logical3A_20 = arith.constant 17 : i32
    %shift_right_logical3A_21 = vector.broadcast %shift_right_logical3A_20 : i32 to vector<2048x384xi32>
    %shift_right_logical3A_22 = arith.shrui %xor3A, %shift_right_logical3A_21 : vector<2048x384xi32>
    %or3A_23 = arith.ori %shift_left3A_19, %shift_right_logical3A_22 : vector<2048x384xi32>
    %xor3A_24 = arith.xori %add3A_16, %or3A_23 : vector<2048x384xi32>
    %add3A_25 = arith.addi %add3A_16, %xor3A_24 : vector<2048x384xi32>
    %shift_left3A_26 = arith.constant 26 : i32
    %shift_left3A_27 = vector.broadcast %shift_left3A_26 : i32 to vector<2048x384xi32>
    %shift_left3A_28 = arith.shli %xor3A_24, %shift_left3A_27 : vector<2048x384xi32>
    %shift_right_logical3A_29 = arith.constant 6 : i32
    %shift_right_logical3A_30 = vector.broadcast %shift_right_logical3A_29 : i32 to vector<2048x384xi32>
    %shift_right_logical3A_31 = arith.shrui %xor3A_24, %shift_right_logical3A_30 : vector<2048x384xi32>
    %or3A_32 = arith.ori %shift_left3A_28, %shift_right_logical3A_31 : vector<2048x384xi32>
    %xor3A_33 = arith.xori %add3A_25, %or3A_32 : vector<2048x384xi32>
    %add3A_34 = arith.addi %add3A_25, %xor3A_33 : vector<2048x384xi32>
    %shift_left3A_35 = arith.constant 6 : i32
    %shift_left3A_36 = vector.broadcast %shift_left3A_35 : i32 to vector<2048x384xi32>
    %shift_left3A_37 = arith.shli %xor3A_33, %shift_left3A_36 : vector<2048x384xi32>
    %shift_right_logical3A_38 = arith.constant 26 : i32
    %shift_right_logical3A_39 = vector.broadcast %shift_right_logical3A_38 : i32 to vector<2048x384xi32>
    %shift_right_logical3A_40 = arith.shrui %xor3A_33, %shift_right_logical3A_39 : vector<2048x384xi32>
    %or3A_41 = arith.ori %shift_left3A_37, %shift_right_logical3A_40 : vector<2048x384xi32>
    %xor3A_42 = arith.xori %add3A_34, %or3A_41 : vector<2048x384xi32>
    %add3A_43 = arith.constant 270669613 : i32
    %add3A_44 = vector.broadcast %add3A_43 : i32 to vector<2048x384xi32>
    %add3A_45 = arith.addi %add3A_34, %add3A_44 : vector<2048x384xi32>
    %add3A_46 = arith.constant 1724713080 : i32
    %add3A_47 = vector.broadcast %add3A_46 : i32 to vector<2048x384xi32>
    %add3A_48 = arith.addi %xor3A_42, %add3A_47 : vector<2048x384xi32>
    %add3A_49 = arith.constant 1 : i32
    %add3A_50 = vector.broadcast %add3A_49 : i32 to vector<2048x384xi32>
    %add3A_51 = arith.addi %add3A_48, %add3A_50 : vector<2048x384xi32>
    %add3A_52 = arith.addi %add3A_45, %add3A_51 : vector<2048x384xi32>
    %shift_left3A_53 = arith.constant 17 : i32
    %shift_left3A_54 = vector.broadcast %shift_left3A_53 : i32 to vector<2048x384xi32>
    %shift_left3A_55 = arith.shli %add3A_51, %shift_left3A_54 : vector<2048x384xi32>
    %shift_right_logical3A_56 = arith.constant 15 : i32
    %shift_right_logical3A_57 = vector.broadcast %shift_right_logical3A_56 : i32 to vector<2048x384xi32>
    %shift_right_logical3A_58 = arith.shrui %add3A_51, %shift_right_logical3A_57 : vector<2048x384xi32>
    %or3A_59 = arith.ori %shift_left3A_55, %shift_right_logical3A_58 : vector<2048x384xi32>
    %xor3A_60 = arith.xori %add3A_52, %or3A_59 : vector<2048x384xi32>
    %add3A_61 = arith.addi %add3A_52, %xor3A_60 : vector<2048x384xi32>
    %shift_left3A_62 = arith.constant 29 : i32
    %shift_left3A_63 = vector.broadcast %shift_left3A_62 : i32 to vector<2048x384xi32>
    %shift_left3A_64 = arith.shli %xor3A_60, %shift_left3A_63 : vector<2048x384xi32>
    %shift_right_logical3A_65 = arith.constant 3 : i32
    %shift_right_logical3A_66 = vector.broadcast %shift_right_logical3A_65 : i32 to vector<2048x384xi32>
    %shift_right_logical3A_67 = arith.shrui %xor3A_60, %shift_right_logical3A_66 : vector<2048x384xi32>
    %or3A_68 = arith.ori %shift_left3A_64, %shift_right_logical3A_67 : vector<2048x384xi32>
    %xor3A_69 = arith.xori %add3A_61, %or3A_68 : vector<2048x384xi32>
    %add3A_70 = arith.addi %add3A_61, %xor3A_69 : vector<2048x384xi32>
    %shift_left3A_71 = arith.constant 16 : i32
    %shift_left3A_72 = vector.broadcast %shift_left3A_71 : i32 to vector<2048x384xi32>
    %shift_left3A_73 = arith.shli %xor3A_69, %shift_left3A_72 : vector<2048x384xi32>
    %shift_right_logical3A_74 = arith.constant 16 : i32
    %shift_right_logical3A_75 = vector.broadcast %shift_right_logical3A_74 : i32 to vector<2048x384xi32>
    %shift_right_logical3A_76 = arith.shrui %xor3A_69, %shift_right_logical3A_75 : vector<2048x384xi32>
    %or3A_77 = arith.ori %shift_left3A_73, %shift_right_logical3A_76 : vector<2048x384xi32>
    %xor3A_78 = arith.xori %add3A_70, %or3A_77 : vector<2048x384xi32>
    %add3A_79 = arith.addi %add3A_70, %xor3A_78 : vector<2048x384xi32>
    %shift_left3A_80 = arith.constant 24 : i32
    %shift_left3A_81 = vector.broadcast %shift_left3A_80 : i32 to vector<2048x384xi32>
    %shift_left3A_82 = arith.shli %xor3A_78, %shift_left3A_81 : vector<2048x384xi32>
    %shift_right_logical3A_83 = arith.constant 8 : i32
    %shift_right_logical3A_84 = vector.broadcast %shift_right_logical3A_83 : i32 to vector<2048x384xi32>
    %shift_right_logical3A_85 = arith.shrui %xor3A_78, %shift_right_logical3A_84 : vector<2048x384xi32>
    %or3A_86 = arith.ori %shift_left3A_82, %shift_right_logical3A_85 : vector<2048x384xi32>
    %xor3A_87 = arith.xori %add3A_79, %or3A_86 : vector<2048x384xi32>
    %add3A_88 = arith.constant 1724713080 : i32
    %add3A_89 = vector.broadcast %add3A_88 : i32 to vector<2048x384xi32>
    %add3A_90 = arith.addi %add3A_79, %add3A_89 : vector<2048x384xi32>
    %add3A_91 = arith.constant 1832780943 : i32
    %add3A_92 = vector.broadcast %add3A_91 : i32 to vector<2048x384xi32>
    %add3A_93 = arith.addi %xor3A_87, %add3A_92 : vector<2048x384xi32>
    %add3A_94 = arith.constant 2 : i32
    %add3A_95 = vector.broadcast %add3A_94 : i32 to vector<2048x384xi32>
    %add3A_96 = arith.addi %add3A_93, %add3A_95 : vector<2048x384xi32>
    %add3A_97 = arith.addi %add3A_90, %add3A_96 : vector<2048x384xi32>
    %shift_left3A_98 = arith.constant 13 : i32
    %shift_left3A_99 = vector.broadcast %shift_left3A_98 : i32 to vector<2048x384xi32>
    %shift_left3A_100 = arith.shli %add3A_96, %shift_left3A_99 : vector<2048x384xi32>
    %shift_right_logical3A_101 = arith.constant 19 : i32
    %shift_right_logical3A_102 = vector.broadcast %shift_right_logical3A_101 : i32 to vector<2048x384xi32>
    %shift_right_logical3A_103 = arith.shrui %add3A_96, %shift_right_logical3A_102 : vector<2048x384xi32>
    %or3A_104 = arith.ori %shift_left3A_100, %shift_right_logical3A_103 : vector<2048x384xi32>
    %xor3A_105 = arith.xori %add3A_97, %or3A_104 : vector<2048x384xi32>
    %add3A_106 = arith.addi %add3A_97, %xor3A_105 : vector<2048x384xi32>
    %shift_left3A_107 = arith.constant 15 : i32
    %shift_left3A_108 = vector.broadcast %shift_left3A_107 : i32 to vector<2048x384xi32>
    %shift_left3A_109 = arith.shli %xor3A_105, %shift_left3A_108 : vector<2048x384xi32>
    %shift_right_logical3A_110 = arith.constant 17 : i32
    %shift_right_logical3A_111 = vector.broadcast %shift_right_logical3A_110 : i32 to vector<2048x384xi32>
    %shift_right_logical3A_112 = arith.shrui %xor3A_105, %shift_right_logical3A_111 : vector<2048x384xi32>
    %or3A_113 = arith.ori %shift_left3A_109, %shift_right_logical3A_112 : vector<2048x384xi32>
    %xor3A_114 = arith.xori %add3A_106, %or3A_113 : vector<2048x384xi32>
    %add3A_115 = arith.addi %add3A_106, %xor3A_114 : vector<2048x384xi32>
    %shift_left3A_116 = arith.constant 26 : i32
    %shift_left3A_117 = vector.broadcast %shift_left3A_116 : i32 to vector<2048x384xi32>
    %shift_left3A_118 = arith.shli %xor3A_114, %shift_left3A_117 : vector<2048x384xi32>
    %shift_right_logical3A_119 = arith.constant 6 : i32
    %shift_right_logical3A_120 = vector.broadcast %shift_right_logical3A_119 : i32 to vector<2048x384xi32>
    %shift_right_logical3A_121 = arith.shrui %xor3A_114, %shift_right_logical3A_120 : vector<2048x384xi32>
    %or3A_122 = arith.ori %shift_left3A_118, %shift_right_logical3A_121 : vector<2048x384xi32>
    %xor3A_123 = arith.xori %add3A_115, %or3A_122 : vector<2048x384xi32>
    %add3A_124 = arith.addi %add3A_115, %xor3A_123 : vector<2048x384xi32>
    %shift_left3A_125 = arith.constant 6 : i32
    %shift_left3A_126 = vector.broadcast %shift_left3A_125 : i32 to vector<2048x384xi32>
    %shift_left3A_127 = arith.shli %xor3A_123, %shift_left3A_126 : vector<2048x384xi32>
    %shift_right_logical3A_128 = arith.constant 26 : i32
    %shift_right_logical3A_129 = vector.broadcast %shift_right_logical3A_128 : i32 to vector<2048x384xi32>
    %shift_right_logical3A_130 = arith.shrui %xor3A_123, %shift_right_logical3A_129 : vector<2048x384xi32>
    %or3A_131 = arith.ori %shift_left3A_127, %shift_right_logical3A_130 : vector<2048x384xi32>
    %xor3A_132 = arith.xori %add3A_124, %or3A_131 : vector<2048x384xi32>
    %add3A_133 = arith.constant 1832780943 : i32
    %add3A_134 = vector.broadcast %add3A_133 : i32 to vector<2048x384xi32>
    %add3A_135 = arith.addi %add3A_124, %add3A_134 : vector<2048x384xi32>
    %add3A_136 = arith.constant 270669613 : i32
    %add3A_137 = vector.broadcast %add3A_136 : i32 to vector<2048x384xi32>
    %add3A_138 = arith.addi %xor3A_132, %add3A_137 : vector<2048x384xi32>
    %add3A_139 = arith.constant 3 : i32
    %add3A_140 = vector.broadcast %add3A_139 : i32 to vector<2048x384xi32>
    %add3A_141 = arith.addi %add3A_138, %add3A_140 : vector<2048x384xi32>
    %add3A_142 = arith.addi %add3A_135, %add3A_141 : vector<2048x384xi32>
    %shift_left3A_143 = arith.constant 17 : i32
    %shift_left3A_144 = vector.broadcast %shift_left3A_143 : i32 to vector<2048x384xi32>
    %shift_left3A_145 = arith.shli %add3A_141, %shift_left3A_144 : vector<2048x384xi32>
    %shift_right_logical3A_146 = arith.constant 15 : i32
    %shift_right_logical3A_147 = vector.broadcast %shift_right_logical3A_146 : i32 to vector<2048x384xi32>
    %shift_right_logical3A_148 = arith.shrui %add3A_141, %shift_right_logical3A_147 : vector<2048x384xi32>
    %or3A_149 = arith.ori %shift_left3A_145, %shift_right_logical3A_148 : vector<2048x384xi32>
    %xor3A_150 = arith.xori %add3A_142, %or3A_149 : vector<2048x384xi32>
    %add3A_151 = arith.addi %add3A_142, %xor3A_150 : vector<2048x384xi32>
    %shift_left3A_152 = arith.constant 29 : i32
    %shift_left3A_153 = vector.broadcast %shift_left3A_152 : i32 to vector<2048x384xi32>
    %shift_left3A_154 = arith.shli %xor3A_150, %shift_left3A_153 : vector<2048x384xi32>
    %shift_right_logical3A_155 = arith.constant 3 : i32
    %shift_right_logical3A_156 = vector.broadcast %shift_right_logical3A_155 : i32 to vector<2048x384xi32>
    %shift_right_logical3A_157 = arith.shrui %xor3A_150, %shift_right_logical3A_156 : vector<2048x384xi32>
    %or3A_158 = arith.ori %shift_left3A_154, %shift_right_logical3A_157 : vector<2048x384xi32>
    %xor3A_159 = arith.xori %add3A_151, %or3A_158 : vector<2048x384xi32>
    %add3A_160 = arith.addi %add3A_151, %xor3A_159 : vector<2048x384xi32>
    %shift_left3A_161 = arith.constant 16 : i32
    %shift_left3A_162 = vector.broadcast %shift_left3A_161 : i32 to vector<2048x384xi32>
    %shift_left3A_163 = arith.shli %xor3A_159, %shift_left3A_162 : vector<2048x384xi32>
    %shift_right_logical3A_164 = arith.constant 16 : i32
    %shift_right_logical3A_165 = vector.broadcast %shift_right_logical3A_164 : i32 to vector<2048x384xi32>
    %shift_right_logical3A_166 = arith.shrui %xor3A_159, %shift_right_logical3A_165 : vector<2048x384xi32>
    %or3A_167 = arith.ori %shift_left3A_163, %shift_right_logical3A_166 : vector<2048x384xi32>
    %xor3A_168 = arith.xori %add3A_160, %or3A_167 : vector<2048x384xi32>
    %add3A_169 = arith.addi %add3A_160, %xor3A_168 : vector<2048x384xi32>
    %shift_left3A_170 = arith.constant 24 : i32
    %shift_left3A_171 = vector.broadcast %shift_left3A_170 : i32 to vector<2048x384xi32>
    %shift_left3A_172 = arith.shli %xor3A_168, %shift_left3A_171 : vector<2048x384xi32>
    %shift_right_logical3A_173 = arith.constant 8 : i32
    %shift_right_logical3A_174 = vector.broadcast %shift_right_logical3A_173 : i32 to vector<2048x384xi32>
    %shift_right_logical3A_175 = arith.shrui %xor3A_168, %shift_right_logical3A_174 : vector<2048x384xi32>
    %or3A_176 = arith.ori %shift_left3A_172, %shift_right_logical3A_175 : vector<2048x384xi32>
    %xor3A_177 = arith.xori %add3A_169, %or3A_176 : vector<2048x384xi32>
    %add3A_178 = arith.constant 270669613 : i32
    %add3A_179 = vector.broadcast %add3A_178 : i32 to vector<2048x384xi32>
    %add3A_180 = arith.addi %add3A_169, %add3A_179 : vector<2048x384xi32>
    %add3A_181 = arith.constant 1724713080 : i32
    %add3A_182 = vector.broadcast %add3A_181 : i32 to vector<2048x384xi32>
    %add3A_183 = arith.addi %xor3A_177, %add3A_182 : vector<2048x384xi32>
    %add3A_184 = arith.constant 4 : i32
    %add3A_185 = vector.broadcast %add3A_184 : i32 to vector<2048x384xi32>
    %add3A_186 = arith.addi %add3A_183, %add3A_185 : vector<2048x384xi32>
    %add3A_187 = arith.addi %add3A_180, %add3A_186 : vector<2048x384xi32>
    %shift_left3A_188 = arith.constant 13 : i32
    %shift_left3A_189 = vector.broadcast %shift_left3A_188 : i32 to vector<2048x384xi32>
    %shift_left3A_190 = arith.shli %add3A_186, %shift_left3A_189 : vector<2048x384xi32>
    %shift_right_logical3A_191 = arith.constant 19 : i32
    %shift_right_logical3A_192 = vector.broadcast %shift_right_logical3A_191 : i32 to vector<2048x384xi32>
    %shift_right_logical3A_193 = arith.shrui %add3A_186, %shift_right_logical3A_192 : vector<2048x384xi32>
    %or3A_194 = arith.ori %shift_left3A_190, %shift_right_logical3A_193 : vector<2048x384xi32>
    %xor3A_195 = arith.xori %add3A_187, %or3A_194 : vector<2048x384xi32>
    %add3A_196 = arith.addi %add3A_187, %xor3A_195 : vector<2048x384xi32>
    %shift_left3A_197 = arith.constant 15 : i32
    %shift_left3A_198 = vector.broadcast %shift_left3A_197 : i32 to vector<2048x384xi32>
    %shift_left3A_199 = arith.shli %xor3A_195, %shift_left3A_198 : vector<2048x384xi32>
    %shift_right_logical3A_200 = arith.constant 17 : i32
    %shift_right_logical3A_201 = vector.broadcast %shift_right_logical3A_200 : i32 to vector<2048x384xi32>
    %shift_right_logical3A_202 = arith.shrui %xor3A_195, %shift_right_logical3A_201 : vector<2048x384xi32>
    %or3A_203 = arith.ori %shift_left3A_199, %shift_right_logical3A_202 : vector<2048x384xi32>
    %xor3A_204 = arith.xori %add3A_196, %or3A_203 : vector<2048x384xi32>
    %add3A_205 = arith.addi %add3A_196, %xor3A_204 : vector<2048x384xi32>
    %shift_left3A_206 = arith.constant 26 : i32
    %shift_left3A_207 = vector.broadcast %shift_left3A_206 : i32 to vector<2048x384xi32>
    %shift_left3A_208 = arith.shli %xor3A_204, %shift_left3A_207 : vector<2048x384xi32>
    %shift_right_logical3A_209 = arith.constant 6 : i32
    %shift_right_logical3A_210 = vector.broadcast %shift_right_logical3A_209 : i32 to vector<2048x384xi32>
    %shift_right_logical3A_211 = arith.shrui %xor3A_204, %shift_right_logical3A_210 : vector<2048x384xi32>
    %or3A_212 = arith.ori %shift_left3A_208, %shift_right_logical3A_211 : vector<2048x384xi32>
    %xor3A_213 = arith.xori %add3A_205, %or3A_212 : vector<2048x384xi32>
    %add3A_214 = arith.addi %add3A_205, %xor3A_213 : vector<2048x384xi32>
    %shift_left3A_215 = arith.constant 6 : i32
    %shift_left3A_216 = vector.broadcast %shift_left3A_215 : i32 to vector<2048x384xi32>
    %shift_left3A_217 = arith.shli %xor3A_213, %shift_left3A_216 : vector<2048x384xi32>
    %shift_right_logical3A_218 = arith.constant 26 : i32
    %shift_right_logical3A_219 = vector.broadcast %shift_right_logical3A_218 : i32 to vector<2048x384xi32>
    %shift_right_logical3A_220 = arith.shrui %xor3A_213, %shift_right_logical3A_219 : vector<2048x384xi32>
    %or3A_221 = arith.ori %shift_left3A_217, %shift_right_logical3A_220 : vector<2048x384xi32>
    %xor3A_222 = arith.xori %add3A_214, %or3A_221 : vector<2048x384xi32>
    %add3A_223 = arith.constant 1724713080 : i32
    %add3A_224 = vector.broadcast %add3A_223 : i32 to vector<2048x384xi32>
    %add3A_225 = arith.addi %add3A_214, %add3A_224 : vector<2048x384xi32>
    %add3A_226 = arith.constant 1832780943 : i32
    %add3A_227 = vector.broadcast %add3A_226 : i32 to vector<2048x384xi32>
    %add3A_228 = arith.addi %xor3A_222, %add3A_227 : vector<2048x384xi32>
    %add3A_229 = arith.constant 5 : i32
    %add3A_230 = vector.broadcast %add3A_229 : i32 to vector<2048x384xi32>
    %add3A_231 = arith.addi %add3A_228, %add3A_230 : vector<2048x384xi32>
    %xor3A_232 = arith.xori %add3A_225, %add3A_231 : vector<2048x384xi32>
    %get3A = arith.constant 0 : index
    %get3A_233 = arith.constant 0 : index
    %get3A_234 = vector.load %arg1[%get3A, %get3A_233] : memref<2048x384xf32, #tpu.memory_space<vmem>>, vector<2048x384xf32>
    %ge3A = arith.constant -15626240 : i32
    %ge3A_235 = vector.broadcast %ge3A : i32 to vector<2048x384xi32>
    %ge3A_236 = arith.cmpi uge, %xor3A_232, %ge3A_235 : vector<2048x384xi32>
    %jit3A = arith.constant 0.389012098 : f32
    %broadcast_in_dim3A_237 = vector.broadcast %jit3A : f32 to vector<2048x384xf32>
    %select_n3A = arith.select %ge3A_236, %broadcast_in_dim3A_237, %get3A_234 : vector<2048x384xi1>, vector<2048x384xf32>
    %le3A = arith.constant 14329343 : i32
    %le3A_238 = vector.broadcast %le3A : i32 to vector<2048x384xi32>
    %le3A_239 = arith.cmpi ule, %xor3A_232, %le3A_238 : vector<2048x384xi32>
    %jit3A_240 = arith.constant -0.256260395 : f32
    %broadcast_in_dim3A_241 = vector.broadcast %jit3A_240 : f32 to vector<2048x384xf32>
    %select_n3A_242 = arith.select %le3A_239, %broadcast_in_dim3A_241, %select_n3A : vector<2048x384xi1>, vector<2048x384xf32>
    %swap3A = arith.constant 0 : index
    %swap3A_243 = arith.constant 0 : index
    %swap3A_244 = vector.load %arg2[%swap3A, %swap3A_243] : memref<2048x384xf32, #tpu.memory_space<vmem>>, vector<2048x384xf32>
    tpu.vector_store %arg2[%swap3A, %swap3A_243], %select_n3A_242 {strides = array<i32>} : memref<2048x384xf32, #tpu.memory_space<vmem>>, vector<2048x384xf32>,
    return
  }
  func.func @transform_0(%arg0: i32) -> (i32, i32) {
    %c0_i32 = arith.constant 0 : i32
    %c0_i32_0 = arith.constant 0 : i32
    return %arg0, %c0_i32 : i32, i32
  }
  func.func @transform_1(%arg0: i32) -> (i32, i32) {
    %c0_i32 = arith.constant 0 : i32
    %c0_i32_0 = arith.constant 0 : i32
    return %arg0, %c0_i32 : i32, i32
  }
}

</mosaic_0001>

<sc_bundles>
// kernel: kernel.4.cloned.1.call-start
scs
__scs_entry_jumppad:
0x0: {  	(pc) =	sbr.rel $0x88, $3  }
0x1: {  	(tag) =	ssettag $0x0;
	lr =	simm.s32 $0x1  }
0x2: {  	[smem:$0x3FA0] =	sst lr;
	_ =	strace $0xD0000000  }
0x3: {  	_ = 	snop  }
0x4: {  	_ = 	snop  }
0x5: {  	_ = 	snop  }
0x6: {  	_ = 	snop  }
0x7: {  	_ = 	snop  }
__scs_overlays_trampoline_lowered:
0x8: {  	[smem:$0x3FAF] =	sst s0  }
0x9: {  	[smem:$0x3FB0] =	sst s1  }
0xa: {  	[smem:$0x3FB1] =	sst s2  }
0xb: {  	[smem:$0x3FB2] =	sst s3  }
0xc: {  	[smem:$0x3FB3] =	sst s4  }
0xd: {  	[smem:$0x3FB4] =	sst s5  }
0xe: {  	[smem:$0x3FB5] =	sst s6  }
0xf: {  	[smem:$0x3FB6] =	sst s7  }
0x10: {  	[smem:$0x3FB7] =	sst s8  }
0x11: {  	[smem:$0x3FB8] =	sst s9;
	s0 =	simm.s32 @!p0 $0x0  }
0x12: {  	s1 =	sld [smem:$0x3F9E];
	s0 =	simm.s32 @p0 $0x1  }
0x13: {  	[smem:$0x3FB9] =	sst s0;
	s0 =	simm.s32 @!p1 $0x0  }
0x14: {  	s2 =	sld [smem:$0x3F9D];
	s0 =	simm.s32 @p1 $0x1  }
0x15: {  	[smem:$0x3FBA] =	sst s0;
	s0 =	simm.s32 @!p2 $0x0  }
0x16: {  	s3 =	sld [smem:$0x3FDB];
	s0 =	simm.s32 @p2 $0x1  }
0x17: {  	s4 =	simm.s32 $0x1BF5;
	[smem:$0x3FBC] =	sst s0  }
0x18: {  	s0 =	sld [smem:$0x3F9F];
	_ =	swait.ge [sflag:s4], $0x0  }
0x19: {  	s7 =	sld [smem:$0x3FA0]  }
0x1a: {  	s8 =	sadd.s32 $0xFFFFE003, lr  }
0x1b: {  	s9 =	sadd.s32 $0xFFFFFEF7, lr;
	s5 =	simm.s32 $0xFFFFFFFF;
	p2 =	slt.u32 s8, $0xFFFFF086  }
0x1c: {  	p1 =	slt.u32 s9, $0xF7A;
	s5 =	simm.s32 @!p2 $0x0  }
0x1d: {  	s5 =	simm.s32 @p1 $0x1;
	p0 =	seq.s32 s7, s2  }
0x1e: {  	s7 =	smul.u32 @!p0 $0xF7A, s2;
	p2 =	seq.s32 @!p0 s5, $0x0  }
0x1f: {  	s9 =	smul.u32 $0xF7A, s1;
	s8 =	simm.s32 @!p0 $0x1BF5;
	p2 =	por !p2, p0  }
0x20: {  	[sflag:s8] =	ssyncset.s32 @!p0 $0xFFFFF086;
	s6 =	sadd.s32 @!p0 s3, s7;
	s7 =	simm.s32 @!p0 $0x108  }
0x21: {  	s3 =	sadd.s32 s3, s9;
	s6 =	sadd.s32 @!p0 $0x88, s6;
	s7 =	simm.s32 @p2 $0x1082  }
0x22: {  	[simem:s7], [sflag:s8] =	dma.local @!p0 [hbm:s6], $0xF7A  }
0x23: {  	s9 =	sor.u32 $0xD0000000, s2;
	s6 =	simm.s32 $0x108;
	_ =	swait.ge @!p0 [sflag:s8], $0x0  }
0x24: {  	s3 =	sadd.s32 $0x88, s3;
	s6 =	simm.s32 @!p1 $0x1082;
	[sflag:s4] =	ssyncset.s32 $0xFFFFF086  }
0x25: {  	[simem:s6], [sflag:s4] =	dma.local [hbm:s3], $0xF7A  }
0x26: {  	[smem:$0x3FA0] =	sst s1;
	(tag) =	ssettag s2;
	_ =	strace s9  }
0x27: {  	s1 =	sld [smem:$0x3FB0]  }
0x28: {  	s2 =	sld [smem:$0x3FB1]  }
0x29: {  	s4 =	sld [smem:$0x3FB3]  }
0x2a: {  	p0 =	seq.s32 s5, $0x0;
	s5 =	sld [smem:$0x3FB4]  }
0x2b: {  	s6 =	sld [smem:$0x3FB5]  }
0x2c: {  	s7 =	sld [smem:$0x3FB6]  }
0x2d: {  	s3 =	simm.s32 $0x108;
	s8 =	sld [smem:$0x3FB7]  }
0x2e: {  	s3 =	simm.s32 @!p0 $0x1082;
	s9 =	sld [smem:$0x3FB8]  }
0x2f: {  	lr =	sadd.s32 s0, s3;
	s0 =	sld [smem:$0x3FAF]  }
0x30: {  	s3 =	sld [smem:$0x3FB2]  }
0x31: {  	[smem:$0x3FBB] =	sst s10  }
0x32: {  	s10 =	sld [smem:$0x3FB9];
	_ =	sdelay $0x3  }
0x33: {  	p0 =	seq.s32 s10, $0x1;
	s10 =	sld [smem:$0x3FBB];
	_ =	sdelay $0x3  }
0x34: {  	[smem:$0x3FBB] =	sst s10  }
0x35: {  	s10 =	sld [smem:$0x3FBA];
	_ =	sdelay $0x3  }
0x36: {  	p1 =	seq.s32 s10, $0x1;
	s10 =	sld [smem:$0x3FBB];
	_ =	sdelay $0x3  }
0x37: {  	[smem:$0x3FBB] =	sst s10  }
0x38: {  	s10 =	sld [smem:$0x3FBC]  }
0x39: {  	_ = 	snop;
	(pc) =	sbr.ind lr, $3  }
0x3a: {  	_ = 	snop  }
0x3b: {  	_ = 	snop  }
0x3c: {  	p2 =	seq.s32 s10, $0x1;
	s10 =	sld [smem:$0x3FBB]  }
0x3d: {  	_ =	shalt  }
0x3e: {  	_ =	shalt  }
0x3f: {  	_ =	shalt  }
0x40: {  	_ =	shalt  }
0x41: {  	_ =	shalt  }
0x42: {  	_ =	shalt  }
0x43: {  	_ =	shalt  }
0x44: {  	_ =	shalt  }
0x45: {  	_ =	shalt  }
0x46: {  	_ =	shalt  }
0x47: {  	_ =	shalt  }
0x48: {  	_ =	shalt  }
0x49: {  	_ =	shalt  }
0x4a: {  	_ =	shalt  }
0x4b: {  	_ =	shalt  }
0x4c: {  	_ =	shalt  }
0x4d: {  	_ =	shalt  }
0x4e: {  	_ =	shalt  }
0x4f: {  	_ =	shalt  }
0x50: {  	_ =	shalt  }
0x51: {  	_ =	shalt  }
0x52: {  	_ =	shalt  }
0x53: {  	_ =	shalt  }
0x54: {  	_ =	shalt  }
0x55: {  	_ =	shalt  }
0x56: {  	_ =	shalt  }
0x57: {  	_ =	shalt  }
0x58: {  	_ =	shalt  }
0x59: {  	_ =	shalt  }
0x5a: {  	_ =	shalt  }
0x5b: {  	_ =	shalt  }
0x5c: {  	_ =	shalt  }
0x5d: {  	_ =	shalt  }
0x5e: {  	_ =	shalt  }
0x5f: {  	_ =	shalt  }
0x60: {  	_ =	shalt  }
0x61: {  	_ =	shalt  }
0x62: {  	_ =	shalt  }
0x63: {  	_ =	shalt  }
0x64: {  	_ =	shalt  }
0x65: {  	_ =	shalt  }
0x66: {  	_ =	shalt  }
0x67: {  	_ =	shalt  }
0x68: {  	_ =	shalt  }
0x69: {  	_ =	shalt  }
0x6a: {  	_ =	shalt  }
0x6b: {  	_ =	shalt  }
0x6c: {  	_ =	shalt  }
0x6d: {  	_ =	shalt  }
0x6e: {  	_ =	shalt  }
0x6f: {  	_ =	shalt  }
0x70: {  	_ =	shalt  }
0x71: {  	_ =	shalt  }
0x72: {  	_ =	shalt  }
0x73: {  	_ =	shalt  }
0x74: {  	_ =	shalt  }
0x75: {  	_ =	shalt  }
0x76: {  	_ =	shalt  }
0x77: {  	_ =	shalt  }
0x78: {  	_ =	shalt  }
0x79: {  	_ =	shalt  }
0x7a: {  	_ =	shalt  }
0x7b: {  	_ =	shalt  }
0x7c: {  	_ =	shalt  }
0x7d: {  	_ =	shalt  }
0x7e: {  	_ =	shalt  }
0x7f: {  	_ =	shalt  }
0x80: {  	_ =	shalt  }
0x81: {  	_ =	shalt  }
0x82: {  	_ =	shalt  }
0x83: {  	_ =	shalt  }
0x84: {  	_ =	shalt  }
0x85: {  	_ =	shalt  }
0x86: {  	_ =	shalt  }
0x87: {  	_ =	shalt  }
.Lfunc_end0:
.L_simem_size_0:
called_computation_lowered:
.L_overlay_start_0:
0x88: {  	s2 =	sld [smem:$0x3FD9]  }
0x89: {  	s3 =	sld [smem:$0x3FFE];
	_ =	sdelay $0x1  }
0x8a: {  	s1 =	srdreg.scid  }
0x8b: {  	s0 =	sand.u32 $0x1, s1  }
0x8c: {  	s17 =	sshll.u32 s0, $0xA;
	s2 =	sadd.s32 s3, s2  }
0x8d: {  	s2 =	sadd.s32 s2, s17  }
0x8e: {  	[smem:$0x3FC7] =	sst s2  }
0x8f: {  	_ = 	snop  }
0x90: {  	s2 =	sld [smem:$0x3FC9];
	(tm) =	ssettm $0x1  }
0x91: {  	s18 =	sld [smem:$0x3FFB];
	_ =	sdelay $0x3  }
0x92: {  	_ =	strace s18  }
0x93: {  	s3 =	sld [smem:$0x3FFC];
	_ =	sdelay $0x3  }
0x94: {  	_ =	strace s3  }
0x95: {  	s3 =	sld [smem:$0x3FFD];
	_ =	sdelay $0x3  }
0x96: {  	_ =	strace s3  }
0x97: {  	_ =	strace $0x8FFFFFFF  }
0x98: {  	s19 =	sld [smem:$0x3FDB];
	_ =	sdelay $0x1  }
0x99: {  	s4 =	simm.s32 $_scs_section_size  }
0x9a: {  	s5 =	simm.s32 $_size__tile_overlayer_lowered;
	s6 =	simm.s32 $_tile_overlayer_lowered  }
0x9b: {  	s22 =	simm.s32 $0x1BFF;
	s21 =	sshll.u32 s6, $0x1;
	s3 =	sadd.s32 s4, s19  }
0x9c: {  	s7 =	simm.s32 $0x0;
	s20 =	sshll.u32 s5, $0x1;
	s5 =	sadd.s32 s21, s3  }
0x9d: {  	[timem:s7], [sflag:s22] =	dma.local [hbm:s5], s20  }
0x9e: {  	_ =	swait.ge [sflag:s22], s20  }
0x9f: {  	s4 =	ssub.s32 $0x0, s20;
	[sflag:s22] =	ssyncset.done $0x0  }
0xa0: {  	[sflag:s22] =	ssyncadd.s32 s4;
	_ =	sdelay $0x1  }
0xa1: {  	s23 =	simm.s32 $0x1B8B  }
0xa2: {  	_ =	swait.ge [sflag:s23], $0x1  }
0xa3: {  	[sflag:s23] =	ssyncset.done $0x0  }
0xa4: {  	s25 =	simm.s32 $0x1B8E;
	s24 =	sld [smem:$0x3FFE];
	[sflag:s23] =	ssyncadd.s32 $0xFFFFFFFF  }
0xa5: {  	s26 =	simm.s32 $execute0_lowered;
	[smem:$0x3FD2] =	sst s25  }
0xa6: {  	s5 =	sshll.u32 s26, $0x1;
	_ =	strace $0x80000046;
	[dreg:$0x1] =	wrdreg $0xFFFFFFFF  }
0xa7: {  	s28 =	simm.s32 $_size_execute0_lowered;
	s3 =	sadd.s32 s3, s5;
	[dreg:$0x0] =	wrdreg $0x0  }
0xa8: {  	s5 =	sshll.u32 s28, $0x1;
	[dreg:$0x2] =	wrdreg s3  }
0xa9: {  	[dreg:$0x3] =	wrdreg s5  }
0xaa: {  	[dreg:$0x4] =	wrdreg $0xC0  }
0xab: {  	_ =	task [dreg:s7], $0x5FFFF  }
0xac: {  	[dreg:$0x1] =	wrdreg $0xFFFFFFFF  }
0xad: {  	[dreg:$0x0] =	wrdreg $0x60  }
0xae: {  	[dreg:$0x2] =	wrdreg s2  }
0xaf: {  	[dreg:$0x3] =	wrdreg s24  }
0xb0: {  	[dreg:$0x4] =	wrdreg $0x9  }
0xb1: {  	_ =	task.clear_ibuf [dreg:s7], $0x5FFFF;
	_ =	strace $0x90000046  }
0xb2: {  	s29 =	simm.s32 $0x9;
	_ =	strace $0x80000048  }
0xb3: {  	_ =	swait.ge [sflag:s29], $0x1  }
0xb4: {  	[sflag:s29] =	ssyncadd.s32 $0xFFFFFFFF  }
0xb5: {  	_ =	strace $0x90000048  }
0xb6: {  	_ =	sfence  }
0xb7: {  	s30 =	sld [smem:$0x0];
	_ =	sdelay $0x2  }
0xb8: {  	s31 =	sshll.u32 s1, $0xD;
	s1 =	sshrl.u32 s1, $0x2  }
0xb9: {  	s3 =	sand.u32 $0x4000, s31;
	s1 =	sadd.s32 s1, s30  }
0xba: {  	s0 =	sor.u32 s3, s0;
	s1 =	sshll.u32 s1, $0x11  }
0xbb: {  	s0 =	sor.u32 s1, s0  }
0xbc: {  	s0 =	sadd.s32 $0x8F2B, s0  }
0xbd: {  	[sflag:s0] =	ssyncadd.remote.s32 $0x1  }
0xbe: {  	_ =	sfence.sel $0xFFFF  }
0xbf: {  	[dreg:$0x0] =	wrdreg $0xFFFFFFFF;
	(pc) =	sbr.abs _section_cstart, $3  }
0xc0: {  	[dreg:$0x1] =	wrdreg $0xFFFFFFFF  }
0xc1: {  	_ =	task.clear_ibuf [dreg:s7], $0x2FFFF;
	_ =	strace $0x9FFFFFFF  }
0xc2: {  	(tm) =	ssettm $0x7FFFFFFF  }
0xc3: {  	_ =	shalt  }
tec
execute0_lowered:
.L_overlay_start_1:
0x0: {  	(tag) =	ssettag $0x1  }
0x1: {  	s0 =	srdreg.scid;
	s1 =	stileid.u32  }
0x2: {  	s0 =	sand.u32 $0x1, s0;
	s1 =	sshll.u32 s1, $0x1  }
0x3: {  	s3 =	rddreg [dreg:$0x0];
	s1 =	sor.u32 s0, s1  }
0x4: {  	s29 =	rddreg [dreg:$0x1];
	s5 =	simm.s32 $0x0;
	s2 =	smul.u32 $0x280, s1  }
0x5: {  	s10 =	simm.s32 $0x6000;
	s11 =	simm.s32 $0x1;
	s12 =	simm.s32 $0xC000  }
0x6: {  	s13 =	simm.s32 $0x2;
	s0 =	ssub.s32 $0x2, s0;
	s4 =	sadd.s32 $0xD000, s2  }
0x7: {  	s14 =	simm.s32 $0x4;
	s30 =	sshrl.u32 s0, $0x1;
	s6 =	sshrl.u32 s4, $0x3  }
0x8: {  	[smem:$0x7FF] =	sst s5;
	s0 =	ssub.s32 s0, s30;
	s7 =	smul.u32 $0x180, s6  }
0x9: {  	s15 =	simm.s32 $0x12000;
	_ =	strace $0x80000047;
	s0 =	smax.u32 s0, $0x1  }
0xa: {  	v1 =	vlaneseq.u32;
	s1 =	simm.s32 $0x0;
	[dreg:$0x4] =	wrdreg s0;
	s31 =	sadd.s32 s3, s7  }
0xb: {  	v0 =	vadd.s32 $0x1022172D, v1;
	v1 =	vadd.s32 $0x7D601BBC, v1;
	s8 =	sadd.s32 $0xD080, s2;
	s6 =	sadd.s32 $0x400, s29;
	[dreg:$0x3] =	wrdreg s31  }
.LBB2_1:
0xc: {  	[dreg:$0x5] =	wrdreg s1  }
0xd: {  	s0 =	rddreg [dreg:$0x3];
	s18 =	simm.s32 $0x0  }
0xe: {  	[tilespmem:s5], [sflag:$0x1] =	stream.linear.gather [hbm4b:s0+s5], $0x6000, $0x38;
	[tilespmem:$0x18000] =	vst v63  }
.LBB2_2:
0xf: {  	s21 =	sshll.u32 s18, $0x7  }
0x10: {  	s19 =	sor.u32 $0x40, s21  }
0x11: {  	s20 =	sadd.s32 s4, s19  }
0x12: {  	s0 =	sshrl.u32 s20, $0x3  }
0x13: {  	s0 =	smul.u32 $0x180, s0;
	_ =	sdelay $0x1  }
0x14: {  	s0 =	sadd.s32 s3, s0  }
0x15: {  	[tilespmem:s10], [sflag:$0x2] =	stream.linear.gather [hbm4b:s0+s5], $0x6000, $0x38;
	[tilespmem:$0x18000] =	vst v63  }
0x16: {  	_ =	swait.ge [sflag:s11], $0x6000  }
0x17: {  	p0 =	seq.s32 s18, $0x0;
	[sflag:s11] =	ssyncset.done $0x0  }
0x18: {  	s0 =	simm.s32 @!p0 $0x3;
	[sflag:s11] =	ssyncadd.s32 $0xFFFFA000  }
0x19: {  	_ =	swait.ge @!p0 [sflag:s0], $0x6000  }
0x1a: {  	[sflag:s0] =	ssyncset.done @!p0 $0x0  }
0x1b: {  	s23 =	simm.s32 $0x0;
	s22 =	sadd.s32 s4, s21;
	[sflag:s0] =	ssyncadd.s32 @!p0 $0xFFFFA000  }
.LBB2_3:
0x1c: {  	s0 =	sshll.u32 s23, $0x3;
	s25 =	smul.u32 $0xC00, s23;
	s26 =	simm.s32 $0x0  }
0x1d: {  	s28 =	simm.s32 $0x0;
	s29 =	simm.s32 $0x0;
	s24 =	sadd.s32 s22, s0  }
.LBB2_4:
0x1e: {  	s31 =	sand.u32 $0x7, s29  }
0x1f: {  	s0 =	sor.u32 s24, s31  }
0x20: {  	s0 =	smul.u32 $0x180, s0  }
0x21: {  	s1 =	sand.u32 $0x180, s26  }
0x22: {  	s30 =	sadd.s32 s1, s0  }
0x23: {  	v2 =	vadd.s32 s30, v0  }
0x24: {  	v3 =	vshrl.u32 v2, $0x13;
	v2 =	vshll.u32 v2, $0xD  }
0x25: {  	v4 =	vadd.s32 s30, v1;
	v2 =	vor.u32 v3, v2  }
0x26: {  	v2 =	vxor.u32 v4, v2  }
0x27: {  	v3 =	vshrl.u32 v2, $0x11;
	v5 =	vshll.u32 v2, $0xF  }
0x28: {  	v2 =	vadd.s32 v4, v2;
	v3 =	vor.u32 v3, v5  }
0x29: {  	v3 =	vxor.u32 v3, v2  }
0x2a: {  	v49 =	vshrl.u32 v3, $0x6;
	v50 =	vshll.u32 v3, $0x1A  }
0x2b: {  	v2 =	vadd.s32 v2, v3;
	v3 =	vor.u32 v49, v50  }
0x2c: {  	v3 =	vxor.u32 v3, v2  }
0x2d: {  	v51 =	vshrl.u32 v3, $0x1A;
	v52 =	vshll.u32 v3, $0x6  }
0x2e: {  	v2 =	vadd.s32 v2, v3;
	v3 =	vor.u32 v51, v52  }
0x2f: {  	v3 =	vxor.u32 v3, v2  }
0x30: {  	v3 =	vadd.s32 $0x66CD0879, v3  }
0x31: {  	v2 =	vadd.s32 v3, v2;
	v53 =	vshrl.u32 v3, $0xF;
	v3 =	vshll.u32 v3, $0x11  }
0x32: {  	v2 =	vadd.s32 $0x1022172D, v2;
	v3 =	vor.u32 v53, v3  }
0x33: {  	v3 =	vxor.u32 v3, v2  }
0x34: {  	v54 =	vshrl.u32 v3, $0x3;
	v55 =	vshll.u32 v3, $0x1D  }
0x35: {  	s0 =	sor.u32 $0x10, s30;
	v2 =	vadd.s32 v2, v3;
	v3 =	vor.u32 v54, v55  }
0x36: {  	v11 =	vadd.s32 s0, v0;
	v3 =	vxor.u32 v3, v2  }
0x37: {  	v12 =	vshrl.u32 v11, $0x13;
	v56 =	vshrl.u32 v3, $0x10;
	v57 =	vshll.u32 v3, $0x10  }
0x38: {  	v4 =	vshll.u32 v11, $0xD;
	v2 =	vadd.s32 v2, v3;
	v3 =	vor.u32 v56, v57  }
0x39: {  	v6 =	vadd.s32 s0, v1;
	v4 =	vor.u32 v12, v4;
	v3 =	vxor.u32 v3, v2  }
0x3a: {  	v4 =	vxor.u32 v6, v4;
	v58 =	vshrl.u32 v3, $0x8;
	v59 =	vshll.u32 v3, $0x18  }
0x3b: {  	v14 =	vshrl.u32 v4, $0x11;
	v2 =	vadd.s32 v2, v3;
	v3 =	vor.u32 v58, v59  }
0x3c: {  	s7 =	sor.u32 $0x20, s30;
	v7 =	vshll.u32 v4, $0xF;
	v4 =	vadd.s32 v6, v4;
	v3 =	vxor.u32 v3, v2  }
0x3d: {  	v5 =	vor.u32 v14, v7;
	v49 =	vadd.s32 s7, v0;
	v3 =	vadd.s32 $0x6D3E0491, v3  }
0x3e: {  	v2 =	vadd.s32 v3, v2;
	v60 =	vshrl.u32 v3, $0x13;
	v3 =	vshll.u32 v3, $0xD  }
0x3f: {  	v5 =	vxor.u32 v5, v4;
	v2 =	vadd.s32 $0x66CD0878, v2;
	v3 =	vor.u32 v60, v3  }
0x40: {  	v50 =	vshrl.u32 v49, $0x13;
	v6 =	vshll.u32 v49, $0xD;
	v3 =	vxor.u32 v3, v2  }
0x41: {  	v16 =	vshrl.u32 v5, $0x6;
	v61 =	vshrl.u32 v3, $0x11;
	v62 =	vshll.u32 v3, $0xF  }
0x42: {  	v4 =	vadd.s32 v4, v5;
	v2 =	vadd.s32 v2, v3;
	v3 =	vor.u32 v61, v62  }
0x43: {  	v6 =	vor.u32 v50, v6;
	v51 =	vadd.s32 s7, v1;
	v3 =	vxor.u32 v3, v2  }
0x44: {  	v6 =	vxor.u32 v51, v6;
	v63 =	vshrl.u32 v3, $0x6;
	v8 =	vshll.u32 v3, $0x1A  }
0x45: {  	v2 =	vadd.s32 v2, v3;
	v3 =	vor.u32 v63, v8;
	v8 =	vshll.u32 v5, $0x1A  }
0x46: {  	v53 =	vshrl.u32 v6, $0x11;
	v3 =	vxor.u32 v3, v2;
	v17 =	vor.u32 v16, v8  }
0x47: {  	v9 =	vshrl.u32 v3, $0x1A;
	v10 =	vshll.u32 v3, $0x6;
	v5 =	vxor.u32 v17, v4  }
0x48: {  	v2 =	vadd.s32 v2, v3;
	v3 =	vor.u32 v9, v10;
	v19 =	vshrl.u32 v5, $0x1A  }
0x49: {  	v20 =	vshll.u32 v5, $0x6;
	v4 =	vadd.s32 v4, v5;
	v10 =	vshll.u32 v6, $0xF  }
0x4a: {  	v6 =	vadd.s32 v51, v6;
	v3 =	vxor.u32 v3, v2;
	v21 =	vor.u32 v19, v20  }
0x4b: {  	v54 =	vor.u32 v53, v10;
	v3 =	vadd.s32 $0x10221730, v3;
	v5 =	vxor.u32 v21, v4  }
0x4c: {  	v55 =	vxor.u32 v54, v6;
	v2 =	vadd.s32 v3, v2;
	v13 =	vshrl.u32 v3, $0xF  }
0x4d: {  	v3 =	vshll.u32 v3, $0x11;
	v5 =	vadd.s32 $0x66CD0879, v5;
	v8 =	vshrl.u32 v55, $0x6  }
0x4e: {  	v56 =	vshll.u32 v55, $0x1A;
	v6 =	vadd.s32 v6, v55;
	v2 =	vadd.s32 $0x6D3E048F, v2  }
0x4f: {  	v3 =	vor.u32 v13, v3;
	v4 =	vadd.s32 v5, v4;
	v22 =	vshrl.u32 v5, $0xF  }
0x50: {  	v5 =	vshll.u32 v5, $0x11;
	v57 =	vor.u32 v8, v56;
	v3 =	vxor.u32 v3, v2  }
0x51: {  	v4 =	vadd.s32 $0x1022172D, v4;
	v5 =	vor.u32 v22, v5;
	v7 =	vxor.u32 v57, v6  }
0x52: {  	v2 =	vadd.s32 v2, v3;
	v15 =	vshrl.u32 v3, $0x3;
	v3 =	vshll.u32 v3, $0x1D  }
0x53: {  	v5 =	vxor.u32 v5, v4;
	v59 =	vshrl.u32 v7, $0x1A;
	v60 =	vshll.u32 v7, $0x6  }
0x54: {  	v6 =	vadd.s32 v6, v7;
	v3 =	vor.u32 v15, v3;
	v24 =	vshrl.u32 v5, $0x3  }
0x55: {  	v25 =	vshll.u32 v5, $0x1D;
	v4 =	vadd.s32 v4, v5;
	v61 =	vor.u32 v59, v60  }
0x56: {  	v3 =	vxor.u32 v3, v2;
	v26 =	vor.u32 v24, v25;
	v7 =	vxor.u32 v61, v6  }
0x57: {  	v18 =	vshrl.u32 v3, $0x10;
	v9 =	vshll.u32 v3, $0x10;
	v2 =	vadd.s32 v2, v3  }
0x58: {  	v5 =	vxor.u32 v26, v4;
	v7 =	vadd.s32 $0x66CD0879, v7;
	v3 =	vor.u32 v18, v9  }
0x59: {  	v27 =	vshrl.u32 v5, $0x10;
	v28 =	vshll.u32 v5, $0x10;
	v4 =	vadd.s32 v4, v5  }
0x5a: {  	v6 =	vadd.s32 v7, v6;
	v63 =	vshrl.u32 v7, $0xF;
	v7 =	vshll.u32 v7, $0x11  }
0x5b: {  	v3 =	vxor.u32 v3, v2;
	v29 =	vor.u32 v27, v28;
	v6 =	vadd.s32 $0x1022172D, v6  }
0x5c: {  	v7 =	vor.u32 v63, v7;
	v2 =	vadd.s32 v2, v3;
	v23 =	vshrl.u32 v3, $0x8  }
0x5d: {  	v3 =	vshll.u32 v3, $0x18;
	v5 =	vxor.u32 v29, v4;
	v12 =	vxor.u32 v7, v6  }
0x5e: {  	v3 =	vor.u32 v23, v3;
	v31 =	vshrl.u32 v5, $0x8;
	v32 =	vshll.u32 v5, $0x18  }
0x5f: {  	v4 =	vadd.s32 v4, v5;
	v14 =	vshrl.u32 v12, $0x3;
	v3 =	vxor.u32 v3, v2  }
0x60: {  	v15 =	vshll.u32 v12, $0x1D;
	v33 =	vor.u32 v31, v32;
	v3 =	vadd.s32 $0x66CD087C, v3  }
0x61: {  	v5 =	vxor.u32 v33, v4;
	v2 =	vadd.s32 v3, v2;
	v30 =	vshrl.u32 v3, $0x13  }
0x62: {  	v3 =	vshll.u32 v3, $0xD;
	v5 =	vadd.s32 $0x6D3E0491, v5;
	v2 =	vadd.s32 $0x1022172D, v2  }
0x63: {  	v3 =	vor.u32 v30, v3;
	v4 =	vadd.s32 v5, v4;
	v36 =	vshrl.u32 v5, $0x13  }
0x64: {  	v5 =	vshll.u32 v5, $0xD;
	v3 =	vxor.u32 v3, v2;
	v4 =	vadd.s32 $0x66CD0878, v4  }
0x65: {  	v5 =	vor.u32 v36, v5;
	v34 =	vshrl.u32 v3, $0x11;
	v35 =	vshll.u32 v3, $0xF  }
0x66: {  	v2 =	vadd.s32 v2, v3;
	v5 =	vxor.u32 v5, v4;
	v3 =	vor.u32 v34, v35  }
0x67: {  	v38 =	vshrl.u32 v5, $0x11;
	v39 =	vshll.u32 v5, $0xF;
	v3 =	vxor.u32 v3, v2  }
0x68: {  	v4 =	vadd.s32 v4, v5;
	v40 =	vor.u32 v38, v39;
	v2 =	vadd.s32 v2, v3  }
0x69: {  	v37 =	vshrl.u32 v3, $0x6;
	v3 =	vshll.u32 v3, $0x1A;
	v5 =	vxor.u32 v40, v4  }
0x6a: {  	v17 =	vor.u32 v14, v15;
	v3 =	vor.u32 v37, v3;
	v42 =	vshrl.u32 v5, $0x6  }
0x6b: {  	v43 =	vshll.u32 v5, $0x1A;
	v4 =	vadd.s32 v4, v5;
	v3 =	vxor.u32 v3, v2  }
0x6c: {  	v45 =	vor.u32 v42, v43;
	v41 =	vshrl.u32 v3, $0x1A;
	v44 =	vshll.u32 v3, $0x6  }
0x6d: {  	v2 =	vadd.s32 v2, v3;
	v5 =	vxor.u32 v45, v4;
	v3 =	vor.u32 v41, v44  }
0x6e: {  	s17 =	sor.u32 $0x30, s30;
	v46 =	vshrl.u32 v5, $0x1A;
	v47 =	vshll.u32 v5, $0x6;
	v4 =	vadd.s32 v4, v5  }
0x6f: {  	v44 =	vadd.s32 s17, v0;
	v3 =	vxor.u32 v3, v2;
	v48 =	vor.u32 v46, v47  }
0x70: {  	s9 =	sand.u32 $0xC00, s28;
	v2 =	vadd.s32 $0x66CD0878, v2;
	v46 =	vshrl.u32 v44, $0x13;
	v7 =	vshll.u32 v44, $0xD  }
0x71: {  	s16 =	sshll.u32 s31, $0x7;
	s0 =	sadd.s32 s25, s9;
	v47 =	vadd.s32 s17, v1;
	v5 =	vxor.u32 v48, v4;
	v3 =	vadd.s32 $0x6D3E0494, v3  }
0x72: {  	s31 =	sor.u32 s16, s0;
	v7 =	vor.u32 v46, v7;
	v5 =	vadd.s32 $0x10221730, v5;
	v2 =	vxor.u32 v2, v3  }
0x73: {  	v21 =	vld [tilespmem:s31+$0x0];
	v7 =	vxor.u32 v47, v7;
	v4 =	vadd.s32 v5, v4;
	v52 =	vshrl.u32 v5, $0xF  }
0x74: {  	v5 =	vshll.u32 v5, $0x11;
	vm0 =	vgt.u32 v2, $0xFF118FFF;
	vm13 =	vlt.u32 v2, $0xDAA600  }
0x75: {  	v48 =	vshrl.u32 v7, $0x11;
	v4 =	vadd.s32 $0x6D3E048F, v4;
	v5 =	vor.u32 v52, v5  }
0x76: {  	v49 =	vshll.u32 v7, $0xF;
	v7 =	vadd.s32 v47, v7;
	v5 =	vxor.u32 v5, v4  }
0x77: {  	v4 =	vadd.s32 v4, v5;
	v58 =	vshrl.u32 v5, $0x3;
	v5 =	vshll.u32 v5, $0x1D  }
0x78: {  	v27 =	vsel vm0, $0x3EC72C98, v21;
	v8 =	vor.u32 v48, v49;
	v5 =	vor.u32 v58, v5  }
0x79: {  	v43 =	vsel vm13, $0xBE833490, v27;
	v8 =	vxor.u32 v8, v7;
	v5 =	vxor.u32 v5, v4  }
0x7a: {  	v4 =	vadd.s32 v4, v5;
	v62 =	vshrl.u32 v5, $0x10;
	v5 =	vshll.u32 v5, $0x10  }
0x7b: {  	v51 =	vshrl.u32 v8, $0x6;
	v52 =	vshll.u32 v8, $0x1A;
	v5 =	vor.u32 v62, v5  }
0x7c: {  	v7 =	vadd.s32 v7, v8;
	v53 =	vor.u32 v51, v52;
	v3 =	vxor.u32 v5, v4  }
0x7d: {  	v5 =	vadd.s32 v6, v12;
	v13 =	vshrl.u32 v3, $0x8;
	v16 =	vshll.u32 v3, $0x18  }
0x7e: {  	v3 =	vadd.s32 v4, v3;
	v6 =	vxor.u32 v17, v5;
	v18 =	vor.u32 v13, v16  }
0x7f: {  	v19 =	vshrl.u32 v6, $0x10;
	v20 =	vshll.u32 v6, $0x10;
	v4 =	vxor.u32 v18, v3  }
0x80: {  	v5 =	vadd.s32 v5, v6;
	v22 =	vor.u32 v19, v20;
	v4 =	vadd.s32 $0x66CD087C, v4  }
0x81: {  	v54 =	vxor.u32 v53, v7;
	v6 =	vxor.u32 v22, v5;
	v3 =	vadd.s32 v4, v3  }
0x82: {  	v23 =	vshrl.u32 v4, $0x13;
	v24 =	vshrl.u32 v6, $0x8;
	v25 =	vshll.u32 v6, $0x18  }
0x83: {  	v4 =	vshll.u32 v4, $0xD;
	v5 =	vadd.s32 v5, v6;
	v26 =	vor.u32 v24, v25  }
0x84: {  	v3 =	vadd.s32 $0x1022172D, v3;
	v4 =	vor.u32 v23, v4;
	v6 =	vxor.u32 v26, v5  }
0x85: {  	v56 =	vshrl.u32 v54, $0x1A;
	v4 =	vxor.u32 v4, v3;
	v6 =	vadd.s32 $0x6D3E0491, v6  }
0x86: {  	v5 =	vadd.s32 v6, v5;
	v28 =	vshrl.u32 v6, $0x13;
	v6 =	vshll.u32 v6, $0xD  }
0x87: {  	v3 =	vadd.s32 v3, v4;
	v5 =	vadd.s32 $0x66CD0878, v5;
	v6 =	vor.u32 v28, v6  }
0x88: {  	v29 =	vshrl.u32 v4, $0x11;
	v4 =	vshll.u32 v4, $0xF;
	v6 =	vxor.u32 v6, v5  }
0x89: {  	v4 =	vor.u32 v29, v4;
	v30 =	vshrl.u32 v6, $0x11;
	v31 =	vshll.u32 v6, $0xF  }
0x8a: {  	v4 =	vxor.u32 v4, v3;
	v5 =	vadd.s32 v5, v6;
	v32 =	vor.u32 v30, v31  }
0x8b: {  	v3 =	vadd.s32 v3, v4;
	v33 =	vshrl.u32 v4, $0x6;
	v6 =	vxor.u32 v32, v5  }
0x8c: {  	v4 =	vshll.u32 v4, $0x1A;
	v34 =	vshrl.u32 v6, $0x6;
	v35 =	vshll.u32 v6, $0x1A  }
0x8d: {  	v4 =	vor.u32 v33, v4;
	v5 =	vadd.s32 v5, v6;
	v36 =	vor.u32 v34, v35  }
0x8e: {  	v57 =	vshll.u32 v54, $0x6;
	v2 =	vxor.u32 v4, v3;
	v37 =	vxor.u32 v36, v5  }
0x8f: {  	v38 =	vshrl.u32 v2, $0x1A;
	v39 =	vshrl.u32 v37, $0x1A;
	v40 =	vshll.u32 v37, $0x6  }
0x90: {  	v41 =	vshll.u32 v2, $0x6;
	v4 =	vadd.s32 v5, v37;
	v42 =	vor.u32 v39, v40  }
0x91: {  	v2 =	vadd.s32 v3, v2;
	v3 =	vor.u32 v38, v41;
	v5 =	vxor.u32 v42, v4  }
0x92: {  	v3 =	vxor.u32 v3, v2;
	v2 =	vadd.s32 $0x66CD0878, v2;
	v5 =	vadd.s32 $0x10221730, v5  }
0x93: {  	v4 =	vadd.s32 v5, v4;
	v45 =	vshrl.u32 v5, $0xF;
	v5 =	vshll.u32 v5, $0x11  }
0x94: {  	v3 =	vadd.s32 $0x6D3E0494, v3;
	v4 =	vadd.s32 $0x6D3E048F, v4;
	v5 =	vor.u32 v45, v5  }
0x95: {  	v9 =	vor.u32 v56, v57;
	v2 =	vxor.u32 v2, v3;
	v5 =	vxor.u32 v5, v4  }
0x96: {  	v4 =	vadd.s32 v4, v5;
	v50 =	vshrl.u32 v5, $0x3;
	v5 =	vshll.u32 v5, $0x1D  }
0x97: {  	s7 =	sor.u32 $0x40, s30;
	vm14 =	vgt.u32 v2, $0xFF118FFF;
	vm15 =	vlt.u32 v2, $0xDAA600;
	v5 =	vor.u32 v50, v5  }
0x98: {  	v40 =	vadd.s32 s7, v0;
	v3 =	vxor.u32 v5, v4;
	v5 =	vadd.s32 v7, v54  }
0x99: {  	v55 =	vshrl.u32 v3, $0x10;
	v58 =	vshll.u32 v3, $0x10;
	v60 =	vxor.u32 v9, v5  }
0x9a: {  	v3 =	vadd.s32 v4, v3;
	v59 =	vor.u32 v55, v58;
	v61 =	vadd.s32 $0x66CD0879, v60  }
0x9b: {  	v4 =	vxor.u32 v59, v3;
	v5 =	vadd.s32 v61, v5;
	v63 =	vshrl.u32 v61, $0xF  }
0x9c: {  	v6 =	vshll.u32 v61, $0x11;
	v3 =	vadd.s32 v3, v4;
	v5 =	vadd.s32 $0x1022172D, v5  }
0x9d: {  	v6 =	vor.u32 v63, v6;
	v12 =	vshrl.u32 v4, $0x8;
	v4 =	vshll.u32 v4, $0x18  }
0x9e: {  	v41 =	vshrl.u32 v40, $0x13;
	v6 =	vxor.u32 v6, v5;
	v4 =	vor.u32 v12, v4  }
0x9f: {  	v13 =	vshrl.u32 v6, $0x3;
	v14 =	vshll.u32 v6, $0x1D;
	v4 =	vxor.u32 v4, v3  }
0xa0: {  	v5 =	vadd.s32 v5, v6;
	v15 =	vor.u32 v13, v14;
	v4 =	vadd.s32 $0x66CD087C, v4  }
0xa1: {  	v42 =	vadd.s32 s7, v1;
	v6 =	vxor.u32 v15, v5;
	v3 =	vadd.s32 v4, v3  }
0xa2: {  	s1 =	sor.u32 $0x10, s31;
	[tilespmem:s31+$0xC000] =	vst v43;
	v19 =	vshrl.u32 v4, $0x13;
	v4 =	vshll.u32 v4, $0xD;
	v16 =	vshrl.u32 v6, $0x10  }
0xa3: {  	v62 =	vld [tilespmem:s1+$0x0];
	v17 =	vshll.u32 v6, $0x10;
	v3 =	vadd.s32 $0x1022172D, v3;
	v4 =	vor.u32 v19, v4  }
0xa4: {  	v5 =	vadd.s32 v5, v6;
	v18 =	vor.u32 v16, v17;
	v4 =	vxor.u32 v4, v3  }
0xa5: {  	v6 =	vxor.u32 v18, v5;
	v2 =	vadd.s32 v3, v4;
	v23 =	vshrl.u32 v4, $0x11  }
0xa6: {  	v4 =	vshll.u32 v4, $0xF;
	v20 =	vshrl.u32 v6, $0x8;
	v21 =	vshll.u32 v6, $0x18  }
0xa7: {  	v5 =	vadd.s32 v5, v6;
	v4 =	vor.u32 v23, v4;
	v22 =	vor.u32 v20, v21  }
0xa8: {  	v7 =	vsel vm14, $0x3EC72C98, v62;
	v4 =	vxor.u32 v4, v2;
	v3 =	vxor.u32 v22, v5  }
0xa9: {  	v25 =	vsel vm15, $0xBE833490, v7;
	v26 =	vshrl.u32 v4, $0x6;
	v3 =	vadd.s32 $0x6D3E0491, v3  }
0xaa: {  	v5 =	vadd.s32 v3, v5;
	v24 =	vshrl.u32 v3, $0x13;
	v3 =	vshll.u32 v3, $0xD  }
0xab: {  	v29 =	vshll.u32 v4, $0x1A;
	v5 =	vadd.s32 $0x66CD0878, v5;
	v3 =	vor.u32 v24, v3  }
0xac: {  	v2 =	vadd.s32 v2, v4;
	v31 =	vor.u32 v26, v29;
	v3 =	vxor.u32 v3, v5  }
0xad: {  	v4 =	vxor.u32 v31, v2;
	v27 =	vshrl.u32 v3, $0x11;
	v28 =	vshll.u32 v3, $0xF  }
0xae: {  	v2 =	vadd.s32 v2, v4;
	v3 =	vadd.s32 v5, v3;
	v30 =	vor.u32 v27, v28  }
0xaf: {  	v35 =	vshrl.u32 v4, $0x1A;
	v4 =	vshll.u32 v4, $0x6;
	v5 =	vxor.u32 v30, v3  }
0xb0: {  	s16 =	sor.u32 $0x50, s30;
	s9 =	sor.u32 $0x20, s31;
	[tilespmem:s31+$0xC010] =	vst v25;
	v4 =	vor.u32 v35, v4;
	v32 =	vshrl.u32 v5, $0x6;
	v33 =	vshll.u32 v5, $0x1A  }
0xb1: {  	v49 =	vld [tilespmem:s9+$0x0];
	v35 =	vadd.s32 s16, v1;
	v3 =	vadd.s32 v3, v5;
	v34 =	vor.u32 v32, v33  }
0xb2: {  	v4 =	vxor.u32 v4, v2;
	v2 =	vadd.s32 $0x66CD0878, v2;
	v5 =	vxor.u32 v34, v3  }
0xb3: {  	v4 =	vadd.s32 $0x6D3E0494, v4;
	v36 =	vshrl.u32 v5, $0x1A;
	v37 =	vshll.u32 v5, $0x6  }
0xb4: {  	v2 =	vxor.u32 v2, v4;
	v3 =	vadd.s32 v3, v5;
	v38 =	vor.u32 v36, v37  }
0xb5: {  	vm4 =	vgt.u32 v2, $0xFF118FFF;
	vm5 =	vlt.u32 v2, $0xDAA600;
	v5 =	vxor.u32 v38, v3  }
0xb6: {  	v56 =	vsel vm4, $0x3EC72C98, v49;
	v33 =	vadd.s32 s16, v0;
	v39 =	vadd.s32 $0x10221730, v5  }
0xb7: {  	v24 =	vsel vm5, $0xBE833490, v56;
	v5 =	vshll.u32 v40, $0xD;
	v3 =	vadd.s32 v39, v3  }
0xb8: {  	v5 =	vor.u32 v41, v5;
	v43 =	vshrl.u32 v39, $0xF;
	v4 =	vshll.u32 v39, $0x11  }
0xb9: {  	v3 =	vadd.s32 $0x6D3E048F, v3;
	v5 =	vxor.u32 v42, v5;
	v4 =	vor.u32 v43, v4  }
0xba: {  	v44 =	vshrl.u32 v5, $0x11;
	v45 =	vshll.u32 v5, $0xF;
	v4 =	vxor.u32 v4, v3  }
0xbb: {  	v5 =	vadd.s32 v42, v5;
	v7 =	vor.u32 v44, v45;
	v3 =	vadd.s32 v3, v4  }
0xbc: {  	v46 =	vshrl.u32 v4, $0x3;
	v4 =	vshll.u32 v4, $0x1D;
	v7 =	vxor.u32 v7, v5  }
0xbd: {  	v34 =	vshrl.u32 v33, $0x13;
	v4 =	vor.u32 v46, v4;
	v47 =	vshrl.u32 v7, $0x6  }
0xbe: {  	v48 =	vshll.u32 v7, $0x1A;
	v5 =	vadd.s32 v5, v7;
	v4 =	vxor.u32 v4, v3  }
0xbf: {  	v7 =	vshll.u32 v33, $0xD;
	v6 =	vor.u32 v47, v48;
	v50 =	vshrl.u32 v4, $0x10  }
0xc0: {  	v53 =	vshll.u32 v4, $0x10;
	v3 =	vadd.s32 v3, v4;
	v7 =	vor.u32 v34, v7  }
0xc1: {  	v6 =	vxor.u32 v6, v5;
	v54 =	vor.u32 v50, v53;
	v7 =	vxor.u32 v35, v7  }
0xc2: {  	v51 =	vshrl.u32 v6, $0x1A;
	v52 =	vshll.u32 v6, $0x6;
	v5 =	vadd.s32 v5, v6  }
0xc3: {  	v4 =	vxor.u32 v54, v3;
	v36 =	vadd.s32 v35, v7;
	v37 =	vshrl.u32 v7, $0x11  }
0xc4: {  	v7 =	vshll.u32 v7, $0xF;
	v8 =	vor.u32 v51, v52;
	v3 =	vadd.s32 v3, v4  }
0xc5: {  	v58 =	vshrl.u32 v4, $0x8;
	v4 =	vshll.u32 v4, $0x18;
	v7 =	vor.u32 v37, v7  }
0xc6: {  	v55 =	vxor.u32 v8, v5;
	v4 =	vor.u32 v58, v4;
	v7 =	vxor.u32 v7, v36  }
0xc7: {  	v6 =	vadd.s32 $0x66CD0879, v55;
	v4 =	vxor.u32 v4, v3;
	v39 =	vshrl.u32 v7, $0x6  }
0xc8: {  	v40 =	vshll.u32 v7, $0x1A;
	v7 =	vadd.s32 v36, v7;
	v5 =	vadd.s32 v6, v5  }
0xc9: {  	v57 =	vshrl.u32 v6, $0xF;
	v6 =	vshll.u32 v6, $0x11;
	v2 =	vadd.s32 $0x66CD087C, v4  }
0xca: {  	v41 =	vor.u32 v39, v40;
	v5 =	vadd.s32 $0x1022172D, v5;
	v6 =	vor.u32 v57, v6  }
0xcb: {  	v3 =	vadd.s32 v2, v3;
	v13 =	vshrl.u32 v2, $0x13;
	v2 =	vshll.u32 v2, $0xD  }
0xcc: {  	v8 =	vxor.u32 v41, v7;
	v6 =	vxor.u32 v6, v5;
	v3 =	vadd.s32 $0x1022172D, v3  }
0xcd: {  	v2 =	vor.u32 v13, v2;
	v43 =	vshrl.u32 v8, $0x1A;
	v44 =	vshll.u32 v8, $0x6  }
0xce: {  	v7 =	vadd.s32 v7, v8;
	v59 =	vshrl.u32 v6, $0x3;
	v60 =	vshll.u32 v6, $0x1D  }
0xcf: {  	v5 =	vadd.s32 v5, v6;
	v2 =	vxor.u32 v2, v3;
	v61 =	vor.u32 v59, v60  }
0xd0: {  	v45 =	vor.u32 v43, v44;
	v17 =	vshrl.u32 v2, $0x11;
	v62 =	vxor.u32 v61, v5  }
0xd1: {  	v18 =	vshll.u32 v2, $0xF;
	v6 =	vshrl.u32 v62, $0x10;
	v63 =	vshll.u32 v62, $0x10  }
0xd2: {  	v2 =	vadd.s32 v3, v2;
	v4 =	vadd.s32 v5, v62;
	v12 =	vor.u32 v6, v63  }
0xd3: {  	v8 =	vxor.u32 v45, v7;
	v3 =	vor.u32 v17, v18;
	v5 =	vxor.u32 v12, v4  }
0xd4: {  	v8 =	vadd.s32 $0x66CD0879, v8;
	v14 =	vshrl.u32 v5, $0x8;
	v15 =	vshll.u32 v5, $0x18  }
0xd5: {  	v3 =	vxor.u32 v3, v2;
	v4 =	vadd.s32 v4, v5;
	v16 =	vor.u32 v14, v15  }
0xd6: {  	v7 =	vadd.s32 v8, v7;
	v47 =	vshrl.u32 v8, $0xF;
	v5 =	vxor.u32 v16, v4  }
0xd7: {  	v8 =	vshll.u32 v8, $0x11;
	v2 =	vadd.s32 v2, v3;
	v5 =	vadd.s32 $0x6D3E0491, v5  }
0xd8: {  	v4 =	vadd.s32 v5, v4;
	v19 =	vshrl.u32 v5, $0x13;
	v5 =	vshll.u32 v5, $0xD  }
0xd9: {  	v20 =	vshrl.u32 v3, $0x6;
	v4 =	vadd.s32 $0x66CD0878, v4;
	v5 =	vor.u32 v19, v5  }
0xda: {  	v3 =	vshll.u32 v3, $0x1A;
	v7 =	vadd.s32 $0x1022172D, v7;
	v5 =	vxor.u32 v5, v4  }
0xdb: {  	v8 =	vor.u32 v47, v8;
	v21 =	vshrl.u32 v5, $0x11;
	v22 =	vshll.u32 v5, $0xF  }
0xdc: {  	v3 =	vor.u32 v20, v3;
	v4 =	vadd.s32 v4, v5;
	v23 =	vor.u32 v21, v22  }
0xdd: {  	v48 =	vxor.u32 v8, v7;
	v3 =	vxor.u32 v3, v2;
	v5 =	vxor.u32 v23, v4  }
0xde: {  	v50 =	vshrl.u32 v48, $0x3;
	v26 =	vshrl.u32 v5, $0x6;
	v27 =	vshll.u32 v5, $0x1A  }
0xdf: {  	v51 =	vshll.u32 v48, $0x1D;
	v4 =	vadd.s32 v4, v5;
	v29 =	vor.u32 v26, v27  }
0xe0: {  	v25 =	vshrl.u32 v3, $0x1A;
	v28 =	vshll.u32 v3, $0x6;
	v5 =	vxor.u32 v29, v4  }
0xe1: {  	v2 =	vadd.s32 v2, v3;
	v30 =	vshrl.u32 v5, $0x1A;
	v31 =	vshll.u32 v5, $0x6  }
0xe2: {  	s1 =	sor.u32 $0x60, s30;
	v9 =	vor.u32 v50, v51;
	v4 =	vadd.s32 v4, v5;
	v32 =	vor.u32 v30, v31  }
0xe3: {  	v3 =	vor.u32 v25, v28;
	v28 =	vadd.s32 s1, v0;
	v5 =	vxor.u32 v32, v4  }
0xe4: {  	s17 =	sor.u32 $0x30, s31;
	[tilespmem:s31+$0xC020] =	vst v24;
	v3 =	vxor.u32 v3, v2;
	v2 =	vadd.s32 $0x66CD0878, v2;
	v5 =	vadd.s32 $0x10221730, v5  }
0xe5: {  	v57 =	vld [tilespmem:s17+$0x0];
	v4 =	vadd.s32 v5, v4;
	v38 =	vshrl.u32 v5, $0xF;
	v5 =	vshll.u32 v5, $0x11  }
0xe6: {  	v3 =	vadd.s32 $0x6D3E0494, v3;
	v4 =	vadd.s32 $0x6D3E048F, v4;
	v5 =	vor.u32 v38, v5  }
0xe7: {  	v8 =	vshll.u32 v28, $0xD;
	v2 =	vxor.u32 v2, v3;
	v5 =	vxor.u32 v5, v4  }
0xe8: {  	v4 =	vadd.s32 v4, v5;
	v42 =	vshrl.u32 v5, $0x3;
	v5 =	vshll.u32 v5, $0x1D  }
0xe9: {  	vm6 =	vgt.u32 v2, $0xFF118FFF;
	vm7 =	vlt.u32 v2, $0xDAA600;
	v5 =	vor.u32 v42, v5  }
0xea: {  	v62 =	vsel vm6, $0x3EC72C98, v57;
	v29 =	vshrl.u32 v28, $0x13;
	v5 =	vxor.u32 v5, v4  }
0xeb: {  	v4 =	vadd.s32 v4, v5;
	v46 =	vshrl.u32 v5, $0x10;
	v5 =	vshll.u32 v5, $0x10  }
0xec: {  	v8 =	vor.u32 v29, v8;
	v30 =	vadd.s32 s1, v1;
	v5 =	vor.u32 v46, v5  }
0xed: {  	v26 =	vsel vm7, $0xBE833490, v62;
	v31 =	vxor.u32 v30, v8;
	v3 =	vxor.u32 v5, v4  }
0xee: {  	v33 =	vshrl.u32 v31, $0x11;
	v5 =	vadd.s32 v7, v48;
	v49 =	vshrl.u32 v3, $0x8  }
0xef: {  	v52 =	vshll.u32 v3, $0x18;
	v3 =	vadd.s32 v4, v3;
	v54 =	vxor.u32 v9, v5  }
0xf0: {  	v53 =	vor.u32 v49, v52;
	v55 =	vshrl.u32 v54, $0x10;
	v56 =	vshll.u32 v54, $0x10  }
0xf1: {  	v5 =	vadd.s32 v5, v54;
	v4 =	vxor.u32 v53, v3;
	v6 =	vor.u32 v55, v56  }
0xf2: {  	v34 =	vshll.u32 v31, $0xF;
	v4 =	vadd.s32 $0x66CD087C, v4;
	v6 =	vxor.u32 v6, v5  }
0xf3: {  	v3 =	vadd.s32 v4, v3;
	v58 =	vshrl.u32 v4, $0x13;
	v59 =	vshrl.u32 v6, $0x8  }
0xf4: {  	v60 =	vshll.u32 v6, $0x18;
	v4 =	vshll.u32 v4, $0xD;
	v5 =	vadd.s32 v5, v6  }
0xf5: {  	v61 =	vor.u32 v59, v60;
	v3 =	vadd.s32 $0x1022172D, v3;
	v4 =	vor.u32 v58, v4  }
0xf6: {  	v9 =	vor.u32 v33, v34;
	v6 =	vxor.u32 v61, v5;
	v4 =	vxor.u32 v4, v3  }
0xf7: {  	v6 =	vadd.s32 $0x6D3E0491, v6;
	v3 =	vadd.s32 v3, v4;
	v12 =	vshrl.u32 v4, $0x11  }
0xf8: {  	v4 =	vshll.u32 v4, $0xF;
	v5 =	vadd.s32 v6, v5;
	v63 =	vshrl.u32 v6, $0x13  }
0xf9: {  	s9 =	sor.u32 $0x70, s30;
	v6 =	vshll.u32 v6, $0xD;
	v4 =	vor.u32 v12, v4;
	v5 =	vadd.s32 $0x66CD0878, v5  }
0xfa: {  	v6 =	vor.u32 v63, v6;
	v4 =	vxor.u32 v4, v3;
	v63 =	vadd.s32 s9, v0  }
0xfb: {  	v6 =	vxor.u32 v6, v5;
	v3 =	vadd.s32 v3, v4;
	v16 =	vshrl.u32 v4, $0x6  }
0xfc: {  	v4 =	vshll.u32 v4, $0x1A;
	v13 =	vshrl.u32 v6, $0x11;
	v14 =	vshll.u32 v6, $0xF  }
0xfd: {  	v12 =	vshrl.u32 v63, $0x13;
	v5 =	vadd.s32 v5, v6;
	v15 =	vor.u32 v13, v14  }
0xfe: {  	v8 =	vshll.u32 v63, $0xD;
	v4 =	vor.u32 v16, v4;
	v6 =	vxor.u32 v15, v5  }
0xff: {  	v8 =	vor.u32 v12, v8;
	v17 =	vshrl.u32 v6, $0x6;
	v18 =	vshll.u32 v6, $0x1A  }
0x100: {  	v2 =	vxor.u32 v4, v3;
	v5 =	vadd.s32 v5, v6;
	v19 =	vor.u32 v17, v18  }
0x101: {  	v13 =	vadd.s32 s9, v1;
	v21 =	vshrl.u32 v2, $0x1A;
	v20 =	vxor.u32 v19, v5  }
0x102: {  	v24 =	vshll.u32 v2, $0x6;
	v22 =	vshrl.u32 v20, $0x1A;
	v23 =	vshll.u32 v20, $0x6  }
0x103: {  	v2 =	vadd.s32 v3, v2;
	v4 =	vadd.s32 v5, v20;
	v25 =	vor.u32 v22, v23  }
0x104: {  	v8 =	vxor.u32 v13, v8;
	v3 =	vor.u32 v21, v24;
	v5 =	vxor.u32 v25, v4  }
0x105: {  	v3 =	vxor.u32 v3, v2;
	v2 =	vadd.s32 $0x66CD0878, v2;
	v5 =	vadd.s32 $0x10221730, v5  }
0x106: {  	v4 =	vadd.s32 v5, v4;
	v27 =	vshrl.u32 v5, $0xF;
	v5 =	vshll.u32 v5, $0x11  }
0x107: {  	v3 =	vadd.s32 $0x6D3E0494, v3;
	v4 =	vadd.s32 $0x6D3E048F, v4;
	v5 =	vor.u32 v27, v5  }
0x108: {  	v14 =	vshrl.u32 v8, $0x11;
	v2 =	vxor.u32 v2, v3;
	v3 =	vxor.u32 v5, v4  }
0x109: {  	v5 =	vadd.s32 v30, v31;
	v32 =	vshrl.u32 v3, $0x3;
	v35 =	vshll.u32 v3, $0x1D  }
0x10a: {  	v3 =	vadd.s32 v4, v3;
	v37 =	vxor.u32 v9, v5;
	v36 =	vor.u32 v32, v35  }
0x10b: {  	v38 =	vshrl.u32 v37, $0x6;
	v9 =	vshll.u32 v37, $0x1A;
	v4 =	vxor.u32 v36, v3  }
0x10c: {  	v5 =	vadd.s32 v5, v37;
	v39 =	vor.u32 v38, v9;
	v3 =	vadd.s32 v3, v4  }
0x10d: {  	v40 =	vshrl.u32 v4, $0x10;
	v4 =	vshll.u32 v4, $0x10;
	v7 =	vxor.u32 v39, v5  }
0x10e: {  	v4 =	vor.u32 v40, v4;
	v41 =	vshrl.u32 v7, $0x1A;
	v42 =	vshll.u32 v7, $0x6  }
0x10f: {  	v5 =	vadd.s32 v5, v7;
	v4 =	vxor.u32 v4, v3;
	v43 =	vor.u32 v41, v42  }
0x110: {  	v44 =	vshrl.u32 v4, $0x8;
	v45 =	vshll.u32 v4, $0x18;
	v7 =	vxor.u32 v43, v5  }
0x111: {  	v3 =	vadd.s32 v3, v4;
	v46 =	vor.u32 v44, v45;
	v7 =	vadd.s32 $0x66CD0879, v7  }
0x112: {  	v5 =	vadd.s32 v7, v5;
	v47 =	vshrl.u32 v7, $0xF;
	v7 =	vshll.u32 v7, $0x11  }
0x113: {  	v4 =	vxor.u32 v46, v3;
	v5 =	vadd.s32 $0x1022172D, v5;
	v7 =	vor.u32 v47, v7  }
0x114: {  	vm8 =	vgt.u32 v2, $0xFF118FFF;
	v4 =	vadd.s32 $0x66CD087C, v4;
	v7 =	vxor.u32 v7, v5  }
0x115: {  	v3 =	vadd.s32 v4, v3;
	v48 =	vshrl.u32 v7, $0x3;
	v49 =	vshll.u32 v7, $0x1D  }
0x116: {  	v51 =	vshrl.u32 v4, $0x13;
	v5 =	vadd.s32 v5, v7;
	v50 =	vor.u32 v48, v49  }
0x117: {  	v4 =	vshll.u32 v4, $0xD;
	v3 =	vadd.s32 $0x1022172D, v3;
	v7 =	vxor.u32 v50, v5  }
0x118: {  	s7 =	sor.u32 $0x40, s31;
	[tilespmem:s31+$0xC030] =	vst v26;
	v4 =	vor.u32 v51, v4;
	v53 =	vshrl.u32 v7, $0x10;
	v54 =	vshll.u32 v7, $0x10  }
0x119: {  	v52 =	vld [tilespmem:s7+$0x0];
	v4 =	vxor.u32 v4, v3;
	v5 =	vadd.s32 v5, v7;
	v6 =	vor.u32 v53, v54  }
0x11a: {  	v3 =	vadd.s32 v3, v4;
	v55 =	vshrl.u32 v4, $0x11;
	v6 =	vxor.u32 v6, v5  }
0x11b: {  	v4 =	vshll.u32 v4, $0xF;
	v56 =	vshrl.u32 v6, $0x8;
	v57 =	vshll.u32 v6, $0x18  }
0x11c: {  	v4 =	vor.u32 v55, v4;
	v5 =	vadd.s32 v5, v6;
	v58 =	vor.u32 v56, v57  }
0x11d: {  	vm9 =	vlt.u32 v2, $0xDAA600;
	v4 =	vxor.u32 v4, v3;
	v6 =	vxor.u32 v58, v5  }
0x11e: {  	v59 =	vsel vm8, $0x3EC72C98, v52;
	v2 =	vshrl.u32 v4, $0x6;
	v6 =	vadd.s32 $0x6D3E0491, v6  }
0x11f: {  	v5 =	vadd.s32 v6, v5;
	v60 =	vshrl.u32 v6, $0x13;
	v6 =	vshll.u32 v6, $0xD  }
0x120: {  	v61 =	vshll.u32 v4, $0x1A;
	v5 =	vadd.s32 $0x66CD0878, v5;
	v6 =	vor.u32 v60, v6  }
0x121: {  	v3 =	vadd.s32 v3, v4;
	v2 =	vor.u32 v2, v61;
	v62 =	vxor.u32 v6, v5  }
0x122: {  	v2 =	vxor.u32 v2, v3;
	v6 =	vshrl.u32 v62, $0x11;
	v4 =	vshll.u32 v62, $0xF  }
0x123: {  	v3 =	vadd.s32 v3, v2;
	v5 =	vadd.s32 v5, v62;
	v4 =	vor.u32 v6, v4  }
0x124: {  	v6 =	vadd.s32 v13, v8;
	v8 =	vshll.u32 v8, $0xF;
	v4 =	vxor.u32 v4, v5  }
0x125: {  	v8 =	vor.u32 v14, v8;
	v15 =	vshrl.u32 v4, $0x6;
	v16 =	vshll.u32 v4, $0x1A  }
0x126: {  	v4 =	vadd.s32 v5, v4;
	v8 =	vxor.u32 v8, v6;
	v17 =	vor.u32 v15, v16  }
0x127: {  	v18 =	vshrl.u32 v8, $0x6;
	v19 =	vshll.u32 v8, $0x1A;
	v5 =	vxor.u32 v17, v4  }
0x128: {  	v6 =	vadd.s32 v6, v8;
	v20 =	vor.u32 v18, v19;
	v4 =	vadd.s32 v4, v5  }
0x129: {  	v21 =	vshrl.u32 v5, $0x1A;
	v5 =	vshll.u32 v5, $0x6;
	v8 =	vxor.u32 v20, v6  }
0x12a: {  	v5 =	vor.u32 v21, v5;
	v22 =	vshrl.u32 v8, $0x1A;
	v23 =	vshll.u32 v8, $0x6  }
0x12b: {  	v6 =	vadd.s32 v6, v8;
	v5 =	vxor.u32 v5, v4;
	v24 =	vor.u32 v22, v23  }
0x12c: {  	v34 =	vshrl.u32 v2, $0x1A;
	v5 =	vadd.s32 $0x10221730, v5;
	v8 =	vxor.u32 v24, v6  }
0x12d: {  	v4 =	vadd.s32 v5, v4;
	v25 =	vshrl.u32 v5, $0xF;
	v8 =	vadd.s32 $0x66CD0879, v8  }
0x12e: {  	v6 =	vadd.s32 v8, v6;
	v26 =	vshrl.u32 v8, $0xF;
	v8 =	vshll.u32 v8, $0x11  }
0x12f: {  	v5 =	vshll.u32 v5, $0x11;
	v6 =	vadd.s32 $0x1022172D, v6;
	v8 =	vor.u32 v26, v8  }
0x130: {  	v4 =	vadd.s32 $0x6D3E048F, v4;
	v5 =	vor.u32 v25, v5;
	v8 =	vxor.u32 v8, v6  }
0x131: {  	v5 =	vxor.u32 v5, v4;
	v27 =	vshrl.u32 v8, $0x3;
	v28 =	vshll.u32 v8, $0x1D  }
0x132: {  	v4 =	vadd.s32 v4, v5;
	v6 =	vadd.s32 v6, v8;
	v29 =	vor.u32 v27, v28  }
0x133: {  	v30 =	vshrl.u32 v5, $0x3;
	v5 =	vshll.u32 v5, $0x1D;
	v8 =	vxor.u32 v29, v6  }
0x134: {  	v5 =	vor.u32 v30, v5;
	v31 =	vshrl.u32 v8, $0x10;
	v32 =	vshll.u32 v8, $0x10  }
0x135: {  	v5 =	vxor.u32 v5, v4;
	v6 =	vadd.s32 v6, v8;
	v33 =	vor.u32 v31, v32  }
0x136: {  	v2 =	vshll.u32 v2, $0x6;
	v4 =	vadd.s32 v4, v5;
	v8 =	vxor.u32 v33, v6  }
0x137: {  	v6 =	vadd.s32 v6, v8;
	v35 =	vshrl.u32 v8, $0x8;
	v8 =	vshll.u32 v8, $0x18  }
0x138: {  	v36 =	vshrl.u32 v5, $0x10;
	v5 =	vshll.u32 v5, $0x10;
	v8 =	vor.u32 v35, v8  }
0x139: {  	v2 =	vor.u32 v34, v2;
	v5 =	vor.u32 v36, v5;
	v8 =	vxor.u32 v8, v6  }
0x13a: {  	v2 =	vxor.u32 v2, v3;
	v5 =	vxor.u32 v5, v4;
	v8 =	vadd.s32 $0x6D3E0491, v8  }
0x13b: {  	v6 =	vadd.s32 v8, v6;
	v37 =	vshrl.u32 v8, $0x13;
	v8 =	vshll.u32 v8, $0xD  }
0x13c: {  	v4 =	vadd.s32 v4, v5;
	v6 =	vadd.s32 $0x66CD0878, v6;
	v8 =	vor.u32 v37, v8  }
0x13d: {  	v38 =	vshrl.u32 v5, $0x8;
	v5 =	vshll.u32 v5, $0x18;
	v8 =	vxor.u32 v8, v6  }
0x13e: {  	v5 =	vor.u32 v38, v5;
	v39 =	vshrl.u32 v8, $0x11;
	v40 =	vshll.u32 v8, $0xF  }
0x13f: {  	v5 =	vxor.u32 v5, v4;
	v6 =	vadd.s32 v6, v8;
	v41 =	vor.u32 v39, v40  }
0x140: {  	v3 =	vadd.s32 $0x66CD0878, v3;
	v5 =	vadd.s32 $0x66CD087C, v5;
	v8 =	vxor.u32 v41, v6  }
0x141: {  	v6 =	vadd.s32 v6, v8;
	v42 =	vshrl.u32 v8, $0x6;
	v8 =	vshll.u32 v8, $0x1A  }
0x142: {  	v2 =	vadd.s32 $0x6D3E0494, v2;
	v4 =	vadd.s32 v5, v4;
	v8 =	vor.u32 v42, v8  }
0x143: {  	v44 =	vshrl.u32 v5, $0x13;
	v5 =	vshll.u32 v5, $0xD;
	v8 =	vxor.u32 v8, v6  }
0x144: {  	v6 =	vadd.s32 v6, v8;
	v43 =	vshrl.u32 v8, $0x1A;
	v8 =	vshll.u32 v8, $0x6  }
0x145: {  	v4 =	vadd.s32 $0x1022172D, v4;
	v5 =	vor.u32 v44, v5;
	v8 =	vor.u32 v43, v8  }
0x146: {  	v2 =	vxor.u32 v3, v2;
	v3 =	vxor.u32 v5, v4;
	v8 =	vxor.u32 v8, v6  }
0x147: {  	v4 =	vadd.s32 v4, v3;
	v46 =	vshrl.u32 v3, $0x11;
	v45 =	vadd.s32 $0x10221730, v8  }
0x148: {  	v6 =	vadd.s32 v45, v6;
	v8 =	vshrl.u32 v45, $0xF;
	v5 =	vshll.u32 v45, $0x11  }
0x149: {  	v3 =	vshll.u32 v3, $0xF;
	v6 =	vadd.s32 $0x6D3E048F, v6;
	v5 =	vor.u32 v8, v5  }
0x14a: {  	v7 =	vsel vm9, $0xBE833490, v59;
	v3 =	vor.u32 v46, v3;
	v5 =	vxor.u32 v5, v6  }
0x14b: {  	v3 =	vxor.u32 v3, v4;
	v48 =	vshrl.u32 v5, $0x3;
	v49 =	vshll.u32 v5, $0x1D  }
0x14c: {  	v4 =	vadd.s32 v4, v3;
	v5 =	vadd.s32 v6, v5;
	v50 =	vor.u32 v48, v49  }
0x14d: {  	s16 =	sor.u32 $0x50, s31;
	[tilespmem:s31+$0xC040] =	vst v7;
	v52 =	vshrl.u32 v3, $0x6;
	v3 =	vshll.u32 v3, $0x1A;
	v6 =	vxor.u32 v50, v5  }
0x14e: {  	v47 =	vld [tilespmem:s16+$0x0];
	v5 =	vadd.s32 v5, v6;
	v51 =	vshrl.u32 v6, $0x10;
	v6 =	vshll.u32 v6, $0x10  }
0x14f: {  	vm10 =	vgt.u32 v2, $0xFF118FFF;
	v3 =	vor.u32 v52, v3;
	v6 =	vor.u32 v51, v6  }
0x150: {  	vm11 =	vlt.u32 v2, $0xDAA600;
	v2 =	vxor.u32 v3, v4;
	v6 =	vxor.u32 v6, v5  }
0x151: {  	v5 =	vadd.s32 v5, v6;
	v53 =	vshrl.u32 v6, $0x8;
	v6 =	vshll.u32 v6, $0x18  }
0x152: {  	v4 =	vadd.s32 v4, v2;
	v3 =	vor.u32 v53, v6  }
0x153: {  	v55 =	vshrl.u32 v2, $0x1A;
	v8 =	vsel vm10, $0x3EC72C98, v47;
	v3 =	vxor.u32 v3, v5  }
0x154: {  	v2 =	vshll.u32 v2, $0x6;
	v54 =	vsel vm11, $0xBE833490, v8;
	v3 =	vadd.s32 $0x66CD087C, v3  }
0x155: {  	v5 =	vadd.s32 v3, v5;
	v56 =	vshrl.u32 v3, $0x13;
	v3 =	vshll.u32 v3, $0xD  }
0x156: {  	s17 =	sor.u32 $0x60, s31;
	v2 =	vor.u32 v55, v2;
	[tilespmem:s31+$0xC050] =	vst v54;
	v5 =	vadd.s32 $0x1022172D, v5;
	v3 =	vor.u32 v56, v3  }
0x157: {  	v2 =	vxor.u32 v2, v4;
	v4 =	vadd.s32 $0x66CD0878, v4;
	v6 =	vld [tilespmem:s17+$0x0];
	v3 =	vxor.u32 v3, v5  }
0x158: {  	v2 =	vadd.s32 $0x6D3E0494, v2;
	v57 =	vshrl.u32 v3, $0x11;
	v58 =	vshll.u32 v3, $0xF  }
0x159: {  	v2 =	vxor.u32 v4, v2;
	v3 =	vadd.s32 v5, v3;
	v59 =	vor.u32 v57, v58  }
0x15a: {  	vm12 =	vgt.u32 v2, $0xFF118FFF;
	v4 =	vxor.u32 v59, v3  }
0x15b: {  	v3 =	vadd.s32 v3, v4;
	v60 =	vshrl.u32 v4, $0x6;
	v4 =	vshll.u32 v4, $0x1A  }
0x15c: {  	vm13 =	vlt.u32 v2, $0xDAA600;
	v61 =	vsel vm12, $0x3EC72C98, v6;
	v4 =	vor.u32 v60, v4  }
0x15d: {  	v2 =	vsel vm13, $0xBE833490, v61;
	v4 =	vxor.u32 v4, v3  }
0x15e: {  	s30 =	sor.u32 $0x70, s31;
	[tilespmem:s31+$0xC060] =	vst v2;
	v2 =	vshrl.u32 v4, $0x1A;
	v62 =	vshll.u32 v4, $0x6  }
0x15f: {  	v63 =	vld [tilespmem:s30+$0x0];
	v3 =	vadd.s32 v3, v4;
	v2 =	vor.u32 v2, v62  }
0x160: {  	v2 =	vxor.u32 v2, v3  }
0x161: {  	p1 =	sne.s32 s29, $0x17;
	v3 =	vadd.s32 $0x66CD0878, v3;
	v2 =	vadd.s32 $0x6D3E0494, v2  }
.Ltmp0:
0x162: {  	v2 =	vxor.u32 v3, v2;
	(pc) =	sbr.rel @p1 .LBB2_4-.Ltmp0, $4  }
0x163: {  	vm14 =	vgt.u32 v2, $0xFF118FFF  }
0x164: {  	vm15 =	vlt.u32 v2, $0xDAA600;
	v3 =	vsel vm14, $0x3EC72C98, v63  }
0x165: {  	v2 =	vsel vm15, $0xBE833490, v3  }
0x166: {  	s28 =	sadd.s32 $0x80, s28;
	s26 =	sadd.s32 $0x10, s26;
	s29 =	sadd.s32 $0x1, s29;
	[tilespmem:s31+$0xC070] =	vst v2  }
0x167: {  	s23 =	sadd.s32 $0x1, s23  }
0x168: {  	p1 =	sne.s32 s23, $0x8  }
.Ltmp1:
0x169: {  	_ = 	snop;
	(pc) =	sbr.rel @p1 .LBB2_3-.Ltmp1, $1  }
0x16a: {  	_ =	sdelay $0x3  }
0x16b: {  	s0 =	sadd.s32 s2, s21;
	p1 =	sne.s32 s18, $0x4  }
.Ltmp2:
0x16c: {  	s0 =	sshrl.u32 s0, $0x3;
	(pc) =	sbr.rel @p1 .LBB2_8-.Ltmp2, $3  }
0x16d: {  	s0 =	smul.u32 $0x180, s0;
	_ =	sdelay $0x1  }
0x16e: {  	s0 =	sadd.s32 s6, s0  }
0x16f: {  	[hbm4b:s0+s5] =	stream.linear.scatter [tilespmem:s12], [sflag:$0x3], $0x6000, $0x38;
	[tilespmem:$0x18000] =	vst v63  }
.Ltmp3:
0x170: {  	(pc) =	sbr.rel .LBB2_9-.Ltmp3, $4  }
0x171: {  	_ = 	snop  }
0x172: {  	_ =	swait.ge [sflag:s13], $0x6000  }
0x173: {  	[sflag:s13] =	ssyncset.done $0x0  }
0x174: {  	[sflag:s13] =	ssyncadd.s32 $0xFFFFA000  }
.LBB2_8:
0x175: {  	s0 =	sadd.s32 s21, s8  }
0x176: {  	s0 =	sshrl.u32 s0, $0x3  }
0x177: {  	s0 =	smul.u32 $0x180, s0;
	_ =	sdelay $0x1  }
.Ltmp4:
0x178: {  	s0 =	sadd.s32 s3, s0;
	(pc) =	sbr.rel @p0 .LBB2_10-.Ltmp4, $4  }
0x179: {  	[tilespmem:s5], [sflag:$0x1] =	stream.linear.gather [hbm4b:s0+s5], $0x6000, $0x38;
	[tilespmem:$0x18000] =	vst v63  }
0x17a: {  	_ =	swait.ge [sflag:s13], $0x6000  }
0x17b: {  	[sflag:s13] =	ssyncset.done $0x0  }
0x17c: {  	[sflag:s13] =	ssyncadd.s32 $0xFFFFA000  }
.LBB2_9:
0x17d: {  	_ =	swait.ge [sflag:s14], $0x6000  }
0x17e: {  	[sflag:s14] =	ssyncset.done $0x0  }
0x17f: {  	[sflag:s14] =	ssyncadd.s32 $0xFFFFA000  }
.LBB2_10:
0x180: {  	s18 =	sadd.s32 $0x1, s18;
	s21 =	simm.s32 $0x0;
	s22 =	simm.s32 $0x0  }
.LBB2_11:
0x181: {  	s0 =	sshll.u32 s22, $0x3  }
0x182: {  	s25 =	sand.u32 $0x7, s21;
	s24 =	sadd.s32 s20, s0  }
0x183: {  	s0 =	sor.u32 s24, s25  }
0x184: {  	s0 =	smul.u32 $0x180, s0  }
0x185: {  	s1 =	sand.u32 $0x180, s21  }
0x186: {  	s16 =	sadd.s32 s1, s0  }
0x187: {  	v3 =	vadd.s32 s16, v0;
	v2 =	vadd.s32 s16, v1;
	s7 =	sor.u32 $0x10, s16;
	s0 =	sor.u32 $0x20, s16;
	s26 =	sor.u32 $0x70, s16  }
0x188: {  	s1 =	sor.u32 $0x30, s16;
	s9 =	sor.u32 $0x40, s16;
	v4 =	vadd.s32 s7, v0;
	v5 =	vadd.s32 s0, v0;
	v6 =	vadd.s32 s26, v0  }
0x189: {  	s23 =	sor.u32 $0x50, s16;
	s16 =	sor.u32 $0x60, s16;
	v7 =	vadd.s32 s1, v0;
	v9 =	vadd.s32 s9, v0;
	v10 =	vadd.s32 s26, v1  }
0x18a: {  	v11 =	vadd.s32 s16, v0;
	v8 =	vshrl.u32 v6, $0x13;
	v6 =	vshll.u32 v6, $0xD  }
0x18b: {  	v12 =	vshrl.u32 v4, $0x13;
	v4 =	vshll.u32 v4, $0xD;
	v6 =	vor.u32 v8, v6  }
0x18c: {  	v8 =	vadd.s32 s23, v0;
	v4 =	vor.u32 v12, v4;
	v6 =	vxor.u32 v10, v6  }
0x18d: {  	v13 =	vshrl.u32 v6, $0x11;
	v14 =	vshll.u32 v6, $0xF;
	v6 =	vadd.s32 v10, v6  }
0x18e: {  	v10 =	vor.u32 v13, v14;
	v13 =	vshrl.u32 v5, $0x13;
	v5 =	vshll.u32 v5, $0xD  }
0x18f: {  	v14 =	vshrl.u32 v7, $0x13;
	v7 =	vshll.u32 v7, $0xD;
	v10 =	vxor.u32 v10, v6  }
0x190: {  	v5 =	vor.u32 v13, v5;
	v15 =	vshrl.u32 v10, $0x6;
	v16 =	vshll.u32 v10, $0x1A  }
0x191: {  	v7 =	vor.u32 v14, v7;
	v6 =	vadd.s32 v6, v10;
	v10 =	vor.u32 v15, v16  }
0x192: {  	v15 =	vshrl.u32 v9, $0x13;
	v9 =	vshll.u32 v9, $0xD;
	v16 =	vshrl.u32 v8, $0x13  }
0x193: {  	v8 =	vshll.u32 v8, $0xD;
	v10 =	vxor.u32 v10, v6;
	v9 =	vor.u32 v15, v9  }
0x194: {  	v8 =	vor.u32 v16, v8;
	v15 =	vadd.s32 s0, v1;
	v16 =	vadd.s32 s23, v1  }
0x195: {  	v17 =	vshrl.u32 v10, $0x1A;
	v18 =	vshll.u32 v10, $0x6;
	v6 =	vadd.s32 v6, v10  }
0x196: {  	v5 =	vxor.u32 v15, v5;
	v8 =	vxor.u32 v16, v8;
	v10 =	vor.u32 v17, v18  }
0x197: {  	v17 =	vshrl.u32 v11, $0x13;
	v11 =	vshll.u32 v11, $0xD;
	v10 =	vxor.u32 v10, v6  }
0x198: {  	v18 =	vshrl.u32 v3, $0x13;
	v3 =	vshll.u32 v3, $0xD;
	v10 =	vadd.s32 $0x66CD0879, v10  }
0x199: {  	v6 =	vadd.s32 v10, v6;
	v19 =	vshrl.u32 v10, $0xF;
	v10 =	vshll.u32 v10, $0x11  }
0x19a: {  	v62 =	vshll.u32 v5, $0xF;
	v6 =	vadd.s32 $0x1022172D, v6;
	v10 =	vor.u32 v19, v10  }
0x19b: {  	v26 =	vshrl.u32 v8, $0x11;
	v29 =	vshll.u32 v8, $0xF;
	v10 =	vxor.u32 v10, v6  }
0x19c: {  	v8 =	vadd.s32 v16, v8;
	v12 =	vshrl.u32 v10, $0x3;
	v13 =	vshll.u32 v10, $0x1D  }
0x19d: {  	v3 =	vor.u32 v18, v3;
	v6 =	vadd.s32 v6, v10;
	v10 =	vor.u32 v12, v13  }
0x19e: {  	v11 =	vor.u32 v17, v11;
	v43 =	vor.u32 v26, v29;
	v10 =	vxor.u32 v10, v6  }
0x19f: {  	v3 =	vxor.u32 v2, v3;
	v13 =	vshrl.u32 v10, $0x10;
	v14 =	vshll.u32 v10, $0x10  }
0x1a0: {  	v30 =	vshrl.u32 v3, $0x11;
	v6 =	vadd.s32 v6, v10;
	v10 =	vor.u32 v13, v14  }
0x1a1: {  	v31 =	vshll.u32 v3, $0xF;
	v3 =	vadd.s32 v2, v3;
	v10 =	vxor.u32 v10, v6  }
0x1a2: {  	v19 =	vadd.s32 s16, v1;
	v17 =	vshrl.u32 v10, $0x8;
	v18 =	vshll.u32 v10, $0x18  }
0x1a3: {  	v11 =	vxor.u32 v19, v11;
	v6 =	vadd.s32 v6, v10;
	v10 =	vor.u32 v17, v18  }
0x1a4: {  	v44 =	vor.u32 v30, v31;
	v37 =	vshrl.u32 v11, $0x11;
	v10 =	vxor.u32 v10, v6  }
0x1a5: {  	v38 =	vshll.u32 v11, $0xF;
	v11 =	vadd.s32 v19, v11;
	v10 =	vadd.s32 $0x6D3E0491, v10  }
0x1a6: {  	v6 =	vadd.s32 v10, v6;
	v17 =	vshrl.u32 v10, $0x13;
	v10 =	vshll.u32 v10, $0xD  }
0x1a7: {  	v12 =	vadd.s32 s7, v1;
	v6 =	vadd.s32 $0x66CD0878, v6;
	v10 =	vor.u32 v17, v10  }
0x1a8: {  	v45 =	vor.u32 v37, v38;
	v4 =	vxor.u32 v12, v4;
	v10 =	vxor.u32 v10, v6  }
0x1a9: {  	v16 =	vxor.u32 v45, v11;
	v18 =	vshrl.u32 v10, $0x11;
	v20 =	vshll.u32 v10, $0xF  }
0x1aa: {  	v21 =	vshll.u32 v4, $0xF;
	v6 =	vadd.s32 v6, v10;
	v10 =	vor.u32 v18, v20  }
0x1ab: {  	v60 =	vshrl.u32 v16, $0x6;
	v61 =	vshll.u32 v16, $0x1A;
	v10 =	vxor.u32 v10, v6  }
0x1ac: {  	v13 =	vadd.s32 s1, v1;
	v23 =	vshrl.u32 v10, $0x6;
	v24 =	vshll.u32 v10, $0x1A  }
0x1ad: {  	v14 =	vadd.s32 s9, v1;
	v6 =	vadd.s32 v6, v10;
	v10 =	vor.u32 v23, v24  }
0x1ae: {  	v7 =	vxor.u32 v13, v7;
	v9 =	vxor.u32 v14, v9;
	v10 =	vxor.u32 v10, v6  }
0x1af: {  	v22 =	vshrl.u32 v7, $0x11;
	v27 =	vshrl.u32 v10, $0x1A;
	v28 =	vshll.u32 v10, $0x6  }
0x1b0: {  	v25 =	vshll.u32 v7, $0xF;
	v6 =	vadd.s32 v6, v10;
	v10 =	vor.u32 v27, v28  }
0x1b1: {  	v63 =	vshrl.u32 v9, $0x11;
	v36 =	vshll.u32 v9, $0xF;
	v10 =	vxor.u32 v10, v6  }
0x1b2: {  	v7 =	vadd.s32 v13, v7;
	v9 =	vadd.s32 v14, v9;
	v10 =	vadd.s32 $0x10221730, v10  }
0x1b3: {  	v6 =	vadd.s32 v10, v6;
	v32 =	vshrl.u32 v10, $0xF;
	v10 =	vshll.u32 v10, $0x11  }
0x1b4: {  	v39 =	vor.u32 v22, v25;
	v6 =	vadd.s32 $0x6D3E048F, v6;
	v10 =	vor.u32 v32, v10  }
0x1b5: {  	v40 =	vor.u32 v63, v36;
	v17 =	vshrl.u32 v4, $0x11;
	v10 =	vxor.u32 v10, v6  }
0x1b6: {  	v4 =	vadd.s32 v12, v4;
	v41 =	vshrl.u32 v10, $0x3;
	v42 =	vshll.u32 v10, $0x1D  }
0x1b7: {  	v17 =	vor.u32 v17, v21;
	v6 =	vadd.s32 v6, v10;
	v10 =	vor.u32 v41, v42  }
0x1b8: {  	v18 =	vshrl.u32 v5, $0x11;
	v5 =	vadd.s32 v15, v5;
	v10 =	vxor.u32 v10, v6  }
0x1b9: {  	v15 =	vxor.u32 v40, v9;
	v12 =	vshrl.u32 v10, $0x10;
	v46 =	vshll.u32 v10, $0x10  }
0x1ba: {  	v18 =	vor.u32 v18, v62;
	v6 =	vadd.s32 v6, v10;
	v10 =	vor.u32 v12, v46  }
0x1bb: {  	v53 =	vshrl.u32 v15, $0x6;
	v54 =	vshll.u32 v15, $0x1A;
	v10 =	vxor.u32 v10, v6  }
0x1bc: {  	v9 =	vadd.s32 v9, v15;
	v12 =	vshrl.u32 v10, $0x8;
	v13 =	vshll.u32 v10, $0x18  }
0x1bd: {  	v34 =	vor.u32 v53, v54;
	v6 =	vadd.s32 v6, v10;
	v10 =	vor.u32 v12, v13  }
0x1be: {  	v12 =	vxor.u32 v17, v4;
	v13 =	vxor.u32 v39, v7;
	v17 =	vxor.u32 v44, v3  }
0x1bf: {  	v2 =	vxor.u32 v10, v6;
	v10 =	vxor.u32 v18, v5;
	v47 =	vshrl.u32 v12, $0x6  }
0x1c0: {  	v51 =	vshrl.u32 v13, $0x6;
	v52 =	vshll.u32 v13, $0x1A;
	v62 =	vshrl.u32 v17, $0x6  }
0x1c1: {  	v63 =	vshll.u32 v17, $0x1A;
	v4 =	vadd.s32 v4, v12;
	v7 =	vadd.s32 v7, v13  }
0x1c2: {  	v3 =	vadd.s32 v3, v17;
	v2 =	vadd.s32 $0x66CD087C, v2;
	v48 =	vshll.u32 v10, $0x1A  }
0x1c3: {  	v6 =	vadd.s32 v2, v6;
	v14 =	vshrl.u32 v2, $0x13;
	v2 =	vshll.u32 v2, $0xD  }
0x1c4: {  	v36 =	vor.u32 v62, v63;
	v6 =	vadd.s32 $0x1022172D, v6;
	v2 =	vor.u32 v14, v2  }
0x1c5: {  	v5 =	vadd.s32 v5, v10;
	v14 =	vxor.u32 v43, v8;
	v2 =	vxor.u32 v2, v6  }
0x1c6: {  	v57 =	vshrl.u32 v14, $0x6;
	v59 =	vshll.u32 v14, $0x1A;
	v8 =	vadd.s32 v8, v14  }
0x1c7: {  	v14 =	vxor.u32 v34, v9;
	v18 =	vshrl.u32 v2, $0x11;
	v19 =	vshll.u32 v2, $0xF  }
0x1c8: {  	v2 =	vadd.s32 v6, v2;
	v35 =	vor.u32 v57, v59;
	v40 =	vshrl.u32 v14, $0x1A  }
0x1c9: {  	v41 =	vshll.u32 v14, $0x6;
	v6 =	vor.u32 v18, v19;
	v18 =	vshll.u32 v12, $0x1A  }
0x1ca: {  	v19 =	vshrl.u32 v10, $0x6;
	v12 =	vor.u32 v60, v61;
	v10 =	vadd.s32 v11, v16  }
0x1cb: {  	v15 =	vxor.u32 v35, v8;
	v16 =	vxor.u32 v36, v3;
	v6 =	vxor.u32 v6, v2  }
0x1cc: {  	v12 =	vxor.u32 v12, v10;
	v42 =	vshrl.u32 v15, $0x1A;
	v43 =	vshll.u32 v15, $0x6  }
0x1cd: {  	v45 =	vshrl.u32 v16, $0x1A;
	v46 =	vshll.u32 v16, $0x6;
	v8 =	vadd.s32 v8, v15  }
0x1ce: {  	v3 =	vadd.s32 v3, v16;
	v49 =	vshrl.u32 v6, $0x6;
	v50 =	vshll.u32 v6, $0x1A  }
0x1cf: {  	v2 =	vadd.s32 v2, v6;
	v44 =	vshrl.u32 v12, $0x1A;
	v6 =	vor.u32 v49, v50  }
0x1d0: {  	v10 =	vadd.s32 v10, v12;
	v49 =	vor.u32 v42, v43;
	v6 =	vxor.u32 v6, v2  }
0x1d1: {  	v15 =	vxor.u32 v49, v8;
	v55 =	vshrl.u32 v6, $0x1A;
	v56 =	vshll.u32 v6, $0x6  }
0x1d2: {  	s23 =	smul.u32 $0xC00, s22;
	v2 =	vadd.s32 v2, v6;
	v15 =	vadd.s32 $0x66CD0879, v15;
	v6 =	vor.u32 v55, v56  }
0x1d3: {  	s17 =	sand.u32 $0xC00, s21;
	v8 =	vadd.s32 v15, v8;
	v53 =	vshrl.u32 v15, $0xF;
	v15 =	vshll.u32 v15, $0x11  }
0x1d4: {  	s26 =	sshll.u32 s25, $0x7;
	s0 =	sadd.s32 s23, s17;
	v6 =	vxor.u32 v6, v2;
	v8 =	vadd.s32 $0x1022172D, v8;
	v15 =	vor.u32 v53, v15  }
0x1d5: {  	s25 =	sor.u32 s26, s0;
	v2 =	vadd.s32 $0x66CD0878, v2;
	v6 =	vadd.s32 $0x6D3E0494, v6;
	v15 =	vxor.u32 v15, v8  }
0x1d6: {  	v58 =	vld [tilespmem:s25+$0x6070];
	v2 =	vxor.u32 v2, v6;
	v6 =	vor.u32 v47, v18;
	v18 =	vor.u32 v19, v48  }
0x1d7: {  	v19 =	vor.u32 v51, v52;
	v47 =	vshll.u32 v12, $0x6;
	v48 =	vor.u32 v40, v41  }
0x1d8: {  	v51 =	vor.u32 v45, v46;
	v61 =	vshrl.u32 v15, $0x3;
	v62 =	vshll.u32 v15, $0x1D  }
0x1d9: {  	v8 =	vadd.s32 v8, v15;
	vm0 =	vgt.u32 v2, $0xFF118FFF;
	v6 =	vxor.u32 v6, v4  }
0x1da: {  	v11 =	vxor.u32 v18, v5;
	v13 =	vxor.u32 v19, v7;
	v50 =	vor.u32 v44, v47  }
0x1db: {  	v33 =	vsel vm0, $0x3EC72C98, v58;
	vm0 =	vlt.u32 v2, $0xDAA600;
	v17 =	vshrl.u32 v6, $0x1A  }
0x1dc: {  	v18 =	vshll.u32 v6, $0x6;
	v19 =	vshrl.u32 v11, $0x1A;
	v37 =	vshll.u32 v11, $0x6  }
0x1dd: {  	v38 =	vshrl.u32 v13, $0x1A;
	v39 =	vshll.u32 v13, $0x6;
	v4 =	vadd.s32 v4, v6  }
0x1de: {  	v5 =	vadd.s32 v5, v11;
	v6 =	vadd.s32 v7, v13;
	v7 =	vadd.s32 v9, v14  }
0x1df: {  	v14 =	vxor.u32 v51, v3;
	v16 =	vxor.u32 v50, v10;
	v2 =	vsel vm0, $0xBE833490, v33  }
0x1e0: {  	v17 =	vor.u32 v17, v18;
	v18 =	vor.u32 v19, v37;
	v19 =	vor.u32 v38, v39  }
0x1e1: {  	v13 =	vxor.u32 v48, v7;
	v16 =	vadd.s32 $0x66CD0879, v16;
	v14 =	vadd.s32 $0x66CD0879, v14  }
0x1e2: {  	v37 =	vor.u32 v61, v62;
	v9 =	vxor.u32 v17, v4;
	v11 =	vxor.u32 v18, v5  }
0x1e3: {  	v12 =	vxor.u32 v19, v6;
	v13 =	vadd.s32 $0x66CD0879, v13;
	v10 =	vadd.s32 v16, v10  }
0x1e4: {  	v54 =	vshrl.u32 v16, $0xF;
	v3 =	vadd.s32 v14, v3;
	v55 =	vshrl.u32 v14, $0xF  }
0x1e5: {  	v16 =	vshll.u32 v16, $0x11;
	v14 =	vshll.u32 v14, $0x11;
	v15 =	vxor.u32 v37, v8  }
0x1e6: {  	v9 =	vadd.s32 $0x66CD0879, v9;
	v11 =	vadd.s32 $0x66CD0879, v11;
	v12 =	vadd.s32 $0x66CD0879, v12  }
0x1e7: {  	v7 =	vadd.s32 v13, v7;
	v52 =	vshrl.u32 v13, $0xF;
	v13 =	vshll.u32 v13, $0x11  }
0x1e8: {  	v10 =	vadd.s32 $0x1022172D, v10;
	v3 =	vadd.s32 $0x1022172D, v3;
	v14 =	vor.u32 v55, v14  }
0x1e9: {  	v16 =	vor.u32 v54, v16;
	v45 =	vshrl.u32 v15, $0x10;
	v46 =	vshll.u32 v15, $0x10  }
0x1ea: {  	v8 =	vadd.s32 v8, v15;
	v4 =	vadd.s32 v9, v4;
	v17 =	vshrl.u32 v9, $0xF  }
0x1eb: {  	v9 =	vshll.u32 v9, $0x11;
	v5 =	vadd.s32 v11, v5;
	v18 =	vshrl.u32 v11, $0xF  }
0x1ec: {  	v11 =	vshll.u32 v11, $0x11;
	v6 =	vadd.s32 v12, v6;
	v19 =	vshrl.u32 v12, $0xF  }
0x1ed: {  	v12 =	vshll.u32 v12, $0x11;
	v7 =	vadd.s32 $0x1022172D, v7;
	v13 =	vor.u32 v52, v13  }
0x1ee: {  	v16 =	vxor.u32 v16, v10;
	v14 =	vxor.u32 v14, v3;
	v53 =	vor.u32 v45, v46  }
0x1ef: {  	v4 =	vadd.s32 $0x1022172D, v4;
	v9 =	vor.u32 v17, v9;
	v5 =	vadd.s32 $0x1022172D, v5  }
0x1f0: {  	v11 =	vor.u32 v18, v11;
	v6 =	vadd.s32 $0x1022172D, v6;
	v12 =	vor.u32 v19, v12  }
0x1f1: {  	v13 =	vxor.u32 v13, v7;
	v63 =	vshrl.u32 v16, $0x3;
	v33 =	vshrl.u32 v14, $0x3  }
0x1f2: {  	v34 =	vshll.u32 v14, $0x1D;
	v35 =	vshll.u32 v16, $0x1D;
	v3 =	vadd.s32 v3, v14  }
0x1f3: {  	v10 =	vadd.s32 v10, v16;
	v9 =	vxor.u32 v9, v4;
	v11 =	vxor.u32 v11, v5  }
0x1f4: {  	v12 =	vxor.u32 v12, v6;
	v59 =	vshrl.u32 v13, $0x3;
	v60 =	vshll.u32 v13, $0x1D  }
0x1f5: {  	v38 =	vor.u32 v63, v35;
	v39 =	vor.u32 v33, v34;
	v7 =	vadd.s32 v7, v13  }
0x1f6: {  	v17 =	vshrl.u32 v9, $0x3;
	v18 =	vshll.u32 v9, $0x1D;
	v19 =	vshrl.u32 v11, $0x3  }
0x1f7: {  	v56 =	vshll.u32 v11, $0x1D;
	v57 =	vshrl.u32 v12, $0x3;
	v58 =	vshll.u32 v12, $0x1D  }
0x1f8: {  	v36 =	vor.u32 v59, v60;
	v4 =	vadd.s32 v4, v9;
	v5 =	vadd.s32 v5, v11  }
0x1f9: {  	v6 =	vadd.s32 v6, v12;
	v14 =	vxor.u32 v39, v3;
	v16 =	vxor.u32 v38, v10  }
0x1fa: {  	v17 =	vor.u32 v17, v18;
	v18 =	vor.u32 v19, v56;
	v19 =	vor.u32 v57, v58  }
0x1fb: {  	v13 =	vxor.u32 v36, v7;
	v47 =	vshrl.u32 v16, $0x10;
	v48 =	vshll.u32 v16, $0x10  }
0x1fc: {  	v49 =	vshrl.u32 v14, $0x10;
	v50 =	vshll.u32 v14, $0x10;
	v3 =	vadd.s32 v3, v14  }
0x1fd: {  	v14 =	vxor.u32 v53, v8;
	v9 =	vxor.u32 v17, v4;
	v11 =	vxor.u32 v18, v5  }
0x1fe: {  	v12 =	vxor.u32 v19, v6;
	v43 =	vshrl.u32 v13, $0x10;
	v44 =	vshll.u32 v13, $0x10  }
0x1ff: {  	v52 =	vor.u32 v49, v50;
	v54 =	vor.u32 v47, v48;
	v7 =	vadd.s32 v7, v13  }
0x200: {  	v60 =	vshrl.u32 v14, $0x8;
	v61 =	vshll.u32 v14, $0x18;
	v8 =	vadd.s32 v8, v14  }
0x201: {  	v17 =	vshrl.u32 v9, $0x10;
	v18 =	vshll.u32 v9, $0x10;
	v19 =	vshrl.u32 v11, $0x10  }
0x202: {  	v40 =	vshll.u32 v11, $0x10;
	v41 =	vshrl.u32 v12, $0x10;
	v42 =	vshll.u32 v12, $0x10  }
0x203: {  	v51 =	vor.u32 v43, v44;
	v4 =	vadd.s32 v4, v9;
	v5 =	vadd.s32 v5, v11  }
0x204: {  	v6 =	vadd.s32 v6, v12;
	v9 =	vadd.s32 v10, v16;
	v15 =	vxor.u32 v52, v3  }
0x205: {  	v36 =	vor.u32 v60, v61;
	v17 =	vor.u32 v17, v18;
	v18 =	vor.u32 v19, v40  }
0x206: {  	v19 =	vor.u32 v41, v42;
	v13 =	vxor.u32 v51, v7;
	v62 =	vshrl.u32 v15, $0x8  }
0x207: {  	v34 =	vshll.u32 v15, $0x18;
	v3 =	vadd.s32 v3, v15;
	v15 =	vxor.u32 v36, v8  }
0x208: {  	v10 =	vxor.u32 v17, v4;
	v11 =	vxor.u32 v18, v5;
	v12 =	vxor.u32 v19, v6  }
0x209: {  	v17 =	vxor.u32 v54, v9;
	v58 =	vshrl.u32 v13, $0x8;
	v59 =	vshll.u32 v13, $0x18  }
0x20a: {  	v37 =	vor.u32 v62, v34;
	v7 =	vadd.s32 v7, v13;
	v15 =	vadd.s32 $0x6D3E0491, v15  }
0x20b: {  	v16 =	vshrl.u32 v10, $0x8;
	v18 =	vshll.u32 v10, $0x18;
	v19 =	vshrl.u32 v11, $0x8  }
0x20c: {  	v55 =	vshll.u32 v11, $0x18;
	v56 =	vshrl.u32 v12, $0x8;
	v57 =	vshll.u32 v12, $0x18  }
0x20d: {  	v63 =	vshrl.u32 v17, $0x8;
	v33 =	vshll.u32 v17, $0x18;
	v35 =	vor.u32 v58, v59  }
0x20e: {  	v4 =	vadd.s32 v4, v10;
	v5 =	vadd.s32 v5, v11;
	v6 =	vadd.s32 v6, v12  }
0x20f: {  	v9 =	vadd.s32 v9, v17;
	v8 =	vadd.s32 v15, v8;
	v39 =	vshrl.u32 v15, $0x13  }
0x210: {  	v15 =	vshll.u32 v15, $0xD;
	v16 =	vor.u32 v16, v18;
	v18 =	vor.u32 v19, v55  }
0x211: {  	v19 =	vor.u32 v56, v57;
	v10 =	vor.u32 v63, v33;
	v14 =	vxor.u32 v35, v7  }
0x212: {  	v8 =	vadd.s32 $0x66CD0878, v8;
	v15 =	vor.u32 v39, v15;
	v11 =	vxor.u32 v16, v4  }
0x213: {  	v12 =	vxor.u32 v18, v5;
	v13 =	vxor.u32 v19, v6;
	v10 =	vxor.u32 v10, v9  }
0x214: {  	v16 =	vxor.u32 v37, v3;
	v14 =	vadd.s32 $0x6D3E0491, v14;
	v15 =	vxor.u32 v15, v8  }
0x215: {  	v11 =	vadd.s32 $0x6D3E0491, v11;
	v12 =	vadd.s32 $0x6D3E0491, v12;
	v13 =	vadd.s32 $0x6D3E0491, v13  }
0x216: {  	v16 =	vadd.s32 $0x6D3E0491, v16;
	v10 =	vadd.s32 $0x6D3E0491, v10;
	v7 =	vadd.s32 v14, v7  }
0x217: {  	v38 =	vshrl.u32 v14, $0x13;
	v14 =	vshll.u32 v14, $0xD;
	v47 =	vshrl.u32 v15, $0x11  }
0x218: {  	v48 =	vshll.u32 v15, $0xF;
	v8 =	vadd.s32 v8, v15;
	v4 =	vadd.s32 v11, v4  }
0x219: {  	v17 =	vshrl.u32 v11, $0x13;
	v11 =	vshll.u32 v11, $0xD;
	v5 =	vadd.s32 v12, v5  }
0x21a: {  	v18 =	vshrl.u32 v12, $0x13;
	v12 =	vshll.u32 v12, $0xD;
	v6 =	vadd.s32 v13, v6  }
0x21b: {  	v19 =	vshrl.u32 v13, $0x13;
	v13 =	vshll.u32 v13, $0xD;
	v9 =	vadd.s32 v10, v9  }
0x21c: {  	v3 =	vadd.s32 v16, v3;
	v40 =	vshrl.u32 v10, $0x13;
	v10 =	vshll.u32 v10, $0xD  }
0x21d: {  	v41 =	vshrl.u32 v16, $0x13;
	v16 =	vshll.u32 v16, $0xD;
	v7 =	vadd.s32 $0x66CD0878, v7  }
0x21e: {  	v14 =	vor.u32 v38, v14;
	v54 =	vor.u32 v47, v48;
	v4 =	vadd.s32 $0x66CD0878, v4  }
0x21f: {  	v11 =	vor.u32 v17, v11;
	v5 =	vadd.s32 $0x66CD0878, v5;
	v12 =	vor.u32 v18, v12  }
0x220: {  	v6 =	vadd.s32 $0x66CD0878, v6;
	v13 =	vor.u32 v19, v13;
	v3 =	vadd.s32 $0x66CD0878, v3  }
0x221: {  	v9 =	vadd.s32 $0x66CD0878, v9;
	v10 =	vor.u32 v40, v10;
	v16 =	vor.u32 v41, v16  }
0x222: {  	v14 =	vxor.u32 v14, v7;
	v15 =	vxor.u32 v54, v8;
	v11 =	vxor.u32 v11, v4  }
0x223: {  	v12 =	vxor.u32 v12, v5;
	v13 =	vxor.u32 v13, v6;
	v16 =	vxor.u32 v16, v3  }
0x224: {  	v10 =	vxor.u32 v10, v9;
	v45 =	vshrl.u32 v14, $0x11;
	v46 =	vshll.u32 v14, $0xF  }
0x225: {  	v7 =	vadd.s32 v7, v14;
	v61 =	vshrl.u32 v15, $0x6;
	v62 =	vshll.u32 v15, $0x1A  }
0x226: {  	v8 =	vadd.s32 v8, v15;
	v17 =	vshrl.u32 v11, $0x11;
	v18 =	vshll.u32 v11, $0xF  }
0x227: {  	v19 =	vshrl.u32 v12, $0x11;
	v42 =	vshll.u32 v12, $0xF;
	v43 =	vshrl.u32 v13, $0x11  }
0x228: {  	v44 =	vshll.u32 v13, $0xF;
	v49 =	vshrl.u32 v16, $0x11;
	v50 =	vshrl.u32 v10, $0x11  }
0x229: {  	v51 =	vshll.u32 v10, $0xF;
	v52 =	vshll.u32 v16, $0xF;
	v53 =	vor.u32 v45, v46  }
0x22a: {  	v4 =	vadd.s32 v4, v11;
	v5 =	vadd.s32 v5, v12;
	v6 =	vadd.s32 v6, v13  }
0x22b: {  	v3 =	vadd.s32 v3, v16;
	v9 =	vadd.s32 v9, v10;
	v37 =	vor.u32 v61, v62  }
0x22c: {  	v17 =	vor.u32 v17, v18;
	v18 =	vor.u32 v19, v42;
	v19 =	vor.u32 v43, v44  }
0x22d: {  	v55 =	vor.u32 v49, v52;
	v11 =	vor.u32 v50, v51;
	v14 =	vxor.u32 v53, v7  }
0x22e: {  	v15 =	vxor.u32 v37, v8;
	v10 =	vxor.u32 v17, v4;
	v12 =	vxor.u32 v18, v5  }
0x22f: {  	v13 =	vxor.u32 v19, v6;
	v11 =	vxor.u32 v11, v9;
	v16 =	vxor.u32 v55, v3  }
0x230: {  	v59 =	vshrl.u32 v14, $0x6;
	v60 =	vshll.u32 v14, $0x1A;
	v7 =	vadd.s32 v7, v14  }
0x231: {  	v45 =	vshrl.u32 v15, $0x1A;
	v46 =	vshll.u32 v15, $0x6;
	v8 =	vadd.s32 v8, v15  }
0x232: {  	v17 =	vshrl.u32 v10, $0x6;
	v18 =	vshll.u32 v10, $0x1A;
	v19 =	vshrl.u32 v12, $0x6  }
0x233: {  	v56 =	vshll.u32 v12, $0x1A;
	v57 =	vshrl.u32 v13, $0x6;
	v58 =	vshll.u32 v13, $0x1A  }
0x234: {  	v63 =	vshrl.u32 v11, $0x6;
	v33 =	vshrl.u32 v16, $0x6;
	v34 =	vshll.u32 v16, $0x1A  }
0x235: {  	v35 =	vshll.u32 v11, $0x1A;
	v36 =	vor.u32 v59, v60;
	v4 =	vadd.s32 v4, v10  }
0x236: {  	v5 =	vadd.s32 v5, v12;
	v6 =	vadd.s32 v6, v13;
	v3 =	vadd.s32 v3, v16  }
0x237: {  	v9 =	vadd.s32 v9, v11;
	v53 =	vor.u32 v45, v46;
	v17 =	vor.u32 v17, v18  }
0x238: {  	v18 =	vor.u32 v19, v56;
	v19 =	vor.u32 v57, v58;
	v38 =	vor.u32 v63, v35  }
0x239: {  	v39 =	vor.u32 v33, v34;
	v13 =	vxor.u32 v36, v7;
	v10 =	vxor.u32 v17, v4  }
0x23a: {  	v11 =	vxor.u32 v18, v5;
	v12 =	vxor.u32 v19, v6;
	v14 =	vxor.u32 v39, v3  }
0x23b: {  	v16 =	vxor.u32 v38, v9;
	v43 =	vshrl.u32 v13, $0x1A;
	v44 =	vshll.u32 v13, $0x6  }
0x23c: {  	v7 =	vadd.s32 v7, v13;
	v17 =	vshrl.u32 v10, $0x1A;
	v18 =	vshll.u32 v10, $0x6  }
0x23d: {  	v19 =	vshrl.u32 v11, $0x1A;
	v40 =	vshll.u32 v11, $0x6;
	v41 =	vshrl.u32 v12, $0x1A  }
0x23e: {  	v42 =	vshll.u32 v12, $0x6;
	v47 =	vshrl.u32 v16, $0x1A;
	v48 =	vshll.u32 v16, $0x6  }
0x23f: {  	v49 =	vshrl.u32 v14, $0x1A;
	v50 =	vshll.u32 v14, $0x6;
	v51 =	vor.u32 v43, v44  }
0x240: {  	v4 =	vadd.s32 v4, v10;
	v5 =	vadd.s32 v5, v11;
	v6 =	vadd.s32 v6, v12  }
0x241: {  	v9 =	vadd.s32 v9, v16;
	v3 =	vadd.s32 v3, v14;
	v14 =	vxor.u32 v53, v8  }
0x242: {  	v17 =	vor.u32 v17, v18;
	v18 =	vor.u32 v19, v40;
	v19 =	vor.u32 v41, v42  }
0x243: {  	v52 =	vor.u32 v49, v50;
	v54 =	vor.u32 v47, v48;
	v13 =	vxor.u32 v51, v7  }
0x244: {  	v14 =	vadd.s32 $0x10221730, v14;
	v10 =	vxor.u32 v17, v4;
	v11 =	vxor.u32 v18, v5  }
0x245: {  	v12 =	vxor.u32 v19, v6;
	v15 =	vxor.u32 v52, v3;
	v16 =	vxor.u32 v54, v9  }
0x246: {  	v13 =	vadd.s32 $0x10221730, v13;
	v8 =	vadd.s32 v14, v8;
	v56 =	vshrl.u32 v14, $0xF  }
0x247: {  	v14 =	vshll.u32 v14, $0x11;
	v10 =	vadd.s32 $0x10221730, v10;
	v11 =	vadd.s32 $0x10221730, v11  }
0x248: {  	v12 =	vadd.s32 $0x10221730, v12;
	v15 =	vadd.s32 $0x10221730, v15;
	v16 =	vadd.s32 $0x10221730, v16  }
0x249: {  	v7 =	vadd.s32 v13, v7;
	v55 =	vshrl.u32 v13, $0xF;
	v13 =	vshll.u32 v13, $0x11  }
0x24a: {  	v8 =	vadd.s32 $0x6D3E048F, v8;
	v14 =	vor.u32 v56, v14;
	v4 =	vadd.s32 v10, v4  }
0x24b: {  	v17 =	vshrl.u32 v10, $0xF;
	v10 =	vshll.u32 v10, $0x11;
	v5 =	vadd.s32 v11, v5  }
0x24c: {  	v18 =	vshrl.u32 v11, $0xF;
	v11 =	vshll.u32 v11, $0x11;
	v6 =	vadd.s32 v12, v6  }
0x24d: {  	v19 =	vshrl.u32 v12, $0xF;
	v12 =	vshll.u32 v12, $0x11;
	v9 =	vadd.s32 v16, v9  }
0x24e: {  	v57 =	vshrl.u32 v16, $0xF;
	v16 =	vshll.u32 v16, $0x11;
	v3 =	vadd.s32 v15, v3  }
0x24f: {  	v58 =	vshrl.u32 v15, $0xF;
	v15 =	vshll.u32 v15, $0x11;
	v7 =	vadd.s32 $0x6D3E048F, v7  }
0x250: {  	v13 =	vor.u32 v55, v13;
	v14 =	vxor.u32 v14, v8;
	v4 =	vadd.s32 $0x6D3E048F, v4  }
0x251: {  	v10 =	vor.u32 v17, v10;
	v5 =	vadd.s32 $0x6D3E048F, v5;
	v11 =	vor.u32 v18, v11  }
0x252: {  	v6 =	vadd.s32 $0x6D3E048F, v6;
	v12 =	vor.u32 v19, v12;
	v9 =	vadd.s32 $0x6D3E048F, v9  }
0x253: {  	v16 =	vor.u32 v57, v16;
	v3 =	vadd.s32 $0x6D3E048F, v3;
	v15 =	vor.u32 v58, v15  }
0x254: {  	v13 =	vxor.u32 v13, v7;
	v33 =	vshrl.u32 v14, $0x3;
	v34 =	vshll.u32 v14, $0x1D  }
0x255: {  	v8 =	vadd.s32 v8, v14;
	v10 =	vxor.u32 v10, v4;
	v11 =	vxor.u32 v11, v5  }
0x256: {  	v12 =	vxor.u32 v12, v6;
	v15 =	vxor.u32 v15, v3;
	v16 =	vxor.u32 v16, v9  }
0x257: {  	v62 =	vshrl.u32 v13, $0x3;
	v63 =	vshll.u32 v13, $0x1D;
	v41 =	vor.u32 v33, v34  }
0x258: {  	v7 =	vadd.s32 v7, v13;
	v17 =	vshrl.u32 v10, $0x3;
	v18 =	vshll.u32 v10, $0x1D  }
0x259: {  	v19 =	vshrl.u32 v11, $0x3;
	v59 =	vshll.u32 v11, $0x1D;
	v60 =	vshrl.u32 v12, $0x3  }
0x25a: {  	v61 =	vshll.u32 v12, $0x1D;
	v35 =	vshrl.u32 v16, $0x3;
	v36 =	vshll.u32 v16, $0x1D  }
0x25b: {  	v37 =	vshrl.u32 v15, $0x3;
	v38 =	vshll.u32 v15, $0x1D;
	v39 =	vor.u32 v62, v63  }
0x25c: {  	v4 =	vadd.s32 v4, v10;
	v5 =	vadd.s32 v5, v11;
	v6 =	vadd.s32 v6, v12  }
0x25d: {  	v9 =	vadd.s32 v9, v16;
	v3 =	vadd.s32 v3, v15;
	v14 =	vxor.u32 v41, v8  }
0x25e: {  	v17 =	vor.u32 v17, v18;
	v18 =	vor.u32 v19, v59;
	v19 =	vor.u32 v60, v61  }
0x25f: {  	v40 =	vor.u32 v37, v38;
	v42 =	vor.u32 v35, v36;
	v13 =	vxor.u32 v39, v7  }
0x260: {  	v48 =	vshrl.u32 v14, $0x10;
	v49 =	vshll.u32 v14, $0x10;
	v8 =	vadd.s32 v8, v14  }
0x261: {  	v10 =	vxor.u32 v17, v4;
	v11 =	vxor.u32 v18, v5;
	v12 =	vxor.u32 v19, v6  }
0x262: {  	v15 =	vxor.u32 v40, v3;
	v17 =	vxor.u32 v42, v9;
	v46 =	vshrl.u32 v13, $0x10  }
0x263: {  	v47 =	vshll.u32 v13, $0x10;
	v55 =	vor.u32 v48, v49;
	v7 =	vadd.s32 v7, v13  }
0x264: {  	v16 =	vshrl.u32 v10, $0x10;
	v18 =	vshll.u32 v10, $0x10;
	v19 =	vshrl.u32 v11, $0x10  }
0x265: {  	v43 =	vshll.u32 v11, $0x10;
	v44 =	vshrl.u32 v12, $0x10;
	v45 =	vshll.u32 v12, $0x10  }
0x266: {  	v50 =	vshrl.u32 v15, $0x10;
	v51 =	vshrl.u32 v17, $0x10;
	v52 =	vshll.u32 v17, $0x10  }
0x267: {  	v53 =	vshll.u32 v15, $0x10;
	v54 =	vor.u32 v46, v47;
	v4 =	vadd.s32 v4, v10  }
0x268: {  	v5 =	vadd.s32 v5, v11;
	v6 =	vadd.s32 v6, v12;
	v3 =	vadd.s32 v3, v15  }
0x269: {  	v9 =	vadd.s32 v9, v17;
	v15 =	vxor.u32 v55, v8;
	v16 =	vor.u32 v16, v18  }
0x26a: {  	v18 =	vor.u32 v19, v43;
	v19 =	vor.u32 v44, v45;
	v56 =	vor.u32 v50, v53  }
0x26b: {  	v10 =	vor.u32 v51, v52;
	v14 =	vxor.u32 v54, v7;
	v62 =	vshrl.u32 v15, $0x8  }
0x26c: {  	v63 =	vshll.u32 v15, $0x18;
	v8 =	vadd.s32 v8, v15;
	v11 =	vxor.u32 v16, v4  }
0x26d: {  	v12 =	vxor.u32 v18, v5;
	v13 =	vxor.u32 v19, v6;
	v10 =	vxor.u32 v10, v9  }
0x26e: {  	v16 =	vxor.u32 v56, v3;
	v60 =	vshrl.u32 v14, $0x8;
	v61 =	vshll.u32 v14, $0x18  }
0x26f: {  	v38 =	vor.u32 v62, v63;
	v7 =	vadd.s32 v7, v14;
	v17 =	vshrl.u32 v11, $0x8  }
0x270: {  	v18 =	vshll.u32 v11, $0x18;
	v19 =	vshrl.u32 v12, $0x8;
	v57 =	vshll.u32 v12, $0x18  }
0x271: {  	v58 =	vshrl.u32 v13, $0x8;
	v59 =	vshll.u32 v13, $0x18;
	v33 =	vshrl.u32 v10, $0x8  }
0x272: {  	v34 =	vshrl.u32 v16, $0x8;
	v35 =	vshll.u32 v16, $0x18;
	v36 =	vshll.u32 v10, $0x18  }
0x273: {  	v37 =	vor.u32 v60, v61;
	v4 =	vadd.s32 v4, v11;
	v5 =	vadd.s32 v5, v12  }
0x274: {  	v6 =	vadd.s32 v6, v13;
	v3 =	vadd.s32 v3, v16;
	v9 =	vadd.s32 v9, v10  }
0x275: {  	v15 =	vxor.u32 v38, v8;
	v17 =	vor.u32 v17, v18;
	v18 =	vor.u32 v19, v57  }
0x276: {  	v19 =	vor.u32 v58, v59;
	v39 =	vor.u32 v33, v36;
	v40 =	vor.u32 v34, v35  }
0x277: {  	v13 =	vxor.u32 v37, v7;
	v15 =	vadd.s32 $0x66CD087C, v15;
	v11 =	vxor.u32 v17, v4  }
0x278: {  	v10 =	vxor.u32 v18, v5;
	v12 =	vxor.u32 v19, v6;
	v14 =	vxor.u32 v40, v3  }
0x279: {  	v16 =	vxor.u32 v39, v9;
	v13 =	vadd.s32 $0x66CD087C, v13;
	v8 =	vadd.s32 v15, v8  }
0x27a: {  	v42 =	vshrl.u32 v15, $0x13;
	v15 =	vshll.u32 v15, $0xD;
	v11 =	vadd.s32 $0x66CD087C, v11  }
0x27b: {  	v10 =	vadd.s32 $0x66CD087C, v10;
	v12 =	vadd.s32 $0x66CD087C, v12;
	v16 =	vadd.s32 $0x66CD087C, v16  }
0x27c: {  	v14 =	vadd.s32 $0x66CD087C, v14;
	v7 =	vadd.s32 v13, v7;
	v41 =	vshrl.u32 v13, $0x13  }
0x27d: {  	v13 =	vshll.u32 v13, $0xD;
	v8 =	vadd.s32 $0x1022172D, v8;
	v15 =	vor.u32 v42, v15  }
0x27e: {  	v4 =	vadd.s32 v11, v4;
	v17 =	vshrl.u32 v11, $0x13;
	v11 =	vshll.u32 v11, $0xD  }
0x27f: {  	v5 =	vadd.s32 v10, v5;
	v18 =	vshrl.u32 v10, $0x13;
	v10 =	vshll.u32 v10, $0xD  }
0x280: {  	v6 =	vadd.s32 v12, v6;
	v19 =	vshrl.u32 v12, $0x13;
	v12 =	vshll.u32 v12, $0xD  }
0x281: {  	v9 =	vadd.s32 v16, v9;
	v43 =	vshrl.u32 v16, $0x13;
	v3 =	vadd.s32 v14, v3  }
0x282: {  	v44 =	vshrl.u32 v14, $0x13;
	v16 =	vshll.u32 v16, $0xD;
	v14 =	vshll.u32 v14, $0xD  }
0x283: {  	v7 =	vadd.s32 $0x1022172D, v7;
	v13 =	vor.u32 v41, v13;
	v15 =	vxor.u32 v15, v8  }
0x284: {  	v4 =	vadd.s32 $0x1022172D, v4;
	v11 =	vor.u32 v17, v11;
	v5 =	vadd.s32 $0x1022172D, v5  }
0x285: {  	v10 =	vor.u32 v18, v10;
	v6 =	vadd.s32 $0x1022172D, v6;
	v12 =	vor.u32 v19, v12  }
0x286: {  	v9 =	vadd.s32 $0x1022172D, v9;
	v3 =	vadd.s32 $0x1022172D, v3;
	v14 =	vor.u32 v44, v14  }
0x287: {  	v16 =	vor.u32 v43, v16;
	v13 =	vxor.u32 v13, v7;
	v50 =	vshrl.u32 v15, $0x11  }
0x288: {  	v51 =	vshll.u32 v15, $0xF;
	v8 =	vadd.s32 v8, v15;
	v11 =	vxor.u32 v11, v4  }
0x289: {  	v10 =	vxor.u32 v10, v5;
	v12 =	vxor.u32 v12, v6;
	v16 =	vxor.u32 v16, v9  }
0x28a: {  	v14 =	vxor.u32 v14, v3;
	v48 =	vshrl.u32 v13, $0x11;
	v49 =	vshll.u32 v13, $0xF  }
0x28b: {  	v57 =	vor.u32 v50, v51;
	v7 =	vadd.s32 v7, v13;
	v17 =	vshrl.u32 v11, $0x11  }
0x28c: {  	v18 =	vshll.u32 v11, $0xF;
	v19 =	vshrl.u32 v10, $0x11;
	v45 =	vshll.u32 v10, $0xF  }
0x28d: {  	v46 =	vshrl.u32 v12, $0x11;
	v47 =	vshll.u32 v12, $0xF;
	v52 =	vshrl.u32 v16, $0x11  }
0x28e: {  	v53 =	vshrl.u32 v14, $0x11;
	v54 =	vshll.u32 v14, $0xF;
	v55 =	vshll.u32 v16, $0xF  }
0x28f: {  	v56 =	vor.u32 v48, v49;
	v4 =	vadd.s32 v4, v11;
	v5 =	vadd.s32 v5, v10  }
0x290: {  	v6 =	vadd.s32 v6, v12;
	v3 =	vadd.s32 v3, v14;
	v9 =	vadd.s32 v9, v16  }
0x291: {  	v15 =	vxor.u32 v57, v8;
	v17 =	vor.u32 v17, v18;
	v18 =	vor.u32 v19, v45  }
0x292: {  	v19 =	vor.u32 v46, v47;
	v58 =	vor.u32 v52, v55;
	v59 =	vor.u32 v53, v54  }
0x293: {  	v13 =	vxor.u32 v56, v7;
	v34 =	vshrl.u32 v15, $0x6;
	v35 =	vshll.u32 v15, $0x1A  }
0x294: {  	v8 =	vadd.s32 v8, v15;
	v10 =	vxor.u32 v17, v4;
	v11 =	vxor.u32 v18, v5  }
0x295: {  	v12 =	vxor.u32 v19, v6;
	v14 =	vxor.u32 v59, v3;
	v16 =	vxor.u32 v58, v9  }
0x296: {  	v63 =	vshrl.u32 v13, $0x6;
	v33 =	vshll.u32 v13, $0x1A;
	v42 =	vor.u32 v34, v35  }
0x297: {  	v7 =	vadd.s32 v7, v13;
	v17 =	vshrl.u32 v10, $0x6;
	v18 =	vshll.u32 v10, $0x1A  }
0x298: {  	v19 =	vshrl.u32 v11, $0x6;
	v60 =	vshll.u32 v11, $0x1A;
	v61 =	vshrl.u32 v12, $0x6  }
0x299: {  	v62 =	vshll.u32 v12, $0x1A;
	v36 =	vshrl.u32 v16, $0x6;
	v37 =	vshll.u32 v16, $0x1A  }
0x29a: {  	v38 =	vshrl.u32 v14, $0x6;
	v39 =	vshll.u32 v14, $0x1A;
	v40 =	vor.u32 v63, v33  }
0x29b: {  	v4 =	vadd.s32 v4, v10;
	v5 =	vadd.s32 v5, v11;
	v6 =	vadd.s32 v6, v12  }
0x29c: {  	v9 =	vadd.s32 v9, v16;
	v3 =	vadd.s32 v3, v14;
	v14 =	vxor.u32 v42, v8  }
0x29d: {  	v17 =	vor.u32 v17, v18;
	v18 =	vor.u32 v19, v60;
	v19 =	vor.u32 v61, v62  }
0x29e: {  	v41 =	vor.u32 v38, v39;
	v43 =	vor.u32 v36, v37;
	v13 =	vxor.u32 v40, v7  }
0x29f: {  	v49 =	vshrl.u32 v14, $0x1A;
	v50 =	vshll.u32 v14, $0x6;
	v8 =	vadd.s32 v8, v14  }
0x2a0: {  	v10 =	vxor.u32 v17, v4;
	v11 =	vxor.u32 v18, v5;
	v12 =	vxor.u32 v19, v6  }
0x2a1: {  	v15 =	vxor.u32 v41, v3;
	v17 =	vxor.u32 v43, v9;
	v47 =	vshrl.u32 v13, $0x1A  }
0x2a2: {  	v48 =	vshll.u32 v13, $0x6;
	v56 =	vor.u32 v49, v50;
	v7 =	vadd.s32 v7, v13  }
0x2a3: {  	v16 =	vshrl.u32 v10, $0x1A;
	v18 =	vshll.u32 v10, $0x6;
	v19 =	vshrl.u32 v11, $0x1A  }
0x2a4: {  	v44 =	vshll.u32 v11, $0x6;
	v45 =	vshrl.u32 v12, $0x1A;
	v46 =	vshll.u32 v12, $0x6  }
0x2a5: {  	v51 =	vshrl.u32 v15, $0x1A;
	v52 =	vshrl.u32 v17, $0x1A;
	v53 =	vshll.u32 v17, $0x6  }
0x2a6: {  	v54 =	vshll.u32 v15, $0x6;
	v55 =	vor.u32 v47, v48;
	v4 =	vadd.s32 v4, v10  }
0x2a7: {  	v5 =	vadd.s32 v5, v11;
	v6 =	vadd.s32 v6, v12;
	v3 =	vadd.s32 v3, v15  }
0x2a8: {  	v9 =	vadd.s32 v9, v17;
	v15 =	vxor.u32 v56, v8;
	v8 =	vadd.s32 $0x66CD0878, v8  }
0x2a9: {  	v16 =	vor.u32 v16, v18;
	v18 =	vor.u32 v19, v44;
	v19 =	vor.u32 v45, v46  }
0x2aa: {  	v57 =	vor.u32 v51, v54;
	v10 =	vor.u32 v52, v53;
	v14 =	vxor.u32 v55, v7  }
0x2ab: {  	v15 =	vadd.s32 $0x6D3E0494, v15;
	v7 =	vadd.s32 $0x66CD0878, v7;
	v11 =	vxor.u32 v16, v4  }
0x2ac: {  	v12 =	vxor.u32 v18, v5;
	v13 =	vxor.u32 v19, v6;
	v10 =	vxor.u32 v10, v9  }
0x2ad: {  	v59 =	vld [tilespmem:s25+$0x6030];
	v16 =	vxor.u32 v57, v3;
	v14 =	vadd.s32 $0x6D3E0494, v14;
	v4 =	vadd.s32 $0x66CD0878, v4  }
0x2ae: {  	v60 =	vld [tilespmem:s25+$0x6040];
	v5 =	vadd.s32 $0x66CD0878, v5;
	v6 =	vadd.s32 $0x66CD0878, v6;
	v3 =	vadd.s32 $0x66CD0878, v3  }
0x2af: {  	v61 =	vld [tilespmem:s25+$0x6050];
	v9 =	vadd.s32 $0x66CD0878, v9;
	v11 =	vadd.s32 $0x6D3E0494, v11;
	v12 =	vadd.s32 $0x6D3E0494, v12  }
0x2b0: {  	v17 =	vld [tilespmem:s25+$0x6000];
	v13 =	vadd.s32 $0x6D3E0494, v13;
	v16 =	vadd.s32 $0x6D3E0494, v16;
	v58 =	vadd.s32 $0x6D3E0494, v10  }
0x2b1: {  	v18 =	vld [tilespmem:s25+$0x6010];
	v10 =	vxor.u32 v8, v15;
	v62 =	vxor.u32 v4, v11;
	v63 =	vxor.u32 v5, v12  }
0x2b2: {  	v19 =	vld [tilespmem:s25+$0x6020];
	v6 =	vxor.u32 v6, v13;
	v12 =	vxor.u32 v7, v14;
	v11 =	vxor.u32 v9, v58  }
0x2b3: {  	v13 =	vld [tilespmem:s25+$0x6060];
	v9 =	vxor.u32 v3, v16;
	vm4 =	vgt.u32 v10, $0xFF118FFF;
	vm0 =	vgt.u32 v62, $0xFF118FFF  }
0x2b4: {  	vm1 =	vgt.u32 v63, $0xFF118FFF;
	vm2 =	vgt.u32 v6, $0xFF118FFF;
	vm3 =	vgt.u32 v12, $0xFF118FFF  }
0x2b5: {  	vm5 =	vgt.u32 v9, $0xFF118FFF;
	v15 =	vsel vm4, $0x3EC72C98, v61;
	v5 =	vsel vm2, $0x3EC72C98, v59  }
0x2b6: {  	v4 =	vsel vm3, $0x3EC72C98, v60;
	v3 =	vsel vm5, $0x3EC72C98, v17;
	vm2 =	vlt.u32 v63, $0xDAA600  }
0x2b7: {  	s31 =	simm.s32 $0x1;
	s29 =	simm.s32 $0x2;
	v14 =	vsel vm0, $0x3EC72C98, v18;
	vm0 =	vgt.u32 v11, $0xFF118FFF;
	v16 =	vsel vm1, $0x3EC72C98, v19  }
0x2b8: {  	s28 =	simm.s32 $0x0;
	s30 =	sand.u32 $0x7, s31;
	s26 =	simm.s32 $0x0;
	[tilespmem:s25+$0x12070] =	vst v2;
	vm1 =	vlt.u32 v62, $0xDAA600;
	v13 =	vsel vm0, $0x3EC72C98, v13;
	vm0 =	vlt.u32 v6, $0xDAA600  }
.LBB2_12:
0x2b9: {  	p0 =	sne.s32 s29, $0x17;
	s0 =	sor.u32 s24, s30;
	vm3 =	vlt.u32 v12, $0xDAA600;
	vm4 =	vlt.u32 v10, $0xDAA600;
	vm5 =	vlt.u32 v11, $0xDAA600  }
0x2ba: {  	vm6 =	vlt.u32 v9, $0xDAA600;
	v2 =	vsel vm1, $0xBE833490, v14;
	v6 =	vsel vm2, $0xBE833490, v16;
	s28 =	sadd.s32 $0x10, s28;
	s0 =	smul.u32 $0x180, s0  }
0x2bb: {  	v5 =	vsel vm0, $0xBE833490, v5;
	s1 =	sand.u32 $0x180, s28;
	v4 =	vsel vm3, $0xBE833490, v4;
	v7 =	vsel vm4, $0xBE833490, v15;
	[tilespmem:s25+$0x12010] =	vst v2  }
0x2bc: {  	v3 =	vsel vm6, $0xBE833490, v3;
	s0 =	sadd.s32 s1, s0;
	[tilespmem:s25+$0x12020] =	vst v6;
	v6 =	vsel vm5, $0xBE833490, v13  }
0x2bd: {  	v8 =	vadd.s32 s0, v0;
	v2 =	vadd.s32 s0, v1;
	s16 =	sor.u32 $0x10, s0;
	s31 =	sor.u32 $0x20, s0;
	s17 =	sor.u32 $0x70, s0;
	[tilespmem:s25+$0x12030] =	vst v5  }
0x2be: {  	s7 =	sor.u32 $0x30, s0;
	s9 =	sor.u32 $0x40, s0;
	s1 =	sor.u32 $0x50, s0;
	v5 =	vadd.s32 s16, v0;
	v9 =	vadd.s32 s31, v0;
	v10 =	vadd.s32 s17, v0;
	[tilespmem:s25+$0x12040] =	vst v4  }
0x2bf: {  	s0 =	sor.u32 $0x60, s0;
	v4 =	vadd.s32 s7, v0;
	v11 =	vshrl.u32 v10, $0x13;
	v10 =	vshll.u32 v10, $0xD;
	[tilespmem:s25+$0x12050] =	vst v7  }
0x2c0: {  	v12 =	vadd.s32 s17, v1;
	v7 =	vadd.s32 s9, v0;
	v10 =	vor.u32 v11, v10;
	[tilespmem:s25+$0x12060] =	vst v6  }
0x2c1: {  	v6 =	vadd.s32 s1, v0;
	v11 =	vadd.s32 s0, v0;
	v10 =	vxor.u32 v12, v10;
	[tilespmem:s25+$0x12000] =	vst v3  }
0x2c2: {  	v3 =	vshrl.u32 v5, $0x13;
	v13 =	vshrl.u32 v10, $0x11;
	v14 =	vshll.u32 v10, $0xF  }
0x2c3: {  	v5 =	vshll.u32 v5, $0xD;
	v10 =	vadd.s32 v12, v10;
	v12 =	vor.u32 v13, v14  }
0x2c4: {  	v13 =	vshrl.u32 v9, $0x13;
	v9 =	vshll.u32 v9, $0xD;
	v12 =	vxor.u32 v12, v10  }
0x2c5: {  	v14 =	vshrl.u32 v4, $0x13;
	v15 =	vshrl.u32 v12, $0x6;
	v16 =	vshll.u32 v12, $0x1A  }
0x2c6: {  	v4 =	vshll.u32 v4, $0xD;
	v10 =	vadd.s32 v10, v12;
	v12 =	vor.u32 v15, v16  }
0x2c7: {  	v15 =	vshrl.u32 v7, $0x13;
	v7 =	vshll.u32 v7, $0xD;
	v12 =	vxor.u32 v12, v10  }
0x2c8: {  	v16 =	vshrl.u32 v6, $0x13;
	v17 =	vshrl.u32 v12, $0x1A;
	v18 =	vshll.u32 v12, $0x6  }
0x2c9: {  	v6 =	vshll.u32 v6, $0xD;
	v10 =	vadd.s32 v10, v12;
	v12 =	vor.u32 v17, v18  }
0x2ca: {  	v17 =	vshrl.u32 v11, $0x13;
	v11 =	vshll.u32 v11, $0xD;
	v12 =	vxor.u32 v12, v10  }
0x2cb: {  	v18 =	vshrl.u32 v8, $0x13;
	v8 =	vshll.u32 v8, $0xD;
	v12 =	vadd.s32 $0x66CD0879, v12  }
0x2cc: {  	v10 =	vadd.s32 v12, v10;
	v19 =	vshrl.u32 v12, $0xF;
	v12 =	vshll.u32 v12, $0x11  }
0x2cd: {  	v3 =	vor.u32 v3, v5;
	v5 =	vadd.s32 $0x1022172D, v10;
	v10 =	vor.u32 v19, v12  }
0x2ce: {  	v9 =	vor.u32 v13, v9;
	v4 =	vor.u32 v14, v4;
	v10 =	vxor.u32 v10, v5  }
0x2cf: {  	v7 =	vor.u32 v15, v7;
	v12 =	vshrl.u32 v10, $0x3;
	v13 =	vshll.u32 v10, $0x1D  }
0x2d0: {  	v6 =	vor.u32 v16, v6;
	v5 =	vadd.s32 v5, v10;
	v10 =	vor.u32 v12, v13  }
0x2d1: {  	v8 =	vor.u32 v18, v8;
	v11 =	vor.u32 v17, v11;
	v10 =	vxor.u32 v10, v5  }
0x2d2: {  	v12 =	vadd.s32 s16, v1;
	v13 =	vshrl.u32 v10, $0x10;
	v14 =	vshll.u32 v10, $0x10  }
0x2d3: {  	v15 =	vadd.s32 s31, v1;
	v5 =	vadd.s32 v5, v10;
	v10 =	vor.u32 v13, v14  }
0x2d4: {  	v13 =	vadd.s32 s7, v1;
	v14 =	vadd.s32 s9, v1;
	v10 =	vxor.u32 v10, v5  }
0x2d5: {  	v16 =	vadd.s32 s1, v1;
	v17 =	vshrl.u32 v10, $0x8;
	v18 =	vshll.u32 v10, $0x18  }
0x2d6: {  	v19 =	vadd.s32 s0, v1;
	v5 =	vadd.s32 v5, v10;
	v10 =	vor.u32 v17, v18  }
0x2d7: {  	v9 =	vxor.u32 v15, v9;
	v3 =	vxor.u32 v12, v3;
	v10 =	vxor.u32 v10, v5  }
0x2d8: {  	v4 =	vxor.u32 v13, v4;
	v7 =	vxor.u32 v14, v7;
	v10 =	vadd.s32 $0x6D3E0491, v10  }
0x2d9: {  	v5 =	vadd.s32 v10, v5;
	v17 =	vshrl.u32 v10, $0x13;
	v10 =	vshll.u32 v10, $0xD  }
0x2da: {  	v6 =	vxor.u32 v16, v6;
	v5 =	vadd.s32 $0x66CD0878, v5;
	v10 =	vor.u32 v17, v10  }
0x2db: {  	v8 =	vxor.u32 v2, v8;
	v11 =	vxor.u32 v19, v11;
	v10 =	vxor.u32 v10, v5  }
0x2dc: {  	v17 =	vshrl.u32 v3, $0x11;
	v18 =	vshrl.u32 v10, $0x11;
	v20 =	vshll.u32 v10, $0xF  }
0x2dd: {  	v21 =	vshll.u32 v3, $0xF;
	v5 =	vadd.s32 v5, v10;
	v10 =	vor.u32 v18, v20  }
0x2de: {  	v18 =	vshrl.u32 v9, $0x11;
	v20 =	vshll.u32 v9, $0xF;
	v10 =	vxor.u32 v10, v5  }
0x2df: {  	v22 =	vshrl.u32 v4, $0x11;
	v23 =	vshrl.u32 v10, $0x6;
	v24 =	vshll.u32 v10, $0x1A  }
0x2e0: {  	v25 =	vshll.u32 v4, $0xF;
	v5 =	vadd.s32 v5, v10;
	v10 =	vor.u32 v23, v24  }
0x2e1: {  	v23 =	vshrl.u32 v7, $0x11;
	v24 =	vshll.u32 v7, $0xF;
	v10 =	vxor.u32 v10, v5  }
0x2e2: {  	v26 =	vshrl.u32 v6, $0x11;
	v27 =	vshrl.u32 v10, $0x1A;
	v28 =	vshll.u32 v10, $0x6  }
0x2e3: {  	v29 =	vshll.u32 v6, $0xF;
	v5 =	vadd.s32 v5, v10;
	v10 =	vor.u32 v27, v28  }
0x2e4: {  	v27 =	vshrl.u32 v11, $0x11;
	v28 =	vshll.u32 v11, $0xF;
	v10 =	vxor.u32 v10, v5  }
0x2e5: {  	v30 =	vshrl.u32 v8, $0x11;
	v31 =	vshll.u32 v8, $0xF;
	v10 =	vadd.s32 $0x10221730, v10  }
0x2e6: {  	v5 =	vadd.s32 v10, v5;
	v32 =	vshrl.u32 v10, $0xF;
	v10 =	vshll.u32 v10, $0x11  }
0x2e7: {  	v17 =	vor.u32 v17, v21;
	v5 =	vadd.s32 $0x6D3E048F, v5;
	v10 =	vor.u32 v32, v10  }
0x2e8: {  	v18 =	vor.u32 v18, v20;
	v20 =	vor.u32 v22, v25;
	v10 =	vxor.u32 v10, v5  }
0x2e9: {  	v21 =	vor.u32 v23, v24;
	v22 =	vshrl.u32 v10, $0x3;
	v23 =	vshll.u32 v10, $0x1D  }
0x2ea: {  	v24 =	vor.u32 v26, v29;
	v5 =	vadd.s32 v5, v10;
	v10 =	vor.u32 v22, v23  }
0x2eb: {  	v22 =	vor.u32 v30, v31;
	v23 =	vor.u32 v27, v28;
	v10 =	vxor.u32 v10, v5  }
0x2ec: {  	v12 =	vadd.s32 v12, v3;
	v3 =	vshrl.u32 v10, $0x10;
	v25 =	vshll.u32 v10, $0x10  }
0x2ed: {  	v9 =	vadd.s32 v15, v9;
	v5 =	vadd.s32 v5, v10;
	v3 =	vor.u32 v3, v25  }
0x2ee: {  	v10 =	vadd.s32 v13, v4;
	v13 =	vadd.s32 v14, v7;
	v3 =	vxor.u32 v3, v5  }
0x2ef: {  	v14 =	vadd.s32 v16, v6;
	v4 =	vshrl.u32 v3, $0x8;
	v6 =	vshll.u32 v3, $0x18  }
0x2f0: {  	v11 =	vadd.s32 v19, v11;
	v3 =	vadd.s32 v5, v3;
	v4 =	vor.u32 v4, v6  }
0x2f1: {  	v15 =	vadd.s32 v2, v8;
	v8 =	vxor.u32 v17, v12;
	v2 =	vxor.u32 v4, v3  }
0x2f2: {  	v16 =	vxor.u32 v18, v9;
	v17 =	vxor.u32 v20, v10;
	v2 =	vadd.s32 $0x66CD087C, v2  }
0x2f3: {  	v3 =	vadd.s32 v2, v3;
	v4 =	vshrl.u32 v2, $0x13;
	v2 =	vshll.u32 v2, $0xD  }
0x2f4: {  	v18 =	vxor.u32 v21, v13;
	v3 =	vadd.s32 $0x1022172D, v3;
	v2 =	vor.u32 v4, v2  }
0x2f5: {  	v19 =	vxor.u32 v24, v14;
	v20 =	vxor.u32 v23, v11;
	v2 =	vxor.u32 v2, v3  }
0x2f6: {  	v21 =	vxor.u32 v22, v15;
	v4 =	vshrl.u32 v2, $0x11;
	v5 =	vshll.u32 v2, $0xF  }
0x2f7: {  	v6 =	vshrl.u32 v8, $0x6;
	v2 =	vadd.s32 v3, v2;
	v3 =	vor.u32 v4, v5  }
0x2f8: {  	v7 =	vshrl.u32 v16, $0x6;
	v5 =	vshll.u32 v8, $0x1A;
	v3 =	vxor.u32 v3, v2  }
0x2f9: {  	s26 =	sadd.s32 $0x80, s26;
	v22 =	vshll.u32 v16, $0x1A;
	v4 =	vshrl.u32 v3, $0x6;
	v23 =	vshll.u32 v3, $0x1A  }
0x2fa: {  	s0 =	sand.u32 $0xC00, s26;
	v24 =	vshrl.u32 v17, $0x6;
	v2 =	vadd.s32 v2, v3;
	v3 =	vor.u32 v4, v23  }
0x2fb: {  	s1 =	sshll.u32 s30, $0x7;
	s0 =	sadd.s32 s23, s0;
	v25 =	vshrl.u32 v18, $0x6;
	v23 =	vshll.u32 v17, $0x1A;
	v3 =	vxor.u32 v3, v2  }
0x2fc: {  	s25 =	sor.u32 s1, s0;
	v26 =	vshll.u32 v18, $0x1A;
	v4 =	vshrl.u32 v3, $0x1A;
	v27 =	vshll.u32 v3, $0x6  }
0x2fd: {  	v28 =	vshrl.u32 v19, $0x6;
	v30 =	vadd.s32 v2, v3;
	v29 =	vld [tilespmem:s25+$0x6070];
	v3 =	vor.u32 v4, v27  }
0x2fe: {  	v31 =	vshrl.u32 v20, $0x6;
	v27 =	vshll.u32 v19, $0x1A;
	v2 =	vld [tilespmem:s25+$0x6000];
	v4 =	vxor.u32 v3, v30  }
0x2ff: {  	v32 =	vshll.u32 v20, $0x1A;
	v30 =	vadd.s32 $0x66CD0878, v30;
	v3 =	vld [tilespmem:s25+$0x6010];
	v33 =	vadd.s32 $0x6D3E0494, v4  }
0x300: {  	v34 =	vshrl.u32 v21, $0x6;
	v35 =	vshll.u32 v21, $0x1A;
	v4 =	vld [tilespmem:s25+$0x6020];
	v30 =	vxor.u32 v30, v33  }
0x301: {  	v22 =	vor.u32 v7, v22;
	v33 =	vor.u32 v6, v5;
	v5 =	vld [tilespmem:s25+$0x6030];
	vm0 =	vgt.u32 v30, $0xFF118FFF  }
0x302: {  	v23 =	vor.u32 v24, v23;
	v6 =	vld [tilespmem:s25+$0x6040];
	v24 =	vsel vm0, $0x3EC72C98, v29;
	vm0 =	vlt.u32 v30, $0xDAA600  }
0x303: {  	v25 =	vor.u32 v25, v26;
	v26 =	vor.u32 v28, v27;
	v7 =	vld [tilespmem:s25+$0x6050];
	v24 =	vsel vm0, $0xBE833490, v24  }
0x304: {  	v12 =	vadd.s32 v12, v8;
	v27 =	vor.u32 v34, v35;
	v28 =	vor.u32 v31, v32;
	v8 =	vld [tilespmem:s25+$0x6060];
	[tilespmem:s25+$0x12070] =	vst v24  }
0x305: {  	v9 =	vadd.s32 v9, v16;
	v10 =	vadd.s32 v10, v17;
	v13 =	vadd.s32 v13, v18  }
0x306: {  	v15 =	vadd.s32 v15, v21;
	v14 =	vadd.s32 v14, v19;
	v11 =	vadd.s32 v11, v20  }
0x307: {  	v17 =	vxor.u32 v22, v9;
	v18 =	vxor.u32 v23, v10;
	v16 =	vxor.u32 v33, v12  }
0x308: {  	v19 =	vxor.u32 v25, v13;
	v20 =	vxor.u32 v26, v14;
	v21 =	vxor.u32 v28, v11  }
0x309: {  	v22 =	vxor.u32 v27, v15;
	v23 =	vshrl.u32 v16, $0x1A;
	v24 =	vshll.u32 v16, $0x6  }
0x30a: {  	v25 =	vshrl.u32 v17, $0x1A;
	v26 =	vshll.u32 v17, $0x6;
	v27 =	vshrl.u32 v18, $0x1A  }
0x30b: {  	v28 =	vshll.u32 v18, $0x6;
	v29 =	vshrl.u32 v19, $0x1A;
	v30 =	vshll.u32 v19, $0x6  }
0x30c: {  	v31 =	vshrl.u32 v20, $0x1A;
	v32 =	vshll.u32 v20, $0x6;
	v33 =	vshrl.u32 v21, $0x1A  }
0x30d: {  	v34 =	vshrl.u32 v22, $0x1A;
	v35 =	vshll.u32 v22, $0x6;
	v36 =	vshll.u32 v21, $0x6  }
0x30e: {  	v23 =	vor.u32 v23, v24;
	v24 =	vor.u32 v25, v26;
	v25 =	vor.u32 v27, v28  }
0x30f: {  	v26 =	vor.u32 v29, v30;
	v27 =	vor.u32 v31, v32;
	v28 =	vor.u32 v33, v36  }
0x310: {  	v9 =	vadd.s32 v9, v17;
	v12 =	vadd.s32 v12, v16;
	v29 =	vor.u32 v34, v35  }
0x311: {  	v10 =	vadd.s32 v10, v18;
	v13 =	vadd.s32 v13, v19;
	v14 =	vadd.s32 v14, v20  }
0x312: {  	v15 =	vadd.s32 v15, v22;
	v11 =	vadd.s32 v11, v21;
	v16 =	vxor.u32 v23, v12  }
0x313: {  	v17 =	vxor.u32 v24, v9;
	v18 =	vxor.u32 v25, v10;
	v19 =	vxor.u32 v26, v13  }
0x314: {  	v20 =	vxor.u32 v29, v15;
	v21 =	vxor.u32 v27, v14;
	v22 =	vxor.u32 v28, v11  }
0x315: {  	v16 =	vadd.s32 $0x66CD0879, v16;
	v17 =	vadd.s32 $0x66CD0879, v17;
	v18 =	vadd.s32 $0x66CD0879, v18  }
0x316: {  	v19 =	vadd.s32 $0x66CD0879, v19;
	v21 =	vadd.s32 $0x66CD0879, v21;
	v22 =	vadd.s32 $0x66CD0879, v22  }
0x317: {  	v20 =	vadd.s32 $0x66CD0879, v20;
	v12 =	vadd.s32 v16, v12;
	v23 =	vshrl.u32 v16, $0xF  }
0x318: {  	v16 =	vshll.u32 v16, $0x11;
	v9 =	vadd.s32 v17, v9;
	v24 =	vshrl.u32 v17, $0xF  }
0x319: {  	v17 =	vshll.u32 v17, $0x11;
	v10 =	vadd.s32 v18, v10;
	v25 =	vshrl.u32 v18, $0xF  }
0x31a: {  	v18 =	vshll.u32 v18, $0x11;
	v13 =	vadd.s32 v19, v13;
	v26 =	vshrl.u32 v19, $0xF  }
0x31b: {  	v19 =	vshll.u32 v19, $0x11;
	v14 =	vadd.s32 v21, v14;
	v27 =	vshrl.u32 v21, $0xF  }
0x31c: {  	v21 =	vshll.u32 v21, $0x11;
	v11 =	vadd.s32 v22, v11;
	v28 =	vshrl.u32 v22, $0xF  }
0x31d: {  	v15 =	vadd.s32 v20, v15;
	v29 =	vshrl.u32 v20, $0xF;
	v22 =	vshll.u32 v22, $0x11  }
0x31e: {  	v20 =	vshll.u32 v20, $0x11;
	v12 =	vadd.s32 $0x1022172D, v12;
	v16 =	vor.u32 v23, v16  }
0x31f: {  	v9 =	vadd.s32 $0x1022172D, v9;
	v17 =	vor.u32 v24, v17;
	v10 =	vadd.s32 $0x1022172D, v10  }
0x320: {  	v18 =	vor.u32 v25, v18;
	v13 =	vadd.s32 $0x1022172D, v13;
	v19 =	vor.u32 v26, v19  }
0x321: {  	v14 =	vadd.s32 $0x1022172D, v14;
	v21 =	vor.u32 v27, v21;
	v11 =	vadd.s32 $0x1022172D, v11  }
0x322: {  	v15 =	vadd.s32 $0x1022172D, v15;
	v20 =	vor.u32 v29, v20;
	v22 =	vor.u32 v28, v22  }
0x323: {  	v16 =	vxor.u32 v16, v12;
	v17 =	vxor.u32 v17, v9;
	v18 =	vxor.u32 v18, v10  }
0x324: {  	v19 =	vxor.u32 v19, v13;
	v21 =	vxor.u32 v21, v14;
	v22 =	vxor.u32 v22, v11  }
0x325: {  	v20 =	vxor.u32 v20, v15;
	v23 =	vshrl.u32 v16, $0x3;
	v24 =	vshll.u32 v16, $0x1D  }
0x326: {  	v25 =	vshrl.u32 v17, $0x3;
	v26 =	vshll.u32 v17, $0x1D;
	v27 =	vshrl.u32 v18, $0x3  }
0x327: {  	v28 =	vshll.u32 v18, $0x1D;
	v29 =	vshrl.u32 v19, $0x3;
	v30 =	vshll.u32 v19, $0x1D  }
0x328: {  	v31 =	vshrl.u32 v21, $0x3;
	v32 =	vshll.u32 v21, $0x1D;
	v33 =	vshrl.u32 v22, $0x3  }
0x329: {  	v34 =	vshrl.u32 v20, $0x3;
	v35 =	vshll.u32 v20, $0x1D;
	v36 =	vshll.u32 v22, $0x1D  }
0x32a: {  	v23 =	vor.u32 v23, v24;
	v24 =	vor.u32 v25, v26;
	v25 =	vor.u32 v27, v28  }
0x32b: {  	v26 =	vor.u32 v29, v30;
	v27 =	vor.u32 v31, v32;
	v28 =	vor.u32 v33, v36  }
0x32c: {  	v12 =	vadd.s32 v12, v16;
	v9 =	vadd.s32 v9, v17;
	v29 =	vor.u32 v34, v35  }
0x32d: {  	v10 =	vadd.s32 v10, v18;
	v13 =	vadd.s32 v13, v19;
	v14 =	vadd.s32 v14, v21  }
0x32e: {  	v15 =	vadd.s32 v15, v20;
	v11 =	vadd.s32 v11, v22;
	v16 =	vxor.u32 v23, v12  }
0x32f: {  	v17 =	vxor.u32 v24, v9;
	v18 =	vxor.u32 v25, v10;
	v19 =	vxor.u32 v26, v13  }
0x330: {  	v20 =	vxor.u32 v29, v15;
	v21 =	vxor.u32 v27, v14;
	v22 =	vxor.u32 v28, v11  }
0x331: {  	v23 =	vshrl.u32 v16, $0x10;
	v24 =	vshll.u32 v16, $0x10;
	v25 =	vshrl.u32 v17, $0x10  }
0x332: {  	v26 =	vshll.u32 v17, $0x10;
	v27 =	vshrl.u32 v18, $0x10;
	v28 =	vshll.u32 v18, $0x10  }
0x333: {  	v29 =	vshrl.u32 v19, $0x10;
	v30 =	vshll.u32 v19, $0x10;
	v31 =	vshrl.u32 v21, $0x10  }
0x334: {  	v32 =	vshll.u32 v21, $0x10;
	v33 =	vshrl.u32 v22, $0x10;
	v34 =	vshll.u32 v22, $0x10  }
0x335: {  	v35 =	vshrl.u32 v20, $0x10;
	v36 =	vshll.u32 v20, $0x10;
	v23 =	vor.u32 v23, v24  }
0x336: {  	v24 =	vor.u32 v25, v26;
	v25 =	vor.u32 v27, v28;
	v26 =	vor.u32 v29, v30  }
0x337: {  	v27 =	vor.u32 v35, v36;
	v28 =	vor.u32 v31, v32;
	v29 =	vor.u32 v33, v34  }
0x338: {  	v12 =	vadd.s32 v12, v16;
	v9 =	vadd.s32 v9, v17;
	v10 =	vadd.s32 v10, v18  }
0x339: {  	v13 =	vadd.s32 v13, v19;
	v14 =	vadd.s32 v14, v21;
	v11 =	vadd.s32 v11, v22  }
0x33a: {  	v15 =	vadd.s32 v15, v20;
	v16 =	vxor.u32 v23, v12;
	v17 =	vxor.u32 v24, v9  }
0x33b: {  	v18 =	vxor.u32 v25, v10;
	v19 =	vxor.u32 v26, v13;
	v20 =	vxor.u32 v28, v14  }
0x33c: {  	v21 =	vxor.u32 v27, v15;
	v23 =	vxor.u32 v29, v11;
	v22 =	vshrl.u32 v16, $0x8  }
0x33d: {  	v24 =	vshll.u32 v16, $0x18;
	v25 =	vshrl.u32 v17, $0x8;
	v26 =	vshll.u32 v17, $0x18  }
0x33e: {  	v27 =	vshrl.u32 v18, $0x8;
	v28 =	vshll.u32 v18, $0x18;
	v29 =	vshrl.u32 v19, $0x8  }
0x33f: {  	v30 =	vshll.u32 v19, $0x18;
	v31 =	vshrl.u32 v20, $0x8;
	v32 =	vshll.u32 v20, $0x18  }
0x340: {  	v33 =	vshrl.u32 v21, $0x8;
	v34 =	vshrl.u32 v23, $0x8;
	v35 =	vshll.u32 v23, $0x18  }
0x341: {  	v36 =	vshll.u32 v21, $0x18;
	v22 =	vor.u32 v22, v24;
	v24 =	vor.u32 v25, v26  }
0x342: {  	v25 =	vor.u32 v27, v28;
	v26 =	vor.u32 v29, v30;
	v27 =	vor.u32 v31, v32  }
0x343: {  	v12 =	vadd.s32 v12, v16;
	v28 =	vor.u32 v33, v36;
	v16 =	vor.u32 v34, v35  }
0x344: {  	v9 =	vadd.s32 v9, v17;
	v10 =	vadd.s32 v10, v18;
	v13 =	vadd.s32 v13, v19  }
0x345: {  	v15 =	vadd.s32 v15, v21;
	v14 =	vadd.s32 v14, v20;
	v11 =	vadd.s32 v11, v23  }
0x346: {  	v17 =	vxor.u32 v22, v12;
	v18 =	vxor.u32 v24, v9;
	v19 =	vxor.u32 v25, v10  }
0x347: {  	v20 =	vxor.u32 v26, v13;
	v21 =	vxor.u32 v27, v14;
	v16 =	vxor.u32 v16, v11  }
0x348: {  	v22 =	vxor.u32 v28, v15;
	v17 =	vadd.s32 $0x6D3E0491, v17;
	v18 =	vadd.s32 $0x6D3E0491, v18  }
0x349: {  	v19 =	vadd.s32 $0x6D3E0491, v19;
	v20 =	vadd.s32 $0x6D3E0491, v20;
	v21 =	vadd.s32 $0x6D3E0491, v21  }
0x34a: {  	v22 =	vadd.s32 $0x6D3E0491, v22;
	v16 =	vadd.s32 $0x6D3E0491, v16;
	v12 =	vadd.s32 v17, v12  }
0x34b: {  	v23 =	vshrl.u32 v17, $0x13;
	v17 =	vshll.u32 v17, $0xD;
	v9 =	vadd.s32 v18, v9  }
0x34c: {  	v24 =	vshrl.u32 v18, $0x13;
	v18 =	vshll.u32 v18, $0xD;
	v10 =	vadd.s32 v19, v10  }
0x34d: {  	v25 =	vshrl.u32 v19, $0x13;
	v19 =	vshll.u32 v19, $0xD;
	v13 =	vadd.s32 v20, v13  }
0x34e: {  	v26 =	vshrl.u32 v20, $0x13;
	v20 =	vshll.u32 v20, $0xD;
	v14 =	vadd.s32 v21, v14  }
0x34f: {  	v27 =	vshrl.u32 v21, $0x13;
	v21 =	vshll.u32 v21, $0xD;
	v11 =	vadd.s32 v16, v11  }
0x350: {  	v15 =	vadd.s32 v22, v15;
	v28 =	vshrl.u32 v16, $0x13;
	v16 =	vshll.u32 v16, $0xD  }
0x351: {  	v29 =	vshrl.u32 v22, $0x13;
	v22 =	vshll.u32 v22, $0xD;
	v12 =	vadd.s32 $0x66CD0878, v12  }
0x352: {  	v17 =	vor.u32 v23, v17;
	v9 =	vadd.s32 $0x66CD0878, v9;
	v18 =	vor.u32 v24, v18  }
0x353: {  	v10 =	vadd.s32 $0x66CD0878, v10;
	v19 =	vor.u32 v25, v19;
	v13 =	vadd.s32 $0x66CD0878, v13  }
0x354: {  	v20 =	vor.u32 v26, v20;
	v14 =	vadd.s32 $0x66CD0878, v14;
	v21 =	vor.u32 v27, v21  }
0x355: {  	v15 =	vadd.s32 $0x66CD0878, v15;
	v11 =	vadd.s32 $0x66CD0878, v11;
	v16 =	vor.u32 v28, v16  }
0x356: {  	v22 =	vor.u32 v29, v22;
	v17 =	vxor.u32 v17, v12;
	v18 =	vxor.u32 v18, v9  }
0x357: {  	v19 =	vxor.u32 v19, v10;
	v20 =	vxor.u32 v20, v13;
	v21 =	vxor.u32 v21, v14  }
0x358: {  	v22 =	vxor.u32 v22, v15;
	v16 =	vxor.u32 v16, v11;
	v23 =	vshrl.u32 v17, $0x11  }
0x359: {  	v24 =	vshll.u32 v17, $0xF;
	v25 =	vshrl.u32 v18, $0x11;
	v26 =	vshll.u32 v18, $0xF  }
0x35a: {  	v27 =	vshrl.u32 v19, $0x11;
	v28 =	vshll.u32 v19, $0xF;
	v29 =	vshrl.u32 v20, $0x11  }
0x35b: {  	v30 =	vshll.u32 v20, $0xF;
	v31 =	vshrl.u32 v21, $0x11;
	v32 =	vshll.u32 v21, $0xF  }
0x35c: {  	v33 =	vshrl.u32 v22, $0x11;
	v34 =	vshrl.u32 v16, $0x11;
	v35 =	vshll.u32 v16, $0xF  }
0x35d: {  	v36 =	vshll.u32 v22, $0xF;
	v23 =	vor.u32 v23, v24;
	v24 =	vor.u32 v25, v26  }
0x35e: {  	v25 =	vor.u32 v27, v28;
	v26 =	vor.u32 v29, v30;
	v27 =	vor.u32 v31, v32  }
0x35f: {  	v12 =	vadd.s32 v12, v17;
	v28 =	vor.u32 v33, v36;
	v17 =	vor.u32 v34, v35  }
0x360: {  	v9 =	vadd.s32 v9, v18;
	v10 =	vadd.s32 v10, v19;
	v13 =	vadd.s32 v13, v20  }
0x361: {  	v15 =	vadd.s32 v15, v22;
	v14 =	vadd.s32 v14, v21;
	v11 =	vadd.s32 v11, v16  }
0x362: {  	v16 =	vxor.u32 v23, v12;
	v18 =	vxor.u32 v24, v9;
	v19 =	vxor.u32 v25, v10  }
0x363: {  	v20 =	vxor.u32 v26, v13;
	v21 =	vxor.u32 v27, v14;
	v17 =	vxor.u32 v17, v11  }
0x364: {  	v22 =	vxor.u32 v28, v15;
	v23 =	vshrl.u32 v16, $0x6;
	v24 =	vshll.u32 v16, $0x1A  }
0x365: {  	v25 =	vshrl.u32 v18, $0x6;
	v26 =	vshll.u32 v18, $0x1A;
	v27 =	vshrl.u32 v19, $0x6  }
0x366: {  	v28 =	vshll.u32 v19, $0x1A;
	v29 =	vshrl.u32 v20, $0x6;
	v30 =	vshll.u32 v20, $0x1A  }
0x367: {  	v31 =	vshrl.u32 v21, $0x6;
	v32 =	vshll.u32 v21, $0x1A;
	v33 =	vshrl.u32 v17, $0x6  }
0x368: {  	v34 =	vshrl.u32 v22, $0x6;
	v35 =	vshll.u32 v22, $0x1A;
	v36 =	vshll.u32 v17, $0x1A  }
0x369: {  	v23 =	vor.u32 v23, v24;
	v24 =	vor.u32 v25, v26;
	v25 =	vor.u32 v27, v28  }
0x36a: {  	v26 =	vor.u32 v29, v30;
	v27 =	vor.u32 v31, v32;
	v28 =	vor.u32 v33, v36  }
0x36b: {  	v12 =	vadd.s32 v12, v16;
	v9 =	vadd.s32 v9, v18;
	v29 =	vor.u32 v34, v35  }
0x36c: {  	v10 =	vadd.s32 v10, v19;
	v13 =	vadd.s32 v13, v20;
	v14 =	vadd.s32 v14, v21  }
0x36d: {  	v15 =	vadd.s32 v15, v22;
	v11 =	vadd.s32 v11, v17;
	v16 =	vxor.u32 v23, v12  }
0x36e: {  	v17 =	vxor.u32 v24, v9;
	v18 =	vxor.u32 v25, v10;
	v19 =	vxor.u32 v26, v13  }
0x36f: {  	v20 =	vxor.u32 v29, v15;
	v21 =	vxor.u32 v27, v14;
	v22 =	vxor.u32 v28, v11  }
0x370: {  	v23 =	vshrl.u32 v16, $0x1A;
	v24 =	vshll.u32 v16, $0x6;
	v25 =	vshrl.u32 v17, $0x1A  }
0x371: {  	v26 =	vshll.u32 v17, $0x6;
	v27 =	vshrl.u32 v18, $0x1A;
	v28 =	vshll.u32 v18, $0x6  }
0x372: {  	v29 =	vshrl.u32 v19, $0x1A;
	v30 =	vshll.u32 v19, $0x6;
	v31 =	vshrl.u32 v21, $0x1A  }
0x373: {  	v32 =	vshll.u32 v21, $0x6;
	v33 =	vshrl.u32 v22, $0x1A;
	v34 =	vshll.u32 v22, $0x6  }
0x374: {  	v35 =	vshrl.u32 v20, $0x1A;
	v36 =	vshll.u32 v20, $0x6;
	v23 =	vor.u32 v23, v24  }
0x375: {  	v24 =	vor.u32 v25, v26;
	v25 =	vor.u32 v27, v28;
	v26 =	vor.u32 v29, v30  }
0x376: {  	v27 =	vor.u32 v35, v36;
	v28 =	vor.u32 v31, v32;
	v29 =	vor.u32 v33, v34  }
0x377: {  	v12 =	vadd.s32 v12, v16;
	v9 =	vadd.s32 v9, v17;
	v10 =	vadd.s32 v10, v18  }
0x378: {  	v13 =	vadd.s32 v13, v19;
	v14 =	vadd.s32 v14, v21;
	v11 =	vadd.s32 v11, v22  }
0x379: {  	v15 =	vadd.s32 v15, v20;
	v16 =	vxor.u32 v23, v12;
	v17 =	vxor.u32 v24, v9  }
0x37a: {  	v18 =	vxor.u32 v25, v10;
	v19 =	vxor.u32 v26, v13;
	v20 =	vxor.u32 v28, v14  }
0x37b: {  	v21 =	vxor.u32 v27, v15;
	v22 =	vxor.u32 v29, v11;
	v16 =	vadd.s32 $0x10221730, v16  }
0x37c: {  	v17 =	vadd.s32 $0x10221730, v17;
	v18 =	vadd.s32 $0x10221730, v18;
	v19 =	vadd.s32 $0x10221730, v19  }
0x37d: {  	v21 =	vadd.s32 $0x10221730, v21;
	v20 =	vadd.s32 $0x10221730, v20;
	v22 =	vadd.s32 $0x10221730, v22  }
0x37e: {  	v12 =	vadd.s32 v16, v12;
	v23 =	vshrl.u32 v16, $0xF;
	v16 =	vshll.u32 v16, $0x11  }
0x37f: {  	v9 =	vadd.s32 v17, v9;
	v24 =	vshrl.u32 v17, $0xF;
	v17 =	vshll.u32 v17, $0x11  }
0x380: {  	v10 =	vadd.s32 v18, v10;
	v25 =	vshrl.u32 v18, $0xF;
	v18 =	vshll.u32 v18, $0x11  }
0x381: {  	v13 =	vadd.s32 v19, v13;
	v26 =	vshrl.u32 v19, $0xF;
	v19 =	vshll.u32 v19, $0x11  }
0x382: {  	v14 =	vadd.s32 v20, v14;
	v27 =	vshrl.u32 v20, $0xF;
	v20 =	vshll.u32 v20, $0x11  }
0x383: {  	v11 =	vadd.s32 v22, v11;
	v28 =	vshrl.u32 v22, $0xF;
	v22 =	vshll.u32 v22, $0x11  }
0x384: {  	v15 =	vadd.s32 v21, v15;
	v29 =	vshrl.u32 v21, $0xF;
	v21 =	vshll.u32 v21, $0x11  }
0x385: {  	v12 =	vadd.s32 $0x6D3E048F, v12;
	v16 =	vor.u32 v23, v16;
	v9 =	vadd.s32 $0x6D3E048F, v9  }
0x386: {  	v17 =	vor.u32 v24, v17;
	v10 =	vadd.s32 $0x6D3E048F, v10;
	v18 =	vor.u32 v25, v18  }
0x387: {  	v13 =	vadd.s32 $0x6D3E048F, v13;
	v19 =	vor.u32 v26, v19;
	v14 =	vadd.s32 $0x6D3E048F, v14  }
0x388: {  	v20 =	vor.u32 v27, v20;
	v11 =	vadd.s32 $0x6D3E048F, v11;
	v22 =	vor.u32 v28, v22  }
0x389: {  	v15 =	vadd.s32 $0x6D3E048F, v15;
	v21 =	vor.u32 v29, v21;
	v16 =	vxor.u32 v16, v12  }
0x38a: {  	v17 =	vxor.u32 v17, v9;
	v18 =	vxor.u32 v18, v10;
	v19 =	vxor.u32 v19, v13  }
0x38b: {  	v21 =	vxor.u32 v21, v15;
	v20 =	vxor.u32 v20, v14;
	v22 =	vxor.u32 v22, v11  }
0x38c: {  	v23 =	vshrl.u32 v16, $0x3;
	v24 =	vshll.u32 v16, $0x1D;
	v25 =	vshrl.u32 v17, $0x3  }
0x38d: {  	v26 =	vshll.u32 v17, $0x1D;
	v27 =	vshrl.u32 v18, $0x3;
	v28 =	vshll.u32 v18, $0x1D  }
0x38e: {  	v29 =	vshrl.u32 v19, $0x3;
	v30 =	vshll.u32 v19, $0x1D;
	v31 =	vshrl.u32 v20, $0x3  }
0x38f: {  	v32 =	vshll.u32 v20, $0x1D;
	v33 =	vshrl.u32 v22, $0x3;
	v34 =	vshll.u32 v22, $0x1D  }
0x390: {  	v35 =	vshrl.u32 v21, $0x3;
	v36 =	vshll.u32 v21, $0x1D;
	v23 =	vor.u32 v23, v24  }
0x391: {  	v24 =	vor.u32 v25, v26;
	v25 =	vor.u32 v27, v28;
	v26 =	vor.u32 v29, v30  }
0x392: {  	v27 =	vor.u32 v35, v36;
	v28 =	vor.u32 v31, v32;
	v29 =	vor.u32 v33, v34  }
0x393: {  	v12 =	vadd.s32 v12, v16;
	v9 =	vadd.s32 v9, v17;
	v10 =	vadd.s32 v10, v18  }
0x394: {  	v13 =	vadd.s32 v13, v19;
	v14 =	vadd.s32 v14, v20;
	v11 =	vadd.s32 v11, v22  }
0x395: {  	v15 =	vadd.s32 v15, v21;
	v16 =	vxor.u32 v23, v12;
	v17 =	vxor.u32 v24, v9  }
0x396: {  	v18 =	vxor.u32 v25, v10;
	v19 =	vxor.u32 v26, v13;
	v20 =	vxor.u32 v28, v14  }
0x397: {  	v21 =	vxor.u32 v27, v15;
	v23 =	vxor.u32 v29, v11;
	v22 =	vshrl.u32 v16, $0x10  }
0x398: {  	v24 =	vshll.u32 v16, $0x10;
	v25 =	vshrl.u32 v17, $0x10;
	v26 =	vshll.u32 v17, $0x10  }
0x399: {  	v27 =	vshrl.u32 v18, $0x10;
	v28 =	vshll.u32 v18, $0x10;
	v29 =	vshrl.u32 v19, $0x10  }
0x39a: {  	v30 =	vshll.u32 v19, $0x10;
	v31 =	vshrl.u32 v20, $0x10;
	v32 =	vshll.u32 v20, $0x10  }
0x39b: {  	v33 =	vshrl.u32 v21, $0x10;
	v34 =	vshrl.u32 v23, $0x10;
	v35 =	vshll.u32 v23, $0x10  }
0x39c: {  	v36 =	vshll.u32 v21, $0x10;
	v22 =	vor.u32 v22, v24;
	v24 =	vor.u32 v25, v26  }
0x39d: {  	v25 =	vor.u32 v27, v28;
	v26 =	vor.u32 v29, v30;
	v27 =	vor.u32 v31, v32  }
0x39e: {  	v12 =	vadd.s32 v12, v16;
	v28 =	vor.u32 v33, v36;
	v16 =	vor.u32 v34, v35  }
0x39f: {  	v9 =	vadd.s32 v9, v17;
	v10 =	vadd.s32 v10, v18;
	v13 =	vadd.s32 v13, v19  }
0x3a0: {  	v15 =	vadd.s32 v15, v21;
	v14 =	vadd.s32 v14, v20;
	v11 =	vadd.s32 v11, v23  }
0x3a1: {  	v17 =	vxor.u32 v22, v12;
	v18 =	vxor.u32 v24, v9;
	v19 =	vxor.u32 v25, v10  }
0x3a2: {  	v20 =	vxor.u32 v26, v13;
	v21 =	vxor.u32 v27, v14;
	v16 =	vxor.u32 v16, v11  }
0x3a3: {  	v22 =	vxor.u32 v28, v15;
	v23 =	vshrl.u32 v17, $0x8;
	v24 =	vshll.u32 v17, $0x18  }
0x3a4: {  	v25 =	vshrl.u32 v18, $0x8;
	v26 =	vshll.u32 v18, $0x18;
	v27 =	vshrl.u32 v19, $0x8  }
0x3a5: {  	v28 =	vshll.u32 v19, $0x18;
	v29 =	vshrl.u32 v20, $0x8;
	v30 =	vshll.u32 v20, $0x18  }
0x3a6: {  	v31 =	vshrl.u32 v21, $0x8;
	v32 =	vshll.u32 v21, $0x18;
	v33 =	vshrl.u32 v16, $0x8  }
0x3a7: {  	v34 =	vshrl.u32 v22, $0x8;
	v35 =	vshll.u32 v22, $0x18;
	v36 =	vshll.u32 v16, $0x18  }
0x3a8: {  	v23 =	vor.u32 v23, v24;
	v24 =	vor.u32 v25, v26;
	v25 =	vor.u32 v27, v28  }
0x3a9: {  	v26 =	vor.u32 v29, v30;
	v27 =	vor.u32 v31, v32;
	v28 =	vor.u32 v33, v36  }
0x3aa: {  	v12 =	vadd.s32 v12, v17;
	v9 =	vadd.s32 v9, v18;
	v29 =	vor.u32 v34, v35  }
0x3ab: {  	v10 =	vadd.s32 v10, v19;
	v13 =	vadd.s32 v13, v20;
	v14 =	vadd.s32 v14, v21  }
0x3ac: {  	v15 =	vadd.s32 v15, v22;
	v11 =	vadd.s32 v11, v16;
	v17 =	vxor.u32 v23, v12  }
0x3ad: {  	v16 =	vxor.u32 v24, v9;
	v18 =	vxor.u32 v25, v10;
	v19 =	vxor.u32 v26, v13  }
0x3ae: {  	v20 =	vxor.u32 v29, v15;
	v21 =	vxor.u32 v27, v14;
	v22 =	vxor.u32 v28, v11  }
0x3af: {  	v17 =	vadd.s32 $0x66CD087C, v17;
	v16 =	vadd.s32 $0x66CD087C, v16;
	v18 =	vadd.s32 $0x66CD087C, v18  }
0x3b0: {  	v19 =	vadd.s32 $0x66CD087C, v19;
	v21 =	vadd.s32 $0x66CD087C, v21;
	v22 =	vadd.s32 $0x66CD087C, v22  }
0x3b1: {  	v20 =	vadd.s32 $0x66CD087C, v20;
	v12 =	vadd.s32 v17, v12;
	v23 =	vshrl.u32 v17, $0x13  }
0x3b2: {  	v17 =	vshll.u32 v17, $0xD;
	v9 =	vadd.s32 v16, v9;
	v24 =	vshrl.u32 v16, $0x13  }
0x3b3: {  	v16 =	vshll.u32 v16, $0xD;
	v10 =	vadd.s32 v18, v10;
	v25 =	vshrl.u32 v18, $0x13  }
0x3b4: {  	v18 =	vshll.u32 v18, $0xD;
	v13 =	vadd.s32 v19, v13;
	v26 =	vshrl.u32 v19, $0x13  }
0x3b5: {  	v19 =	vshll.u32 v19, $0xD;
	v14 =	vadd.s32 v21, v14;
	v27 =	vshrl.u32 v21, $0x13  }
0x3b6: {  	v21 =	vshll.u32 v21, $0xD;
	v11 =	vadd.s32 v22, v11;
	v28 =	vshrl.u32 v22, $0x13  }
0x3b7: {  	v15 =	vadd.s32 v20, v15;
	v29 =	vshrl.u32 v20, $0x13;
	v22 =	vshll.u32 v22, $0xD  }
0x3b8: {  	v20 =	vshll.u32 v20, $0xD;
	v12 =	vadd.s32 $0x1022172D, v12;
	v17 =	vor.u32 v23, v17  }
0x3b9: {  	v9 =	vadd.s32 $0x1022172D, v9;
	v16 =	vor.u32 v24, v16;
	v10 =	vadd.s32 $0x1022172D, v10  }
0x3ba: {  	v18 =	vor.u32 v25, v18;
	v13 =	vadd.s32 $0x1022172D, v13;
	v19 =	vor.u32 v26, v19  }
0x3bb: {  	v14 =	vadd.s32 $0x1022172D, v14;
	v21 =	vor.u32 v27, v21;
	v11 =	vadd.s32 $0x1022172D, v11  }
0x3bc: {  	v15 =	vadd.s32 $0x1022172D, v15;
	v20 =	vor.u32 v29, v20;
	v22 =	vor.u32 v28, v22  }
0x3bd: {  	v17 =	vxor.u32 v17, v12;
	v16 =	vxor.u32 v16, v9;
	v18 =	vxor.u32 v18, v10  }
0x3be: {  	v19 =	vxor.u32 v19, v13;
	v21 =	vxor.u32 v21, v14;
	v22 =	vxor.u32 v22, v11  }
0x3bf: {  	v20 =	vxor.u32 v20, v15;
	v23 =	vshrl.u32 v17, $0x11;
	v24 =	vshll.u32 v17, $0xF  }
0x3c0: {  	v25 =	vshrl.u32 v16, $0x11;
	v26 =	vshll.u32 v16, $0xF;
	v27 =	vshrl.u32 v18, $0x11  }
0x3c1: {  	v28 =	vshll.u32 v18, $0xF;
	v29 =	vshrl.u32 v19, $0x11;
	v30 =	vshll.u32 v19, $0xF  }
0x3c2: {  	v31 =	vshrl.u32 v21, $0x11;
	v32 =	vshll.u32 v21, $0xF;
	v33 =	vshrl.u32 v22, $0x11  }
0x3c3: {  	v34 =	vshrl.u32 v20, $0x11;
	v35 =	vshll.u32 v20, $0xF;
	v36 =	vshll.u32 v22, $0xF  }
0x3c4: {  	v23 =	vor.u32 v23, v24;
	v24 =	vor.u32 v25, v26;
	v25 =	vor.u32 v27, v28  }
0x3c5: {  	v26 =	vor.u32 v29, v30;
	v27 =	vor.u32 v31, v32;
	v28 =	vor.u32 v33, v36  }
0x3c6: {  	v12 =	vadd.s32 v12, v17;
	v9 =	vadd.s32 v9, v16;
	v29 =	vor.u32 v34, v35  }
0x3c7: {  	v10 =	vadd.s32 v10, v18;
	v13 =	vadd.s32 v13, v19;
	v14 =	vadd.s32 v14, v21  }
0x3c8: {  	v15 =	vadd.s32 v15, v20;
	v11 =	vadd.s32 v11, v22;
	v16 =	vxor.u32 v23, v12  }
0x3c9: {  	v17 =	vxor.u32 v24, v9;
	v18 =	vxor.u32 v25, v10;
	v19 =	vxor.u32 v26, v13  }
0x3ca: {  	v20 =	vxor.u32 v29, v15;
	v21 =	vxor.u32 v27, v14;
	v22 =	vxor.u32 v28, v11  }
0x3cb: {  	v23 =	vshrl.u32 v16, $0x6;
	v24 =	vshll.u32 v16, $0x1A;
	v25 =	vshrl.u32 v17, $0x6  }
0x3cc: {  	v26 =	vshll.u32 v17, $0x1A;
	v27 =	vshrl.u32 v18, $0x6;
	v28 =	vshll.u32 v18, $0x1A  }
0x3cd: {  	v29 =	vshrl.u32 v19, $0x6;
	v30 =	vshll.u32 v19, $0x1A;
	v31 =	vshrl.u32 v21, $0x6  }
0x3ce: {  	v32 =	vshll.u32 v21, $0x1A;
	v33 =	vshrl.u32 v22, $0x6;
	v34 =	vshll.u32 v22, $0x1A  }
0x3cf: {  	v35 =	vshrl.u32 v20, $0x6;
	v36 =	vshll.u32 v20, $0x1A;
	v23 =	vor.u32 v23, v24  }
0x3d0: {  	v24 =	vor.u32 v25, v26;
	v25 =	vor.u32 v27, v28;
	v26 =	vor.u32 v29, v30  }
0x3d1: {  	v27 =	vor.u32 v35, v36;
	v28 =	vor.u32 v31, v32;
	v29 =	vor.u32 v33, v34  }
0x3d2: {  	v12 =	vadd.s32 v12, v16;
	v9 =	vadd.s32 v9, v17;
	v10 =	vadd.s32 v10, v18  }
0x3d3: {  	v13 =	vadd.s32 v13, v19;
	v14 =	vadd.s32 v14, v21;
	v11 =	vadd.s32 v11, v22  }
0x3d4: {  	v15 =	vadd.s32 v15, v20;
	v16 =	vxor.u32 v23, v12;
	v17 =	vxor.u32 v24, v9  }
0x3d5: {  	v18 =	vxor.u32 v25, v10;
	v19 =	vxor.u32 v26, v13;
	v20 =	vxor.u32 v28, v14  }
0x3d6: {  	v21 =	vxor.u32 v27, v15;
	v23 =	vxor.u32 v29, v11;
	v22 =	vshrl.u32 v16, $0x1A  }
0x3d7: {  	v24 =	vshll.u32 v16, $0x6;
	v25 =	vshrl.u32 v17, $0x1A;
	v26 =	vshll.u32 v17, $0x6  }
0x3d8: {  	v27 =	vshrl.u32 v18, $0x1A;
	v28 =	vshll.u32 v18, $0x6;
	v29 =	vshrl.u32 v19, $0x1A  }
0x3d9: {  	v30 =	vshll.u32 v19, $0x6;
	v31 =	vshrl.u32 v20, $0x1A;
	v32 =	vshll.u32 v20, $0x6  }
0x3da: {  	v33 =	vshrl.u32 v21, $0x1A;
	v34 =	vshrl.u32 v23, $0x1A;
	v35 =	vshll.u32 v23, $0x6  }
0x3db: {  	v36 =	vshll.u32 v21, $0x6;
	v22 =	vor.u32 v22, v24;
	v24 =	vor.u32 v25, v26  }
0x3dc: {  	v25 =	vor.u32 v27, v28;
	v26 =	vor.u32 v29, v30;
	v27 =	vor.u32 v31, v32  }
0x3dd: {  	v12 =	vadd.s32 v12, v16;
	v28 =	vor.u32 v33, v36;
	v16 =	vor.u32 v34, v35  }
0x3de: {  	v9 =	vadd.s32 v9, v17;
	v10 =	vadd.s32 v10, v18;
	v13 =	vadd.s32 v13, v19  }
0x3df: {  	v15 =	vadd.s32 v15, v21;
	v14 =	vadd.s32 v14, v20;
	v11 =	vadd.s32 v11, v23  }
0x3e0: {  	v17 =	vxor.u32 v22, v12;
	v18 =	vxor.u32 v24, v9;
	v19 =	vxor.u32 v25, v10  }
0x3e1: {  	v20 =	vxor.u32 v26, v13;
	v21 =	vxor.u32 v27, v14;
	v16 =	vxor.u32 v16, v11  }
0x3e2: {  	v22 =	vxor.u32 v28, v15;
	v17 =	vadd.s32 $0x6D3E0494, v17;
	v18 =	vadd.s32 $0x6D3E0494, v18  }
0x3e3: {  	v19 =	vadd.s32 $0x6D3E0494, v19;
	v20 =	vadd.s32 $0x6D3E0494, v20;
	v21 =	vadd.s32 $0x6D3E0494, v21  }
0x3e4: {  	v12 =	vadd.s32 $0x66CD0878, v12;
	v22 =	vadd.s32 $0x6D3E0494, v22;
	v16 =	vadd.s32 $0x6D3E0494, v16  }
0x3e5: {  	v9 =	vadd.s32 $0x66CD0878, v9;
	v10 =	vadd.s32 $0x66CD0878, v10;
	v13 =	vadd.s32 $0x66CD0878, v13  }
0x3e6: {  	v15 =	vadd.s32 $0x66CD0878, v15;
	v14 =	vadd.s32 $0x66CD0878, v14;
	v11 =	vadd.s32 $0x66CD0878, v11  }
0x3e7: {  	v17 =	vxor.u32 v12, v17;
	v18 =	vxor.u32 v9, v18;
	v19 =	vxor.u32 v10, v19  }
0x3e8: {  	v12 =	vxor.u32 v13, v20;
	v10 =	vxor.u32 v14, v21;
	v11 =	vxor.u32 v11, v16  }
0x3e9: {  	v9 =	vxor.u32 v15, v22;
	vm0 =	vgt.u32 v17, $0xFF118FFF;
	vm1 =	vgt.u32 v18, $0xFF118FFF  }
.Ltmp5:
0x3ea: {  	vm2 =	vgt.u32 v19, $0xFF118FFF;
	vm3 =	vgt.u32 v12, $0xFF118FFF;
	vm4 =	vgt.u32 v10, $0xFF118FFF;
	(pc) =	sbr.rel @p0 .LBB2_12-.Ltmp5, $4  }
0x3eb: {  	vm5 =	vgt.u32 v9, $0xFF118FFF;
	v14 =	vsel vm0, $0x3EC72C98, v3;
	vm0 =	vgt.u32 v11, $0xFF118FFF  }
0x3ec: {  	v16 =	vsel vm1, $0x3EC72C98, v4;
	v5 =	vsel vm2, $0x3EC72C98, v5;
	v4 =	vsel vm3, $0x3EC72C98, v6  }
0x3ed: {  	v3 =	vsel vm5, $0x3EC72C98, v2;
	v15 =	vsel vm4, $0x3EC72C98, v7;
	v13 =	vsel vm0, $0x3EC72C98, v8  }
0x3ee: {  	s30 =	sand.u32 $0x7, s29;
	s29 =	sadd.s32 $0x1, s29;
	vm1 =	vlt.u32 v17, $0xDAA600;
	vm2 =	vlt.u32 v18, $0xDAA600;
	vm0 =	vlt.u32 v19, $0xDAA600  }
0x3ef: {  	s0 =	sor.u32 s24, s30  }
0x3f0: {  	vm3 =	vlt.u32 v12, $0xDAA600;
	s1 =	sadd.s32 $0x10, s28;
	vm4 =	vlt.u32 v10, $0xDAA600;
	s0 =	smul.u32 $0x180, s0  }
0x3f1: {  	vm5 =	vlt.u32 v11, $0xDAA600;
	vm6 =	vlt.u32 v9, $0xDAA600;
	v8 =	vsel vm1, $0xBE833490, v14;
	s1 =	sand.u32 $0x180, s1  }
0x3f2: {  	v7 =	vsel vm2, $0xBE833490, v16;
	v6 =	vsel vm0, $0xBE833490, v5;
	v5 =	vsel vm3, $0xBE833490, v4;
	s17 =	sadd.s32 s1, s0  }
0x3f3: {  	v4 =	vsel vm4, $0xBE833490, v15;
	v2 =	vsel vm6, $0xBE833490, v3;
	v3 =	vsel vm5, $0xBE833490, v13;
	s9 =	sor.u32 $0x70, s17  }
0x3f4: {  	v39 =	vadd.s32 s17, v0;
	v9 =	vadd.s32 s17, v1;
	s0 =	sor.u32 $0x10, s17;
	s7 =	sor.u32 $0x20, s17;
	v40 =	vadd.s32 s9, v0  }
0x3f5: {  	s1 =	sor.u32 $0x30, s17;
	s24 =	sor.u32 $0x40, s17;
	s16 =	sor.u32 $0x50, s17;
	v42 =	vadd.s32 s0, v0;
	v43 =	vadd.s32 s9, v1;
	v44 =	vadd.s32 s7, v0  }
0x3f6: {  	s28 =	sor.u32 $0x60, s17;
	v45 =	vadd.s32 s1, v0;
	v46 =	vadd.s32 s24, v0;
	v19 =	vadd.s32 s16, v0  }
0x3f7: {  	v48 =	vadd.s32 s28, v0;
	v56 =	vshrl.u32 v39, $0x13;
	v10 =	vshll.u32 v39, $0xD  }
0x3f8: {  	v63 =	vadd.s32 s0, v1;
	v41 =	vshrl.u32 v40, $0x13;
	v11 =	vshll.u32 v40, $0xD  }
0x3f9: {  	v49 =	vshrl.u32 v42, $0x13;
	v13 =	vshll.u32 v42, $0xD;
	v22 =	vshrl.u32 v44, $0x13  }
0x3fa: {  	v12 =	vshll.u32 v44, $0xD;
	v51 =	vshrl.u32 v45, $0x13;
	v15 =	vshll.u32 v45, $0xD  }
0x3fb: {  	v24 =	vshrl.u32 v46, $0x13;
	v16 =	vshll.u32 v46, $0xD;
	v54 =	vshrl.u32 v19, $0x13  }
0x3fc: {  	v19 =	vshll.u32 v19, $0xD;
	v55 =	vshrl.u32 v48, $0x13;
	v10 =	vor.u32 v56, v10  }
0x3fd: {  	v40 =	vadd.s32 s24, v1;
	v42 =	vadd.s32 s28, v1;
	v11 =	vor.u32 v41, v11  }
0x3fe: {  	v13 =	vor.u32 v49, v13;
	v12 =	vor.u32 v22, v12;
	v15 =	vor.u32 v51, v15  }
0x3ff: {  	v16 =	vor.u32 v24, v16;
	v59 =	vor.u32 v54, v19;
	v41 =	vadd.s32 s16, v1  }
0x400: {  	v10 =	vxor.u32 v9, v10;
	v11 =	vxor.u32 v43, v11;
	v13 =	vxor.u32 v63, v13  }
0x401: {  	v16 =	vxor.u32 v40, v16;
	v17 =	vshrl.u32 v11, $0x11;
	v18 =	vshll.u32 v11, $0xF  }
0x402: {  	v56 =	vshrl.u32 v10, $0x11;
	v11 =	vadd.s32 v43, v11;
	v47 =	vor.u32 v17, v18  }
0x403: {  	v9 =	vadd.s32 v9, v10;
	v33 =	vshrl.u32 v16, $0x11;
	v14 =	vxor.u32 v47, v11  }
0x404: {  	v17 =	vshll.u32 v48, $0xD;
	v20 =	vshrl.u32 v14, $0x6;
	v21 =	vshll.u32 v14, $0x1A  }
0x405: {  	v18 =	vxor.u32 v41, v59;
	v11 =	vadd.s32 v11, v14;
	v50 =	vor.u32 v20, v21  }
0x406: {  	v48 =	vshll.u32 v13, $0xF;
	v17 =	vor.u32 v55, v17;
	v14 =	vxor.u32 v50, v11  }
0x407: {  	v47 =	vshrl.u32 v13, $0x11;
	v52 =	vshrl.u32 v14, $0x1A;
	v23 =	vshll.u32 v14, $0x6  }
0x408: {  	v54 =	vshrl.u32 v18, $0x11;
	v11 =	vadd.s32 v11, v14;
	v53 =	vor.u32 v52, v23  }
0x409: {  	v34 =	vshll.u32 v18, $0xF;
	v13 =	vadd.s32 v63, v13;
	v14 =	vxor.u32 v53, v11  }
0x40a: {  	v18 =	vadd.s32 v41, v18;
	v17 =	vxor.u32 v42, v17;
	v14 =	vadd.s32 $0x66CD0879, v14  }
0x40b: {  	v11 =	vadd.s32 v14, v11;
	v25 =	vshrl.u32 v14, $0xF;
	v14 =	vshll.u32 v14, $0x11  }
0x40c: {  	v20 =	vadd.s32 s7, v1;
	v11 =	vadd.s32 $0x1022172D, v11;
	v14 =	vor.u32 v25, v14  }
0x40d: {  	v35 =	vshrl.u32 v17, $0x11;
	v55 =	vshll.u32 v17, $0xF;
	v14 =	vxor.u32 v14, v11  }
0x40e: {  	v17 =	vadd.s32 v42, v17;
	v57 =	vshrl.u32 v14, $0x3;
	v26 =	vshll.u32 v14, $0x1D  }
0x40f: {  	v12 =	vxor.u32 v20, v12;
	v11 =	vadd.s32 v11, v14;
	v58 =	vor.u32 v57, v26  }
0x410: {  	v29 =	vshrl.u32 v12, $0x11;
	v50 =	vshll.u32 v12, $0xF;
	v14 =	vxor.u32 v58, v11  }
0x411: {  	v12 =	vadd.s32 v20, v12;
	v60 =	vshrl.u32 v14, $0x10;
	v61 =	vshll.u32 v14, $0x10  }
0x412: {  	v23 =	vadd.s32 s1, v1;
	v11 =	vadd.s32 v11, v14;
	v62 =	vor.u32 v60, v61  }
0x413: {  	v15 =	vxor.u32 v23, v15;
	v53 =	vshll.u32 v16, $0xF;
	v14 =	vxor.u32 v62, v11  }
0x414: {  	v16 =	vadd.s32 v40, v16;
	v37 =	vshrl.u32 v14, $0x8;
	v38 =	vshll.u32 v14, $0x18  }
0x415: {  	v51 =	vshrl.u32 v15, $0x11;
	v11 =	vadd.s32 v11, v14;
	v39 =	vor.u32 v37, v38  }
0x416: {  	v30 =	vshll.u32 v15, $0xF;
	v15 =	vadd.s32 v23, v15;
	v14 =	vxor.u32 v39, v11  }
0x417: {  	v25 =	vor.u32 v47, v48;
	v57 =	vshll.u32 v10, $0xF;
	v14 =	vadd.s32 $0x6D3E0491, v14  }
0x418: {  	v11 =	vadd.s32 v14, v11;
	v43 =	vshrl.u32 v14, $0x13;
	v14 =	vshll.u32 v14, $0xD  }
0x419: {  	v26 =	vor.u32 v35, v55;
	v11 =	vadd.s32 $0x66CD0878, v11;
	v14 =	vor.u32 v43, v14  }
0x41a: {  	v58 =	vor.u32 v33, v53;
	v40 =	vxor.u32 v26, v17;
	v14 =	vxor.u32 v14, v11  }
0x41b: {  	v38 =	vxor.u32 v58, v16;
	v44 =	vshrl.u32 v14, $0x11;
	v45 =	vshll.u32 v14, $0xF  }
0x41c: {  	v53 =	vshrl.u32 v38, $0x6;
	v11 =	vadd.s32 v11, v14;
	v46 =	vor.u32 v44, v45  }
0x41d: {  	[tilespmem:s25+$0x12000] =	vst v2;
	v2 =	vshll.u32 v38, $0x1A;
	v38 =	vadd.s32 v16, v38;
	v14 =	vxor.u32 v46, v11  }
0x41e: {  	v27 =	vshrl.u32 v14, $0x6;
	v28 =	vshll.u32 v14, $0x1A;
	v11 =	vadd.s32 v11, v14  }
0x41f: {  	v49 =	vor.u32 v27, v28;
	v27 =	vor.u32 v29, v50;
	v28 =	vor.u32 v51, v30  }
0x420: {  	v29 =	vor.u32 v56, v57;
	v14 =	vxor.u32 v49, v11;
	v19 =	vxor.u32 v27, v12  }
0x421: {  	v20 =	vxor.u32 v28, v15;
	v41 =	vxor.u32 v29, v9;
	v31 =	vshrl.u32 v14, $0x1A  }
0x422: {  	v32 =	vshll.u32 v14, $0x6;
	v11 =	vadd.s32 v11, v14;
	v47 =	vshrl.u32 v19, $0x6  }
0x423: {  	[tilespmem:s25+$0x12060] =	vst v3;
	v48 =	vshll.u32 v19, $0x1A;
	v51 =	vshrl.u32 v20, $0x6;
	v3 =	vshll.u32 v20, $0x1A  }
0x424: {  	[tilespmem:s25+$0x12010] =	vst v8;
	v12 =	vadd.s32 v12, v19;
	v8 =	vadd.s32 v9, v41;
	v52 =	vor.u32 v31, v32  }
0x425: {  	[tilespmem:s25+$0x12040] =	vst v5;
	v32 =	vor.u32 v54, v34;
	v5 =	vor.u32 v47, v48;
	v14 =	vxor.u32 v52, v11  }
0x426: {  	v3 =	vor.u32 v51, v3;
	v39 =	vxor.u32 v32, v18;
	v14 =	vadd.s32 $0x10221730, v14  }
0x427: {  	v11 =	vadd.s32 v14, v11;
	v36 =	vshrl.u32 v14, $0xF;
	v14 =	vshll.u32 v14, $0x11  }
0x428: {  	v5 =	vxor.u32 v5, v12;
	v14 =	vor.u32 v36, v14;
	v11 =	vadd.s32 $0x6D3E048F, v11  }
0x429: {  	v56 =	vshrl.u32 v39, $0x6;
	v36 =	vxor.u32 v25, v13;
	v14 =	vxor.u32 v14, v11  }
0x42a: {  	v44 =	vshrl.u32 v36, $0x6;
	v46 =	vshll.u32 v36, $0x1A;
	v10 =	vadd.s32 v13, v36  }
0x42b: {  	v59 =	vshrl.u32 v14, $0x3;
	v60 =	vshll.u32 v14, $0x1D;
	v11 =	vadd.s32 v11, v14  }
0x42c: {  	[tilespmem:s25+$0x12030] =	vst v6;
	v6 =	vor.u32 v44, v46;
	v44 =	vshll.u32 v5, $0x6;
	v61 =	vor.u32 v59, v60  }
0x42d: {  	v59 =	vshll.u32 v39, $0x1A;
	v60 =	vshrl.u32 v40, $0x6;
	v39 =	vadd.s32 v18, v39  }
0x42e: {  	v6 =	vxor.u32 v6, v10;
	v14 =	vxor.u32 v61, v11;
	v61 =	vshll.u32 v40, $0x1A  }
0x42f: {  	v40 =	vadd.s32 v17, v40;
	v62 =	vshrl.u32 v14, $0x10;
	v63 =	vshll.u32 v14, $0x10  }
0x430: {  	v11 =	vadd.s32 v11, v14;
	v36 =	vor.u32 v60, v61;
	v31 =	vor.u32 v62, v63  }
0x431: {  	v62 =	vshrl.u32 v41, $0x6;
	v63 =	vshll.u32 v41, $0x1A;
	v13 =	vxor.u32 v36, v40  }
0x432: {  	v41 =	vshrl.u32 v6, $0x1A;
	v14 =	vxor.u32 v31, v11;
	v51 =	vshrl.u32 v13, $0x1A  }
0x433: {  	v33 =	vshrl.u32 v14, $0x8;
	v34 =	vshll.u32 v14, $0x18;
	v11 =	vadd.s32 v11, v14  }
0x434: {  	v35 =	vor.u32 v33, v34;
	v33 =	vor.u32 v53, v2;
	v34 =	vor.u32 v56, v59  }
0x435: {  	[tilespmem:s25+$0x12020] =	vst v7;
	v14 =	vxor.u32 v35, v11;
	v35 =	vor.u32 v62, v63;
	v7 =	vxor.u32 v33, v38  }
0x436: {  	[tilespmem:s25+$0x12050] =	vst v4;
	v62 =	vadd.s32 v40, v13;
	v14 =	vadd.s32 $0x66CD087C, v14;
	v4 =	vxor.u32 v35, v8  }
0x437: {  	v47 =	vshrl.u32 v7, $0x1A;
	v48 =	vshll.u32 v7, $0x6;
	v7 =	vadd.s32 v38, v7  }
0x438: {  	v11 =	vadd.s32 v14, v11;
	v37 =	vshrl.u32 v14, $0x13;
	v14 =	vshll.u32 v14, $0xD  }
0x439: {  	v11 =	vadd.s32 $0x1022172D, v11;
	v14 =	vor.u32 v37, v14;
	v37 =	vadd.s32 v15, v20  }
0x43a: {  	v53 =	vshll.u32 v4, $0x6;
	v14 =	vxor.u32 v14, v11;
	v3 =	vxor.u32 v3, v37  }
0x43b: {  	v42 =	vshrl.u32 v14, $0x11;
	v43 =	vshll.u32 v14, $0xF;
	v11 =	vadd.s32 v11, v14  }
0x43c: {  	v46 =	vshll.u32 v3, $0x6;
	v45 =	vor.u32 v42, v43;
	v42 =	vshll.u32 v6, $0x6  }
0x43d: {  	v43 =	vshrl.u32 v5, $0x1A;
	v6 =	vadd.s32 v10, v6;
	v5 =	vadd.s32 v12, v5  }
0x43e: {  	v14 =	vxor.u32 v45, v11;
	v45 =	vshrl.u32 v3, $0x1A;
	v17 =	vor.u32 v41, v42  }
0x43f: {  	v3 =	vadd.s32 v37, v3;
	v49 =	vshrl.u32 v14, $0x6;
	v50 =	vshll.u32 v14, $0x1A  }
0x440: {  	v11 =	vadd.s32 v11, v14;
	v56 =	vor.u32 v45, v46;
	v52 =	vor.u32 v49, v50  }
0x441: {  	v61 =	vxor.u32 v17, v6;
	v24 =	vxor.u32 v56, v3;
	v14 =	vxor.u32 v52, v11  }
0x442: {  	v52 =	vshrl.u32 v4, $0x1A;
	v4 =	vadd.s32 v8, v4;
	v8 =	vadd.s32 $0x66CD0879, v61  }
0x443: {  	v12 =	vadd.s32 $0x66CD0879, v24;
	v54 =	vshrl.u32 v14, $0x1A;
	v55 =	vshll.u32 v14, $0x6  }
0x444: {  	v11 =	vadd.s32 v11, v14;
	v60 =	vor.u32 v52, v53;
	v6 =	vadd.s32 v8, v6  }
0x445: {  	v28 =	vshrl.u32 v8, $0xF;
	v8 =	vshll.u32 v8, $0x11;
	v3 =	vadd.s32 v12, v3  }
0x446: {  	v30 =	vshrl.u32 v12, $0xF;
	v12 =	vshll.u32 v12, $0x11;
	v58 =	vor.u32 v54, v55  }
0x447: {  	v54 =	vshll.u32 v13, $0x6;
	v55 =	vor.u32 v43, v44;
	v26 =	vxor.u32 v60, v4  }
0x448: {  	v6 =	vadd.s32 $0x1022172D, v6;
	v8 =	vor.u32 v28, v8;
	v3 =	vadd.s32 $0x1022172D, v3  }
0x449: {  	s29 =	sadd.s32 $0x80, s26;
	v12 =	vor.u32 v30, v12;
	v14 =	vxor.u32 v58, v11;
	v11 =	vadd.s32 $0x66CD0878, v11  }
0x44a: {  	s0 =	sand.u32 $0xC00, s29;
	v59 =	vor.u32 v51, v54;
	v63 =	vxor.u32 v55, v5;
	v8 =	vxor.u32 v8, v6  }
0x44b: {  	s31 =	sshll.u32 s30, $0x7;
	s0 =	sadd.s32 s23, s0;
	v12 =	vxor.u32 v12, v3;
	v14 =	vadd.s32 $0x6D3E0494, v14;
	v16 =	vxor.u32 v59, v62  }
0x44c: {  	s23 =	sor.u32 s31, s0;
	v35 =	vshrl.u32 v8, $0x3;
	v36 =	vshll.u32 v8, $0x1D;
	v40 =	vshll.u32 v12, $0x1D  }
0x44d: {  	v57 =	vld [tilespmem:s23+$0x6070];
	v6 =	vadd.s32 v6, v8;
	v3 =	vadd.s32 v3, v12;
	v11 =	vxor.u32 v11, v14  }
0x44e: {  	v16 =	vadd.s32 $0x66CD0879, v16;
	v14 =	vadd.s32 $0x66CD0879, v26;
	v17 =	vor.u32 v35, v36  }
0x44f: {  	vm8 =	vgt.u32 v11, $0xFF118FFF;
	vm9 =	vlt.u32 v11, $0xDAA600;
	v11 =	vxor.u32 v34, v39  }
0x450: {  	v10 =	vadd.s32 v16, v62;
	v33 =	vshrl.u32 v16, $0xF;
	v4 =	vadd.s32 v14, v4  }
0x451: {  	v34 =	vshrl.u32 v14, $0xF;
	v16 =	vshll.u32 v16, $0x11;
	v14 =	vshll.u32 v14, $0x11  }
0x452: {  	v56 =	vxor.u32 v17, v6;
	v29 =	vsel vm8, $0x3EC72C98, v57;
	v49 =	vshrl.u32 v11, $0x1A  }
0x453: {  	v50 =	vshll.u32 v11, $0x6;
	v57 =	vor.u32 v47, v48;
	v9 =	vadd.s32 v39, v11  }
0x454: {  	v11 =	vadd.s32 $0x66CD0879, v63;
	v10 =	vadd.s32 $0x1022172D, v10;
	v4 =	vadd.s32 $0x1022172D, v4  }
0x455: {  	v14 =	vor.u32 v34, v14;
	v16 =	vor.u32 v33, v16;
	v39 =	vshrl.u32 v12, $0x3  }
0x456: {  	v17 =	vshrl.u32 v56, $0x10;
	v6 =	vadd.s32 v6, v56;
	v2 =	vsel vm9, $0xBE833490, v29  }
0x457: {  	v58 =	vor.u32 v49, v50;
	v25 =	vxor.u32 v57, v7;
	v5 =	vadd.s32 v11, v5  }
0x458: {  	v29 =	vshrl.u32 v11, $0xF;
	v11 =	vshll.u32 v11, $0x11;
	v16 =	vxor.u32 v16, v10  }
0x459: {  	v14 =	vxor.u32 v14, v4;
	v50 =	vor.u32 v39, v40;
	v57 =	vshll.u32 v56, $0x10  }
0x45a: {  	v27 =	vxor.u32 v58, v9;
	v13 =	vadd.s32 $0x66CD0879, v25;
	v5 =	vadd.s32 $0x1022172D, v5  }
0x45b: {  	v11 =	vor.u32 v29, v11;
	v45 =	vshrl.u32 v16, $0x3;
	v46 =	vshrl.u32 v14, $0x3  }
0x45c: {  	v47 =	vshll.u32 v14, $0x1D;
	v48 =	vshll.u32 v16, $0x1D;
	v4 =	vadd.s32 v4, v14  }
0x45d: {  	v10 =	vadd.s32 v10, v16;
	v12 =	vxor.u32 v50, v3;
	v17 =	vor.u32 v17, v57  }
0x45e: {  	v15 =	vadd.s32 $0x66CD0879, v27;
	v7 =	vadd.s32 v13, v7;
	v31 =	vshrl.u32 v13, $0xF  }
0x45f: {  	v13 =	vshll.u32 v13, $0x11;
	v11 =	vxor.u32 v11, v5;
	v53 =	vor.u32 v45, v48  }
0x460: {  	v54 =	vor.u32 v46, v47;
	v60 =	vshrl.u32 v12, $0x10;
	v61 =	vshll.u32 v12, $0x10  }
0x461: {  	v3 =	vadd.s32 v3, v12;
	v46 =	vxor.u32 v17, v6;
	v9 =	vadd.s32 v15, v9  }
0x462: {  	v32 =	vshrl.u32 v15, $0xF;
	v15 =	vshll.u32 v15, $0x11;
	v7 =	vadd.s32 $0x1022172D, v7  }
0x463: {  	v13 =	vor.u32 v31, v13;
	v37 =	vshrl.u32 v11, $0x3;
	v38 =	vshll.u32 v11, $0x1D  }
0x464: {  	v5 =	vadd.s32 v5, v11;
	v14 =	vxor.u32 v54, v4;
	v16 =	vxor.u32 v53, v10  }
0x465: {  	v40 =	vor.u32 v60, v61;
	v6 =	vadd.s32 v6, v46;
	v9 =	vadd.s32 $0x1022172D, v9  }
0x466: {  	v15 =	vor.u32 v32, v15;
	v13 =	vxor.u32 v13, v7;
	v49 =	vor.u32 v37, v38  }
0x467: {  	v35 =	vshrl.u32 v16, $0x10;
	v36 =	vshll.u32 v16, $0x10;
	v37 =	vshrl.u32 v14, $0x10  }
0x468: {  	v38 =	vshll.u32 v14, $0x10;
	v45 =	vadd.s32 v10, v16;
	v4 =	vadd.s32 v4, v14  }
0x469: {  	v12 =	vxor.u32 v40, v3;
	v15 =	vxor.u32 v15, v9;
	v41 =	vshrl.u32 v13, $0x3  }
0x46a: {  	v42 =	vshll.u32 v13, $0x1D;
	v7 =	vadd.s32 v7, v13;
	v11 =	vxor.u32 v49, v5  }
0x46b: {  	v49 =	vshrl.u32 v46, $0x8;
	v54 =	vshrl.u32 v12, $0x8;
	v3 =	vadd.s32 v3, v12  }
0x46c: {  	v43 =	vshrl.u32 v15, $0x3;
	v44 =	vshll.u32 v15, $0x1D;
	v51 =	vor.u32 v41, v42  }
0x46d: {  	v55 =	vadd.s32 v9, v15;
	v58 =	vshrl.u32 v11, $0x10;
	v59 =	vshll.u32 v11, $0x10  }
0x46e: {  	v42 =	vor.u32 v37, v38;
	v5 =	vadd.s32 v5, v11;
	v52 =	vor.u32 v43, v44  }
0x46f: {  	v13 =	vxor.u32 v51, v7;
	v39 =	vor.u32 v58, v59;
	v44 =	vor.u32 v35, v36  }
0x470: {  	v48 =	vxor.u32 v42, v4;
	v51 =	vshll.u32 v46, $0x18;
	v15 =	vxor.u32 v52, v55  }
0x471: {  	v62 =	vshrl.u32 v13, $0x10;
	v63 =	vshll.u32 v13, $0x10;
	v7 =	vadd.s32 v7, v13  }
0x472: {  	v11 =	vxor.u32 v39, v5;
	v50 =	vxor.u32 v44, v45;
	v60 =	vshrl.u32 v48, $0x8  }
0x473: {  	v16 =	vor.u32 v49, v51;
	v4 =	vadd.s32 v4, v48;
	v33 =	vshrl.u32 v15, $0x10  }
0x474: {  	v34 =	vshll.u32 v15, $0x10;
	v41 =	vor.u32 v62, v63;
	v8 =	vadd.s32 v55, v15  }
0x475: {  	v52 =	vshrl.u32 v11, $0x8;
	v53 =	vshll.u32 v11, $0x18;
	v55 =	vshll.u32 v12, $0x18  }
0x476: {  	v61 =	vshrl.u32 v50, $0x8;
	v62 =	vshll.u32 v50, $0x18;
	v63 =	vshll.u32 v48, $0x18  }
0x477: {  	v5 =	vadd.s32 v5, v11;
	v9 =	vadd.s32 v45, v50;
	v39 =	vxor.u32 v16, v6  }
0x478: {  	v43 =	vor.u32 v33, v34;
	v13 =	vxor.u32 v41, v7;
	v33 =	vor.u32 v52, v53  }
0x479: {  	v34 =	vor.u32 v54, v55;
	v37 =	vor.u32 v60, v63;
	v38 =	vor.u32 v61, v62  }
0x47a: {  	v11 =	vadd.s32 $0x6D3E0491, v39;
	v47 =	vxor.u32 v43, v8;
	v56 =	vshrl.u32 v13, $0x8  }
0x47b: {  	v57 =	vshll.u32 v13, $0x18;
	v7 =	vadd.s32 v7, v13;
	v40 =	vxor.u32 v33, v5  }
0x47c: {  	v41 =	vxor.u32 v34, v3;
	v10 =	vxor.u32 v38, v9;
	v44 =	vxor.u32 v37, v4  }
0x47d: {  	v6 =	vadd.s32 v11, v6;
	v45 =	vshrl.u32 v11, $0x13;
	v11 =	vshll.u32 v11, $0xD  }
0x47e: {  	v58 =	vshrl.u32 v47, $0x8;
	v59 =	vshll.u32 v47, $0x18;
	v35 =	vor.u32 v56, v57  }
0x47f: {  	v8 =	vadd.s32 v8, v47;
	v12 =	vadd.s32 $0x6D3E0491, v40;
	v13 =	vadd.s32 $0x6D3E0491, v41  }
0x480: {  	v16 =	vadd.s32 $0x6D3E0491, v44;
	v10 =	vadd.s32 $0x6D3E0491, v10;
	v6 =	vadd.s32 $0x66CD0878, v6  }
0x481: {  	v11 =	vor.u32 v45, v11;
	v36 =	vor.u32 v58, v59;
	v42 =	vxor.u32 v35, v7  }
0x482: {  	v5 =	vadd.s32 v12, v5;
	v46 =	vshrl.u32 v12, $0x13;
	v12 =	vshll.u32 v12, $0xD  }
0x483: {  	v3 =	vadd.s32 v13, v3;
	v47 =	vshrl.u32 v13, $0x13;
	v13 =	vshll.u32 v13, $0xD  }
0x484: {  	v9 =	vadd.s32 v10, v9;
	v4 =	vadd.s32 v16, v4;
	v50 =	vshrl.u32 v10, $0x13  }
0x485: {  	v10 =	vshll.u32 v10, $0xD;
	v51 =	vshrl.u32 v16, $0x13;
	v16 =	vshll.u32 v16, $0xD  }
0x486: {  	v11 =	vxor.u32 v11, v6;
	v43 =	vxor.u32 v36, v8;
	v14 =	vadd.s32 $0x6D3E0491, v42  }
0x487: {  	v5 =	vadd.s32 $0x66CD0878, v5;
	v12 =	vor.u32 v46, v12;
	v3 =	vadd.s32 $0x66CD0878, v3  }
0x488: {  	v13 =	vor.u32 v47, v13;
	v4 =	vadd.s32 $0x66CD0878, v4;
	v9 =	vadd.s32 $0x66CD0878, v9  }
0x489: {  	v10 =	vor.u32 v50, v10;
	v16 =	vor.u32 v51, v16;
	v52 =	vshrl.u32 v11, $0x11  }
0x48a: {  	v53 =	vshll.u32 v11, $0xF;
	v6 =	vadd.s32 v6, v11;
	v15 =	vadd.s32 $0x6D3E0491, v43  }
0x48b: {  	v7 =	vadd.s32 v14, v7;
	v48 =	vshrl.u32 v14, $0x13;
	v14 =	vshll.u32 v14, $0xD  }
0x48c: {  	v12 =	vxor.u32 v12, v5;
	v13 =	vxor.u32 v13, v3;
	v16 =	vxor.u32 v16, v4  }
0x48d: {  	v10 =	vxor.u32 v10, v9;
	v17 =	vor.u32 v52, v53;
	v8 =	vadd.s32 v15, v8  }
0x48e: {  	v49 =	vshrl.u32 v15, $0x13;
	v15 =	vshll.u32 v15, $0xD;
	v7 =	vadd.s32 $0x66CD0878, v7  }
0x48f: {  	v14 =	vor.u32 v48, v14;
	v54 =	vshrl.u32 v12, $0x11;
	v55 =	vshll.u32 v12, $0xF  }
0x490: {  	v56 =	vshrl.u32 v13, $0x11;
	v57 =	vshll.u32 v13, $0xF;
	v62 =	vshrl.u32 v16, $0x11  }
0x491: {  	v63 =	vshrl.u32 v10, $0x11;
	v33 =	vshll.u32 v10, $0xF;
	v34 =	vshll.u32 v16, $0xF  }
0x492: {  	v5 =	vadd.s32 v5, v12;
	v3 =	vadd.s32 v3, v13;
	v4 =	vadd.s32 v4, v16  }
0x493: {  	v9 =	vadd.s32 v9, v10;
	v41 =	vxor.u32 v17, v6;
	v8 =	vadd.s32 $0x66CD0878, v8  }
0x494: {  	v15 =	vor.u32 v49, v15;
	v14 =	vxor.u32 v14, v7;
	v35 =	vor.u32 v54, v55  }
0x495: {  	v36 =	vor.u32 v56, v57;
	v39 =	vor.u32 v62, v34;
	v40 =	vor.u32 v63, v33  }
0x496: {  	v17 =	vshrl.u32 v41, $0x6;
	v42 =	vshll.u32 v41, $0x1A;
	v6 =	vadd.s32 v6, v41  }
0x497: {  	v15 =	vxor.u32 v15, v8;
	v58 =	vshrl.u32 v14, $0x11;
	v59 =	vshll.u32 v14, $0xF  }
0x498: {  	v7 =	vadd.s32 v7, v14;
	v12 =	vxor.u32 v35, v5;
	v13 =	vxor.u32 v36, v3  }
0x499: {  	v11 =	vxor.u32 v40, v9;
	v16 =	vxor.u32 v39, v4;
	v17 =	vor.u32 v17, v42  }
0x49a: {  	v60 =	vshrl.u32 v15, $0x11;
	v61 =	vshll.u32 v15, $0xF;
	v37 =	vor.u32 v58, v59  }
0x49b: {  	v8 =	vadd.s32 v8, v15;
	v43 =	vshrl.u32 v12, $0x6;
	v44 =	vshll.u32 v12, $0x1A  }
0x49c: {  	v45 =	vshrl.u32 v13, $0x6;
	v46 =	vshll.u32 v13, $0x1A;
	v51 =	vshrl.u32 v11, $0x6  }
0x49d: {  	v52 =	vshrl.u32 v16, $0x6;
	v53 =	vshll.u32 v16, $0x1A;
	v54 =	vshll.u32 v11, $0x1A  }
0x49e: {  	v5 =	vadd.s32 v5, v12;
	v3 =	vadd.s32 v3, v13;
	v4 =	vadd.s32 v4, v16  }
0x49f: {  	v10 =	vxor.u32 v17, v6;
	v9 =	vadd.s32 v9, v11;
	v38 =	vor.u32 v60, v61  }
0x4a0: {  	v14 =	vxor.u32 v37, v7;
	v55 =	vor.u32 v43, v44;
	v56 =	vor.u32 v45, v46  }
0x4a1: {  	v59 =	vor.u32 v51, v54;
	v60 =	vor.u32 v52, v53;
	v17 =	vshrl.u32 v10, $0x1A  }
0x4a2: {  	v35 =	vshll.u32 v10, $0x6;
	v6 =	vadd.s32 v6, v10;
	v15 =	vxor.u32 v38, v8  }
0x4a3: {  	v47 =	vshrl.u32 v14, $0x6;
	v48 =	vshll.u32 v14, $0x1A;
	v7 =	vadd.s32 v7, v14  }
0x4a4: {  	v61 =	vxor.u32 v55, v5;
	v62 =	vxor.u32 v56, v3;
	v33 =	vxor.u32 v60, v4  }
0x4a5: {  	v34 =	vxor.u32 v59, v9;
	v17 =	vor.u32 v17, v35;
	v49 =	vshrl.u32 v15, $0x6  }
0x4a6: {  	v50 =	vshll.u32 v15, $0x1A;
	v57 =	vor.u32 v47, v48;
	v8 =	vadd.s32 v8, v15  }
0x4a7: {  	v36 =	vshrl.u32 v61, $0x1A;
	v37 =	vshll.u32 v61, $0x6;
	v38 =	vshrl.u32 v62, $0x1A  }
0x4a8: {  	v39 =	vshll.u32 v62, $0x6;
	v44 =	vshrl.u32 v34, $0x1A;
	v45 =	vshll.u32 v34, $0x6  }
0x4a9: {  	v46 =	vshrl.u32 v33, $0x1A;
	v47 =	vshll.u32 v33, $0x6;
	v5 =	vadd.s32 v5, v61  }
0x4aa: {  	v3 =	vadd.s32 v3, v62;
	v9 =	vadd.s32 v9, v34;
	v4 =	vadd.s32 v4, v33  }
0x4ab: {  	v10 =	vxor.u32 v17, v6;
	v58 =	vor.u32 v49, v50;
	v63 =	vxor.u32 v57, v7  }
0x4ac: {  	v48 =	vor.u32 v36, v37;
	v49 =	vor.u32 v38, v39;
	v51 =	vor.u32 v46, v47  }
0x4ad: {  	v53 =	vor.u32 v44, v45;
	v10 =	vadd.s32 $0x10221730, v10;
	v15 =	vxor.u32 v58, v8  }
0x4ae: {  	v40 =	vshrl.u32 v63, $0x1A;
	v41 =	vshll.u32 v63, $0x6;
	v7 =	vadd.s32 v7, v63  }
0x4af: {  	v11 =	vxor.u32 v48, v5;
	v12 =	vxor.u32 v49, v3;
	v55 =	vxor.u32 v51, v4  }
0x4b0: {  	v16 =	vxor.u32 v53, v9;
	v6 =	vadd.s32 v10, v6;
	v56 =	vshrl.u32 v10, $0xF  }
0x4b1: {  	v10 =	vshll.u32 v10, $0x11;
	v42 =	vshrl.u32 v15, $0x1A;
	v43 =	vshll.u32 v15, $0x6  }
0x4b2: {  	v50 =	vor.u32 v40, v41;
	v8 =	vadd.s32 v8, v15;
	v11 =	vadd.s32 $0x10221730, v11  }
0x4b3: {  	v12 =	vadd.s32 $0x10221730, v12;
	v15 =	vadd.s32 $0x10221730, v55;
	v16 =	vadd.s32 $0x10221730, v16  }
0x4b4: {  	v6 =	vadd.s32 $0x6D3E048F, v6;
	v10 =	vor.u32 v56, v10;
	v52 =	vor.u32 v42, v43  }
0x4b5: {  	v13 =	vxor.u32 v50, v7;
	v5 =	vadd.s32 v11, v5;
	v57 =	vshrl.u32 v11, $0xF  }
0x4b6: {  	v11 =	vshll.u32 v11, $0x11;
	v3 =	vadd.s32 v12, v3;
	v58 =	vshrl.u32 v12, $0xF  }
0x4b7: {  	v12 =	vshll.u32 v12, $0x11;
	v9 =	vadd.s32 v16, v9;
	v61 =	vshrl.u32 v16, $0xF  }
0x4b8: {  	v16 =	vshll.u32 v16, $0x11;
	v4 =	vadd.s32 v15, v4;
	v62 =	vshrl.u32 v15, $0xF  }
0x4b9: {  	v15 =	vshll.u32 v15, $0x11;
	v10 =	vxor.u32 v10, v6;
	v54 =	vxor.u32 v52, v8  }
0x4ba: {  	v13 =	vadd.s32 $0x10221730, v13;
	v5 =	vadd.s32 $0x6D3E048F, v5;
	v11 =	vor.u32 v57, v11  }
0x4bb: {  	v3 =	vadd.s32 $0x6D3E048F, v3;
	v12 =	vor.u32 v58, v12;
	v9 =	vadd.s32 $0x6D3E048F, v9  }
0x4bc: {  	v16 =	vor.u32 v61, v16;
	v4 =	vadd.s32 $0x6D3E048F, v4;
	v15 =	vor.u32 v62, v15  }
0x4bd: {  	v63 =	vshrl.u32 v10, $0x3;
	v33 =	vshll.u32 v10, $0x1D;
	v6 =	vadd.s32 v6, v10  }
0x4be: {  	v14 =	vadd.s32 $0x10221730, v54;
	v7 =	vadd.s32 v13, v7;
	v59 =	vshrl.u32 v13, $0xF  }
0x4bf: {  	v13 =	vshll.u32 v13, $0x11;
	v11 =	vxor.u32 v11, v5;
	v12 =	vxor.u32 v12, v3  }
0x4c0: {  	v15 =	vxor.u32 v15, v4;
	v16 =	vxor.u32 v16, v9;
	v17 =	vor.u32 v63, v33  }
0x4c1: {  	v8 =	vadd.s32 v14, v8;
	v60 =	vshrl.u32 v14, $0xF;
	v14 =	vshll.u32 v14, $0x11  }
0x4c2: {  	v7 =	vadd.s32 $0x6D3E048F, v7;
	v13 =	vor.u32 v59, v13;
	v34 =	vshrl.u32 v11, $0x3  }
0x4c3: {  	v35 =	vshll.u32 v11, $0x1D;
	v36 =	vshrl.u32 v12, $0x3;
	v37 =	vshll.u32 v12, $0x1D  }
0x4c4: {  	v42 =	vshrl.u32 v16, $0x3;
	v43 =	vshll.u32 v16, $0x1D;
	v44 =	vshrl.u32 v15, $0x3  }
0x4c5: {  	v45 =	vshll.u32 v15, $0x1D;
	v5 =	vadd.s32 v5, v11;
	v3 =	vadd.s32 v3, v12  }
0x4c6: {  	v9 =	vadd.s32 v9, v16;
	v4 =	vadd.s32 v4, v15;
	v10 =	vxor.u32 v17, v6  }
0x4c7: {  	v8 =	vadd.s32 $0x6D3E048F, v8;
	v14 =	vor.u32 v60, v14;
	v13 =	vxor.u32 v13, v7  }
0x4c8: {  	v46 =	vor.u32 v34, v35;
	v47 =	vor.u32 v36, v37;
	v49 =	vor.u32 v44, v45  }
0x4c9: {  	v51 =	vor.u32 v42, v43;
	v52 =	vshrl.u32 v10, $0x10;
	v54 =	vshll.u32 v10, $0x10  }
0x4ca: {  	v6 =	vadd.s32 v6, v10;
	v14 =	vxor.u32 v14, v8;
	v38 =	vshrl.u32 v13, $0x3  }
0x4cb: {  	v39 =	vshll.u32 v13, $0x1D;
	v7 =	vadd.s32 v7, v13;
	v11 =	vxor.u32 v46, v5  }
0x4cc: {  	v12 =	vxor.u32 v47, v3;
	v15 =	vxor.u32 v49, v4;
	v53 =	vxor.u32 v51, v9  }
0x4cd: {  	v16 =	vor.u32 v52, v54;
	v40 =	vshrl.u32 v14, $0x3;
	v41 =	vshll.u32 v14, $0x1D  }
0x4ce: {  	v48 =	vor.u32 v38, v39;
	v8 =	vadd.s32 v8, v14;
	v55 =	vshrl.u32 v11, $0x10  }
0x4cf: {  	v56 =	vshll.u32 v11, $0x10;
	v57 =	vshrl.u32 v12, $0x10;
	v58 =	vshll.u32 v12, $0x10  }
0x4d0: {  	v63 =	vshrl.u32 v15, $0x10;
	v33 =	vshrl.u32 v53, $0x10;
	v34 =	vshll.u32 v53, $0x10  }
0x4d1: {  	v35 =	vshll.u32 v15, $0x10;
	v5 =	vadd.s32 v5, v11;
	v3 =	vadd.s32 v3, v12  }
0x4d2: {  	v4 =	vadd.s32 v4, v15;
	v9 =	vadd.s32 v9, v53;
	v42 =	vxor.u32 v16, v6  }
0x4d3: {  	v50 =	vor.u32 v40, v41;
	v13 =	vxor.u32 v48, v7;
	v36 =	vor.u32 v55, v56  }
0x4d4: {  	v37 =	vor.u32 v57, v58;
	v40 =	vor.u32 v63, v35;
	v41 =	vor.u32 v33, v34  }
0x4d5: {  	v48 =	vshrl.u32 v42, $0x8;
	v49 =	vshll.u32 v42, $0x18;
	v6 =	vadd.s32 v6, v42  }
0x4d6: {  	v14 =	vxor.u32 v50, v8;
	v59 =	vshrl.u32 v13, $0x10;
	v60 =	vshll.u32 v13, $0x10  }
0x4d7: {  	v7 =	vadd.s32 v7, v13;
	v43 =	vxor.u32 v36, v5;
	v44 =	vxor.u32 v37, v3  }
0x4d8: {  	v10 =	vxor.u32 v41, v9;
	v47 =	vxor.u32 v40, v4;
	v17 =	vor.u32 v48, v49  }
0x4d9: {  	v61 =	vshrl.u32 v14, $0x10;
	v62 =	vshll.u32 v14, $0x10;
	v38 =	vor.u32 v59, v60  }
0x4da: {  	v8 =	vadd.s32 v8, v14;
	v50 =	vshrl.u32 v43, $0x8;
	v51 =	vshll.u32 v43, $0x18  }
0x4db: {  	v52 =	vshrl.u32 v44, $0x8;
	v53 =	vshll.u32 v44, $0x18;
	v58 =	vshrl.u32 v10, $0x8  }
0x4dc: {  	v59 =	vshrl.u32 v47, $0x8;
	v60 =	vshll.u32 v47, $0x18;
	v5 =	vadd.s32 v5, v43  }
0x4dd: {  	v3 =	vadd.s32 v3, v44;
	v4 =	vadd.s32 v4, v47;
	v11 =	vxor.u32 v17, v6  }
0x4de: {  	v9 =	vadd.s32 v9, v10;
	v39 =	vor.u32 v61, v62;
	v45 =	vxor.u32 v38, v7  }
0x4df: {  	v61 =	vshll.u32 v10, $0x18;
	v62 =	vor.u32 v50, v51;
	v63 =	vor.u32 v52, v53  }
0x4e0: {  	v28 =	vor.u32 v59, v60;
	v11 =	vadd.s32 $0x66CD087C, v11;
	v46 =	vxor.u32 v39, v8  }
0x4e1: {  	v54 =	vshrl.u32 v45, $0x8;
	v55 =	vshll.u32 v45, $0x18;
	v27 =	vor.u32 v58, v61  }
0x4e2: {  	v7 =	vadd.s32 v7, v45;
	v29 =	vxor.u32 v62, v5;
	v30 =	vxor.u32 v63, v3  }
0x4e3: {  	v32 =	vxor.u32 v28, v4;
	v6 =	vadd.s32 v11, v6;
	v34 =	vshrl.u32 v11, $0x13  }
0x4e4: {  	v11 =	vshll.u32 v11, $0xD;
	v56 =	vshrl.u32 v46, $0x8;
	v57 =	vshll.u32 v46, $0x18  }
0x4e5: {  	v24 =	vor.u32 v54, v55;
	v8 =	vadd.s32 v8, v46;
	v33 =	vxor.u32 v27, v9  }
0x4e6: {  	v10 =	vadd.s32 $0x66CD087C, v29;
	v12 =	vadd.s32 $0x66CD087C, v30;
	v14 =	vadd.s32 $0x66CD087C, v32  }
0x4e7: {  	v6 =	vadd.s32 $0x1022172D, v6;
	v11 =	vor.u32 v34, v11;
	v26 =	vor.u32 v56, v57  }
0x4e8: {  	v31 =	vxor.u32 v24, v7;
	v16 =	vadd.s32 $0x66CD087C, v33;
	v5 =	vadd.s32 v10, v5  }
0x4e9: {  	v35 =	vshrl.u32 v10, $0x13;
	v10 =	vshll.u32 v10, $0xD;
	v3 =	vadd.s32 v12, v3  }
0x4ea: {  	v36 =	vshrl.u32 v12, $0x13;
	v12 =	vshll.u32 v12, $0xD;
	v4 =	vadd.s32 v14, v4  }
0x4eb: {  	v40 =	vshrl.u32 v14, $0x13;
	v14 =	vshll.u32 v14, $0xD;
	v11 =	vxor.u32 v11, v6  }
0x4ec: {  	v15 =	vxor.u32 v26, v8;
	v13 =	vadd.s32 $0x66CD087C, v31;
	v9 =	vadd.s32 v16, v9  }
0x4ed: {  	v39 =	vshrl.u32 v16, $0x13;
	v16 =	vshll.u32 v16, $0xD;
	v5 =	vadd.s32 $0x1022172D, v5  }
0x4ee: {  	v10 =	vor.u32 v35, v10;
	v3 =	vadd.s32 $0x1022172D, v3;
	v12 =	vor.u32 v36, v12  }
0x4ef: {  	v4 =	vadd.s32 $0x1022172D, v4;
	v14 =	vor.u32 v40, v14;
	v41 =	vshrl.u32 v11, $0x11  }
0x4f0: {  	v42 =	vshll.u32 v11, $0xF;
	v6 =	vadd.s32 v6, v11;
	v15 =	vadd.s32 $0x66CD087C, v15  }
0x4f1: {  	v7 =	vadd.s32 v13, v7;
	v37 =	vshrl.u32 v13, $0x13;
	v13 =	vshll.u32 v13, $0xD  }
0x4f2: {  	v9 =	vadd.s32 $0x1022172D, v9;
	v16 =	vor.u32 v39, v16;
	v10 =	vxor.u32 v10, v5  }
0x4f3: {  	v12 =	vxor.u32 v12, v3;
	v14 =	vxor.u32 v14, v4;
	v17 =	vor.u32 v41, v42  }
0x4f4: {  	v8 =	vadd.s32 v15, v8;
	v38 =	vshrl.u32 v15, $0x13;
	v15 =	vshll.u32 v15, $0xD  }
0x4f5: {  	v7 =	vadd.s32 $0x1022172D, v7;
	v13 =	vor.u32 v37, v13;
	v16 =	vxor.u32 v16, v9  }
0x4f6: {  	v43 =	vshrl.u32 v10, $0x11;
	v44 =	vshll.u32 v10, $0xF;
	v45 =	vshrl.u32 v12, $0x11  }
0x4f7: {  	v46 =	vshll.u32 v12, $0xF;
	v52 =	vshrl.u32 v14, $0x11;
	v53 =	vshll.u32 v14, $0xF  }
0x4f8: {  	v5 =	vadd.s32 v5, v10;
	v3 =	vadd.s32 v3, v12;
	v4 =	vadd.s32 v4, v14  }
0x4f9: {  	v61 =	vxor.u32 v17, v6;
	v8 =	vadd.s32 $0x1022172D, v8;
	v15 =	vor.u32 v38, v15  }
0x4fa: {  	v13 =	vxor.u32 v13, v7;
	v51 =	vshrl.u32 v16, $0x11;
	v54 =	vshll.u32 v16, $0xF  }
0x4fb: {  	v55 =	vor.u32 v43, v44;
	v56 =	vor.u32 v45, v46;
	v60 =	vor.u32 v52, v53  }
0x4fc: {  	v9 =	vadd.s32 v9, v16;
	v17 =	vshrl.u32 v61, $0x6;
	v63 =	vshll.u32 v61, $0x1A  }
0x4fd: {  	v6 =	vadd.s32 v6, v61;
	v15 =	vxor.u32 v15, v8;
	v47 =	vshrl.u32 v13, $0x11  }
0x4fe: {  	v48 =	vshll.u32 v13, $0xF;
	v59 =	vor.u32 v51, v54;
	v7 =	vadd.s32 v7, v13  }
0x4ff: {  	v62 =	vxor.u32 v55, v5;
	v12 =	vxor.u32 v56, v3;
	v14 =	vxor.u32 v60, v4  }
0x500: {  	v17 =	vor.u32 v17, v63;
	v49 =	vshrl.u32 v15, $0x11;
	v50 =	vshll.u32 v15, $0xF  }
0x501: {  	v57 =	vor.u32 v47, v48;
	v8 =	vadd.s32 v8, v15;
	v16 =	vxor.u32 v59, v9  }
0x502: {  	v33 =	vshrl.u32 v62, $0x6;
	v34 =	vshll.u32 v62, $0x1A;
	v35 =	vshrl.u32 v12, $0x6  }
0x503: {  	v36 =	vshll.u32 v12, $0x1A;
	v43 =	vshrl.u32 v14, $0x6;
	v44 =	vshll.u32 v14, $0x1A  }
0x504: {  	v5 =	vadd.s32 v5, v62;
	v3 =	vadd.s32 v3, v12;
	v4 =	vadd.s32 v4, v14  }
0x505: {  	v10 =	vxor.u32 v17, v6;
	v58 =	vor.u32 v49, v50;
	v13 =	vxor.u32 v57, v7  }
0x506: {  	v41 =	vshrl.u32 v16, $0x6;
	v42 =	vshll.u32 v16, $0x1A;
	v45 =	vor.u32 v33, v34  }
0x507: {  	v46 =	vor.u32 v35, v36;
	v48 =	vor.u32 v43, v44;
	v9 =	vadd.s32 v9, v16  }
0x508: {  	v53 =	vshrl.u32 v10, $0x1A;
	v55 =	vshll.u32 v10, $0x6;
	v6 =	vadd.s32 v6, v10  }
0x509: {  	v15 =	vxor.u32 v58, v8;
	v37 =	vshrl.u32 v13, $0x6;
	v38 =	vshll.u32 v13, $0x1A  }
0x50a: {  	v50 =	vor.u32 v41, v42;
	v7 =	vadd.s32 v7, v13;
	v11 =	vxor.u32 v45, v5  }
0x50b: {  	v12 =	vxor.u32 v46, v3;
	v52 =	vxor.u32 v48, v4;
	v16 =	vor.u32 v53, v55  }
0x50c: {  	v39 =	vshrl.u32 v15, $0x6;
	v40 =	vshll.u32 v15, $0x1A;
	v47 =	vor.u32 v37, v38  }
0x50d: {  	v8 =	vadd.s32 v8, v15;
	v54 =	vxor.u32 v50, v9;
	v56 =	vshrl.u32 v11, $0x1A  }
0x50e: {  	v57 =	vshll.u32 v11, $0x6;
	v58 =	vshrl.u32 v12, $0x1A;
	v59 =	vshll.u32 v12, $0x6  }
0x50f: {  	v33 =	vshrl.u32 v52, $0x1A;
	v36 =	vshll.u32 v52, $0x6;
	v5 =	vadd.s32 v5, v11  }
0x510: {  	v3 =	vadd.s32 v3, v12;
	v4 =	vadd.s32 v4, v52;
	v43 =	vxor.u32 v16, v6  }
0x511: {  	v6 =	vadd.s32 $0x66CD0878, v6;
	v49 =	vor.u32 v39, v40;
	v13 =	vxor.u32 v47, v7  }
0x512: {  	v34 =	vshrl.u32 v54, $0x1A;
	v35 =	vshll.u32 v54, $0x6;
	v37 =	vor.u32 v56, v57  }
0x513: {  	v38 =	vor.u32 v58, v59;
	v41 =	vor.u32 v33, v36;
	v9 =	vadd.s32 v9, v54  }
0x514: {  	v11 =	vadd.s32 $0x6D3E0494, v43;
	v51 =	vxor.u32 v49, v8;
	v60 =	vshrl.u32 v13, $0x1A  }
0x515: {  	v61 =	vshll.u32 v13, $0x6;
	v42 =	vor.u32 v34, v35;
	v7 =	vadd.s32 v7, v13  }
0x516: {  	v44 =	vxor.u32 v37, v5;
	v45 =	vxor.u32 v38, v3;
	v48 =	vxor.u32 v41, v4  }
0x517: {  	v5 =	vadd.s32 $0x66CD0878, v5;
	v3 =	vadd.s32 $0x66CD0878, v3;
	v4 =	vadd.s32 $0x66CD0878, v4  }
0x518: {  	v6 =	vxor.u32 v6, v11;
	v62 =	vshrl.u32 v51, $0x1A;
	v63 =	vshll.u32 v51, $0x6  }
0x519: {  	v39 =	vor.u32 v60, v61;
	v8 =	vadd.s32 v8, v51;
	v10 =	vxor.u32 v42, v9  }
0x51a: {  	v50 =	vld [tilespmem:s23+$0x6010];
	v12 =	vadd.s32 $0x6D3E0494, v44;
	v13 =	vadd.s32 $0x6D3E0494, v45;
	v16 =	vadd.s32 $0x6D3E0494, v48  }
0x51b: {  	v9 =	vadd.s32 $0x66CD0878, v9;
	vm10 =	vgt.u32 v6, $0xFF118FFF;
	vm9 =	vlt.u32 v6, $0xDAA600  }
0x51c: {  	v40 =	vor.u32 v62, v63;
	v46 =	vxor.u32 v39, v7;
	v10 =	vadd.s32 $0x6D3E0494, v10  }
0x51d: {  	v52 =	vld [tilespmem:s23+$0x6030];
	v7 =	vadd.s32 $0x66CD0878, v7;
	v5 =	vxor.u32 v5, v12;
	v3 =	vxor.u32 v3, v13  }
0x51e: {  	v49 =	vld [tilespmem:s23+$0x6000];
	v4 =	vxor.u32 v4, v16;
	v47 =	vxor.u32 v40, v8;
	v14 =	vadd.s32 $0x6D3E0494, v46  }
0x51f: {  	v53 =	vld [tilespmem:s23+$0x6040];
	v8 =	vadd.s32 $0x66CD0878, v8;
	v9 =	vxor.u32 v9, v10;
	vm11 =	vgt.u32 v5, $0xFF118FFF  }
0x520: {  	v51 =	vld [tilespmem:s23+$0x6020];
	vm12 =	vgt.u32 v3, $0xFF118FFF;
	vm15 =	vgt.u32 v4, $0xFF118FFF;
	v56 =	vsel vm10, $0x3EC72C98, v50  }
0x521: {  	v55 =	vld [tilespmem:s23+$0x6060];
	vm10 =	vlt.u32 v5, $0xDAA600;
	v15 =	vadd.s32 $0x6D3E0494, v47;
	v7 =	vxor.u32 v7, v14  }
0x522: {  	vm8 =	vgt.u32 v9, $0xFF118FFF;
	v58 =	vsel vm12, $0x3EC72C98, v52;
	v61 =	vsel vm9, $0xBE833490, v56  }
0x523: {  	[tilespmem:s23+$0x12070] =	vst v2;
	v54 =	vld [tilespmem:s23+$0x6050];
	v8 =	vxor.u32 v8, v15;
	vm13 =	vgt.u32 v7, $0xFF118FFF;
	v2 =	vsel vm15, $0x3EC72C98, v49  }
0x524: {  	vm12 =	vlt.u32 v7, $0xDAA600;
	vm15 =	vlt.u32 v4, $0xDAA600;
	vm14 =	vgt.u32 v8, $0xFF118FFF  }
0x525: {  	s22 =	sadd.s32 $0x1, s22;
	[tilespmem:s23+$0x12010] =	vst v61;
	v57 =	vsel vm11, $0x3EC72C98, v51;
	v59 =	vsel vm13, $0x3EC72C98, v53;
	v2 =	vsel vm15, $0xBE833490, v2  }
0x526: {  	p0 =	sne.s32 s22, $0x8;
	vm11 =	vlt.u32 v3, $0xDAA600;
	vm13 =	vlt.u32 v8, $0xDAA600;
	v3 =	vsel vm10, $0xBE833490, v57;
	[tilespmem:s23+$0x12000] =	vst v2  }
.Ltmp6:
0x527: {  	v62 =	vsel vm11, $0xBE833490, v58;
	[tilespmem:s23+$0x12020] =	vst v3;
	(pc) =	sbr.rel @p0 .LBB2_11-.Ltmp6, $4  }
0x528: {  	v60 =	vsel vm8, $0x3EC72C98, v55;
	v11 =	vsel vm14, $0x3EC72C98, v54;
	v3 =	vsel vm12, $0xBE833490, v59;
	[tilespmem:s23+$0x12030] =	vst v62  }
0x529: {  	vm14 =	vlt.u32 v9, $0xDAA600;
	v63 =	vsel vm13, $0xBE833490, v11;
	[tilespmem:s23+$0x12040] =	vst v3  }
0x52a: {  	v3 =	vsel vm14, $0xBE833490, v60;
	[tilespmem:s23+$0x12050] =	vst v63  }
0x52b: {  	[tilespmem:s23+$0x12060] =	vst v3  }
0x52c: {  	s0 =	sadd.s32 s2, s19;
	p0 =	sne.s32 s18, $0x5  }
.Ltmp7:
0x52d: {  	s0 =	sshrl.u32 s0, $0x3;
	(pc) =	sbr.rel @p0 .LBB2_2-.Ltmp7, $3  }
0x52e: {  	s0 =	smul.u32 $0x180, s0;
	_ =	sdelay $0x1  }
0x52f: {  	s0 =	sadd.s32 s6, s0  }
0x530: {  	[hbm4b:s0+s5] =	stream.linear.scatter [tilespmem:s15], [sflag:$0x4], $0x6000, $0x38;
	[tilespmem:$0x18000] =	vst v63  }
0x531: {  	s0 =	simm.s32 $0x3  }
0x532: {  	_ =	swait.ge [sflag:s0], $0x6000  }
0x533: {  	[sflag:s0] =	ssyncset.done $0x0  }
0x534: {  	[sflag:s0] =	ssyncadd.s32 $0xFFFFA000  }
0x535: {  	_ =	swait.ge [sflag:s14], $0x6000  }
0x536: {  	s1 =	rddreg [dreg:$0x5]  }
0x537: {  	s31 =	rddreg [dreg:$0x4];
	s1 =	sadd.s32 $0x1, s1  }
0x538: {  	p0 =	sne.s32 s1, s31  }
.Ltmp8:
0x539: {  	_ = 	snop;
	(pc) =	sbr.rel @p0 .LBB2_1-.Ltmp8, $3  }
0x53a: {  	_ =	sdelay $0x1  }
0x53b: {  	[sflag:s14] =	ssyncset.done $0x0  }
0x53c: {  	[sflag:s14] =	ssyncadd.s32 $0xFFFFA000  }
0x53d: {  	_ =	sfence.sel $0x180000  }
0x53e: {  	[bflag:$0x0] =	sbarrier.arrive $0xFFFF  }
0x53f: {  	_ =	strace $0x90000047  }
0x540: {  	s0 =	stileid.u32;
	[bflag:$0x2] =	sbarrier.arrive $0xFFFF  }
0x541: {  	p0 =	sne.s32 s0, $0x0;
	s0 =	rddreg [dreg:$0x2]  }
0x542: {  	s0 =	sadd.s32 @!p0 $0x100000, s0  }
0x543: {  	[sflag:s0] =	ssyncadd.tile.s32 @!p0 $0x1;
	_ =	shalt  }
.Lfunc_end2:
_tile_overlayer_lowered:
.L_overlay_start_2:
0x544: {  	(tag) =	ssettag $0x2  }
0x545: {  	s0 =	rddreg [dreg:$0x0];
	s2 =	stileid.u32  }
0x546: {  	s1 =	rddreg [dreg:$0x1];
	p0 =	sne.s32 s2, $0x0  }
0x547: {  	s3 =	rddreg [dreg:$0x2];
	[bflag:$0x3] =	sbarrier.arrive $0xFFFF;
	s2 =	simm.s32 @!p0 $0x1C05  }
0x548: {  	[timem:s3], [sflag:s2] =	dma.local @!p0 [hbm:s0], s1  }
0x549: {  	s0 =	simm.s32 @!p0 $0x5  }
0x54a: {  	_ =	swait.ge @!p0 [sflag:s0], s1  }
0x54b: {  	s1 =	ssub.s32 @!p0 $0x0, s1;
	[sflag:s0] =	ssyncset.done @!p0 $0x0  }
0x54c: {  	[sflag:s0] =	ssyncadd.s32 @!p0 s1  }
0x54d: {  	[bflag:$0x3] =	sbarrier.arrive $0xFFFF  }
0x54e: {  	_ =	shalt  }

</sc_bundles>
